<compile_context>
chip_gen: v7x
topology: tpu7x:2x2x1
jax: 0.10.2.dev20260603
libtpu: 0.0.44.dev20260713+nightly
codegen_flags: <defaults>
</compile_context>

<pallas_src>
import jax
import jax.numpy as jnp
from jax import lax
from jax.experimental import pallas as pl
from jax.experimental.pallas import tpu as pltpu
from jax.experimental.pallas import tpu_sc as plsc

VOCAB = 1000000
EMBED = 32
BATCH = 16384
HIST = 50

NC, NS = 2, 16
NW = NC * NS
ROWS_PER_W = BATCH // NW
IDX_PER_W = ROWS_PER_W * HIST
NBUF = 2
TE = EMBED // 8
TB = ROWS_PER_W // 128
TBS = 513
UNROLL = 8


def _gather_body(idx_hbm, table_hbm, out_hbm, idx_raw, idx_t, gbuf, tbuf,
                 sem_g, sem_o):
    wid = lax.axis_index("s") * NC + lax.axis_index("c")
    iota = lax.iota(jnp.int32, 16)

    pltpu.sync_copy(idx_hbm.at[pl.ds(wid * IDX_PER_W, IDX_PER_W)], idx_raw)

    @plsc.parallel_loop(0, IDX_PER_W // 16, 1, unroll=4)
    def tr_idx(p):
        pos = p * 16 + iota
        vals = idx_raw[pl.ds(p * 16, 16)]
        b = pos // HIST
        h = pos - b * HIST
        plsc.store_scatter(idx_t, [h * ROWS_PER_W + b], vals)

    def start_gather(h, s):
        pltpu.async_copy(
            table_hbm.at[idx_t.at[pl.ds(h * ROWS_PER_W, ROWS_PER_W)]],
            gbuf.at[s],
            sem_g.at[s],
        )

    def wait_gather(s):
        pltpu.make_async_copy(
            table_hbm.at[pl.ds(0, ROWS_PER_W)], gbuf.at[s], sem_g.at[s]
        ).wait()

    def start_writes(h, s):
        for te in range(TE):
            for tbi in range(TB):
                pltpu.async_copy(
                    tbuf.at[s].at[pl.ds(te * 8, 8), pl.ds(tbi * 128, 128)],
                    out_hbm.at[h].at[te].at[wid * TB + tbi],
                    sem_o.at[s],
                )

    def wait_writes(s):
        for _ in range(TE * TB):
            pltpu.make_async_copy(
                tbuf.at[s].at[pl.ds(0, 8), pl.ds(0, 128)],
                out_hbm.at[0].at[0].at[0],
                sem_o.at[s],
            ).wait()

    for s in range(NBUF):
        start_gather(s, s)

    def step(h, _):
        s = lax.rem(h, NBUF)
        wait_gather(s)

        @pl.when(h >= NBUF)
        def _():
            wait_writes(s)

        @plsc.parallel_loop(0, ROWS_PER_W, 1, unroll=UNROLL)
        def tr_rows(b):
            bvec = lax.broadcast(b, (16,)).astype(jnp.int32)
            v0 = plsc.load_gather(gbuf.at[s], [bvec, iota])
            v1 = plsc.load_gather(gbuf.at[s], [bvec, iota + 16])
            plsc.store_scatter(tbuf.at[s], [iota, bvec], v0)
            plsc.store_scatter(tbuf.at[s], [iota + 16, bvec], v1)

        @pl.when(h + NBUF < HIST)
        def _():
            start_gather(h + NBUF, s)

        start_writes(h, s)
        return 0

    lax.fori_loop(0, HIST, step, 0)

    for s in range(NBUF):
        wait_writes(s)


@jax.jit
def kernel(x, W):
    idx = x.reshape(-1).astype(jnp.int32)
    mesh = plsc.VectorSubcoreMesh(core_axis_name="c", subcore_axis_name="s")
    P = pl.kernel(
        _gather_body,
        out_type=jax.ShapeDtypeStruct((HIST, TE, BATCH // 128, 8, 128),
                                      jnp.float32),
        mesh=mesh,
        scratch_types=[
            pltpu.VMEM((IDX_PER_W,), jnp.int32),
            pltpu.VMEM((IDX_PER_W,), jnp.int32),
            pltpu.VMEM((NBUF, ROWS_PER_W, EMBED), jnp.float32),
            pltpu.VMEM((NBUF, EMBED, TBS), jnp.float32),
            pltpu.SemaphoreType.DMA((NBUF,)),
            pltpu.SemaphoreType.DMA((NBUF,)),
        ],
        compiler_params=pltpu.CompilerParams(use_tc_tiling_on_sc=False, needs_layout_passes=False),
    )(idx, W)
    return P.transpose(2, 4, 0, 1, 3).reshape(BATCH, HIST, EMBED)

# --- scband reference (transcript-rebuilt; emitter-appended) ---
"""Pipeline reference for scband-shared-weights-embedding-9148280341006 (READ-ONLY COPY).

The authoritative reference and input builder live on the scoring server;
editing this copy changes nothing except your own understanding.
"""

import jax, jax.numpy as jnp
import numpy as np

VOCAB = 1000000
EMBED = 32
BATCH = 16384
HIST = 50

def setup_inputs(seed: int = 0) -> dict:
    key = jax.random.key(seed)
    k_idx, k_w = jax.random.split(key)
    x = jax.random.randint(k_idx, (BATCH, HIST), 0, VOCAB, dtype=jnp.int64)
    # nn.Embedding default init: N(0, 1)
    W = jax.random.normal(k_w, (VOCAB, EMBED), dtype=jnp.float32)
    return {"x": x, "W": W}

def reference(x, W):
    # SharedWeightsEmbedding.forward: plain embedding lookup
    return jnp.take(W, x, axis=0)

if __name__ == "__main__":
    import jax
    _d = setup_inputs()
    print(jax.jit(kernel)(*tuple(_d.values())))

</pallas_src>

<mosaic_0001>
#map = affine_map<(d0, d1) -> (0)>
#map1 = affine_map<(d0, d1) -> (0, 0)>
#map2 = affine_map<(d0, d1) -> (0, 0, 0, 0, 0)>
module attributes {stable_mosaic.version = 14 : i64} {
  func.func @_gather_body(%arg0: i32, %arg1: i32, %arg2: memref<819200xi32, #tpu.memory_space<hbm>>, %arg3: memref<1000000x32xf32, #tpu.memory_space<hbm>>, %arg4: memref<50x4x128x8x128xf32, #tpu.memory_space<hbm>>, %arg5: memref<25600xi32, #tpu.memory_space<vmem>>, %arg6: memref<25600xi32, #tpu.memory_space<vmem>>, %arg7: memref<2x512x32xf32, #tpu.memory_space<vmem>>, %arg8: memref<2x32x513xf32, #tpu.memory_space<vmem>>, %arg9: memref<2x!tpu.dma_semaphore, #tpu.memory_space<semaphore_mem>>, %arg10: memref<2x!tpu.dma_semaphore, #tpu.memory_space<semaphore_mem>>) attributes {dimension_semantics = [#tpu.dimension_semantics<core_parallel>, #tpu.dimension_semantics<subcore_parallel>], iteration_bounds = array<i64: 2, 16>, scalar_prefetch = 0 : i64, scratch_operands = 6 : i64, tpu.core_type = #tpu.core_type<sc_vector_subcore>, window_params = [{transform_indices = #map}, {transform_indices = #map1}, {transform_indices = #map2}]} {
    %mul3A = arith.constant 2 : i32
    %mul3A_0 = arith.muli %arg1, %mul3A : i32
    %add3A = arith.addi %mul3A_0, %arg0 : i32
    %iota3A = tpu.iota {dimensions = array<i32: 0>} : vector<16xi32>
    %mul3A_1 = arith.constant 25600 : i32
    %mul3A_2 = arith.muli %add3A, %mul3A_1 : i32
    "tpu.region"() ({
      %run_scoped3A = tpu.sem_alloc : memref<!tpu.dma_semaphore, #tpu.memory_space<semaphore_mem>>
      %dma_start3A_1667 = tpu.memref_slice %arg2[%mul3A_2] : memref<819200xi32, #tpu.memory_space<hbm>> -> memref<25600xi32, #tpu.memory_space<hbm>>
      %dma_start3A_1668 = tpu.memref_slice %arg2[%mul3A_2] : memref<819200xi32, #tpu.memory_space<hbm>> -> memref<25600xi32, #tpu.memory_space<hbm>>
      tpu.enqueue_dma source(%dma_start3A_1668 : memref<25600xi32, #tpu.memory_space<hbm>>) target(%arg5 : memref<25600xi32, #tpu.memory_space<vmem>>) target_semaphore(%run_scoped3A : memref<!tpu.dma_semaphore, #tpu.memory_space<semaphore_mem>>)
      %dma_wait3A_1669 = tpu.memref_slice %arg2[%mul3A_2] : memref<819200xi32, #tpu.memory_space<hbm>> -> memref<25600xi32, #tpu.memory_space<hbm>>
      %dma_wait3A_1670 = tpu.memref_slice %arg2[%mul3A_2] : memref<819200xi32, #tpu.memory_space<hbm>> -> memref<25600xi32, #tpu.memory_space<hbm>>
      tpu.wait_dma2 semaphore(%run_scoped3A : memref<!tpu.dma_semaphore, #tpu.memory_space<semaphore_mem>>) src(%dma_wait3A_1670 : memref<25600xi32, #tpu.memory_space<hbm>>) dst(%arg5 : memref<25600xi32, #tpu.memory_space<vmem>>)
      tpu.yield
    }) : () -> ()
    %parallel_loop3A = arith.constant 0 : i32
    %parallel_loop3A_3 = arith.constant 1600 : i32
    %parallel_loop3A_4 = arith.constant 1 : i32
    scf.for %parallel_loop3A_1667 = %parallel_loop3A to %parallel_loop3A_3 step %parallel_loop3A_4  : i32 {
      %parallel_loop3A_1668 = arith.constant 16 : i32
      %parallel_loop3A_1669 = arith.muli %parallel_loop3A_1667, %parallel_loop3A_1668 : i32
      %parallel_loop3A_1670 = vector.broadcast %parallel_loop3A_1669 : i32 to vector<16xi32>
      %parallel_loop3A_1671 = arith.addi %parallel_loop3A_1670, %iota3A : vector<16xi32>
      %parallel_loop3A_1672 = arith.constant 16 : i32
      %parallel_loop3A_1673 = arith.muli %parallel_loop3A_1667, %parallel_loop3A_1672 : i32
      %parallel_loop3A_1674 = arith.index_cast %parallel_loop3A_1673 : i32 to index
      %parallel_loop3A_1675 = tpu.vector_load %arg5[%parallel_loop3A_1674] {strides = array<i32>} : memref<25600xi32, #tpu.memory_space<vmem>>, vector<16xi32>,
      %parallel_loop3A_1676 = arith.constant 50 : i32
      %parallel_loop3A_1677 = vector.broadcast %parallel_loop3A_1676 : i32 to vector<16xi32>
      %parallel_loop3A_1678 = arith.divsi %parallel_loop3A_1671, %parallel_loop3A_1677 : vector<16xi32>
      %parallel_loop3A_1679 = arith.constant 0 : i32
      %parallel_loop3A_1680 = vector.broadcast %parallel_loop3A_1679 : i32 to vector<16xi32>
      %parallel_loop3A_1681 = arith.cmpi sgt, %parallel_loop3A_1671, %parallel_loop3A_1680 : vector<16xi32>
      %parallel_loop3A_1682 = arith.extui %parallel_loop3A_1681 : vector<16xi1> to vector<16xi32>
      %parallel_loop3A_1683 = arith.constant 0 : i32
      %parallel_loop3A_1684 = vector.broadcast %parallel_loop3A_1683 : i32 to vector<16xi32>
      %parallel_loop3A_1685 = arith.cmpi slt, %parallel_loop3A_1671, %parallel_loop3A_1684 : vector<16xi32>
      %parallel_loop3A_1686 = arith.extui %parallel_loop3A_1685 : vector<16xi1> to vector<16xi32>
      %parallel_loop3A_1687 = arith.subi %parallel_loop3A_1682, %parallel_loop3A_1686 : vector<16xi32>
      %parallel_loop3A_1688 = arith.constant 0 : i32
      %parallel_loop3A_1689 = arith.cmpi sgt, %parallel_loop3A_1676, %parallel_loop3A_1688 : i32
      %parallel_loop3A_1690 = arith.extui %parallel_loop3A_1689 : i1 to i32
      %parallel_loop3A_1691 = arith.constant 0 : i32
      %parallel_loop3A_1692 = arith.cmpi slt, %parallel_loop3A_1676, %parallel_loop3A_1691 : i32
      %parallel_loop3A_1693 = arith.extui %parallel_loop3A_1692 : i1 to i32
      %parallel_loop3A_1694 = arith.subi %parallel_loop3A_1690, %parallel_loop3A_1693 : i32
      %parallel_loop3A_1695 = vector.broadcast %parallel_loop3A_1694 : i32 to vector<16xi32>
      %parallel_loop3A_1696 = arith.cmpi ne, %parallel_loop3A_1687, %parallel_loop3A_1695 : vector<16xi32>
      %parallel_loop3A_1697 = vector.broadcast %parallel_loop3A_1676 : i32 to vector<16xi32>
      %parallel_loop3A_1698 = arith.remsi %parallel_loop3A_1671, %parallel_loop3A_1697 : vector<16xi32>
      %parallel_loop3A_1699 = arith.constant 0 : i32
      %parallel_loop3A_1700 = vector.broadcast %parallel_loop3A_1699 : i32 to vector<16xi32>
      %parallel_loop3A_1701 = arith.cmpi ne, %parallel_loop3A_1698, %parallel_loop3A_1700 : vector<16xi32>
      %parallel_loop3A_1702 = arith.andi %parallel_loop3A_1696, %parallel_loop3A_1701 : vector<16xi1>
      %parallel_loop3A_1703 = arith.constant 1 : i32
      %parallel_loop3A_1704 = vector.broadcast %parallel_loop3A_1703 : i32 to vector<16xi32>
      %parallel_loop3A_1705 = arith.subi %parallel_loop3A_1678, %parallel_loop3A_1704 : vector<16xi32>
      %parallel_loop3A_1706 = arith.select %parallel_loop3A_1702, %parallel_loop3A_1705, %parallel_loop3A_1678 : vector<16xi1>, vector<16xi32>
      %parallel_loop3A_1707 = arith.constant 50 : i32
      %parallel_loop3A_1708 = vector.broadcast %parallel_loop3A_1707 : i32 to vector<16xi32>
      %parallel_loop3A_1709 = arith.muli %parallel_loop3A_1706, %parallel_loop3A_1708 : vector<16xi32>
      %parallel_loop3A_1710 = arith.subi %parallel_loop3A_1671, %parallel_loop3A_1709 : vector<16xi32>
      %parallel_loop3A_1711 = arith.constant 512 : i32
      %parallel_loop3A_1712 = vector.broadcast %parallel_loop3A_1711 : i32 to vector<16xi32>
      %parallel_loop3A_1713 = arith.muli %parallel_loop3A_1710, %parallel_loop3A_1712 : vector<16xi32>
      %parallel_loop3A_1714 = arith.addi %parallel_loop3A_1713, %parallel_loop3A_1706 : vector<16xi32>
      tpu.vector_store_idx %arg6[%parallel_loop3A_1714], %parallel_loop3A_1675 : memref<25600xi32, #tpu.memory_space<vmem>>[vector<16xi32>], vector<16xi32>,
    } {sc.loop_unroll_factor = 4 : i64, sc.parallel_access}
    %dma_start3A = arith.constant 0 : i32
    %dma_start3A_5 = arith.constant 0 : i32
    %dma_start3A_6 = arith.constant 0 : i32
    %dma_start3A_7 = arith.constant 0 : i32
    %dma_start3A_8 = tpu.memref_slice %arg7[%dma_start3A, %dma_start3A_6, %dma_start3A_7] : memref<2x512x32xf32, #tpu.memory_space<vmem>> -> memref<1x512x32xf32, #tpu.memory_space<vmem>>
    %dma_start3A_9 = tpu.memref_squeeze %dma_start3A_8 : memref<1x512x32xf32, #tpu.memory_space<vmem>> -> memref<512x32xf32, #tpu.memory_space<vmem>>
    %dma_start3A_10 = arith.constant 0 : i32
    %dma_start3A_11 = tpu.memref_slice %arg6[%dma_start3A_10] : memref<25600xi32, #tpu.memory_space<vmem>> -> memref<512xi32, #tpu.memory_space<vmem>>
    %dma_start3A_12 = arith.constant 0 : i32
    %dma_start3A_13 = arith.constant 0 : i32
    %dma_start3A_14 = tpu.memref_slice %arg3[%dma_start3A_12, %dma_start3A_13] : memref<1000000x32xf32, #tpu.memory_space<hbm>> -> memref<1000000x32xf32, #tpu.memory_space<hbm>>
    %dma_start3A_15 = tpu.memref_slice %arg9[%dma_start3A_5] : memref<2x!tpu.dma_semaphore, #tpu.memory_space<semaphore_mem>> -> memref<1x!tpu.dma_semaphore, #tpu.memory_space<semaphore_mem>>
    %dma_start3A_16 = tpu.memref_squeeze %dma_start3A_15 : memref<1x!tpu.dma_semaphore, #tpu.memory_space<semaphore_mem>> -> memref<!tpu.dma_semaphore, #tpu.memory_space<semaphore_mem>>
    tpu.enqueue_indirect_dma source(%dma_start3A_14 : memref<1000000x32xf32, #tpu.memory_space<hbm>>) target(%dma_start3A_9 : memref<512x32xf32, #tpu.memory_space<vmem>>) offsets(%dma_start3A_11 : memref<512xi32, #tpu.memory_space<vmem>>) semaphore(%dma_start3A_16 : memref<!tpu.dma_semaphore, #tpu.memory_space<semaphore_mem>>)
    %dma_start3A_17 = arith.constant 1 : i32
    %dma_start3A_18 = arith.constant 1 : i32
    %dma_start3A_19 = arith.constant 0 : i32
    %dma_start3A_20 = arith.constant 0 : i32
    %dma_start3A_21 = tpu.memref_slice %arg7[%dma_start3A_17, %dma_start3A_19, %dma_start3A_20] : memref<2x512x32xf32, #tpu.memory_space<vmem>> -> memref<1x512x32xf32, #tpu.memory_space<vmem>>
    %dma_start3A_22 = tpu.memref_squeeze %dma_start3A_21 : memref<1x512x32xf32, #tpu.memory_space<vmem>> -> memref<512x32xf32, #tpu.memory_space<vmem>>
    %dma_start3A_23 = arith.constant 512 : i32
    %dma_start3A_24 = tpu.memref_slice %arg6[%dma_start3A_23] : memref<25600xi32, #tpu.memory_space<vmem>> -> memref<512xi32, #tpu.memory_space<vmem>>
    %dma_start3A_25 = arith.constant 0 : i32
    %dma_start3A_26 = arith.constant 0 : i32
    %dma_start3A_27 = tpu.memref_slice %arg3[%dma_start3A_25, %dma_start3A_26] : memref<1000000x32xf32, #tpu.memory_space<hbm>> -> memref<1000000x32xf32, #tpu.memory_space<hbm>>
    %dma_start3A_28 = tpu.memref_slice %arg9[%dma_start3A_18] : memref<2x!tpu.dma_semaphore, #tpu.memory_space<semaphore_mem>> -> memref<1x!tpu.dma_semaphore, #tpu.memory_space<semaphore_mem>>
    %dma_start3A_29 = tpu.memref_squeeze %dma_start3A_28 : memref<1x!tpu.dma_semaphore, #tpu.memory_space<semaphore_mem>> -> memref<!tpu.dma_semaphore, #tpu.memory_space<semaphore_mem>>
    tpu.enqueue_indirect_dma source(%dma_start3A_27 : memref<1000000x32xf32, #tpu.memory_space<hbm>>) target(%dma_start3A_22 : memref<512x32xf32, #tpu.memory_space<vmem>>) offsets(%dma_start3A_24 : memref<512xi32, #tpu.memory_space<vmem>>) semaphore(%dma_start3A_29 : memref<!tpu.dma_semaphore, #tpu.memory_space<semaphore_mem>>)
    %scan3A = arith.constant 0 : i32
    %scan3A_30 = arith.constant 0 : i32
    %scan3A_31 = arith.constant 50 : i32
    %scan3A_32 = arith.addi %scan3A_30, %scan3A_31 : i32
    %scan3A_33 = arith.constant 1 : i32
    %scan3A_34 = scf.for %scan3A_1667 = %scan3A_30 to %scan3A_32 step %scan3A_33 iter_args(%scan3A_1668 = %scan3A) -> (i32)  : i32 {
      %rem3A = arith.constant 2 : i32
      %rem3A_1669 = arith.remsi %scan3A_1667, %rem3A : i32
      %dma_wait3A_1670 = arith.constant 0 : i32
      %dma_wait3A_1671 = arith.constant 0 : i32
      %dma_wait3A_1672 = tpu.memref_slice %arg7[%rem3A_1669, %dma_wait3A_1670, %dma_wait3A_1671] : memref<2x512x32xf32, #tpu.memory_space<vmem>> -> memref<1x512x32xf32, #tpu.memory_space<vmem>>
      %dma_wait3A_1673 = tpu.memref_squeeze %dma_wait3A_1672 : memref<1x512x32xf32, #tpu.memory_space<vmem>> -> memref<512x32xf32, #tpu.memory_space<vmem>>
      %dma_wait3A_1674 = arith.constant 0 : i32
      %dma_wait3A_1675 = arith.constant 0 : i32
      %dma_wait3A_1676 = tpu.memref_slice %arg3[%dma_wait3A_1674, %dma_wait3A_1675] : memref<1000000x32xf32, #tpu.memory_space<hbm>> -> memref<512x32xf32, #tpu.memory_space<hbm>>
      %dma_wait3A_1677 = tpu.memref_slice %arg9[%rem3A_1669] : memref<2x!tpu.dma_semaphore, #tpu.memory_space<semaphore_mem>> -> memref<1x!tpu.dma_semaphore, #tpu.memory_space<semaphore_mem>>
      %dma_wait3A_1678 = tpu.memref_squeeze %dma_wait3A_1677 : memref<1x!tpu.dma_semaphore, #tpu.memory_space<semaphore_mem>> -> memref<!tpu.dma_semaphore, #tpu.memory_space<semaphore_mem>>
      %dma_wait3A_1679 = arith.constant 0 : i32
      %dma_wait3A_1680 = arith.constant 0 : i32
      %dma_wait3A_1681 = tpu.memref_slice %arg7[%rem3A_1669, %dma_wait3A_1679, %dma_wait3A_1680] : memref<2x512x32xf32, #tpu.memory_space<vmem>> -> memref<1x512x32xf32, #tpu.memory_space<vmem>>
      %dma_wait3A_1682 = tpu.memref_squeeze %dma_wait3A_1681 : memref<1x512x32xf32, #tpu.memory_space<vmem>> -> memref<512x32xf32, #tpu.memory_space<vmem>>
      %dma_wait3A_1683 = arith.constant 0 : i32
      %dma_wait3A_1684 = arith.constant 0 : i32
      %dma_wait3A_1685 = tpu.memref_slice %arg3[%dma_wait3A_1683, %dma_wait3A_1684] : memref<1000000x32xf32, #tpu.memory_space<hbm>> -> memref<512x32xf32, #tpu.memory_space<hbm>>
      tpu.wait_dma2 semaphore(%dma_wait3A_1678 : memref<!tpu.dma_semaphore, #tpu.memory_space<semaphore_mem>>) src(%dma_wait3A_1685 : memref<512x32xf32, #tpu.memory_space<hbm>>) dst(%dma_wait3A_1682 : memref<512x32xf32, #tpu.memory_space<vmem>>)
      %ge3A = arith.constant 2 : i32
      %ge3A_1686 = arith.cmpi sge, %scan3A_1667, %ge3A : i32
      %convert_element_type3A = arith.extui %ge3A_1686 : i1 to i32
      %cond3A = arith.constant 0 : i32
      %cond3A_1687 = arith.cmpi ne, %convert_element_type3A, %cond3A : i32
      scf.if %cond3A_1687 {
        %dma_wait3A_2514 = arith.constant 0 : i32
        %dma_wait3A_2515 = arith.constant 0 : i32
        %dma_wait3A_2516 = arith.constant 0 : i32
        %dma_wait3A_2517 = arith.constant 0 : i32
        %dma_wait3A_2518 = arith.constant 0 : i32
        %dma_wait3A_2519 = tpu.memref_slice %arg8[%rem3A_1669, %dma_wait3A_2517, %dma_wait3A_2518] : memref<2x32x513xf32, #tpu.memory_space<vmem>> -> memref<1x32x513xf32, #tpu.memory_space<vmem>>
        %dma_wait3A_2520 = tpu.memref_squeeze %dma_wait3A_2519 : memref<1x32x513xf32, #tpu.memory_space<vmem>> -> memref<32x513xf32, #tpu.memory_space<vmem>>
        %dma_wait3A_2521 = arith.constant 0 : i32
        %dma_wait3A_2522 = arith.constant 0 : i32
        %dma_wait3A_2523 = tpu.memref_slice %dma_wait3A_2520[%dma_wait3A_2521, %dma_wait3A_2522] : memref<32x513xf32, #tpu.memory_space<vmem>> -> memref<8x128xf32, #tpu.memory_space<vmem>>
        %dma_wait3A_2524 = arith.constant 0 : i32
        %dma_wait3A_2525 = arith.constant 0 : i32
        %dma_wait3A_2526 = arith.constant 0 : i32
        %dma_wait3A_2527 = arith.constant 0 : i32
        %dma_wait3A_2528 = tpu.memref_slice %arg4[%dma_wait3A_2514, %dma_wait3A_2524, %dma_wait3A_2525, %dma_wait3A_2526, %dma_wait3A_2527] : memref<50x4x128x8x128xf32, #tpu.memory_space<hbm>> -> memref<1x4x128x8x128xf32, #tpu.memory_space<hbm>>
        %dma_wait3A_2529 = tpu.memref_squeeze %dma_wait3A_2528 : memref<1x4x128x8x128xf32, #tpu.memory_space<hbm>> -> memref<4x128x8x128xf32, #tpu.memory_space<hbm>>
        %dma_wait3A_2530 = arith.constant 0 : i32
        %dma_wait3A_2531 = arith.constant 0 : i32
        %dma_wait3A_2532 = arith.constant 0 : i32
        %dma_wait3A_2533 = tpu.memref_slice %dma_wait3A_2529[%dma_wait3A_2515, %dma_wait3A_2530, %dma_wait3A_2531, %dma_wait3A_2532] : memref<4x128x8x128xf32, #tpu.memory_space<hbm>> -> memref<1x128x8x128xf32, #tpu.memory_space<hbm>>
        %dma_wait3A_2534 = tpu.memref_squeeze %dma_wait3A_2533 : memref<1x128x8x128xf32, #tpu.memory_space<hbm>> -> memref<128x8x128xf32, #tpu.memory_space<hbm>>
        %dma_wait3A_2535 = arith.constant 0 : i32
        %dma_wait3A_2536 = arith.constant 0 : i32
        %dma_wait3A_2537 = tpu.memref_slice %dma_wait3A_2534[%dma_wait3A_2516, %dma_wait3A_2535, %dma_wait3A_2536] : memref<128x8x128xf32, #tpu.memory_space<hbm>> -> memref<1x8x128xf32, #tpu.memory_space<hbm>>
        %dma_wait3A_2538 = tpu.memref_squeeze %dma_wait3A_2537 : memref<1x8x128xf32, #tpu.memory_space<hbm>> -> memref<8x128xf32, #tpu.memory_space<hbm>>
        %dma_wait3A_2539 = tpu.memref_slice %arg10[%rem3A_1669] : memref<2x!tpu.dma_semaphore, #tpu.memory_space<semaphore_mem>> -> memref<1x!tpu.dma_semaphore, #tpu.memory_space<semaphore_mem>>
        %dma_wait3A_2540 = tpu.memref_squeeze %dma_wait3A_2539 : memref<1x!tpu.dma_semaphore, #tpu.memory_space<semaphore_mem>> -> memref<!tpu.dma_semaphore, #tpu.memory_space<semaphore_mem>>
        %dma_wait3A_2541 = arith.constant 0 : i32
        %dma_wait3A_2542 = arith.constant 0 : i32
        %dma_wait3A_2543 = arith.constant 0 : i32
        %dma_wait3A_2544 = arith.constant 0 : i32
        %dma_wait3A_2545 = tpu.memref_slice %arg4[%dma_wait3A_2514, %dma_wait3A_2541, %dma_wait3A_2542, %dma_wait3A_2543, %dma_wait3A_2544] : memref<50x4x128x8x128xf32, #tpu.memory_space<hbm>> -> memref<1x4x128x8x128xf32, #tpu.memory_space<hbm>>
        %dma_wait3A_2546 = tpu.memref_squeeze %dma_wait3A_2545 : memref<1x4x128x8x128xf32, #tpu.memory_space<hbm>> -> memref<4x128x8x128xf32, #tpu.memory_space<hbm>>
        %dma_wait3A_2547 = arith.constant 0 : i32
        %dma_wait3A_2548 = arith.constant 0 : i32
        %dma_wait3A_2549 = arith.constant 0 : i32
        %dma_wait3A_2550 = tpu.memref_slice %dma_wait3A_2546[%dma_wait3A_2515, %dma_wait3A_2547, %dma_wait3A_2548, %dma_wait3A_2549] : memref<4x128x8x128xf32, #tpu.memory_space<hbm>> -> memref<1x128x8x128xf32, #tpu.memory_space<hbm>>
        %dma_wait3A_2551 = tpu.memref_squeeze %dma_wait3A_2550 : memref<1x128x8x128xf32, #tpu.memory_space<hbm>> -> memref<128x8x128xf32, #tpu.memory_space<hbm>>
        %dma_wait3A_2552 = arith.constant 0 : i32
        %dma_wait3A_2553 = arith.constant 0 : i32
        %dma_wait3A_2554 = tpu.memref_slice %dma_wait3A_2551[%dma_wait3A_2516, %dma_wait3A_2552, %dma_wait3A_2553] : memref<128x8x128xf32, #tpu.memory_space<hbm>> -> memref<1x8x128xf32, #tpu.memory_space<hbm>>
        %dma_wait3A_2555 = tpu.memref_squeeze %dma_wait3A_2554 : memref<1x8x128xf32, #tpu.memory_space<hbm>> -> memref<8x128xf32, #tpu.memory_space<hbm>>
        %dma_wait3A_2556 = arith.constant 0 : i32
        %dma_wait3A_2557 = arith.constant 0 : i32
        %dma_wait3A_2558 = tpu.memref_slice %arg8[%rem3A_1669, %dma_wait3A_2556, %dma_wait3A_2557] : memref<2x32x513xf32, #tpu.memory_space<vmem>> -> memref<1x32x513xf32, #tpu.memory_space<vmem>>
        %dma_wait3A_2559 = tpu.memref_squeeze %dma_wait3A_2558 : memref<1x32x513xf32, #tpu.memory_space<vmem>> -> memref<32x513xf32, #tpu.memory_space<vmem>>
        %dma_wait3A_2560 = arith.constant 0 : i32
        %dma_wait3A_2561 = arith.constant 0 : i32
        %dma_wait3A_2562 = tpu.memref_slice %dma_wait3A_2559[%dma_wait3A_2560, %dma_wait3A_2561] : memref<32x513xf32, #tpu.memory_space<vmem>> -> memref<8x128xf32, #tpu.memory_space<vmem>>
        tpu.wait_dma2 semaphore(%dma_wait3A_2540 : memref<!tpu.dma_semaphore, #tpu.memory_space<semaphore_mem>>) src(%dma_wait3A_2562 : memref<8x128xf32, #tpu.memory_space<vmem>>) dst(%dma_wait3A_2555 : memref<8x128xf32, #tpu.memory_space<hbm>>)
        %dma_wait3A_2563 = arith.constant 0 : i32
        %dma_wait3A_2564 = arith.constant 0 : i32
        %dma_wait3A_2565 = arith.constant 0 : i32
        %dma_wait3A_2566 = arith.constant 0 : i32
        %dma_wait3A_2567 = arith.constant 0 : i32
        %dma_wait3A_2568 = tpu.memref_slice %arg8[%rem3A_1669, %dma_wait3A_2566, %dma_wait3A_2567] : memref<2x32x513xf32, #tpu.memory_space<vmem>> -> memref<1x32x513xf32, #tpu.memory_space<vmem>>
        %dma_wait3A_2569 = tpu.memref_squeeze %dma_wait3A_2568 : memref<1x32x513xf32, #tpu.memory_space<vmem>> -> memref<32x513xf32, #tpu.memory_space<vmem>>
        %dma_wait3A_2570 = arith.constant 0 : i32
        %dma_wait3A_2571 = arith.constant 0 : i32
        %dma_wait3A_2572 = tpu.memref_slice %dma_wait3A_2569[%dma_wait3A_2570, %dma_wait3A_2571] : memref<32x513xf32, #tpu.memory_space<vmem>> -> memref<8x128xf32, #tpu.memory_space<vmem>>
        %dma_wait3A_2573 = arith.constant 0 : i32
        %dma_wait3A_2574 = arith.constant 0 : i32
        %dma_wait3A_2575 = arith.constant 0 : i32
        %dma_wait3A_2576 = arith.constant 0 : i32
        %dma_wait3A_2577 = tpu.memref_slice %arg4[%dma_wait3A_2563, %dma_wait3A_2573, %dma_wait3A_2574, %dma_wait3A_2575, %dma_wait3A_2576] : memref<50x4x128x8x128xf32, #tpu.memory_space<hbm>> -> memref<1x4x128x8x128xf32, #tpu.memory_space<hbm>>
        %dma_wait3A_2578 = tpu.memref_squeeze %dma_wait3A_2577 : memref<1x4x128x8x128xf32, #tpu.memory_space<hbm>> -> memref<4x128x8x128xf32, #tpu.memory_space<hbm>>
        %dma_wait3A_2579 = arith.constant 0 : i32
        %dma_wait3A_2580 = arith.constant 0 : i32
        %dma_wait3A_2581 = arith.constant 0 : i32
        %dma_wait3A_2582 = tpu.memref_slice %dma_wait3A_2578[%dma_wait3A_2564, %dma_wait3A_2579, %dma_wait3A_2580, %dma_wait3A_2581] : memref<4x128x8x128xf32, #tpu.memory_space<hbm>> -> memref<1x128x8x128xf32, #tpu.memory_space<hbm>>
        %dma_wait3A_2583 = tpu.memref_squeeze %dma_wait3A_2582 : memref<1x128x8x128xf32, #tpu.memory_space<hbm>> -> memref<128x8x128xf32, #tpu.memory_space<hbm>>
        %dma_wait3A_2584 = arith.constant 0 : i32
        %dma_wait3A_2585 = arith.constant 0 : i32
        %dma_wait3A_2586 = tpu.memref_slice %dma_wait3A_2583[%dma_wait3A_2565, %dma_wait3A_2584, %dma_wait3A_2585] : memref<128x8x128xf32, #tpu.memory_space<hbm>> -> memref<1x8x128xf32, #tpu.memory_space<hbm>>
        %dma_wait3A_2587 = tpu.memref_squeeze %dma_wait3A_2586 : memref<1x8x128xf32, #tpu.memory_space<hbm>> -> memref<8x128xf32, #tpu.memory_space<hbm>>
        %dma_wait3A_2588 = tpu.memref_slice %arg10[%rem3A_1669] : memref<2x!tpu.dma_semaphore, #tpu.memory_space<semaphore_mem>> -> memref<1x!tpu.dma_semaphore, #tpu.memory_space<semaphore_mem>>
        %dma_wait3A_2589 = tpu.memref_squeeze %dma_wait3A_2588 : memref<1x!tpu.dma_semaphore, #tpu.memory_space<semaphore_mem>> -> memref<!tpu.dma_semaphore, #tpu.memory_space<semaphore_mem>>
        %dma_wait3A_2590 = arith.constant 0 : i32
        %dma_wait3A_2591 = arith.constant 0 : i32
        %dma_wait3A_2592 = arith.constant 0 : i32
        %dma_wait3A_2593 = arith.constant 0 : i32
        %dma_wait3A_2594 = tpu.memref_slice %arg4[%dma_wait3A_2563, %dma_wait3A_2590, %dma_wait3A_2591, %dma_wait3A_2592, %dma_wait3A_2593] : memref<50x4x128x8x128xf32, #tpu.memory_space<hbm>> -> memref<1x4x128x8x128xf32, #tpu.memory_space<hbm>>
        %dma_wait3A_2595 = tpu.memref_squeeze %dma_wait3A_2594 : memref<1x4x128x8x128xf32, #tpu.memory_space<hbm>> -> memref<4x128x8x128xf32, #tpu.memory_space<hbm>>
        %dma_wait3A_2596 = arith.constant 0 : i32
        %dma_wait3A_2597 = arith.constant 0 : i32
        %dma_wait3A_2598 = arith.constant 0 : i32
        %dma_wait3A_2599 = tpu.memref_slice %dma_wait3A_2595[%dma_wait3A_2564, %dma_wait3A_2596, %dma_wait3A_2597, %dma_wait3A_2598] : memref<4x128x8x128xf32, #tpu.memory_space<hbm>> -> memref<1x128x8x128xf32, #tpu.memory_space<hbm>>
        %dma_wait3A_2600 = tpu.memref_squeeze %dma_wait3A_2599 : memref<1x128x8x128xf32, #tpu.memory_space<hbm>> -> memref<128x8x128xf32, #tpu.memory_space<hbm>>
        %dma_wait3A_2601 = arith.constant 0 : i32
        %dma_wait3A_2602 = arith.constant 0 : i32
        %dma_wait3A_2603 = tpu.memref_slice %dma_wait3A_2600[%dma_wait3A_2565, %dma_wait3A_2601, %dma_wait3A_2602] : memref<128x8x128xf32, #tpu.memory_space<hbm>> -> memref<1x8x128xf32, #tpu.memory_space<hbm>>
        %dma_wait3A_2604 = tpu.memref_squeeze %dma_wait3A_2603 : memref<1x8x128xf32, #tpu.memory_space<hbm>> -> memref<8x128xf32, #tpu.memory_space<hbm>>
        %dma_wait3A_2605 = arith.constant 0 : i32
        %dma_wait3A_2606 = arith.constant 0 : i32
        %dma_wait3A_2607 = tpu.memref_slice %arg8[%rem3A_1669, %dma_wait3A_2605, %dma_wait3A_2606] : memref<2x32x513xf32, #tpu.memory_space<vmem>> -> memref<1x32x513xf32, #tpu.memory_space<vmem>>
        %dma_wait3A_2608 = tpu.memref_squeeze %dma_wait3A_2607 : memref<1x32x513xf32, #tpu.memory_space<vmem>> -> memref<32x513xf32, #tpu.memory_space<vmem>>
        %dma_wait3A_2609 = arith.constant 0 : i32
        %dma_wait3A_2610 = arith.constant 0 : i32
        %dma_wait3A_2611 = tpu.memref_slice %dma_wait3A_2608[%dma_wait3A_2609, %dma_wait3A_2610] : memref<32x513xf32, #tpu.memory_space<vmem>> -> memref<8x128xf32, #tpu.memory_space<vmem>>
        tpu.wait_dma2 semaphore(%dma_wait3A_2589 : memref<!tpu.dma_semaphore, #tpu.memory_space<semaphore_mem>>) src(%dma_wait3A_2611 : memref<8x128xf32, #tpu.memory_space<vmem>>) dst(%dma_wait3A_2604 : memref<8x128xf32, #tpu.memory_space<hbm>>)
        %dma_wait3A_2612 = arith.constant 0 : i32
        %dma_wait3A_2613 = arith.constant 0 : i32
        %dma_wait3A_2614 = arith.constant 0 : i32
        %dma_wait3A_2615 = arith.constant 0 : i32
        %dma_wait3A_2616 = arith.constant 0 : i32
        %dma_wait3A_2617 = tpu.memref_slice %arg8[%rem3A_1669, %dma_wait3A_2615, %dma_wait3A_2616] : memref<2x32x513xf32, #tpu.memory_space<vmem>> -> memref<1x32x513xf32, #tpu.memory_space<vmem>>
        %dma_wait3A_2618 = tpu.memref_squeeze %dma_wait3A_2617 : memref<1x32x513xf32, #tpu.memory_space<vmem>> -> memref<32x513xf32, #tpu.memory_space<vmem>>
        %dma_wait3A_2619 = arith.constant 0 : i32
        %dma_wait3A_2620 = arith.constant 0 : i32
        %dma_wait3A_2621 = tpu.memref_slice %dma_wait3A_2618[%dma_wait3A_2619, %dma_wait3A_2620] : memref<32x513xf32, #tpu.memory_space<vmem>> -> memref<8x128xf32, #tpu.memory_space<vmem>>
        %dma_wait3A_2622 = arith.constant 0 : i32
        %dma_wait3A_2623 = arith.constant 0 : i32
        %dma_wait3A_2624 = arith.constant 0 : i32
        %dma_wait3A_2625 = arith.constant 0 : i32
        %dma_wait3A_2626 = tpu.memref_slice %arg4[%dma_wait3A_2612, %dma_wait3A_2622, %dma_wait3A_2623, %dma_wait3A_2624, %dma_wait3A_2625] : memref<50x4x128x8x128xf32, #tpu.memory_space<hbm>> -> memref<1x4x128x8x128xf32, #tpu.memory_space<hbm>>
        %dma_wait3A_2627 = tpu.memref_squeeze %dma_wait3A_2626 : memref<1x4x128x8x128xf32, #tpu.memory_space<hbm>> -> memref<4x128x8x128xf32, #tpu.memory_space<hbm>>
        %dma_wait3A_2628 = arith.constant 0 : i32
        %dma_wait3A_2629 = arith.constant 0 : i32
        %dma_wait3A_2630 = arith.constant 0 : i32
        %dma_wait3A_2631 = tpu.memref_slice %dma_wait3A_2627[%dma_wait3A_2613, %dma_wait3A_2628, %dma_wait3A_2629, %dma_wait3A_2630] : memref<4x128x8x128xf32, #tpu.memory_space<hbm>> -> memref<1x128x8x128xf32, #tpu.memory_space<hbm>>
        %dma_wait3A_2632 = tpu.memref_squeeze %dma_wait3A_2631 : memref<1x128x8x128xf32, #tpu.memory_space<hbm>> -> memref<128x8x128xf32, #tpu.memory_space<hbm>>
        %dma_wait3A_2633 = arith.constant 0 : i32
        %dma_wait3A_2634 = arith.constant 0 : i32
        %dma_wait3A_2635 = tpu.memref_slice %dma_wait3A_2632[%dma_wait3A_2614, %dma_wait3A_2633, %dma_wait3A_2634] : memref<128x8x128xf32, #tpu.memory_space<hbm>> -> memref<1x8x128xf32, #tpu.memory_space<hbm>>
        %dma_wait3A_2636 = tpu.memref_squeeze %dma_wait3A_2635 : memref<1x8x128xf32, #tpu.memory_space<hbm>> -> memref<8x128xf32, #tpu.memory_space<hbm>>
        %dma_wait3A_2637 = tpu.memref_slice %arg10[%rem3A_1669] : memref<2x!tpu.dma_semaphore, #tpu.memory_space<semaphore_mem>> -> memref<1x!tpu.dma_semaphore, #tpu.memory_space<semaphore_mem>>
        %dma_wait3A_2638 = tpu.memref_squeeze %dma_wait3A_2637 : memref<1x!tpu.dma_semaphore, #tpu.memory_space<semaphore_mem>> -> memref<!tpu.dma_semaphore, #tpu.memory_space<semaphore_mem>>
        %dma_wait3A_2639 = arith.constant 0 : i32
        %dma_wait3A_2640 = arith.constant 0 : i32
        %dma_wait3A_2641 = arith.constant 0 : i32
        %dma_wait3A_2642 = arith.constant 0 : i32
        %dma_wait3A_2643 = tpu.memref_slice %arg4[%dma_wait3A_2612, %dma_wait3A_2639, %dma_wait3A_2640, %dma_wait3A_2641, %dma_wait3A_2642] : memref<50x4x128x8x128xf32, #tpu.memory_space<hbm>> -> memref<1x4x128x8x128xf32, #tpu.memory_space<hbm>>
        %dma_wait3A_2644 = tpu.memref_squeeze %dma_wait3A_2643 : memref<1x4x128x8x128xf32, #tpu.memory_space<hbm>> -> memref<4x128x8x128xf32, #tpu.memory_space<hbm>>
        %dma_wait3A_2645 = arith.constant 0 : i32
        %dma_wait3A_2646 = arith.constant 0 : i32
        %dma_wait3A_2647 = arith.constant 0 : i32
        %dma_wait3A_2648 = tpu.memref_slice %dma_wait3A_2644[%dma_wait3A_2613, %dma_wait3A_2645, %dma_wait3A_2646, %dma_wait3A_2647] : memref<4x128x8x128xf32, #tpu.memory_space<hbm>> -> memref<1x128x8x128xf32, #tpu.memory_space<hbm>>
        %dma_wait3A_2649 = tpu.memref_squeeze %dma_wait3A_2648 : memref<1x128x8x128xf32, #tpu.memory_space<hbm>> -> memref<128x8x128xf32, #tpu.memory_space<hbm>>
        %dma_wait3A_2650 = arith.constant 0 : i32
        %dma_wait3A_2651 = arith.constant 0 : i32
        %dma_wait3A_2652 = tpu.memref_slice %dma_wait3A_2649[%dma_wait3A_2614, %dma_wait3A_2650, %dma_wait3A_2651] : memref<128x8x128xf32, #tpu.memory_space<hbm>> -> memref<1x8x128xf32, #tpu.memory_space<hbm>>
        %dma_wait3A_2653 = tpu.memref_squeeze %dma_wait3A_2652 : memref<1x8x128xf32, #tpu.memory_space<hbm>> -> memref<8x128xf32, #tpu.memory_space<hbm>>
        %dma_wait3A_2654 = arith.constant 0 : i32
        %dma_wait3A_2655 = arith.constant 0 : i32
        %dma_wait3A_2656 = tpu.memref_slice %arg8[%rem3A_1669, %dma_wait3A_2654, %dma_wait3A_2655] : memref<2x32x513xf32, #tpu.memory_space<vmem>> -> memref<1x32x513xf32, #tpu.memory_space<vmem>>
        %dma_wait3A_2657 = tpu.memref_squeeze %dma_wait3A_2656 : memref<1x32x513xf32, #tpu.memory_space<vmem>> -> memref<32x513xf32, #tpu.memory_space<vmem>>
        %dma_wait3A_2658 = arith.constant 0 : i32
        %dma_wait3A_2659 = arith.constant 0 : i32
        %dma_wait3A_2660 = tpu.memref_slice %dma_wait3A_2657[%dma_wait3A_2658, %dma_wait3A_2659] : memref<32x513xf32, #tpu.memory_space<vmem>> -> memref<8x128xf32, #tpu.memory_space<vmem>>
        tpu.wait_dma2 semaphore(%dma_wait3A_2638 : memref<!tpu.dma_semaphore, #tpu.memory_space<semaphore_mem>>) src(%dma_wait3A_2660 : memref<8x128xf32, #tpu.memory_space<vmem>>) dst(%dma_wait3A_2653 : memref<8x128xf32, #tpu.memory_space<hbm>>)
        %dma_wait3A_2661 = arith.constant 0 : i32
        %dma_wait3A_2662 = arith.constant 0 : i32
        %dma_wait3A_2663 = arith.constant 0 : i32
        %dma_wait3A_2664 = arith.constant 0 : i32
        %dma_wait3A_2665 = arith.constant 0 : i32
        %dma_wait3A_2666 = tpu.memref_slice %arg8[%rem3A_1669, %dma_wait3A_2664, %dma_wait3A_2665] : memref<2x32x513xf32, #tpu.memory_space<vmem>> -> memref<1x32x513xf32, #tpu.memory_space<vmem>>
        %dma_wait3A_2667 = tpu.memref_squeeze %dma_wait3A_2666 : memref<1x32x513xf32, #tpu.memory_space<vmem>> -> memref<32x513xf32, #tpu.memory_space<vmem>>
        %dma_wait3A_2668 = arith.constant 0 : i32
        %dma_wait3A_2669 = arith.constant 0 : i32
        %dma_wait3A_2670 = tpu.memref_slice %dma_wait3A_2667[%dma_wait3A_2668, %dma_wait3A_2669] : memref<32x513xf32, #tpu.memory_space<vmem>> -> memref<8x128xf32, #tpu.memory_space<vmem>>
        %dma_wait3A_2671 = arith.constant 0 : i32
        %dma_wait3A_2672 = arith.constant 0 : i32
        %dma_wait3A_2673 = arith.constant 0 : i32
        %dma_wait3A_2674 = arith.constant 0 : i32
        %dma_wait3A_2675 = tpu.memref_slice %arg4[%dma_wait3A_2661, %dma_wait3A_2671, %dma_wait3A_2672, %dma_wait3A_2673, %dma_wait3A_2674] : memref<50x4x128x8x128xf32, #tpu.memory_space<hbm>> -> memref<1x4x128x8x128xf32, #tpu.memory_space<hbm>>
        %dma_wait3A_2676 = tpu.memref_squeeze %dma_wait3A_2675 : memref<1x4x128x8x128xf32, #tpu.memory_space<hbm>> -> memref<4x128x8x128xf32, #tpu.memory_space<hbm>>
        %dma_wait3A_2677 = arith.constant 0 : i32
        %dma_wait3A_2678 = arith.constant 0 : i32
        %dma_wait3A_2679 = arith.constant 0 : i32
        %dma_wait3A_2680 = tpu.memref_slice %dma_wait3A_2676[%dma_wait3A_2662, %dma_wait3A_2677, %dma_wait3A_2678, %dma_wait3A_2679] : memref<4x128x8x128xf32, #tpu.memory_space<hbm>> -> memref<1x128x8x128xf32, #tpu.memory_space<hbm>>
        %dma_wait3A_2681 = tpu.memref_squeeze %dma_wait3A_2680 : memref<1x128x8x128xf32, #tpu.memory_space<hbm>> -> memref<128x8x128xf32, #tpu.memory_space<hbm>>
        %dma_wait3A_2682 = arith.constant 0 : i32
        %dma_wait3A_2683 = arith.constant 0 : i32
        %dma_wait3A_2684 = tpu.memref_slice %dma_wait3A_2681[%dma_wait3A_2663, %dma_wait3A_2682, %dma_wait3A_2683] : memref<128x8x128xf32, #tpu.memory_space<hbm>> -> memref<1x8x128xf32, #tpu.memory_space<hbm>>
        %dma_wait3A_2685 = tpu.memref_squeeze %dma_wait3A_2684 : memref<1x8x128xf32, #tpu.memory_space<hbm>> -> memref<8x128xf32, #tpu.memory_space<hbm>>
        %dma_wait3A_2686 = tpu.memref_slice %arg10[%rem3A_1669] : memref<2x!tpu.dma_semaphore, #tpu.memory_space<semaphore_mem>> -> memref<1x!tpu.dma_semaphore, #tpu.memory_space<semaphore_mem>>
        %dma_wait3A_2687 = tpu.memref_squeeze %dma_wait3A_2686 : memref<1x!tpu.dma_semaphore, #tpu.memory_space<semaphore_mem>> -> memref<!tpu.dma_semaphore, #tpu.memory_space<semaphore_mem>>
        %dma_wait3A_2688 = arith.constant 0 : i32
        %dma_wait3A_2689 = arith.constant 0 : i32
        %dma_wait3A_2690 = arith.constant 0 : i32
        %dma_wait3A_2691 = arith.constant 0 : i32
        %dma_wait3A_2692 = tpu.memref_slice %arg4[%dma_wait3A_2661, %dma_wait3A_2688, %dma_wait3A_2689, %dma_wait3A_2690, %dma_wait3A_2691] : memref<50x4x128x8x128xf32, #tpu.memory_space<hbm>> -> memref<1x4x128x8x128xf32, #tpu.memory_space<hbm>>
        %dma_wait3A_2693 = tpu.memref_squeeze %dma_wait3A_2692 : memref<1x4x128x8x128xf32, #tpu.memory_space<hbm>> -> memref<4x128x8x128xf32, #tpu.memory_space<hbm>>
        %dma_wait3A_2694 = arith.constant 0 : i32
        %dma_wait3A_2695 = arith.constant 0 : i32
        %dma_wait3A_2696 = arith.constant 0 : i32
        %dma_wait3A_2697 = tpu.memref_slice %dma_wait3A_2693[%dma_wait3A_2662, %dma_wait3A_2694, %dma_wait3A_2695, %dma_wait3A_2696] : memref<4x128x8x128xf32, #tpu.memory_space<hbm>> -> memref<1x128x8x128xf32, #tpu.memory_space<hbm>>
        %dma_wait3A_2698 = tpu.memref_squeeze %dma_wait3A_2697 : memref<1x128x8x128xf32, #tpu.memory_space<hbm>> -> memref<128x8x128xf32, #tpu.memory_space<hbm>>
        %dma_wait3A_2699 = arith.constant 0 : i32
        %dma_wait3A_2700 = arith.constant 0 : i32
        %dma_wait3A_2701 = tpu.memref_slice %dma_wait3A_2698[%dma_wait3A_2663, %dma_wait3A_2699, %dma_wait3A_2700] : memref<128x8x128xf32, #tpu.memory_space<hbm>> -> memref<1x8x128xf32, #tpu.memory_space<hbm>>
        %dma_wait3A_2702 = tpu.memref_squeeze %dma_wait3A_2701 : memref<1x8x128xf32, #tpu.memory_space<hbm>> -> memref<8x128xf32, #tpu.memory_space<hbm>>
        %dma_wait3A_2703 = arith.constant 0 : i32
        %dma_wait3A_2704 = arith.constant 0 : i32
        %dma_wait3A_2705 = tpu.memref_slice %arg8[%rem3A_1669, %dma_wait3A_2703, %dma_wait3A_2704] : memref<2x32x513xf32, #tpu.memory_space<vmem>> -> memref<1x32x513xf32, #tpu.memory_space<vmem>>
        %dma_wait3A_2706 = tpu.memref_squeeze %dma_wait3A_2705 : memref<1x32x513xf32, #tpu.memory_space<vmem>> -> memref<32x513xf32, #tpu.memory_space<vmem>>
        %dma_wait3A_2707 = arith.constant 0 : i32
        %dma_wait3A_2708 = arith.constant 0 : i32
        %dma_wait3A_2709 = tpu.memref_slice %dma_wait3A_2706[%dma_wait3A_2707, %dma_wait3A_2708] : memref<32x513xf32, #tpu.memory_space<vmem>> -> memref<8x128xf32, #tpu.memory_space<vmem>>
        tpu.wait_dma2 semaphore(%dma_wait3A_2687 : memref<!tpu.dma_semaphore, #tpu.memory_space<semaphore_mem>>) src(%dma_wait3A_2709 : memref<8x128xf32, #tpu.memory_space<vmem>>) dst(%dma_wait3A_2702 : memref<8x128xf32, #tpu.memory_space<hbm>>)
        %dma_wait3A_2710 = arith.constant 0 : i32
        %dma_wait3A_2711 = arith.constant 0 : i32
        %dma_wait3A_2712 = arith.constant 0 : i32
        %dma_wait3A_2713 = arith.constant 0 : i32
        %dma_wait3A_2714 = arith.constant 0 : i32
        %dma_wait3A_2715 = tpu.memref_slice %arg8[%rem3A_1669, %dma_wait3A_2713, %dma_wait3A_2714] : memref<2x32x513xf32, #tpu.memory_space<vmem>> -> memref<1x32x513xf32, #tpu.memory_space<vmem>>
        %dma_wait3A_2716 = tpu.memref_squeeze %dma_wait3A_2715 : memref<1x32x513xf32, #tpu.memory_space<vmem>> -> memref<32x513xf32, #tpu.memory_space<vmem>>
        %dma_wait3A_2717 = arith.constant 0 : i32
        %dma_wait3A_2718 = arith.constant 0 : i32
        %dma_wait3A_2719 = tpu.memref_slice %dma_wait3A_2716[%dma_wait3A_2717, %dma_wait3A_2718] : memref<32x513xf32, #tpu.memory_space<vmem>> -> memref<8x128xf32, #tpu.memory_space<vmem>>
        %dma_wait3A_2720 = arith.constant 0 : i32
        %dma_wait3A_2721 = arith.constant 0 : i32
        %dma_wait3A_2722 = arith.constant 0 : i32
        %dma_wait3A_2723 = arith.constant 0 : i32
        %dma_wait3A_2724 = tpu.memref_slice %arg4[%dma_wait3A_2710, %dma_wait3A_2720, %dma_wait3A_2721, %dma_wait3A_2722, %dma_wait3A_2723] : memref<50x4x128x8x128xf32, #tpu.memory_space<hbm>> -> memref<1x4x128x8x128xf32, #tpu.memory_space<hbm>>
        %dma_wait3A_2725 = tpu.memref_squeeze %dma_wait3A_2724 : memref<1x4x128x8x128xf32, #tpu.memory_space<hbm>> -> memref<4x128x8x128xf32, #tpu.memory_space<hbm>>
        %dma_wait3A_2726 = arith.constant 0 : i32
        %dma_wait3A_2727 = arith.constant 0 : i32
        %dma_wait3A_2728 = arith.constant 0 : i32
        %dma_wait3A_2729 = tpu.memref_slice %dma_wait3A_2725[%dma_wait3A_2711, %dma_wait3A_2726, %dma_wait3A_2727, %dma_wait3A_2728] : memref<4x128x8x128xf32, #tpu.memory_space<hbm>> -> memref<1x128x8x128xf32, #tpu.memory_space<hbm>>
        %dma_wait3A_2730 = tpu.memref_squeeze %dma_wait3A_2729 : memref<1x128x8x128xf32, #tpu.memory_space<hbm>> -> memref<128x8x128xf32, #tpu.memory_space<hbm>>
        %dma_wait3A_2731 = arith.constant 0 : i32
        %dma_wait3A_2732 = arith.constant 0 : i32
        %dma_wait3A_2733 = tpu.memref_slice %dma_wait3A_2730[%dma_wait3A_2712, %dma_wait3A_2731, %dma_wait3A_2732] : memref<128x8x128xf32, #tpu.memory_space<hbm>> -> memref<1x8x128xf32, #tpu.memory_space<hbm>>
        %dma_wait3A_2734 = tpu.memref_squeeze %dma_wait3A_2733 : memref<1x8x128xf32, #tpu.memory_space<hbm>> -> memref<8x128xf32, #tpu.memory_space<hbm>>
        %dma_wait3A_2735 = tpu.memref_slice %arg10[%rem3A_1669] : memref<2x!tpu.dma_semaphore, #tpu.memory_space<semaphore_mem>> -> memref<1x!tpu.dma_semaphore, #tpu.memory_space<semaphore_mem>>
        %dma_wait3A_2736 = tpu.memref_squeeze %dma_wait3A_2735 : memref<1x!tpu.dma_semaphore, #tpu.memory_space<semaphore_mem>> -> memref<!tpu.dma_semaphore, #tpu.memory_space<semaphore_mem>>
        %dma_wait3A_2737 = arith.constant 0 : i32
        %dma_wait3A_2738 = arith.constant 0 : i32
        %dma_wait3A_2739 = arith.constant 0 : i32
        %dma_wait3A_2740 = arith.constant 0 : i32
        %dma_wait3A_2741 = tpu.memref_slice %arg4[%dma_wait3A_2710, %dma_wait3A_2737, %dma_wait3A_2738, %dma_wait3A_2739, %dma_wait3A_2740] : memref<50x4x128x8x128xf32, #tpu.memory_space<hbm>> -> memref<1x4x128x8x128xf32, #tpu.memory_space<hbm>>
        %dma_wait3A_2742 = tpu.memref_squeeze %dma_wait3A_2741 : memref<1x4x128x8x128xf32, #tpu.memory_space<hbm>> -> memref<4x128x8x128xf32, #tpu.memory_space<hbm>>
        %dma_wait3A_2743 = arith.constant 0 : i32
        %dma_wait3A_2744 = arith.constant 0 : i32
        %dma_wait3A_2745 = arith.constant 0 : i32
        %dma_wait3A_2746 = tpu.memref_slice %dma_wait3A_2742[%dma_wait3A_2711, %dma_wait3A_2743, %dma_wait3A_2744, %dma_wait3A_2745] : memref<4x128x8x128xf32, #tpu.memory_space<hbm>> -> memref<1x128x8x128xf32, #tpu.memory_space<hbm>>
        %dma_wait3A_2747 = tpu.memref_squeeze %dma_wait3A_2746 : memref<1x128x8x128xf32, #tpu.memory_space<hbm>> -> memref<128x8x128xf32, #tpu.memory_space<hbm>>
        %dma_wait3A_2748 = arith.constant 0 : i32
        %dma_wait3A_2749 = arith.constant 0 : i32
        %dma_wait3A_2750 = tpu.memref_slice %dma_wait3A_2747[%dma_wait3A_2712, %dma_wait3A_2748, %dma_wait3A_2749] : memref<128x8x128xf32, #tpu.memory_space<hbm>> -> memref<1x8x128xf32, #tpu.memory_space<hbm>>
        %dma_wait3A_2751 = tpu.memref_squeeze %dma_wait3A_2750 : memref<1x8x128xf32, #tpu.memory_space<hbm>> -> memref<8x128xf32, #tpu.memory_space<hbm>>
        %dma_wait3A_2752 = arith.constant 0 : i32
        %dma_wait3A_2753 = arith.constant 0 : i32
        %dma_wait3A_2754 = tpu.memref_slice %arg8[%rem3A_1669, %dma_wait3A_2752, %dma_wait3A_2753] : memref<2x32x513xf32, #tpu.memory_space<vmem>> -> memref<1x32x513xf32, #tpu.memory_space<vmem>>
        %dma_wait3A_2755 = tpu.memref_squeeze %dma_wait3A_2754 : memref<1x32x513xf32, #tpu.memory_space<vmem>> -> memref<32x513xf32, #tpu.memory_space<vmem>>
        %dma_wait3A_2756 = arith.constant 0 : i32
        %dma_wait3A_2757 = arith.constant 0 : i32
        %dma_wait3A_2758 = tpu.memref_slice %dma_wait3A_2755[%dma_wait3A_2756, %dma_wait3A_2757] : memref<32x513xf32, #tpu.memory_space<vmem>> -> memref<8x128xf32, #tpu.memory_space<vmem>>
        tpu.wait_dma2 semaphore(%dma_wait3A_2736 : memref<!tpu.dma_semaphore, #tpu.memory_space<semaphore_mem>>) src(%dma_wait3A_2758 : memref<8x128xf32, #tpu.memory_space<vmem>>) dst(%dma_wait3A_2751 : memref<8x128xf32, #tpu.memory_space<hbm>>)
        %dma_wait3A_2759 = arith.constant 0 : i32
        %dma_wait3A_2760 = arith.constant 0 : i32
        %dma_wait3A_2761 = arith.constant 0 : i32
        %dma_wait3A_2762 = arith.constant 0 : i32
        %dma_wait3A_2763 = arith.constant 0 : i32
        %dma_wait3A_2764 = tpu.memref_slice %arg8[%rem3A_1669, %dma_wait3A_2762, %dma_wait3A_2763] : memref<2x32x513xf32, #tpu.memory_space<vmem>> -> memref<1x32x513xf32, #tpu.memory_space<vmem>>
        %dma_wait3A_2765 = tpu.memref_squeeze %dma_wait3A_2764 : memref<1x32x513xf32, #tpu.memory_space<vmem>> -> memref<32x513xf32, #tpu.memory_space<vmem>>
        %dma_wait3A_2766 = arith.constant 0 : i32
        %dma_wait3A_2767 = arith.constant 0 : i32
        %dma_wait3A_2768 = tpu.memref_slice %dma_wait3A_2765[%dma_wait3A_2766, %dma_wait3A_2767] : memref<32x513xf32, #tpu.memory_space<vmem>> -> memref<8x128xf32, #tpu.memory_space<vmem>>
        %dma_wait3A_2769 = arith.constant 0 : i32
        %dma_wait3A_2770 = arith.constant 0 : i32
        %dma_wait3A_2771 = arith.constant 0 : i32
        %dma_wait3A_2772 = arith.constant 0 : i32
        %dma_wait3A_2773 = tpu.memref_slice %arg4[%dma_wait3A_2759, %dma_wait3A_2769, %dma_wait3A_2770, %dma_wait3A_2771, %dma_wait3A_2772] : memref<50x4x128x8x128xf32, #tpu.memory_space<hbm>> -> memref<1x4x128x8x128xf32, #tpu.memory_space<hbm>>
        %dma_wait3A_2774 = tpu.memref_squeeze %dma_wait3A_2773 : memref<1x4x128x8x128xf32, #tpu.memory_space<hbm>> -> memref<4x128x8x128xf32, #tpu.memory_space<hbm>>
        %dma_wait3A_2775 = arith.constant 0 : i32
        %dma_wait3A_2776 = arith.constant 0 : i32
        %dma_wait3A_2777 = arith.constant 0 : i32
        %dma_wait3A_2778 = tpu.memref_slice %dma_wait3A_2774[%dma_wait3A_2760, %dma_wait3A_2775, %dma_wait3A_2776, %dma_wait3A_2777] : memref<4x128x8x128xf32, #tpu.memory_space<hbm>> -> memref<1x128x8x128xf32, #tpu.memory_space<hbm>>
        %dma_wait3A_2779 = tpu.memref_squeeze %dma_wait3A_2778 : memref<1x128x8x128xf32, #tpu.memory_space<hbm>> -> memref<128x8x128xf32, #tpu.memory_space<hbm>>
        %dma_wait3A_2780 = arith.constant 0 : i32
        %dma_wait3A_2781 = arith.constant 0 : i32
        %dma_wait3A_2782 = tpu.memref_slice %dma_wait3A_2779[%dma_wait3A_2761, %dma_wait3A_2780, %dma_wait3A_2781] : memref<128x8x128xf32, #tpu.memory_space<hbm>> -> memref<1x8x128xf32, #tpu.memory_space<hbm>>
        %dma_wait3A_2783 = tpu.memref_squeeze %dma_wait3A_2782 : memref<1x8x128xf32, #tpu.memory_space<hbm>> -> memref<8x128xf32, #tpu.memory_space<hbm>>
        %dma_wait3A_2784 = tpu.memref_slice %arg10[%rem3A_1669] : memref<2x!tpu.dma_semaphore, #tpu.memory_space<semaphore_mem>> -> memref<1x!tpu.dma_semaphore, #tpu.memory_space<semaphore_mem>>
        %dma_wait3A_2785 = tpu.memref_squeeze %dma_wait3A_2784 : memref<1x!tpu.dma_semaphore, #tpu.memory_space<semaphore_mem>> -> memref<!tpu.dma_semaphore, #tpu.memory_space<semaphore_mem>>
        %dma_wait3A_2786 = arith.constant 0 : i32
        %dma_wait3A_2787 = arith.constant 0 : i32
        %dma_wait3A_2788 = arith.constant 0 : i32
        %dma_wait3A_2789 = arith.constant 0 : i32
        %dma_wait3A_2790 = tpu.memref_slice %arg4[%dma_wait3A_2759, %dma_wait3A_2786, %dma_wait3A_2787, %dma_wait3A_2788, %dma_wait3A_2789] : memref<50x4x128x8x128xf32, #tpu.memory_space<hbm>> -> memref<1x4x128x8x128xf32, #tpu.memory_space<hbm>>
        %dma_wait3A_2791 = tpu.memref_squeeze %dma_wait3A_2790 : memref<1x4x128x8x128xf32, #tpu.memory_space<hbm>> -> memref<4x128x8x128xf32, #tpu.memory_space<hbm>>
        %dma_wait3A_2792 = arith.constant 0 : i32
        %dma_wait3A_2793 = arith.constant 0 : i32
        %dma_wait3A_2794 = arith.constant 0 : i32
        %dma_wait3A_2795 = tpu.memref_slice %dma_wait3A_2791[%dma_wait3A_2760, %dma_wait3A_2792, %dma_wait3A_2793, %dma_wait3A_2794] : memref<4x128x8x128xf32, #tpu.memory_space<hbm>> -> memref<1x128x8x128xf32, #tpu.memory_space<hbm>>
        %dma_wait3A_2796 = tpu.memref_squeeze %dma_wait3A_2795 : memref<1x128x8x128xf32, #tpu.memory_space<hbm>> -> memref<128x8x128xf32, #tpu.memory_space<hbm>>
        %dma_wait3A_2797 = arith.constant 0 : i32
        %dma_wait3A_2798 = arith.constant 0 : i32
        %dma_wait3A_2799 = tpu.memref_slice %dma_wait3A_2796[%dma_wait3A_2761, %dma_wait3A_2797, %dma_wait3A_2798] : memref<128x8x128xf32, #tpu.memory_space<hbm>> -> memref<1x8x128xf32, #tpu.memory_space<hbm>>
        %dma_wait3A_2800 = tpu.memref_squeeze %dma_wait3A_2799 : memref<1x8x128xf32, #tpu.memory_space<hbm>> -> memref<8x128xf32, #tpu.memory_space<hbm>>
        %dma_wait3A_2801 = arith.constant 0 : i32
        %dma_wait3A_2802 = arith.constant 0 : i32
        %dma_wait3A_2803 = tpu.memref_slice %arg8[%rem3A_1669, %dma_wait3A_2801, %dma_wait3A_2802] : memref<2x32x513xf32, #tpu.memory_space<vmem>> -> memref<1x32x513xf32, #tpu.memory_space<vmem>>
        %dma_wait3A_2804 = tpu.memref_squeeze %dma_wait3A_2803 : memref<1x32x513xf32, #tpu.memory_space<vmem>> -> memref<32x513xf32, #tpu.memory_space<vmem>>
        %dma_wait3A_2805 = arith.constant 0 : i32
        %dma_wait3A_2806 = arith.constant 0 : i32
        %dma_wait3A_2807 = tpu.memref_slice %dma_wait3A_2804[%dma_wait3A_2805, %dma_wait3A_2806] : memref<32x513xf32, #tpu.memory_space<vmem>> -> memref<8x128xf32, #tpu.memory_space<vmem>>
        tpu.wait_dma2 semaphore(%dma_wait3A_2785 : memref<!tpu.dma_semaphore, #tpu.memory_space<semaphore_mem>>) src(%dma_wait3A_2807 : memref<8x128xf32, #tpu.memory_space<vmem>>) dst(%dma_wait3A_2800 : memref<8x128xf32, #tpu.memory_space<hbm>>)
        %dma_wait3A_2808 = arith.constant 0 : i32
        %dma_wait3A_2809 = arith.constant 0 : i32
        %dma_wait3A_2810 = arith.constant 0 : i32
        %dma_wait3A_2811 = arith.constant 0 : i32
        %dma_wait3A_2812 = arith.constant 0 : i32
        %dma_wait3A_2813 = tpu.memref_slice %arg8[%rem3A_1669, %dma_wait3A_2811, %dma_wait3A_2812] : memref<2x32x513xf32, #tpu.memory_space<vmem>> -> memref<1x32x513xf32, #tpu.memory_space<vmem>>
        %dma_wait3A_2814 = tpu.memref_squeeze %dma_wait3A_2813 : memref<1x32x513xf32, #tpu.memory_space<vmem>> -> memref<32x513xf32, #tpu.memory_space<vmem>>
        %dma_wait3A_2815 = arith.constant 0 : i32
        %dma_wait3A_2816 = arith.constant 0 : i32
        %dma_wait3A_2817 = tpu.memref_slice %dma_wait3A_2814[%dma_wait3A_2815, %dma_wait3A_2816] : memref<32x513xf32, #tpu.memory_space<vmem>> -> memref<8x128xf32, #tpu.memory_space<vmem>>
        %dma_wait3A_2818 = arith.constant 0 : i32
        %dma_wait3A_2819 = arith.constant 0 : i32
        %dma_wait3A_2820 = arith.constant 0 : i32
        %dma_wait3A_2821 = arith.constant 0 : i32
        %dma_wait3A_2822 = tpu.memref_slice %arg4[%dma_wait3A_2808, %dma_wait3A_2818, %dma_wait3A_2819, %dma_wait3A_2820, %dma_wait3A_2821] : memref<50x4x128x8x128xf32, #tpu.memory_space<hbm>> -> memref<1x4x128x8x128xf32, #tpu.memory_space<hbm>>
        %dma_wait3A_2823 = tpu.memref_squeeze %dma_wait3A_2822 : memref<1x4x128x8x128xf32, #tpu.memory_space<hbm>> -> memref<4x128x8x128xf32, #tpu.memory_space<hbm>>
        %dma_wait3A_2824 = arith.constant 0 : i32
        %dma_wait3A_2825 = arith.constant 0 : i32
        %dma_wait3A_2826 = arith.constant 0 : i32
        %dma_wait3A_2827 = tpu.memref_slice %dma_wait3A_2823[%dma_wait3A_2809, %dma_wait3A_2824, %dma_wait3A_2825, %dma_wait3A_2826] : memref<4x128x8x128xf32, #tpu.memory_space<hbm>> -> memref<1x128x8x128xf32, #tpu.memory_space<hbm>>
        %dma_wait3A_2828 = tpu.memref_squeeze %dma_wait3A_2827 : memref<1x128x8x128xf32, #tpu.memory_space<hbm>> -> memref<128x8x128xf32, #tpu.memory_space<hbm>>
        %dma_wait3A_2829 = arith.constant 0 : i32
        %dma_wait3A_2830 = arith.constant 0 : i32
        %dma_wait3A_2831 = tpu.memref_slice %dma_wait3A_2828[%dma_wait3A_2810, %dma_wait3A_2829, %dma_wait3A_2830] : memref<128x8x128xf32, #tpu.memory_space<hbm>> -> memref<1x8x128xf32, #tpu.memory_space<hbm>>
        %dma_wait3A_2832 = tpu.memref_squeeze %dma_wait3A_2831 : memref<1x8x128xf32, #tpu.memory_space<hbm>> -> memref<8x128xf32, #tpu.memory_space<hbm>>
        %dma_wait3A_2833 = tpu.memref_slice %arg10[%rem3A_1669] : memref<2x!tpu.dma_semaphore, #tpu.memory_space<semaphore_mem>> -> memref<1x!tpu.dma_semaphore, #tpu.memory_space<semaphore_mem>>
        %dma_wait3A_2834 = tpu.memref_squeeze %dma_wait3A_2833 : memref<1x!tpu.dma_semaphore, #tpu.memory_space<semaphore_mem>> -> memref<!tpu.dma_semaphore, #tpu.memory_space<semaphore_mem>>
        %dma_wait3A_2835 = arith.constant 0 : i32
        %dma_wait3A_2836 = arith.constant 0 : i32
        %dma_wait3A_2837 = arith.constant 0 : i32
        %dma_wait3A_2838 = arith.constant 0 : i32
        %dma_wait3A_2839 = tpu.memref_slice %arg4[%dma_wait3A_2808, %dma_wait3A_2835, %dma_wait3A_2836, %dma_wait3A_2837, %dma_wait3A_2838] : memref<50x4x128x8x128xf32, #tpu.memory_space<hbm>> -> memref<1x4x128x8x128xf32, #tpu.memory_space<hbm>>
        %dma_wait3A_2840 = tpu.memref_squeeze %dma_wait3A_2839 : memref<1x4x128x8x128xf32, #tpu.memory_space<hbm>> -> memref<4x128x8x128xf32, #tpu.memory_space<hbm>>
        %dma_wait3A_2841 = arith.constant 0 : i32
        %dma_wait3A_2842 = arith.constant 0 : i32
        %dma_wait3A_2843 = arith.constant 0 : i32
        %dma_wait3A_2844 = tpu.memref_slice %dma_wait3A_2840[%dma_wait3A_2809, %dma_wait3A_2841, %dma_wait3A_2842, %dma_wait3A_2843] : memref<4x128x8x128xf32, #tpu.memory_space<hbm>> -> memref<1x128x8x128xf32, #tpu.memory_space<hbm>>
        %dma_wait3A_2845 = tpu.memref_squeeze %dma_wait3A_2844 : memref<1x128x8x128xf32, #tpu.memory_space<hbm>> -> memref<128x8x128xf32, #tpu.memory_space<hbm>>
        %dma_wait3A_2846 = arith.constant 0 : i32
        %dma_wait3A_2847 = arith.constant 0 : i32
        %dma_wait3A_2848 = tpu.memref_slice %dma_wait3A_2845[%dma_wait3A_2810, %dma_wait3A_2846, %dma_wait3A_2847] : memref<128x8x128xf32, #tpu.memory_space<hbm>> -> memref<1x8x128xf32, #tpu.memory_space<hbm>>
        %dma_wait3A_2849 = tpu.memref_squeeze %dma_wait3A_2848 : memref<1x8x128xf32, #tpu.memory_space<hbm>> -> memref<8x128xf32, #tpu.memory_space<hbm>>
        %dma_wait3A_2850 = arith.constant 0 : i32
        %dma_wait3A_2851 = arith.constant 0 : i32
        %dma_wait3A_2852 = tpu.memref_slice %arg8[%rem3A_1669, %dma_wait3A_2850, %dma_wait3A_2851] : memref<2x32x513xf32, #tpu.memory_space<vmem>> -> memref<1x32x513xf32, #tpu.memory_space<vmem>>
        %dma_wait3A_2853 = tpu.memref_squeeze %dma_wait3A_2852 : memref<1x32x513xf32, #tpu.memory_space<vmem>> -> memref<32x513xf32, #tpu.memory_space<vmem>>
        %dma_wait3A_2854 = arith.constant 0 : i32
        %dma_wait3A_2855 = arith.constant 0 : i32
        %dma_wait3A_2856 = tpu.memref_slice %dma_wait3A_2853[%dma_wait3A_2854, %dma_wait3A_2855] : memref<32x513xf32, #tpu.memory_space<vmem>> -> memref<8x128xf32, #tpu.memory_space<vmem>>
        tpu.wait_dma2 semaphore(%dma_wait3A_2834 : memref<!tpu.dma_semaphore, #tpu.memory_space<semaphore_mem>>) src(%dma_wait3A_2856 : memref<8x128xf32, #tpu.memory_space<vmem>>) dst(%dma_wait3A_2849 : memref<8x128xf32, #tpu.memory_space<hbm>>)
        %dma_wait3A_2857 = arith.constant 0 : i32
        %dma_wait3A_2858 = arith.constant 0 : i32
        %dma_wait3A_2859 = arith.constant 0 : i32
        %dma_wait3A_2860 = arith.constant 0 : i32
        %dma_wait3A_2861 = arith.constant 0 : i32
        %dma_wait3A_2862 = tpu.memref_slice %arg8[%rem3A_1669, %dma_wait3A_2860, %dma_wait3A_2861] : memref<2x32x513xf32, #tpu.memory_space<vmem>> -> memref<1x32x513xf32, #tpu.memory_space<vmem>>
        %dma_wait3A_2863 = tpu.memref_squeeze %dma_wait3A_2862 : memref<1x32x513xf32, #tpu.memory_space<vmem>> -> memref<32x513xf32, #tpu.memory_space<vmem>>
        %dma_wait3A_2864 = arith.constant 0 : i32
        %dma_wait3A_2865 = arith.constant 0 : i32
        %dma_wait3A_2866 = tpu.memref_slice %dma_wait3A_2863[%dma_wait3A_2864, %dma_wait3A_2865] : memref<32x513xf32, #tpu.memory_space<vmem>> -> memref<8x128xf32, #tpu.memory_space<vmem>>
        %dma_wait3A_2867 = arith.constant 0 : i32
        %dma_wait3A_2868 = arith.constant 0 : i32
        %dma_wait3A_2869 = arith.constant 0 : i32
        %dma_wait3A_2870 = arith.constant 0 : i32
        %dma_wait3A_2871 = tpu.memref_slice %arg4[%dma_wait3A_2857, %dma_wait3A_2867, %dma_wait3A_2868, %dma_wait3A_2869, %dma_wait3A_2870] : memref<50x4x128x8x128xf32, #tpu.memory_space<hbm>> -> memref<1x4x128x8x128xf32, #tpu.memory_space<hbm>>
        %dma_wait3A_2872 = tpu.memref_squeeze %dma_wait3A_2871 : memref<1x4x128x8x128xf32, #tpu.memory_space<hbm>> -> memref<4x128x8x128xf32, #tpu.memory_space<hbm>>
        %dma_wait3A_2873 = arith.constant 0 : i32
        %dma_wait3A_2874 = arith.constant 0 : i32
        %dma_wait3A_2875 = arith.constant 0 : i32
        %dma_wait3A_2876 = tpu.memref_slice %dma_wait3A_2872[%dma_wait3A_2858, %dma_wait3A_2873, %dma_wait3A_2874, %dma_wait3A_2875] : memref<4x128x8x128xf32, #tpu.memory_space<hbm>> -> memref<1x128x8x128xf32, #tpu.memory_space<hbm>>
        %dma_wait3A_2877 = tpu.memref_squeeze %dma_wait3A_2876 : memref<1x128x8x128xf32, #tpu.memory_space<hbm>> -> memref<128x8x128xf32, #tpu.memory_space<hbm>>
        %dma_wait3A_2878 = arith.constant 0 : i32
        %dma_wait3A_2879 = arith.constant 0 : i32
        %dma_wait3A_2880 = tpu.memref_slice %dma_wait3A_2877[%dma_wait3A_2859, %dma_wait3A_2878, %dma_wait3A_2879] : memref<128x8x128xf32, #tpu.memory_space<hbm>> -> memref<1x8x128xf32, #tpu.memory_space<hbm>>
        %dma_wait3A_2881 = tpu.memref_squeeze %dma_wait3A_2880 : memref<1x8x128xf32, #tpu.memory_space<hbm>> -> memref<8x128xf32, #tpu.memory_space<hbm>>
        %dma_wait3A_2882 = tpu.memref_slice %arg10[%rem3A_1669] : memref<2x!tpu.dma_semaphore, #tpu.memory_space<semaphore_mem>> -> memref<1x!tpu.dma_semaphore, #tpu.memory_space<semaphore_mem>>
        %dma_wait3A_2883 = tpu.memref_squeeze %dma_wait3A_2882 : memref<1x!tpu.dma_semaphore, #tpu.memory_space<semaphore_mem>> -> memref<!tpu.dma_semaphore, #tpu.memory_space<semaphore_mem>>
        %dma_wait3A_2884 = arith.constant 0 : i32
        %dma_wait3A_2885 = arith.constant 0 : i32
        %dma_wait3A_2886 = arith.constant 0 : i32
        %dma_wait3A_2887 = arith.constant 0 : i32
        %dma_wait3A_2888 = tpu.memref_slice %arg4[%dma_wait3A_2857, %dma_wait3A_2884, %dma_wait3A_2885, %dma_wait3A_2886, %dma_wait3A_2887] : memref<50x4x128x8x128xf32, #tpu.memory_space<hbm>> -> memref<1x4x128x8x128xf32, #tpu.memory_space<hbm>>
        %dma_wait3A_2889 = tpu.memref_squeeze %dma_wait3A_2888 : memref<1x4x128x8x128xf32, #tpu.memory_space<hbm>> -> memref<4x128x8x128xf32, #tpu.memory_space<hbm>>
        %dma_wait3A_2890 = arith.constant 0 : i32
        %dma_wait3A_2891 = arith.constant 0 : i32
        %dma_wait3A_2892 = arith.constant 0 : i32
        %dma_wait3A_2893 = tpu.memref_slice %dma_wait3A_2889[%dma_wait3A_2858, %dma_wait3A_2890, %dma_wait3A_2891, %dma_wait3A_2892] : memref<4x128x8x128xf32, #tpu.memory_space<hbm>> -> memref<1x128x8x128xf32, #tpu.memory_space<hbm>>
        %dma_wait3A_2894 = tpu.memref_squeeze %dma_wait3A_2893 : memref<1x128x8x128xf32, #tpu.memory_space<hbm>> -> memref<128x8x128xf32, #tpu.memory_space<hbm>>
        %dma_wait3A_2895 = arith.constant 0 : i32
        %dma_wait3A_2896 = arith.constant 0 : i32
        %dma_wait3A_2897 = tpu.memref_slice %dma_wait3A_2894[%dma_wait3A_2859, %dma_wait3A_2895, %dma_wait3A_2896] : memref<128x8x128xf32, #tpu.memory_space<hbm>> -> memref<1x8x128xf32, #tpu.memory_space<hbm>>
        %dma_wait3A_2898 = tpu.memref_squeeze %dma_wait3A_2897 : memref<1x8x128xf32, #tpu.memory_space<hbm>> -> memref<8x128xf32, #tpu.memory_space<hbm>>
        %dma_wait3A_2899 = arith.constant 0 : i32
        %dma_wait3A_2900 = arith.constant 0 : i32
        %dma_wait3A_2901 = tpu.memref_slice %arg8[%rem3A_1669, %dma_wait3A_2899, %dma_wait3A_2900] : memref<2x32x513xf32, #tpu.memory_space<vmem>> -> memref<1x32x513xf32, #tpu.memory_space<vmem>>
        %dma_wait3A_2902 = tpu.memref_squeeze %dma_wait3A_2901 : memref<1x32x513xf32, #tpu.memory_space<vmem>> -> memref<32x513xf32, #tpu.memory_space<vmem>>
        %dma_wait3A_2903 = arith.constant 0 : i32
        %dma_wait3A_2904 = arith.constant 0 : i32
        %dma_wait3A_2905 = tpu.memref_slice %dma_wait3A_2902[%dma_wait3A_2903, %dma_wait3A_2904] : memref<32x513xf32, #tpu.memory_space<vmem>> -> memref<8x128xf32, #tpu.memory_space<vmem>>
        tpu.wait_dma2 semaphore(%dma_wait3A_2883 : memref<!tpu.dma_semaphore, #tpu.memory_space<semaphore_mem>>) src(%dma_wait3A_2905 : memref<8x128xf32, #tpu.memory_space<vmem>>) dst(%dma_wait3A_2898 : memref<8x128xf32, #tpu.memory_space<hbm>>)
        %dma_wait3A_2906 = arith.constant 0 : i32
        %dma_wait3A_2907 = arith.constant 0 : i32
        %dma_wait3A_2908 = arith.constant 0 : i32
        %dma_wait3A_2909 = arith.constant 0 : i32
        %dma_wait3A_2910 = arith.constant 0 : i32
        %dma_wait3A_2911 = tpu.memref_slice %arg8[%rem3A_1669, %dma_wait3A_2909, %dma_wait3A_2910] : memref<2x32x513xf32, #tpu.memory_space<vmem>> -> memref<1x32x513xf32, #tpu.memory_space<vmem>>
        %dma_wait3A_2912 = tpu.memref_squeeze %dma_wait3A_2911 : memref<1x32x513xf32, #tpu.memory_space<vmem>> -> memref<32x513xf32, #tpu.memory_space<vmem>>
        %dma_wait3A_2913 = arith.constant 0 : i32
        %dma_wait3A_2914 = arith.constant 0 : i32
        %dma_wait3A_2915 = tpu.memref_slice %dma_wait3A_2912[%dma_wait3A_2913, %dma_wait3A_2914] : memref<32x513xf32, #tpu.memory_space<vmem>> -> memref<8x128xf32, #tpu.memory_space<vmem>>
        %dma_wait3A_2916 = arith.constant 0 : i32
        %dma_wait3A_2917 = arith.constant 0 : i32
        %dma_wait3A_2918 = arith.constant 0 : i32
        %dma_wait3A_2919 = arith.constant 0 : i32
        %dma_wait3A_2920 = tpu.memref_slice %arg4[%dma_wait3A_2906, %dma_wait3A_2916, %dma_wait3A_2917, %dma_wait3A_2918, %dma_wait3A_2919] : memref<50x4x128x8x128xf32, #tpu.memory_space<hbm>> -> memref<1x4x128x8x128xf32, #tpu.memory_space<hbm>>
        %dma_wait3A_2921 = tpu.memref_squeeze %dma_wait3A_2920 : memref<1x4x128x8x128xf32, #tpu.memory_space<hbm>> -> memref<4x128x8x128xf32, #tpu.memory_space<hbm>>
        %dma_wait3A_2922 = arith.constant 0 : i32
        %dma_wait3A_2923 = arith.constant 0 : i32
        %dma_wait3A_2924 = arith.constant 0 : i32
        %dma_wait3A_2925 = tpu.memref_slice %dma_wait3A_2921[%dma_wait3A_2907, %dma_wait3A_2922, %dma_wait3A_2923, %dma_wait3A_2924] : memref<4x128x8x128xf32, #tpu.memory_space<hbm>> -> memref<1x128x8x128xf32, #tpu.memory_space<hbm>>
        %dma_wait3A_2926 = tpu.memref_squeeze %dma_wait3A_2925 : memref<1x128x8x128xf32, #tpu.memory_space<hbm>> -> memref<128x8x128xf32, #tpu.memory_space<hbm>>
        %dma_wait3A_2927 = arith.constant 0 : i32
        %dma_wait3A_2928 = arith.constant 0 : i32
        %dma_wait3A_2929 = tpu.memref_slice %dma_wait3A_2926[%dma_wait3A_2908, %dma_wait3A_2927, %dma_wait3A_2928] : memref<128x8x128xf32, #tpu.memory_space<hbm>> -> memref<1x8x128xf32, #tpu.memory_space<hbm>>
        %dma_wait3A_2930 = tpu.memref_squeeze %dma_wait3A_2929 : memref<1x8x128xf32, #tpu.memory_space<hbm>> -> memref<8x128xf32, #tpu.memory_space<hbm>>
        %dma_wait3A_2931 = tpu.memref_slice %arg10[%rem3A_1669] : memref<2x!tpu.dma_semaphore, #tpu.memory_space<semaphore_mem>> -> memref<1x!tpu.dma_semaphore, #tpu.memory_space<semaphore_mem>>
        %dma_wait3A_2932 = tpu.memref_squeeze %dma_wait3A_2931 : memref<1x!tpu.dma_semaphore, #tpu.memory_space<semaphore_mem>> -> memref<!tpu.dma_semaphore, #tpu.memory_space<semaphore_mem>>
        %dma_wait3A_2933 = arith.constant 0 : i32
        %dma_wait3A_2934 = arith.constant 0 : i32
        %dma_wait3A_2935 = arith.constant 0 : i32
        %dma_wait3A_2936 = arith.constant 0 : i32
        %dma_wait3A_2937 = tpu.memref_slice %arg4[%dma_wait3A_2906, %dma_wait3A_2933, %dma_wait3A_2934, %dma_wait3A_2935, %dma_wait3A_2936] : memref<50x4x128x8x128xf32, #tpu.memory_space<hbm>> -> memref<1x4x128x8x128xf32, #tpu.memory_space<hbm>>
        %dma_wait3A_2938 = tpu.memref_squeeze %dma_wait3A_2937 : memref<1x4x128x8x128xf32, #tpu.memory_space<hbm>> -> memref<4x128x8x128xf32, #tpu.memory_space<hbm>>
        %dma_wait3A_2939 = arith.constant 0 : i32
        %dma_wait3A_2940 = arith.constant 0 : i32
        %dma_wait3A_2941 = arith.constant 0 : i32
        %dma_wait3A_2942 = tpu.memref_slice %dma_wait3A_2938[%dma_wait3A_2907, %dma_wait3A_2939, %dma_wait3A_2940, %dma_wait3A_2941] : memref<4x128x8x128xf32, #tpu.memory_space<hbm>> -> memref<1x128x8x128xf32, #tpu.memory_space<hbm>>
        %dma_wait3A_2943 = tpu.memref_squeeze %dma_wait3A_2942 : memref<1x128x8x128xf32, #tpu.memory_space<hbm>> -> memref<128x8x128xf32, #tpu.memory_space<hbm>>
        %dma_wait3A_2944 = arith.constant 0 : i32
        %dma_wait3A_2945 = arith.constant 0 : i32
        %dma_wait3A_2946 = tpu.memref_slice %dma_wait3A_2943[%dma_wait3A_2908, %dma_wait3A_2944, %dma_wait3A_2945] : memref<128x8x128xf32, #tpu.memory_space<hbm>> -> memref<1x8x128xf32, #tpu.memory_space<hbm>>
        %dma_wait3A_2947 = tpu.memref_squeeze %dma_wait3A_2946 : memref<1x8x128xf32, #tpu.memory_space<hbm>> -> memref<8x128xf32, #tpu.memory_space<hbm>>
        %dma_wait3A_2948 = arith.constant 0 : i32
        %dma_wait3A_2949 = arith.constant 0 : i32
        %dma_wait3A_2950 = tpu.memref_slice %arg8[%rem3A_1669, %dma_wait3A_2948, %dma_wait3A_2949] : memref<2x32x513xf32, #tpu.memory_space<vmem>> -> memref<1x32x513xf32, #tpu.memory_space<vmem>>
        %dma_wait3A_2951 = tpu.memref_squeeze %dma_wait3A_2950 : memref<1x32x513xf32, #tpu.memory_space<vmem>> -> memref<32x513xf32, #tpu.memory_space<vmem>>
        %dma_wait3A_2952 = arith.constant 0 : i32
        %dma_wait3A_2953 = arith.constant 0 : i32
        %dma_wait3A_2954 = tpu.memref_slice %dma_wait3A_2951[%dma_wait3A_2952, %dma_wait3A_2953] : memref<32x513xf32, #tpu.memory_space<vmem>> -> memref<8x128xf32, #tpu.memory_space<vmem>>
        tpu.wait_dma2 semaphore(%dma_wait3A_2932 : memref<!tpu.dma_semaphore, #tpu.memory_space<semaphore_mem>>) src(%dma_wait3A_2954 : memref<8x128xf32, #tpu.memory_space<vmem>>) dst(%dma_wait3A_2947 : memref<8x128xf32, #tpu.memory_space<hbm>>)
        %dma_wait3A_2955 = arith.constant 0 : i32
        %dma_wait3A_2956 = arith.constant 0 : i32
        %dma_wait3A_2957 = arith.constant 0 : i32
        %dma_wait3A_2958 = arith.constant 0 : i32
        %dma_wait3A_2959 = arith.constant 0 : i32
        %dma_wait3A_2960 = tpu.memref_slice %arg8[%rem3A_1669, %dma_wait3A_2958, %dma_wait3A_2959] : memref<2x32x513xf32, #tpu.memory_space<vmem>> -> memref<1x32x513xf32, #tpu.memory_space<vmem>>
        %dma_wait3A_2961 = tpu.memref_squeeze %dma_wait3A_2960 : memref<1x32x513xf32, #tpu.memory_space<vmem>> -> memref<32x513xf32, #tpu.memory_space<vmem>>
        %dma_wait3A_2962 = arith.constant 0 : i32
        %dma_wait3A_2963 = arith.constant 0 : i32
        %dma_wait3A_2964 = tpu.memref_slice %dma_wait3A_2961[%dma_wait3A_2962, %dma_wait3A_2963] : memref<32x513xf32, #tpu.memory_space<vmem>> -> memref<8x128xf32, #tpu.memory_space<vmem>>
        %dma_wait3A_2965 = arith.constant 0 : i32
        %dma_wait3A_2966 = arith.constant 0 : i32
        %dma_wait3A_2967 = arith.constant 0 : i32
        %dma_wait3A_2968 = arith.constant 0 : i32
        %dma_wait3A_2969 = tpu.memref_slice %arg4[%dma_wait3A_2955, %dma_wait3A_2965, %dma_wait3A_2966, %dma_wait3A_2967, %dma_wait3A_2968] : memref<50x4x128x8x128xf32, #tpu.memory_space<hbm>> -> memref<1x4x128x8x128xf32, #tpu.memory_space<hbm>>
        %dma_wait3A_2970 = tpu.memref_squeeze %dma_wait3A_2969 : memref<1x4x128x8x128xf32, #tpu.memory_space<hbm>> -> memref<4x128x8x128xf32, #tpu.memory_space<hbm>>
        %dma_wait3A_2971 = arith.constant 0 : i32
        %dma_wait3A_2972 = arith.constant 0 : i32
        %dma_wait3A_2973 = arith.constant 0 : i32
        %dma_wait3A_2974 = tpu.memref_slice %dma_wait3A_2970[%dma_wait3A_2956, %dma_wait3A_2971, %dma_wait3A_2972, %dma_wait3A_2973] : memref<4x128x8x128xf32, #tpu.memory_space<hbm>> -> memref<1x128x8x128xf32, #tpu.memory_space<hbm>>
        %dma_wait3A_2975 = tpu.memref_squeeze %dma_wait3A_2974 : memref<1x128x8x128xf32, #tpu.memory_space<hbm>> -> memref<128x8x128xf32, #tpu.memory_space<hbm>>
        %dma_wait3A_2976 = arith.constant 0 : i32
        %dma_wait3A_2977 = arith.constant 0 : i32
        %dma_wait3A_2978 = tpu.memref_slice %dma_wait3A_2975[%dma_wait3A_2957, %dma_wait3A_2976, %dma_wait3A_2977] : memref<128x8x128xf32, #tpu.memory_space<hbm>> -> memref<1x8x128xf32, #tpu.memory_space<hbm>>
        %dma_wait3A_2979 = tpu.memref_squeeze %dma_wait3A_2978 : memref<1x8x128xf32, #tpu.memory_space<hbm>> -> memref<8x128xf32, #tpu.memory_space<hbm>>
        %dma_wait3A_2980 = tpu.memref_slice %arg10[%rem3A_1669] : memref<2x!tpu.dma_semaphore, #tpu.memory_space<semaphore_mem>> -> memref<1x!tpu.dma_semaphore, #tpu.memory_space<semaphore_mem>>
        %dma_wait3A_2981 = tpu.memref_squeeze %dma_wait3A_2980 : memref<1x!tpu.dma_semaphore, #tpu.memory_space<semaphore_mem>> -> memref<!tpu.dma_semaphore, #tpu.memory_space<semaphore_mem>>
        %dma_wait3A_2982 = arith.constant 0 : i32
        %dma_wait3A_2983 = arith.constant 0 : i32
        %dma_wait3A_2984 = arith.constant 0 : i32
        %dma_wait3A_2985 = arith.constant 0 : i32
        %dma_wait3A_2986 = tpu.memref_slice %arg4[%dma_wait3A_2955, %dma_wait3A_2982, %dma_wait3A_2983, %dma_wait3A_2984, %dma_wait3A_2985] : memref<50x4x128x8x128xf32, #tpu.memory_space<hbm>> -> memref<1x4x128x8x128xf32, #tpu.memory_space<hbm>>
        %dma_wait3A_2987 = tpu.memref_squeeze %dma_wait3A_2986 : memref<1x4x128x8x128xf32, #tpu.memory_space<hbm>> -> memref<4x128x8x128xf32, #tpu.memory_space<hbm>>
        %dma_wait3A_2988 = arith.constant 0 : i32
        %dma_wait3A_2989 = arith.constant 0 : i32
        %dma_wait3A_2990 = arith.constant 0 : i32
        %dma_wait3A_2991 = tpu.memref_slice %dma_wait3A_2987[%dma_wait3A_2956, %dma_wait3A_2988, %dma_wait3A_2989, %dma_wait3A_2990] : memref<4x128x8x128xf32, #tpu.memory_space<hbm>> -> memref<1x128x8x128xf32, #tpu.memory_space<hbm>>
        %dma_wait3A_2992 = tpu.memref_squeeze %dma_wait3A_2991 : memref<1x128x8x128xf32, #tpu.memory_space<hbm>> -> memref<128x8x128xf32, #tpu.memory_space<hbm>>
        %dma_wait3A_2993 = arith.constant 0 : i32
        %dma_wait3A_2994 = arith.constant 0 : i32
        %dma_wait3A_2995 = tpu.memref_slice %dma_wait3A_2992[%dma_wait3A_2957, %dma_wait3A_2993, %dma_wait3A_2994] : memref<128x8x128xf32, #tpu.memory_space<hbm>> -> memref<1x8x128xf32, #tpu.memory_space<hbm>>
        %dma_wait3A_2996 = tpu.memref_squeeze %dma_wait3A_2995 : memref<1x8x128xf32, #tpu.memory_space<hbm>> -> memref<8x128xf32, #tpu.memory_space<hbm>>
        %dma_wait3A_2997 = arith.constant 0 : i32
        %dma_wait3A_2998 = arith.constant 0 : i32
        %dma_wait3A_2999 = tpu.memref_slice %arg8[%rem3A_1669, %dma_wait3A_2997, %dma_wait3A_2998] : memref<2x32x513xf32, #tpu.memory_space<vmem>> -> memref<1x32x513xf32, #tpu.memory_space<vmem>>
        %dma_wait3A_3000 = tpu.memref_squeeze %dma_wait3A_2999 : memref<1x32x513xf32, #tpu.memory_space<vmem>> -> memref<32x513xf32, #tpu.memory_space<vmem>>
        %dma_wait3A_3001 = arith.constant 0 : i32
        %dma_wait3A_3002 = arith.constant 0 : i32
        %dma_wait3A_3003 = tpu.memref_slice %dma_wait3A_3000[%dma_wait3A_3001, %dma_wait3A_3002] : memref<32x513xf32, #tpu.memory_space<vmem>> -> memref<8x128xf32, #tpu.memory_space<vmem>>
        tpu.wait_dma2 semaphore(%dma_wait3A_2981 : memref<!tpu.dma_semaphore, #tpu.memory_space<semaphore_mem>>) src(%dma_wait3A_3003 : memref<8x128xf32, #tpu.memory_space<vmem>>) dst(%dma_wait3A_2996 : memref<8x128xf32, #tpu.memory_space<hbm>>)
        %dma_wait3A_3004 = arith.constant 0 : i32
        %dma_wait3A_3005 = arith.constant 0 : i32
        %dma_wait3A_3006 = arith.constant 0 : i32
        %dma_wait3A_3007 = arith.constant 0 : i32
        %dma_wait3A_3008 = arith.constant 0 : i32
        %dma_wait3A_3009 = tpu.memref_slice %arg8[%rem3A_1669, %dma_wait3A_3007, %dma_wait3A_3008] : memref<2x32x513xf32, #tpu.memory_space<vmem>> -> memref<1x32x513xf32, #tpu.memory_space<vmem>>
        %dma_wait3A_3010 = tpu.memref_squeeze %dma_wait3A_3009 : memref<1x32x513xf32, #tpu.memory_space<vmem>> -> memref<32x513xf32, #tpu.memory_space<vmem>>
        %dma_wait3A_3011 = arith.constant 0 : i32
        %dma_wait3A_3012 = arith.constant 0 : i32
        %dma_wait3A_3013 = tpu.memref_slice %dma_wait3A_3010[%dma_wait3A_3011, %dma_wait3A_3012] : memref<32x513xf32, #tpu.memory_space<vmem>> -> memref<8x128xf32, #tpu.memory_space<vmem>>
        %dma_wait3A_3014 = arith.constant 0 : i32
        %dma_wait3A_3015 = arith.constant 0 : i32
        %dma_wait3A_3016 = arith.constant 0 : i32
        %dma_wait3A_3017 = arith.constant 0 : i32
        %dma_wait3A_3018 = tpu.memref_slice %arg4[%dma_wait3A_3004, %dma_wait3A_3014, %dma_wait3A_3015, %dma_wait3A_3016, %dma_wait3A_3017] : memref<50x4x128x8x128xf32, #tpu.memory_space<hbm>> -> memref<1x4x128x8x128xf32, #tpu.memory_space<hbm>>
        %dma_wait3A_3019 = tpu.memref_squeeze %dma_wait3A_3018 : memref<1x4x128x8x128xf32, #tpu.memory_space<hbm>> -> memref<4x128x8x128xf32, #tpu.memory_space<hbm>>
        %dma_wait3A_3020 = arith.constant 0 : i32
        %dma_wait3A_3021 = arith.constant 0 : i32
        %dma_wait3A_3022 = arith.constant 0 : i32
        %dma_wait3A_3023 = tpu.memref_slice %dma_wait3A_3019[%dma_wait3A_3005, %dma_wait3A_3020, %dma_wait3A_3021, %dma_wait3A_3022] : memref<4x128x8x128xf32, #tpu.memory_space<hbm>> -> memref<1x128x8x128xf32, #tpu.memory_space<hbm>>
        %dma_wait3A_3024 = tpu.memref_squeeze %dma_wait3A_3023 : memref<1x128x8x128xf32, #tpu.memory_space<hbm>> -> memref<128x8x128xf32, #tpu.memory_space<hbm>>
        %dma_wait3A_3025 = arith.constant 0 : i32
        %dma_wait3A_3026 = arith.constant 0 : i32
        %dma_wait3A_3027 = tpu.memref_slice %dma_wait3A_3024[%dma_wait3A_3006, %dma_wait3A_3025, %dma_wait3A_3026] : memref<128x8x128xf32, #tpu.memory_space<hbm>> -> memref<1x8x128xf32, #tpu.memory_space<hbm>>
        %dma_wait3A_3028 = tpu.memref_squeeze %dma_wait3A_3027 : memref<1x8x128xf32, #tpu.memory_space<hbm>> -> memref<8x128xf32, #tpu.memory_space<hbm>>
        %dma_wait3A_3029 = tpu.memref_slice %arg10[%rem3A_1669] : memref<2x!tpu.dma_semaphore, #tpu.memory_space<semaphore_mem>> -> memref<1x!tpu.dma_semaphore, #tpu.memory_space<semaphore_mem>>
        %dma_wait3A_3030 = tpu.memref_squeeze %dma_wait3A_3029 : memref<1x!tpu.dma_semaphore, #tpu.memory_space<semaphore_mem>> -> memref<!tpu.dma_semaphore, #tpu.memory_space<semaphore_mem>>
        %dma_wait3A_3031 = arith.constant 0 : i32
        %dma_wait3A_3032 = arith.constant 0 : i32
        %dma_wait3A_3033 = arith.constant 0 : i32
        %dma_wait3A_3034 = arith.constant 0 : i32
        %dma_wait3A_3035 = tpu.memref_slice %arg4[%dma_wait3A_3004, %dma_wait3A_3031, %dma_wait3A_3032, %dma_wait3A_3033, %dma_wait3A_3034] : memref<50x4x128x8x128xf32, #tpu.memory_space<hbm>> -> memref<1x4x128x8x128xf32, #tpu.memory_space<hbm>>
        %dma_wait3A_3036 = tpu.memref_squeeze %dma_wait3A_3035 : memref<1x4x128x8x128xf32, #tpu.memory_space<hbm>> -> memref<4x128x8x128xf32, #tpu.memory_space<hbm>>
        %dma_wait3A_3037 = arith.constant 0 : i32
        %dma_wait3A_3038 = arith.constant 0 : i32
        %dma_wait3A_3039 = arith.constant 0 : i32
        %dma_wait3A_3040 = tpu.memref_slice %dma_wait3A_3036[%dma_wait3A_3005, %dma_wait3A_3037, %dma_wait3A_3038, %dma_wait3A_3039] : memref<4x128x8x128xf32, #tpu.memory_space<hbm>> -> memref<1x128x8x128xf32, #tpu.memory_space<hbm>>
        %dma_wait3A_3041 = tpu.memref_squeeze %dma_wait3A_3040 : memref<1x128x8x128xf32, #tpu.memory_space<hbm>> -> memref<128x8x128xf32, #tpu.memory_space<hbm>>
        %dma_wait3A_3042 = arith.constant 0 : i32
        %dma_wait3A_3043 = arith.constant 0 : i32
        %dma_wait3A_3044 = tpu.memref_slice %dma_wait3A_3041[%dma_wait3A_3006, %dma_wait3A_3042, %dma_wait3A_3043] : memref<128x8x128xf32, #tpu.memory_space<hbm>> -> memref<1x8x128xf32, #tpu.memory_space<hbm>>
        %dma_wait3A_3045 = tpu.memref_squeeze %dma_wait3A_3044 : memref<1x8x128xf32, #tpu.memory_space<hbm>> -> memref<8x128xf32, #tpu.memory_space<hbm>>
        %dma_wait3A_3046 = arith.constant 0 : i32
        %dma_wait3A_3047 = arith.constant 0 : i32
        %dma_wait3A_3048 = tpu.memref_slice %arg8[%rem3A_1669, %dma_wait3A_3046, %dma_wait3A_3047] : memref<2x32x513xf32, #tpu.memory_space<vmem>> -> memref<1x32x513xf32, #tpu.memory_space<vmem>>
        %dma_wait3A_3049 = tpu.memref_squeeze %dma_wait3A_3048 : memref<1x32x513xf32, #tpu.memory_space<vmem>> -> memref<32x513xf32, #tpu.memory_space<vmem>>
        %dma_wait3A_3050 = arith.constant 0 : i32
        %dma_wait3A_3051 = arith.constant 0 : i32
        %dma_wait3A_3052 = tpu.memref_slice %dma_wait3A_3049[%dma_wait3A_3050, %dma_wait3A_3051] : memref<32x513xf32, #tpu.memory_space<vmem>> -> memref<8x128xf32, #tpu.memory_space<vmem>>
        tpu.wait_dma2 semaphore(%dma_wait3A_3030 : memref<!tpu.dma_semaphore, #tpu.memory_space<semaphore_mem>>) src(%dma_wait3A_3052 : memref<8x128xf32, #tpu.memory_space<vmem>>) dst(%dma_wait3A_3045 : memref<8x128xf32, #tpu.memory_space<hbm>>)
        %dma_wait3A_3053 = arith.constant 0 : i32
        %dma_wait3A_3054 = arith.constant 0 : i32
        %dma_wait3A_3055 = arith.constant 0 : i32
        %dma_wait3A_3056 = arith.constant 0 : i32
        %dma_wait3A_3057 = arith.constant 0 : i32
        %dma_wait3A_3058 = tpu.memref_slice %arg8[%rem3A_1669, %dma_wait3A_3056, %dma_wait3A_3057] : memref<2x32x513xf32, #tpu.memory_space<vmem>> -> memref<1x32x513xf32, #tpu.memory_space<vmem>>
        %dma_wait3A_3059 = tpu.memref_squeeze %dma_wait3A_3058 : memref<1x32x513xf32, #tpu.memory_space<vmem>> -> memref<32x513xf32, #tpu.memory_space<vmem>>
        %dma_wait3A_3060 = arith.constant 0 : i32
        %dma_wait3A_3061 = arith.constant 0 : i32
        %dma_wait3A_3062 = tpu.memref_slice %dma_wait3A_3059[%dma_wait3A_3060, %dma_wait3A_3061] : memref<32x513xf32, #tpu.memory_space<vmem>> -> memref<8x128xf32, #tpu.memory_space<vmem>>
        %dma_wait3A_3063 = arith.constant 0 : i32
        %dma_wait3A_3064 = arith.constant 0 : i32
        %dma_wait3A_3065 = arith.constant 0 : i32
        %dma_wait3A_3066 = arith.constant 0 : i32
        %dma_wait3A_3067 = tpu.memref_slice %arg4[%dma_wait3A_3053, %dma_wait3A_3063, %dma_wait3A_3064, %dma_wait3A_3065, %dma_wait3A_3066] : memref<50x4x128x8x128xf32, #tpu.memory_space<hbm>> -> memref<1x4x128x8x128xf32, #tpu.memory_space<hbm>>
        %dma_wait3A_3068 = tpu.memref_squeeze %dma_wait3A_3067 : memref<1x4x128x8x128xf32, #tpu.memory_space<hbm>> -> memref<4x128x8x128xf32, #tpu.memory_space<hbm>>
        %dma_wait3A_3069 = arith.constant 0 : i32
        %dma_wait3A_3070 = arith.constant 0 : i32
        %dma_wait3A_3071 = arith.constant 0 : i32
        %dma_wait3A_3072 = tpu.memref_slice %dma_wait3A_3068[%dma_wait3A_3054, %dma_wait3A_3069, %dma_wait3A_3070, %dma_wait3A_3071] : memref<4x128x8x128xf32, #tpu.memory_space<hbm>> -> memref<1x128x8x128xf32, #tpu.memory_space<hbm>>
        %dma_wait3A_3073 = tpu.memref_squeeze %dma_wait3A_3072 : memref<1x128x8x128xf32, #tpu.memory_space<hbm>> -> memref<128x8x128xf32, #tpu.memory_space<hbm>>
        %dma_wait3A_3074 = arith.constant 0 : i32
        %dma_wait3A_3075 = arith.constant 0 : i32
        %dma_wait3A_3076 = tpu.memref_slice %dma_wait3A_3073[%dma_wait3A_3055, %dma_wait3A_3074, %dma_wait3A_3075] : memref<128x8x128xf32, #tpu.memory_space<hbm>> -> memref<1x8x128xf32, #tpu.memory_space<hbm>>
        %dma_wait3A_3077 = tpu.memref_squeeze %dma_wait3A_3076 : memref<1x8x128xf32, #tpu.memory_space<hbm>> -> memref<8x128xf32, #tpu.memory_space<hbm>>
        %dma_wait3A_3078 = tpu.memref_slice %arg10[%rem3A_1669] : memref<2x!tpu.dma_semaphore, #tpu.memory_space<semaphore_mem>> -> memref<1x!tpu.dma_semaphore, #tpu.memory_space<semaphore_mem>>
        %dma_wait3A_3079 = tpu.memref_squeeze %dma_wait3A_3078 : memref<1x!tpu.dma_semaphore, #tpu.memory_space<semaphore_mem>> -> memref<!tpu.dma_semaphore, #tpu.memory_space<semaphore_mem>>
        %dma_wait3A_3080 = arith.constant 0 : i32
        %dma_wait3A_3081 = arith.constant 0 : i32
        %dma_wait3A_3082 = arith.constant 0 : i32
        %dma_wait3A_3083 = arith.constant 0 : i32
        %dma_wait3A_3084 = tpu.memref_slice %arg4[%dma_wait3A_3053, %dma_wait3A_3080, %dma_wait3A_3081, %dma_wait3A_3082, %dma_wait3A_3083] : memref<50x4x128x8x128xf32, #tpu.memory_space<hbm>> -> memref<1x4x128x8x128xf32, #tpu.memory_space<hbm>>
        %dma_wait3A_3085 = tpu.memref_squeeze %dma_wait3A_3084 : memref<1x4x128x8x128xf32, #tpu.memory_space<hbm>> -> memref<4x128x8x128xf32, #tpu.memory_space<hbm>>
        %dma_wait3A_3086 = arith.constant 0 : i32
        %dma_wait3A_3087 = arith.constant 0 : i32
        %dma_wait3A_3088 = arith.constant 0 : i32
        %dma_wait3A_3089 = tpu.memref_slice %dma_wait3A_3085[%dma_wait3A_3054, %dma_wait3A_3086, %dma_wait3A_3087, %dma_wait3A_3088] : memref<4x128x8x128xf32, #tpu.memory_space<hbm>> -> memref<1x128x8x128xf32, #tpu.memory_space<hbm>>
        %dma_wait3A_3090 = tpu.memref_squeeze %dma_wait3A_3089 : memref<1x128x8x128xf32, #tpu.memory_space<hbm>> -> memref<128x8x128xf32, #tpu.memory_space<hbm>>
        %dma_wait3A_3091 = arith.constant 0 : i32
        %dma_wait3A_3092 = arith.constant 0 : i32
        %dma_wait3A_3093 = tpu.memref_slice %dma_wait3A_3090[%dma_wait3A_3055, %dma_wait3A_3091, %dma_wait3A_3092] : memref<128x8x128xf32, #tpu.memory_space<hbm>> -> memref<1x8x128xf32, #tpu.memory_space<hbm>>
        %dma_wait3A_3094 = tpu.memref_squeeze %dma_wait3A_3093 : memref<1x8x128xf32, #tpu.memory_space<hbm>> -> memref<8x128xf32, #tpu.memory_space<hbm>>
        %dma_wait3A_3095 = arith.constant 0 : i32
        %dma_wait3A_3096 = arith.constant 0 : i32
        %dma_wait3A_3097 = tpu.memref_slice %arg8[%rem3A_1669, %dma_wait3A_3095, %dma_wait3A_3096] : memref<2x32x513xf32, #tpu.memory_space<vmem>> -> memref<1x32x513xf32, #tpu.memory_space<vmem>>
        %dma_wait3A_3098 = tpu.memref_squeeze %dma_wait3A_3097 : memref<1x32x513xf32, #tpu.memory_space<vmem>> -> memref<32x513xf32, #tpu.memory_space<vmem>>
        %dma_wait3A_3099 = arith.constant 0 : i32
        %dma_wait3A_3100 = arith.constant 0 : i32
        %dma_wait3A_3101 = tpu.memref_slice %dma_wait3A_3098[%dma_wait3A_3099, %dma_wait3A_3100] : memref<32x513xf32, #tpu.memory_space<vmem>> -> memref<8x128xf32, #tpu.memory_space<vmem>>
        tpu.wait_dma2 semaphore(%dma_wait3A_3079 : memref<!tpu.dma_semaphore, #tpu.memory_space<semaphore_mem>>) src(%dma_wait3A_3101 : memref<8x128xf32, #tpu.memory_space<vmem>>) dst(%dma_wait3A_3094 : memref<8x128xf32, #tpu.memory_space<hbm>>)
        %dma_wait3A_3102 = arith.constant 0 : i32
        %dma_wait3A_3103 = arith.constant 0 : i32
        %dma_wait3A_3104 = arith.constant 0 : i32
        %dma_wait3A_3105 = arith.constant 0 : i32
        %dma_wait3A_3106 = arith.constant 0 : i32
        %dma_wait3A_3107 = tpu.memref_slice %arg8[%rem3A_1669, %dma_wait3A_3105, %dma_wait3A_3106] : memref<2x32x513xf32, #tpu.memory_space<vmem>> -> memref<1x32x513xf32, #tpu.memory_space<vmem>>
        %dma_wait3A_3108 = tpu.memref_squeeze %dma_wait3A_3107 : memref<1x32x513xf32, #tpu.memory_space<vmem>> -> memref<32x513xf32, #tpu.memory_space<vmem>>
        %dma_wait3A_3109 = arith.constant 0 : i32
        %dma_wait3A_3110 = arith.constant 0 : i32
        %dma_wait3A_3111 = tpu.memref_slice %dma_wait3A_3108[%dma_wait3A_3109, %dma_wait3A_3110] : memref<32x513xf32, #tpu.memory_space<vmem>> -> memref<8x128xf32, #tpu.memory_space<vmem>>
        %dma_wait3A_3112 = arith.constant 0 : i32
        %dma_wait3A_3113 = arith.constant 0 : i32
        %dma_wait3A_3114 = arith.constant 0 : i32
        %dma_wait3A_3115 = arith.constant 0 : i32
        %dma_wait3A_3116 = tpu.memref_slice %arg4[%dma_wait3A_3102, %dma_wait3A_3112, %dma_wait3A_3113, %dma_wait3A_3114, %dma_wait3A_3115] : memref<50x4x128x8x128xf32, #tpu.memory_space<hbm>> -> memref<1x4x128x8x128xf32, #tpu.memory_space<hbm>>
        %dma_wait3A_3117 = tpu.memref_squeeze %dma_wait3A_3116 : memref<1x4x128x8x128xf32, #tpu.memory_space<hbm>> -> memref<4x128x8x128xf32, #tpu.memory_space<hbm>>
        %dma_wait3A_3118 = arith.constant 0 : i32
        %dma_wait3A_3119 = arith.constant 0 : i32
        %dma_wait3A_3120 = arith.constant 0 : i32
        %dma_wait3A_3121 = tpu.memref_slice %dma_wait3A_3117[%dma_wait3A_3103, %dma_wait3A_3118, %dma_wait3A_3119, %dma_wait3A_3120] : memref<4x128x8x128xf32, #tpu.memory_space<hbm>> -> memref<1x128x8x128xf32, #tpu.memory_space<hbm>>
        %dma_wait3A_3122 = tpu.memref_squeeze %dma_wait3A_3121 : memref<1x128x8x128xf32, #tpu.memory_space<hbm>> -> memref<128x8x128xf32, #tpu.memory_space<hbm>>
        %dma_wait3A_3123 = arith.constant 0 : i32
        %dma_wait3A_3124 = arith.constant 0 : i32
        %dma_wait3A_3125 = tpu.memref_slice %dma_wait3A_3122[%dma_wait3A_3104, %dma_wait3A_3123, %dma_wait3A_3124] : memref<128x8x128xf32, #tpu.memory_space<hbm>> -> memref<1x8x128xf32, #tpu.memory_space<hbm>>
        %dma_wait3A_3126 = tpu.memref_squeeze %dma_wait3A_3125 : memref<1x8x128xf32, #tpu.memory_space<hbm>> -> memref<8x128xf32, #tpu.memory_space<hbm>>
        %dma_wait3A_3127 = tpu.memref_slice %arg10[%rem3A_1669] : memref<2x!tpu.dma_semaphore, #tpu.memory_space<semaphore_mem>> -> memref<1x!tpu.dma_semaphore, #tpu.memory_space<semaphore_mem>>
        %dma_wait3A_3128 = tpu.memref_squeeze %dma_wait3A_3127 : memref<1x!tpu.dma_semaphore, #tpu.memory_space<semaphore_mem>> -> memref<!tpu.dma_semaphore, #tpu.memory_space<semaphore_mem>>
        %dma_wait3A_3129 = arith.constant 0 : i32
        %dma_wait3A_3130 = arith.constant 0 : i32
        %dma_wait3A_3131 = arith.constant 0 : i32
        %dma_wait3A_3132 = arith.constant 0 : i32
        %dma_wait3A_3133 = tpu.memref_slice %arg4[%dma_wait3A_3102, %dma_wait3A_3129, %dma_wait3A_3130, %dma_wait3A_3131, %dma_wait3A_3132] : memref<50x4x128x8x128xf32, #tpu.memory_space<hbm>> -> memref<1x4x128x8x128xf32, #tpu.memory_space<hbm>>
        %dma_wait3A_3134 = tpu.memref_squeeze %dma_wait3A_3133 : memref<1x4x128x8x128xf32, #tpu.memory_space<hbm>> -> memref<4x128x8x128xf32, #tpu.memory_space<hbm>>
        %dma_wait3A_3135 = arith.constant 0 : i32
        %dma_wait3A_3136 = arith.constant 0 : i32
        %dma_wait3A_3137 = arith.constant 0 : i32
        %dma_wait3A_3138 = tpu.memref_slice %dma_wait3A_3134[%dma_wait3A_3103, %dma_wait3A_3135, %dma_wait3A_3136, %dma_wait3A_3137] : memref<4x128x8x128xf32, #tpu.memory_space<hbm>> -> memref<1x128x8x128xf32, #tpu.memory_space<hbm>>
        %dma_wait3A_3139 = tpu.memref_squeeze %dma_wait3A_3138 : memref<1x128x8x128xf32, #tpu.memory_space<hbm>> -> memref<128x8x128xf32, #tpu.memory_space<hbm>>
        %dma_wait3A_3140 = arith.constant 0 : i32
        %dma_wait3A_3141 = arith.constant 0 : i32
        %dma_wait3A_3142 = tpu.memref_slice %dma_wait3A_3139[%dma_wait3A_3104, %dma_wait3A_3140, %dma_wait3A_3141] : memref<128x8x128xf32, #tpu.memory_space<hbm>> -> memref<1x8x128xf32, #tpu.memory_space<hbm>>
        %dma_wait3A_3143 = tpu.memref_squeeze %dma_wait3A_3142 : memref<1x8x128xf32, #tpu.memory_space<hbm>> -> memref<8x128xf32, #tpu.memory_space<hbm>>
        %dma_wait3A_3144 = arith.constant 0 : i32
        %dma_wait3A_3145 = arith.constant 0 : i32
        %dma_wait3A_3146 = tpu.memref_slice %arg8[%rem3A_1669, %dma_wait3A_3144, %dma_wait3A_3145] : memref<2x32x513xf32, #tpu.memory_space<vmem>> -> memref<1x32x513xf32, #tpu.memory_space<vmem>>
        %dma_wait3A_3147 = tpu.memref_squeeze %dma_wait3A_3146 : memref<1x32x513xf32, #tpu.memory_space<vmem>> -> memref<32x513xf32, #tpu.memory_space<vmem>>
        %dma_wait3A_3148 = arith.constant 0 : i32
        %dma_wait3A_3149 = arith.constant 0 : i32
        %dma_wait3A_3150 = tpu.memref_slice %dma_wait3A_3147[%dma_wait3A_3148, %dma_wait3A_3149] : memref<32x513xf32, #tpu.memory_space<vmem>> -> memref<8x128xf32, #tpu.memory_space<vmem>>
        tpu.wait_dma2 semaphore(%dma_wait3A_3128 : memref<!tpu.dma_semaphore, #tpu.memory_space<semaphore_mem>>) src(%dma_wait3A_3150 : memref<8x128xf32, #tpu.memory_space<vmem>>) dst(%dma_wait3A_3143 : memref<8x128xf32, #tpu.memory_space<hbm>>)
        %dma_wait3A_3151 = arith.constant 0 : i32
        %dma_wait3A_3152 = arith.constant 0 : i32
        %dma_wait3A_3153 = arith.constant 0 : i32
        %dma_wait3A_3154 = arith.constant 0 : i32
        %dma_wait3A_3155 = arith.constant 0 : i32
        %dma_wait3A_3156 = tpu.memref_slice %arg8[%rem3A_1669, %dma_wait3A_3154, %dma_wait3A_3155] : memref<2x32x513xf32, #tpu.memory_space<vmem>> -> memref<1x32x513xf32, #tpu.memory_space<vmem>>
        %dma_wait3A_3157 = tpu.memref_squeeze %dma_wait3A_3156 : memref<1x32x513xf32, #tpu.memory_space<vmem>> -> memref<32x513xf32, #tpu.memory_space<vmem>>
        %dma_wait3A_3158 = arith.constant 0 : i32
        %dma_wait3A_3159 = arith.constant 0 : i32
        %dma_wait3A_3160 = tpu.memref_slice %dma_wait3A_3157[%dma_wait3A_3158, %dma_wait3A_3159] : memref<32x513xf32, #tpu.memory_space<vmem>> -> memref<8x128xf32, #tpu.memory_space<vmem>>
        %dma_wait3A_3161 = arith.constant 0 : i32
        %dma_wait3A_3162 = arith.constant 0 : i32
        %dma_wait3A_3163 = arith.constant 0 : i32
        %dma_wait3A_3164 = arith.constant 0 : i32
        %dma_wait3A_3165 = tpu.memref_slice %arg4[%dma_wait3A_3151, %dma_wait3A_3161, %dma_wait3A_3162, %dma_wait3A_3163, %dma_wait3A_3164] : memref<50x4x128x8x128xf32, #tpu.memory_space<hbm>> -> memref<1x4x128x8x128xf32, #tpu.memory_space<hbm>>
        %dma_wait3A_3166 = tpu.memref_squeeze %dma_wait3A_3165 : memref<1x4x128x8x128xf32, #tpu.memory_space<hbm>> -> memref<4x128x8x128xf32, #tpu.memory_space<hbm>>
        %dma_wait3A_3167 = arith.constant 0 : i32
        %dma_wait3A_3168 = arith.constant 0 : i32
        %dma_wait3A_3169 = arith.constant 0 : i32
        %dma_wait3A_3170 = tpu.memref_slice %dma_wait3A_3166[%dma_wait3A_3152, %dma_wait3A_3167, %dma_wait3A_3168, %dma_wait3A_3169] : memref<4x128x8x128xf32, #tpu.memory_space<hbm>> -> memref<1x128x8x128xf32, #tpu.memory_space<hbm>>
        %dma_wait3A_3171 = tpu.memref_squeeze %dma_wait3A_3170 : memref<1x128x8x128xf32, #tpu.memory_space<hbm>> -> memref<128x8x128xf32, #tpu.memory_space<hbm>>
        %dma_wait3A_3172 = arith.constant 0 : i32
        %dma_wait3A_3173 = arith.constant 0 : i32
        %dma_wait3A_3174 = tpu.memref_slice %dma_wait3A_3171[%dma_wait3A_3153, %dma_wait3A_3172, %dma_wait3A_3173] : memref<128x8x128xf32, #tpu.memory_space<hbm>> -> memref<1x8x128xf32, #tpu.memory_space<hbm>>
        %dma_wait3A_3175 = tpu.memref_squeeze %dma_wait3A_3174 : memref<1x8x128xf32, #tpu.memory_space<hbm>> -> memref<8x128xf32, #tpu.memory_space<hbm>>
        %dma_wait3A_3176 = tpu.memref_slice %arg10[%rem3A_1669] : memref<2x!tpu.dma_semaphore, #tpu.memory_space<semaphore_mem>> -> memref<1x!tpu.dma_semaphore, #tpu.memory_space<semaphore_mem>>
        %dma_wait3A_3177 = tpu.memref_squeeze %dma_wait3A_3176 : memref<1x!tpu.dma_semaphore, #tpu.memory_space<semaphore_mem>> -> memref<!tpu.dma_semaphore, #tpu.memory_space<semaphore_mem>>
        %dma_wait3A_3178 = arith.constant 0 : i32
        %dma_wait3A_3179 = arith.constant 0 : i32
        %dma_wait3A_3180 = arith.constant 0 : i32
        %dma_wait3A_3181 = arith.constant 0 : i32
        %dma_wait3A_3182 = tpu.memref_slice %arg4[%dma_wait3A_3151, %dma_wait3A_3178, %dma_wait3A_3179, %dma_wait3A_3180, %dma_wait3A_3181] : memref<50x4x128x8x128xf32, #tpu.memory_space<hbm>> -> memref<1x4x128x8x128xf32, #tpu.memory_space<hbm>>
        %dma_wait3A_3183 = tpu.memref_squeeze %dma_wait3A_3182 : memref<1x4x128x8x128xf32, #tpu.memory_space<hbm>> -> memref<4x128x8x128xf32, #tpu.memory_space<hbm>>
        %dma_wait3A_3184 = arith.constant 0 : i32
        %dma_wait3A_3185 = arith.constant 0 : i32
        %dma_wait3A_3186 = arith.constant 0 : i32
        %dma_wait3A_3187 = tpu.memref_slice %dma_wait3A_3183[%dma_wait3A_3152, %dma_wait3A_3184, %dma_wait3A_3185, %dma_wait3A_3186] : memref<4x128x8x128xf32, #tpu.memory_space<hbm>> -> memref<1x128x8x128xf32, #tpu.memory_space<hbm>>
        %dma_wait3A_3188 = tpu.memref_squeeze %dma_wait3A_3187 : memref<1x128x8x128xf32, #tpu.memory_space<hbm>> -> memref<128x8x128xf32, #tpu.memory_space<hbm>>
        %dma_wait3A_3189 = arith.constant 0 : i32
        %dma_wait3A_3190 = arith.constant 0 : i32
        %dma_wait3A_3191 = tpu.memref_slice %dma_wait3A_3188[%dma_wait3A_3153, %dma_wait3A_3189, %dma_wait3A_3190] : memref<128x8x128xf32, #tpu.memory_space<hbm>> -> memref<1x8x128xf32, #tpu.memory_space<hbm>>
        %dma_wait3A_3192 = tpu.memref_squeeze %dma_wait3A_3191 : memref<1x8x128xf32, #tpu.memory_space<hbm>> -> memref<8x128xf32, #tpu.memory_space<hbm>>
        %dma_wait3A_3193 = arith.constant 0 : i32
        %dma_wait3A_3194 = arith.constant 0 : i32
        %dma_wait3A_3195 = tpu.memref_slice %arg8[%rem3A_1669, %dma_wait3A_3193, %dma_wait3A_3194] : memref<2x32x513xf32, #tpu.memory_space<vmem>> -> memref<1x32x513xf32, #tpu.memory_space<vmem>>
        %dma_wait3A_3196 = tpu.memref_squeeze %dma_wait3A_3195 : memref<1x32x513xf32, #tpu.memory_space<vmem>> -> memref<32x513xf32, #tpu.memory_space<vmem>>
        %dma_wait3A_3197 = arith.constant 0 : i32
        %dma_wait3A_3198 = arith.constant 0 : i32
        %dma_wait3A_3199 = tpu.memref_slice %dma_wait3A_3196[%dma_wait3A_3197, %dma_wait3A_3198] : memref<32x513xf32, #tpu.memory_space<vmem>> -> memref<8x128xf32, #tpu.memory_space<vmem>>
        tpu.wait_dma2 semaphore(%dma_wait3A_3177 : memref<!tpu.dma_semaphore, #tpu.memory_space<semaphore_mem>>) src(%dma_wait3A_3199 : memref<8x128xf32, #tpu.memory_space<vmem>>) dst(%dma_wait3A_3192 : memref<8x128xf32, #tpu.memory_space<hbm>>)
        %dma_wait3A_3200 = arith.constant 0 : i32
        %dma_wait3A_3201 = arith.constant 0 : i32
        %dma_wait3A_3202 = arith.constant 0 : i32
        %dma_wait3A_3203 = arith.constant 0 : i32
        %dma_wait3A_3204 = arith.constant 0 : i32
        %dma_wait3A_3205 = tpu.memref_slice %arg8[%rem3A_1669, %dma_wait3A_3203, %dma_wait3A_3204] : memref<2x32x513xf32, #tpu.memory_space<vmem>> -> memref<1x32x513xf32, #tpu.memory_space<vmem>>
        %dma_wait3A_3206 = tpu.memref_squeeze %dma_wait3A_3205 : memref<1x32x513xf32, #tpu.memory_space<vmem>> -> memref<32x513xf32, #tpu.memory_space<vmem>>
        %dma_wait3A_3207 = arith.constant 0 : i32
        %dma_wait3A_3208 = arith.constant 0 : i32
        %dma_wait3A_3209 = tpu.memref_slice %dma_wait3A_3206[%dma_wait3A_3207, %dma_wait3A_3208] : memref<32x513xf32, #tpu.memory_space<vmem>> -> memref<8x128xf32, #tpu.memory_space<vmem>>
        %dma_wait3A_3210 = arith.constant 0 : i32
        %dma_wait3A_3211 = arith.constant 0 : i32
        %dma_wait3A_3212 = arith.constant 0 : i32
        %dma_wait3A_3213 = arith.constant 0 : i32
        %dma_wait3A_3214 = tpu.memref_slice %arg4[%dma_wait3A_3200, %dma_wait3A_3210, %dma_wait3A_3211, %dma_wait3A_3212, %dma_wait3A_3213] : memref<50x4x128x8x128xf32, #tpu.memory_space<hbm>> -> memref<1x4x128x8x128xf32, #tpu.memory_space<hbm>>
        %dma_wait3A_3215 = tpu.memref_squeeze %dma_wait3A_3214 : memref<1x4x128x8x128xf32, #tpu.memory_space<hbm>> -> memref<4x128x8x128xf32, #tpu.memory_space<hbm>>
        %dma_wait3A_3216 = arith.constant 0 : i32
        %dma_wait3A_3217 = arith.constant 0 : i32
        %dma_wait3A_3218 = arith.constant 0 : i32
        %dma_wait3A_3219 = tpu.memref_slice %dma_wait3A_3215[%dma_wait3A_3201, %dma_wait3A_3216, %dma_wait3A_3217, %dma_wait3A_3218] : memref<4x128x8x128xf32, #tpu.memory_space<hbm>> -> memref<1x128x8x128xf32, #tpu.memory_space<hbm>>
        %dma_wait3A_3220 = tpu.memref_squeeze %dma_wait3A_3219 : memref<1x128x8x128xf32, #tpu.memory_space<hbm>> -> memref<128x8x128xf32, #tpu.memory_space<hbm>>
        %dma_wait3A_3221 = arith.constant 0 : i32
        %dma_wait3A_3222 = arith.constant 0 : i32
        %dma_wait3A_3223 = tpu.memref_slice %dma_wait3A_3220[%dma_wait3A_3202, %dma_wait3A_3221, %dma_wait3A_3222] : memref<128x8x128xf32, #tpu.memory_space<hbm>> -> memref<1x8x128xf32, #tpu.memory_space<hbm>>
        %dma_wait3A_3224 = tpu.memref_squeeze %dma_wait3A_3223 : memref<1x8x128xf32, #tpu.memory_space<hbm>> -> memref<8x128xf32, #tpu.memory_space<hbm>>
        %dma_wait3A_3225 = tpu.memref_slice %arg10[%rem3A_1669] : memref<2x!tpu.dma_semaphore, #tpu.memory_space<semaphore_mem>> -> memref<1x!tpu.dma_semaphore, #tpu.memory_space<semaphore_mem>>
        %dma_wait3A_3226 = tpu.memref_squeeze %dma_wait3A_3225 : memref<1x!tpu.dma_semaphore, #tpu.memory_space<semaphore_mem>> -> memref<!tpu.dma_semaphore, #tpu.memory_space<semaphore_mem>>
        %dma_wait3A_3227 = arith.constant 0 : i32
        %dma_wait3A_3228 = arith.constant 0 : i32
        %dma_wait3A_3229 = arith.constant 0 : i32
        %dma_wait3A_3230 = arith.constant 0 : i32
        %dma_wait3A_3231 = tpu.memref_slice %arg4[%dma_wait3A_3200, %dma_wait3A_3227, %dma_wait3A_3228, %dma_wait3A_3229, %dma_wait3A_3230] : memref<50x4x128x8x128xf32, #tpu.memory_space<hbm>> -> memref<1x4x128x8x128xf32, #tpu.memory_space<hbm>>
        %dma_wait3A_3232 = tpu.memref_squeeze %dma_wait3A_3231 : memref<1x4x128x8x128xf32, #tpu.memory_space<hbm>> -> memref<4x128x8x128xf32, #tpu.memory_space<hbm>>
        %dma_wait3A_3233 = arith.constant 0 : i32
        %dma_wait3A_3234 = arith.constant 0 : i32
        %dma_wait3A_3235 = arith.constant 0 : i32
        %dma_wait3A_3236 = tpu.memref_slice %dma_wait3A_3232[%dma_wait3A_3201, %dma_wait3A_3233, %dma_wait3A_3234, %dma_wait3A_3235] : memref<4x128x8x128xf32, #tpu.memory_space<hbm>> -> memref<1x128x8x128xf32, #tpu.memory_space<hbm>>
        %dma_wait3A_3237 = tpu.memref_squeeze %dma_wait3A_3236 : memref<1x128x8x128xf32, #tpu.memory_space<hbm>> -> memref<128x8x128xf32, #tpu.memory_space<hbm>>
        %dma_wait3A_3238 = arith.constant 0 : i32
        %dma_wait3A_3239 = arith.constant 0 : i32
        %dma_wait3A_3240 = tpu.memref_slice %dma_wait3A_3237[%dma_wait3A_3202, %dma_wait3A_3238, %dma_wait3A_3239] : memref<128x8x128xf32, #tpu.memory_space<hbm>> -> memref<1x8x128xf32, #tpu.memory_space<hbm>>
        %dma_wait3A_3241 = tpu.memref_squeeze %dma_wait3A_3240 : memref<1x8x128xf32, #tpu.memory_space<hbm>> -> memref<8x128xf32, #tpu.memory_space<hbm>>
        %dma_wait3A_3242 = arith.constant 0 : i32
        %dma_wait3A_3243 = arith.constant 0 : i32
        %dma_wait3A_3244 = tpu.memref_slice %arg8[%rem3A_1669, %dma_wait3A_3242, %dma_wait3A_3243] : memref<2x32x513xf32, #tpu.memory_space<vmem>> -> memref<1x32x513xf32, #tpu.memory_space<vmem>>
        %dma_wait3A_3245 = tpu.memref_squeeze %dma_wait3A_3244 : memref<1x32x513xf32, #tpu.memory_space<vmem>> -> memref<32x513xf32, #tpu.memory_space<vmem>>
        %dma_wait3A_3246 = arith.constant 0 : i32
        %dma_wait3A_3247 = arith.constant 0 : i32
        %dma_wait3A_3248 = tpu.memref_slice %dma_wait3A_3245[%dma_wait3A_3246, %dma_wait3A_3247] : memref<32x513xf32, #tpu.memory_space<vmem>> -> memref<8x128xf32, #tpu.memory_space<vmem>>
        tpu.wait_dma2 semaphore(%dma_wait3A_3226 : memref<!tpu.dma_semaphore, #tpu.memory_space<semaphore_mem>>) src(%dma_wait3A_3248 : memref<8x128xf32, #tpu.memory_space<vmem>>) dst(%dma_wait3A_3241 : memref<8x128xf32, #tpu.memory_space<hbm>>)
        %dma_wait3A_3249 = arith.constant 0 : i32
        %dma_wait3A_3250 = arith.constant 0 : i32
        %dma_wait3A_3251 = arith.constant 0 : i32
        %dma_wait3A_3252 = arith.constant 0 : i32
        %dma_wait3A_3253 = arith.constant 0 : i32
        %dma_wait3A_3254 = tpu.memref_slice %arg8[%rem3A_1669, %dma_wait3A_3252, %dma_wait3A_3253] : memref<2x32x513xf32, #tpu.memory_space<vmem>> -> memref<1x32x513xf32, #tpu.memory_space<vmem>>
        %dma_wait3A_3255 = tpu.memref_squeeze %dma_wait3A_3254 : memref<1x32x513xf32, #tpu.memory_space<vmem>> -> memref<32x513xf32, #tpu.memory_space<vmem>>
        %dma_wait3A_3256 = arith.constant 0 : i32
        %dma_wait3A_3257 = arith.constant 0 : i32
        %dma_wait3A_3258 = tpu.memref_slice %dma_wait3A_3255[%dma_wait3A_3256, %dma_wait3A_3257] : memref<32x513xf32, #tpu.memory_space<vmem>> -> memref<8x128xf32, #tpu.memory_space<vmem>>
        %dma_wait3A_3259 = arith.constant 0 : i32
        %dma_wait3A_3260 = arith.constant 0 : i32
        %dma_wait3A_3261 = arith.constant 0 : i32
        %dma_wait3A_3262 = arith.constant 0 : i32
        %dma_wait3A_3263 = tpu.memref_slice %arg4[%dma_wait3A_3249, %dma_wait3A_3259, %dma_wait3A_3260, %dma_wait3A_3261, %dma_wait3A_3262] : memref<50x4x128x8x128xf32, #tpu.memory_space<hbm>> -> memref<1x4x128x8x128xf32, #tpu.memory_space<hbm>>
        %dma_wait3A_3264 = tpu.memref_squeeze %dma_wait3A_3263 : memref<1x4x128x8x128xf32, #tpu.memory_space<hbm>> -> memref<4x128x8x128xf32, #tpu.memory_space<hbm>>
        %dma_wait3A_3265 = arith.constant 0 : i32
        %dma_wait3A_3266 = arith.constant 0 : i32
        %dma_wait3A_3267 = arith.constant 0 : i32
        %dma_wait3A_3268 = tpu.memref_slice %dma_wait3A_3264[%dma_wait3A_3250, %dma_wait3A_3265, %dma_wait3A_3266, %dma_wait3A_3267] : memref<4x128x8x128xf32, #tpu.memory_space<hbm>> -> memref<1x128x8x128xf32, #tpu.memory_space<hbm>>
        %dma_wait3A_3269 = tpu.memref_squeeze %dma_wait3A_3268 : memref<1x128x8x128xf32, #tpu.memory_space<hbm>> -> memref<128x8x128xf32, #tpu.memory_space<hbm>>
        %dma_wait3A_3270 = arith.constant 0 : i32
        %dma_wait3A_3271 = arith.constant 0 : i32
        %dma_wait3A_3272 = tpu.memref_slice %dma_wait3A_3269[%dma_wait3A_3251, %dma_wait3A_3270, %dma_wait3A_3271] : memref<128x8x128xf32, #tpu.memory_space<hbm>> -> memref<1x8x128xf32, #tpu.memory_space<hbm>>
        %dma_wait3A_3273 = tpu.memref_squeeze %dma_wait3A_3272 : memref<1x8x128xf32, #tpu.memory_space<hbm>> -> memref<8x128xf32, #tpu.memory_space<hbm>>
        %dma_wait3A_3274 = tpu.memref_slice %arg10[%rem3A_1669] : memref<2x!tpu.dma_semaphore, #tpu.memory_space<semaphore_mem>> -> memref<1x!tpu.dma_semaphore, #tpu.memory_space<semaphore_mem>>
        %dma_wait3A_3275 = tpu.memref_squeeze %dma_wait3A_3274 : memref<1x!tpu.dma_semaphore, #tpu.memory_space<semaphore_mem>> -> memref<!tpu.dma_semaphore, #tpu.memory_space<semaphore_mem>>
        %dma_wait3A_3276 = arith.constant 0 : i32
        %dma_wait3A_3277 = arith.constant 0 : i32
        %dma_wait3A_3278 = arith.constant 0 : i32
        %dma_wait3A_3279 = arith.constant 0 : i32
        %dma_wait3A_3280 = tpu.memref_slice %arg4[%dma_wait3A_3249, %dma_wait3A_3276, %dma_wait3A_3277, %dma_wait3A_3278, %dma_wait3A_3279] : memref<50x4x128x8x128xf32, #tpu.memory_space<hbm>> -> memref<1x4x128x8x128xf32, #tpu.memory_space<hbm>>
        %dma_wait3A_3281 = tpu.memref_squeeze %dma_wait3A_3280 : memref<1x4x128x8x128xf32, #tpu.memory_space<hbm>> -> memref<4x128x8x128xf32, #tpu.memory_space<hbm>>
        %dma_wait3A_3282 = arith.constant 0 : i32
        %dma_wait3A_3283 = arith.constant 0 : i32
        %dma_wait3A_3284 = arith.constant 0 : i32
        %dma_wait3A_3285 = tpu.memref_slice %dma_wait3A_3281[%dma_wait3A_3250, %dma_wait3A_3282, %dma_wait3A_3283, %dma_wait3A_3284] : memref<4x128x8x128xf32, #tpu.memory_space<hbm>> -> memref<1x128x8x128xf32, #tpu.memory_space<hbm>>
        %dma_wait3A_3286 = tpu.memref_squeeze %dma_wait3A_3285 : memref<1x128x8x128xf32, #tpu.memory_space<hbm>> -> memref<128x8x128xf32, #tpu.memory_space<hbm>>
        %dma_wait3A_3287 = arith.constant 0 : i32
        %dma_wait3A_3288 = arith.constant 0 : i32
        %dma_wait3A_3289 = tpu.memref_slice %dma_wait3A_3286[%dma_wait3A_3251, %dma_wait3A_3287, %dma_wait3A_3288] : memref<128x8x128xf32, #tpu.memory_space<hbm>> -> memref<1x8x128xf32, #tpu.memory_space<hbm>>
        %dma_wait3A_3290 = tpu.memref_squeeze %dma_wait3A_3289 : memref<1x8x128xf32, #tpu.memory_space<hbm>> -> memref<8x128xf32, #tpu.memory_space<hbm>>
        %dma_wait3A_3291 = arith.constant 0 : i32
        %dma_wait3A_3292 = arith.constant 0 : i32
        %dma_wait3A_3293 = tpu.memref_slice %arg8[%rem3A_1669, %dma_wait3A_3291, %dma_wait3A_3292] : memref<2x32x513xf32, #tpu.memory_space<vmem>> -> memref<1x32x513xf32, #tpu.memory_space<vmem>>
        %dma_wait3A_3294 = tpu.memref_squeeze %dma_wait3A_3293 : memref<1x32x513xf32, #tpu.memory_space<vmem>> -> memref<32x513xf32, #tpu.memory_space<vmem>>
        %dma_wait3A_3295 = arith.constant 0 : i32
        %dma_wait3A_3296 = arith.constant 0 : i32
        %dma_wait3A_3297 = tpu.memref_slice %dma_wait3A_3294[%dma_wait3A_3295, %dma_wait3A_3296] : memref<32x513xf32, #tpu.memory_space<vmem>> -> memref<8x128xf32, #tpu.memory_space<vmem>>
        tpu.wait_dma2 semaphore(%dma_wait3A_3275 : memref<!tpu.dma_semaphore, #tpu.memory_space<semaphore_mem>>) src(%dma_wait3A_3297 : memref<8x128xf32, #tpu.memory_space<vmem>>) dst(%dma_wait3A_3290 : memref<8x128xf32, #tpu.memory_space<hbm>>)
      } else {
      }
      %parallel_loop3A_1688 = arith.constant 0 : i32
      %parallel_loop3A_1689 = arith.constant 512 : i32
      %parallel_loop3A_1690 = arith.constant 1 : i32
      scf.for %parallel_loop3A_2514 = %parallel_loop3A_1688 to %parallel_loop3A_1689 step %parallel_loop3A_1690  : i32 {
        %parallel_loop3A_2515 = vector.broadcast %parallel_loop3A_2514 : i32 to vector<16xi32>
        %parallel_loop3A_2516 = arith.constant 0 : i32
        %parallel_loop3A_2517 = arith.constant 0 : i32
        %parallel_loop3A_2518 = tpu.memref_slice %arg7[%rem3A_1669, %parallel_loop3A_2516, %parallel_loop3A_2517] : memref<2x512x32xf32, #tpu.memory_space<vmem>> -> memref<1x512x32xf32, #tpu.memory_space<vmem>>
        %parallel_loop3A_2519 = tpu.memref_squeeze %parallel_loop3A_2518 : memref<1x512x32xf32, #tpu.memory_space<vmem>> -> memref<512x32xf32, #tpu.memory_space<vmem>>
        %parallel_loop3A_2520 = tpu.vector_load_idx %parallel_loop3A_2519[%parallel_loop3A_2515, %iota3A] : memref<512x32xf32, #tpu.memory_space<vmem>>[vector<16xi32>, vector<16xi32>], vector<16xf32>,
        %parallel_loop3A_2521 = arith.constant 16 : i32
        %parallel_loop3A_2522 = vector.broadcast %parallel_loop3A_2521 : i32 to vector<16xi32>
        %parallel_loop3A_2523 = arith.addi %iota3A, %parallel_loop3A_2522 : vector<16xi32>
        %parallel_loop3A_2524 = arith.constant 0 : i32
        %parallel_loop3A_2525 = arith.constant 0 : i32
        %parallel_loop3A_2526 = tpu.memref_slice %arg7[%rem3A_1669, %parallel_loop3A_2524, %parallel_loop3A_2525] : memref<2x512x32xf32, #tpu.memory_space<vmem>> -> memref<1x512x32xf32, #tpu.memory_space<vmem>>
        %parallel_loop3A_2527 = tpu.memref_squeeze %parallel_loop3A_2526 : memref<1x512x32xf32, #tpu.memory_space<vmem>> -> memref<512x32xf32, #tpu.memory_space<vmem>>
        %parallel_loop3A_2528 = tpu.vector_load_idx %parallel_loop3A_2527[%parallel_loop3A_2515, %parallel_loop3A_2523] : memref<512x32xf32, #tpu.memory_space<vmem>>[vector<16xi32>, vector<16xi32>], vector<16xf32>,
        %parallel_loop3A_2529 = arith.constant 0 : i32
        %parallel_loop3A_2530 = arith.constant 0 : i32
        %parallel_loop3A_2531 = tpu.memref_slice %arg8[%rem3A_1669, %parallel_loop3A_2529, %parallel_loop3A_2530] : memref<2x32x513xf32, #tpu.memory_space<vmem>> -> memref<1x32x513xf32, #tpu.memory_space<vmem>>
        %parallel_loop3A_2532 = tpu.memref_squeeze %parallel_loop3A_2531 : memref<1x32x513xf32, #tpu.memory_space<vmem>> -> memref<32x513xf32, #tpu.memory_space<vmem>>
        tpu.vector_store_idx %parallel_loop3A_2532[%iota3A, %parallel_loop3A_2515], %parallel_loop3A_2520 : memref<32x513xf32, #tpu.memory_space<vmem>>[vector<16xi32>, vector<16xi32>], vector<16xf32>,
        %parallel_loop3A_2533 = arith.constant 16 : i32
        %parallel_loop3A_2534 = vector.broadcast %parallel_loop3A_2533 : i32 to vector<16xi32>
        %parallel_loop3A_2535 = arith.addi %iota3A, %parallel_loop3A_2534 : vector<16xi32>
        %parallel_loop3A_2536 = arith.constant 0 : i32
        %parallel_loop3A_2537 = arith.constant 0 : i32
        %parallel_loop3A_2538 = tpu.memref_slice %arg8[%rem3A_1669, %parallel_loop3A_2536, %parallel_loop3A_2537] : memref<2x32x513xf32, #tpu.memory_space<vmem>> -> memref<1x32x513xf32, #tpu.memory_space<vmem>>
        %parallel_loop3A_2539 = tpu.memref_squeeze %parallel_loop3A_2538 : memref<1x32x513xf32, #tpu.memory_space<vmem>> -> memref<32x513xf32, #tpu.memory_space<vmem>>
        tpu.vector_store_idx %parallel_loop3A_2539[%parallel_loop3A_2535, %parallel_loop3A_2515], %parallel_loop3A_2528 : memref<32x513xf32, #tpu.memory_space<vmem>>[vector<16xi32>, vector<16xi32>], vector<16xf32>,
      } {sc.loop_unroll_factor = 8 : i64, sc.parallel_access}
      %add3A_1691 = arith.constant 2 : i32
      %add3A_1692 = arith.addi %scan3A_1667, %add3A_1691 : i32
      %lt3A = arith.constant 50 : i32
      %lt3A_1693 = arith.cmpi slt, %add3A_1692, %lt3A : i32
      %convert_element_type3A_1694 = arith.extui %lt3A_1693 : i1 to i32
      %cond3A_1695 = arith.constant 0 : i32
      %cond3A_1696 = arith.cmpi ne, %convert_element_type3A_1694, %cond3A_1695 : i32
      scf.if %cond3A_1696 {
        %add3A_2514 = arith.constant 2 : i32
        %add3A_2515 = arith.addi %scan3A_1667, %add3A_2514 : i32
        %mul3A_2516 = arith.constant 512 : i32
        %mul3A_2517 = arith.muli %add3A_2515, %mul3A_2516 : i32
        %dma_start3A_2518 = arith.constant 0 : i32
        %dma_start3A_2519 = arith.constant 0 : i32
        %dma_start3A_2520 = tpu.memref_slice %arg7[%rem3A_1669, %dma_start3A_2518, %dma_start3A_2519] : memref<2x512x32xf32, #tpu.memory_space<vmem>> -> memref<1x512x32xf32, #tpu.memory_space<vmem>>
        %dma_start3A_2521 = tpu.memref_squeeze %dma_start3A_2520 : memref<1x512x32xf32, #tpu.memory_space<vmem>> -> memref<512x32xf32, #tpu.memory_space<vmem>>
        %dma_start3A_2522 = tpu.memref_slice %arg6[%mul3A_2517] : memref<25600xi32, #tpu.memory_space<vmem>> -> memref<512xi32, #tpu.memory_space<vmem>>
        %dma_start3A_2523 = arith.constant 0 : i32
        %dma_start3A_2524 = arith.constant 0 : i32
        %dma_start3A_2525 = tpu.memref_slice %arg3[%dma_start3A_2523, %dma_start3A_2524] : memref<1000000x32xf32, #tpu.memory_space<hbm>> -> memref<1000000x32xf32, #tpu.memory_space<hbm>>
        %dma_start3A_2526 = tpu.memref_slice %arg9[%rem3A_1669] : memref<2x!tpu.dma_semaphore, #tpu.memory_space<semaphore_mem>> -> memref<1x!tpu.dma_semaphore, #tpu.memory_space<semaphore_mem>>
        %dma_start3A_2527 = tpu.memref_squeeze %dma_start3A_2526 : memref<1x!tpu.dma_semaphore, #tpu.memory_space<semaphore_mem>> -> memref<!tpu.dma_semaphore, #tpu.memory_space<semaphore_mem>>
        tpu.enqueue_indirect_dma source(%dma_start3A_2525 : memref<1000000x32xf32, #tpu.memory_space<hbm>>) target(%dma_start3A_2521 : memref<512x32xf32, #tpu.memory_space<vmem>>) offsets(%dma_start3A_2522 : memref<512xi32, #tpu.memory_space<vmem>>) semaphore(%dma_start3A_2527 : memref<!tpu.dma_semaphore, #tpu.memory_space<semaphore_mem>>)
      } else {
      }
      %mul3A_1697 = arith.constant 4 : i32
      %mul3A_1698 = arith.muli %add3A, %mul3A_1697 : i32
      %add3A_1699 = arith.constant 0 : i32
      %add3A_1700 = arith.addi %mul3A_1698, %add3A_1699 : i32
      %dma_start3A_1701 = arith.constant 0 : i32
      %dma_start3A_1702 = arith.constant 0 : i32
      %dma_start3A_1703 = arith.constant 0 : i32
      %dma_start3A_1704 = tpu.memref_slice %arg8[%rem3A_1669, %dma_start3A_1702, %dma_start3A_1703] : memref<2x32x513xf32, #tpu.memory_space<vmem>> -> memref<1x32x513xf32, #tpu.memory_space<vmem>>
      %dma_start3A_1705 = tpu.memref_squeeze %dma_start3A_1704 : memref<1x32x513xf32, #tpu.memory_space<vmem>> -> memref<32x513xf32, #tpu.memory_space<vmem>>
      %dma_start3A_1706 = arith.constant 0 : i32
      %dma_start3A_1707 = arith.constant 0 : i32
      %dma_start3A_1708 = tpu.memref_slice %dma_start3A_1705[%dma_start3A_1706, %dma_start3A_1707] : memref<32x513xf32, #tpu.memory_space<vmem>> -> memref<8x128xf32, #tpu.memory_space<vmem>>
      %dma_start3A_1709 = arith.constant 0 : i32
      %dma_start3A_1710 = arith.constant 0 : i32
      %dma_start3A_1711 = arith.constant 0 : i32
      %dma_start3A_1712 = arith.constant 0 : i32
      %dma_start3A_1713 = tpu.memref_slice %arg4[%scan3A_1667, %dma_start3A_1709, %dma_start3A_1710, %dma_start3A_1711, %dma_start3A_1712] : memref<50x4x128x8x128xf32, #tpu.memory_space<hbm>> -> memref<1x4x128x8x128xf32, #tpu.memory_space<hbm>>
      %dma_start3A_1714 = tpu.memref_squeeze %dma_start3A_1713 : memref<1x4x128x8x128xf32, #tpu.memory_space<hbm>> -> memref<4x128x8x128xf32, #tpu.memory_space<hbm>>
      %dma_start3A_1715 = arith.constant 0 : i32
      %dma_start3A_1716 = arith.constant 0 : i32
      %dma_start3A_1717 = arith.constant 0 : i32
      %dma_start3A_1718 = tpu.memref_slice %dma_start3A_1714[%dma_start3A_1701, %dma_start3A_1715, %dma_start3A_1716, %dma_start3A_1717] : memref<4x128x8x128xf32, #tpu.memory_space<hbm>> -> memref<1x128x8x128xf32, #tpu.memory_space<hbm>>
      %dma_start3A_1719 = tpu.memref_squeeze %dma_start3A_1718 : memref<1x128x8x128xf32, #tpu.memory_space<hbm>> -> memref<128x8x128xf32, #tpu.memory_space<hbm>>
      %dma_start3A_1720 = arith.constant 0 : i32
      %dma_start3A_1721 = arith.constant 0 : i32
      %dma_start3A_1722 = tpu.memref_slice %dma_start3A_1719[%add3A_1700, %dma_start3A_1720, %dma_start3A_1721] : memref<128x8x128xf32, #tpu.memory_space<hbm>> -> memref<1x8x128xf32, #tpu.memory_space<hbm>>
      %dma_start3A_1723 = tpu.memref_squeeze %dma_start3A_1722 : memref<1x8x128xf32, #tpu.memory_space<hbm>> -> memref<8x128xf32, #tpu.memory_space<hbm>>
      %dma_start3A_1724 = tpu.memref_slice %arg10[%rem3A_1669] : memref<2x!tpu.dma_semaphore, #tpu.memory_space<semaphore_mem>> -> memref<1x!tpu.dma_semaphore, #tpu.memory_space<semaphore_mem>>
      %dma_start3A_1725 = tpu.memref_squeeze %dma_start3A_1724 : memref<1x!tpu.dma_semaphore, #tpu.memory_space<semaphore_mem>> -> memref<!tpu.dma_semaphore, #tpu.memory_space<semaphore_mem>>
      %dma_start3A_1726 = arith.constant 0 : i32
      %dma_start3A_1727 = arith.constant 0 : i32
      %dma_start3A_1728 = arith.constant 0 : i32
      %dma_start3A_1729 = arith.constant 0 : i32
      %dma_start3A_1730 = tpu.memref_slice %arg4[%scan3A_1667, %dma_start3A_1726, %dma_start3A_1727, %dma_start3A_1728, %dma_start3A_1729] : memref<50x4x128x8x128xf32, #tpu.memory_space<hbm>> -> memref<1x4x128x8x128xf32, #tpu.memory_space<hbm>>
      %dma_start3A_1731 = tpu.memref_squeeze %dma_start3A_1730 : memref<1x4x128x8x128xf32, #tpu.memory_space<hbm>> -> memref<4x128x8x128xf32, #tpu.memory_space<hbm>>
      %dma_start3A_1732 = arith.constant 0 : i32
      %dma_start3A_1733 = arith.constant 0 : i32
      %dma_start3A_1734 = arith.constant 0 : i32
      %dma_start3A_1735 = tpu.memref_slice %dma_start3A_1731[%dma_start3A_1701, %dma_start3A_1732, %dma_start3A_1733, %dma_start3A_1734] : memref<4x128x8x128xf32, #tpu.memory_space<hbm>> -> memref<1x128x8x128xf32, #tpu.memory_space<hbm>>
      %dma_start3A_1736 = tpu.memref_squeeze %dma_start3A_1735 : memref<1x128x8x128xf32, #tpu.memory_space<hbm>> -> memref<128x8x128xf32, #tpu.memory_space<hbm>>
      %dma_start3A_1737 = arith.constant 0 : i32
      %dma_start3A_1738 = arith.constant 0 : i32
      %dma_start3A_1739 = tpu.memref_slice %dma_start3A_1736[%add3A_1700, %dma_start3A_1737, %dma_start3A_1738] : memref<128x8x128xf32, #tpu.memory_space<hbm>> -> memref<1x8x128xf32, #tpu.memory_space<hbm>>
      %dma_start3A_1740 = tpu.memref_squeeze %dma_start3A_1739 : memref<1x8x128xf32, #tpu.memory_space<hbm>> -> memref<8x128xf32, #tpu.memory_space<hbm>>
      %dma_start3A_1741 = arith.constant 0 : i32
      %dma_start3A_1742 = arith.constant 0 : i32
      %dma_start3A_1743 = tpu.memref_slice %arg8[%rem3A_1669, %dma_start3A_1741, %dma_start3A_1742] : memref<2x32x513xf32, #tpu.memory_space<vmem>> -> memref<1x32x513xf32, #tpu.memory_space<vmem>>
      %dma_start3A_1744 = tpu.memref_squeeze %dma_start3A_1743 : memref<1x32x513xf32, #tpu.memory_space<vmem>> -> memref<32x513xf32, #tpu.memory_space<vmem>>
      %dma_start3A_1745 = arith.constant 0 : i32
      %dma_start3A_1746 = arith.constant 0 : i32
      %dma_start3A_1747 = tpu.memref_slice %dma_start3A_1744[%dma_start3A_1745, %dma_start3A_1746] : memref<32x513xf32, #tpu.memory_space<vmem>> -> memref<8x128xf32, #tpu.memory_space<vmem>>
      tpu.enqueue_dma source(%dma_start3A_1747 : memref<8x128xf32, #tpu.memory_space<vmem>>) target(%dma_start3A_1740 : memref<8x128xf32, #tpu.memory_space<hbm>>) target_semaphore(%dma_start3A_1725 : memref<!tpu.dma_semaphore, #tpu.memory_space<semaphore_mem>>)
      %mul3A_1748 = arith.constant 4 : i32
      %mul3A_1749 = arith.muli %add3A, %mul3A_1748 : i32
      %add3A_1750 = arith.constant 1 : i32
      %add3A_1751 = arith.addi %mul3A_1749, %add3A_1750 : i32
      %dma_start3A_1752 = arith.constant 0 : i32
      %dma_start3A_1753 = arith.constant 0 : i32
      %dma_start3A_1754 = arith.constant 0 : i32
      %dma_start3A_1755 = tpu.memref_slice %arg8[%rem3A_1669, %dma_start3A_1753, %dma_start3A_1754] : memref<2x32x513xf32, #tpu.memory_space<vmem>> -> memref<1x32x513xf32, #tpu.memory_space<vmem>>
      %dma_start3A_1756 = tpu.memref_squeeze %dma_start3A_1755 : memref<1x32x513xf32, #tpu.memory_space<vmem>> -> memref<32x513xf32, #tpu.memory_space<vmem>>
      %dma_start3A_1757 = arith.constant 0 : i32
      %dma_start3A_1758 = arith.constant 128 : i32
      %dma_start3A_1759 = tpu.memref_slice %dma_start3A_1756[%dma_start3A_1757, %dma_start3A_1758] : memref<32x513xf32, #tpu.memory_space<vmem>> -> memref<8x128xf32, #tpu.memory_space<vmem>>
      %dma_start3A_1760 = arith.constant 0 : i32
      %dma_start3A_1761 = arith.constant 0 : i32
      %dma_start3A_1762 = arith.constant 0 : i32
      %dma_start3A_1763 = arith.constant 0 : i32
      %dma_start3A_1764 = tpu.memref_slice %arg4[%scan3A_1667, %dma_start3A_1760, %dma_start3A_1761, %dma_start3A_1762, %dma_start3A_1763] : memref<50x4x128x8x128xf32, #tpu.memory_space<hbm>> -> memref<1x4x128x8x128xf32, #tpu.memory_space<hbm>>
      %dma_start3A_1765 = tpu.memref_squeeze %dma_start3A_1764 : memref<1x4x128x8x128xf32, #tpu.memory_space<hbm>> -> memref<4x128x8x128xf32, #tpu.memory_space<hbm>>
      %dma_start3A_1766 = arith.constant 0 : i32
      %dma_start3A_1767 = arith.constant 0 : i32
      %dma_start3A_1768 = arith.constant 0 : i32
      %dma_start3A_1769 = tpu.memref_slice %dma_start3A_1765[%dma_start3A_1752, %dma_start3A_1766, %dma_start3A_1767, %dma_start3A_1768] : memref<4x128x8x128xf32, #tpu.memory_space<hbm>> -> memref<1x128x8x128xf32, #tpu.memory_space<hbm>>
      %dma_start3A_1770 = tpu.memref_squeeze %dma_start3A_1769 : memref<1x128x8x128xf32, #tpu.memory_space<hbm>> -> memref<128x8x128xf32, #tpu.memory_space<hbm>>
      %dma_start3A_1771 = arith.constant 0 : i32
      %dma_start3A_1772 = arith.constant 0 : i32
      %dma_start3A_1773 = tpu.memref_slice %dma_start3A_1770[%add3A_1751, %dma_start3A_1771, %dma_start3A_1772] : memref<128x8x128xf32, #tpu.memory_space<hbm>> -> memref<1x8x128xf32, #tpu.memory_space<hbm>>
      %dma_start3A_1774 = tpu.memref_squeeze %dma_start3A_1773 : memref<1x8x128xf32, #tpu.memory_space<hbm>> -> memref<8x128xf32, #tpu.memory_space<hbm>>
      %dma_start3A_1775 = tpu.memref_slice %arg10[%rem3A_1669] : memref<2x!tpu.dma_semaphore, #tpu.memory_space<semaphore_mem>> -> memref<1x!tpu.dma_semaphore, #tpu.memory_space<semaphore_mem>>
      %dma_start3A_1776 = tpu.memref_squeeze %dma_start3A_1775 : memref<1x!tpu.dma_semaphore, #tpu.memory_space<semaphore_mem>> -> memref<!tpu.dma_semaphore, #tpu.memory_space<semaphore_mem>>
      %dma_start3A_1777 = arith.constant 0 : i32
      %dma_start3A_1778 = arith.constant 0 : i32
      %dma_start3A_1779 = arith.constant 0 : i32
      %dma_start3A_1780 = arith.constant 0 : i32
      %dma_start3A_1781 = tpu.memref_slice %arg4[%scan3A_1667, %dma_start3A_1777, %dma_start3A_1778, %dma_start3A_1779, %dma_start3A_1780] : memref<50x4x128x8x128xf32, #tpu.memory_space<hbm>> -> memref<1x4x128x8x128xf32, #tpu.memory_space<hbm>>
      %dma_start3A_1782 = tpu.memref_squeeze %dma_start3A_1781 : memref<1x4x128x8x128xf32, #tpu.memory_space<hbm>> -> memref<4x128x8x128xf32, #tpu.memory_space<hbm>>
      %dma_start3A_1783 = arith.constant 0 : i32
      %dma_start3A_1784 = arith.constant 0 : i32
      %dma_start3A_1785 = arith.constant 0 : i32
      %dma_start3A_1786 = tpu.memref_slice %dma_start3A_1782[%dma_start3A_1752, %dma_start3A_1783, %dma_start3A_1784, %dma_start3A_1785] : memref<4x128x8x128xf32, #tpu.memory_space<hbm>> -> memref<1x128x8x128xf32, #tpu.memory_space<hbm>>
      %dma_start3A_1787 = tpu.memref_squeeze %dma_start3A_1786 : memref<1x128x8x128xf32, #tpu.memory_space<hbm>> -> memref<128x8x128xf32, #tpu.memory_space<hbm>>
      %dma_start3A_1788 = arith.constant 0 : i32
      %dma_start3A_1789 = arith.constant 0 : i32
      %dma_start3A_1790 = tpu.memref_slice %dma_start3A_1787[%add3A_1751, %dma_start3A_1788, %dma_start3A_1789] : memref<128x8x128xf32, #tpu.memory_space<hbm>> -> memref<1x8x128xf32, #tpu.memory_space<hbm>>
      %dma_start3A_1791 = tpu.memref_squeeze %dma_start3A_1790 : memref<1x8x128xf32, #tpu.memory_space<hbm>> -> memref<8x128xf32, #tpu.memory_space<hbm>>
      %dma_start3A_1792 = arith.constant 0 : i32
      %dma_start3A_1793 = arith.constant 0 : i32
      %dma_start3A_1794 = tpu.memref_slice %arg8[%rem3A_1669, %dma_start3A_1792, %dma_start3A_1793] : memref<2x32x513xf32, #tpu.memory_space<vmem>> -> memref<1x32x513xf32, #tpu.memory_space<vmem>>
      %dma_start3A_1795 = tpu.memref_squeeze %dma_start3A_1794 : memref<1x32x513xf32, #tpu.memory_space<vmem>> -> memref<32x513xf32, #tpu.memory_space<vmem>>
      %dma_start3A_1796 = arith.constant 0 : i32
      %dma_start3A_1797 = arith.constant 128 : i32
      %dma_start3A_1798 = tpu.memref_slice %dma_start3A_1795[%dma_start3A_1796, %dma_start3A_1797] : memref<32x513xf32, #tpu.memory_space<vmem>> -> memref<8x128xf32, #tpu.memory_space<vmem>>
      tpu.enqueue_dma source(%dma_start3A_1798 : memref<8x128xf32, #tpu.memory_space<vmem>>) target(%dma_start3A_1791 : memref<8x128xf32, #tpu.memory_space<hbm>>) target_semaphore(%dma_start3A_1776 : memref<!tpu.dma_semaphore, #tpu.memory_space<semaphore_mem>>)
      %mul3A_1799 = arith.constant 4 : i32
      %mul3A_1800 = arith.muli %add3A, %mul3A_1799 : i32
      %add3A_1801 = arith.constant 2 : i32
      %add3A_1802 = arith.addi %mul3A_1800, %add3A_1801 : i32
      %dma_start3A_1803 = arith.constant 0 : i32
      %dma_start3A_1804 = arith.constant 0 : i32
      %dma_start3A_1805 = arith.constant 0 : i32
      %dma_start3A_1806 = tpu.memref_slice %arg8[%rem3A_1669, %dma_start3A_1804, %dma_start3A_1805] : memref<2x32x513xf32, #tpu.memory_space<vmem>> -> memref<1x32x513xf32, #tpu.memory_space<vmem>>
      %dma_start3A_1807 = tpu.memref_squeeze %dma_start3A_1806 : memref<1x32x513xf32, #tpu.memory_space<vmem>> -> memref<32x513xf32, #tpu.memory_space<vmem>>
      %dma_start3A_1808 = arith.constant 0 : i32
      %dma_start3A_1809 = arith.constant 256 : i32
      %dma_start3A_1810 = tpu.memref_slice %dma_start3A_1807[%dma_start3A_1808, %dma_start3A_1809] : memref<32x513xf32, #tpu.memory_space<vmem>> -> memref<8x128xf32, #tpu.memory_space<vmem>>
      %dma_start3A_1811 = arith.constant 0 : i32
      %dma_start3A_1812 = arith.constant 0 : i32
      %dma_start3A_1813 = arith.constant 0 : i32
      %dma_start3A_1814 = arith.constant 0 : i32
      %dma_start3A_1815 = tpu.memref_slice %arg4[%scan3A_1667, %dma_start3A_1811, %dma_start3A_1812, %dma_start3A_1813, %dma_start3A_1814] : memref<50x4x128x8x128xf32, #tpu.memory_space<hbm>> -> memref<1x4x128x8x128xf32, #tpu.memory_space<hbm>>
      %dma_start3A_1816 = tpu.memref_squeeze %dma_start3A_1815 : memref<1x4x128x8x128xf32, #tpu.memory_space<hbm>> -> memref<4x128x8x128xf32, #tpu.memory_space<hbm>>
      %dma_start3A_1817 = arith.constant 0 : i32
      %dma_start3A_1818 = arith.constant 0 : i32
      %dma_start3A_1819 = arith.constant 0 : i32
      %dma_start3A_1820 = tpu.memref_slice %dma_start3A_1816[%dma_start3A_1803, %dma_start3A_1817, %dma_start3A_1818, %dma_start3A_1819] : memref<4x128x8x128xf32, #tpu.memory_space<hbm>> -> memref<1x128x8x128xf32, #tpu.memory_space<hbm>>
      %dma_start3A_1821 = tpu.memref_squeeze %dma_start3A_1820 : memref<1x128x8x128xf32, #tpu.memory_space<hbm>> -> memref<128x8x128xf32, #tpu.memory_space<hbm>>
      %dma_start3A_1822 = arith.constant 0 : i32
      %dma_start3A_1823 = arith.constant 0 : i32
      %dma_start3A_1824 = tpu.memref_slice %dma_start3A_1821[%add3A_1802, %dma_start3A_1822, %dma_start3A_1823] : memref<128x8x128xf32, #tpu.memory_space<hbm>> -> memref<1x8x128xf32, #tpu.memory_space<hbm>>
      %dma_start3A_1825 = tpu.memref_squeeze %dma_start3A_1824 : memref<1x8x128xf32, #tpu.memory_space<hbm>> -> memref<8x128xf32, #tpu.memory_space<hbm>>
      %dma_start3A_1826 = tpu.memref_slice %arg10[%rem3A_1669] : memref<2x!tpu.dma_semaphore, #tpu.memory_space<semaphore_mem>> -> memref<1x!tpu.dma_semaphore, #tpu.memory_space<semaphore_mem>>
      %dma_start3A_1827 = tpu.memref_squeeze %dma_start3A_1826 : memref<1x!tpu.dma_semaphore, #tpu.memory_space<semaphore_mem>> -> memref<!tpu.dma_semaphore, #tpu.memory_space<semaphore_mem>>
      %dma_start3A_1828 = arith.constant 0 : i32
      %dma_start3A_1829 = arith.constant 0 : i32
      %dma_start3A_1830 = arith.constant 0 : i32
      %dma_start3A_1831 = arith.constant 0 : i32
      %dma_start3A_1832 = tpu.memref_slice %arg4[%scan3A_1667, %dma_start3A_1828, %dma_start3A_1829, %dma_start3A_1830, %dma_start3A_1831] : memref<50x4x128x8x128xf32, #tpu.memory_space<hbm>> -> memref<1x4x128x8x128xf32, #tpu.memory_space<hbm>>
      %dma_start3A_1833 = tpu.memref_squeeze %dma_start3A_1832 : memref<1x4x128x8x128xf32, #tpu.memory_space<hbm>> -> memref<4x128x8x128xf32, #tpu.memory_space<hbm>>
      %dma_start3A_1834 = arith.constant 0 : i32
      %dma_start3A_1835 = arith.constant 0 : i32
      %dma_start3A_1836 = arith.constant 0 : i32
      %dma_start3A_1837 = tpu.memref_slice %dma_start3A_1833[%dma_start3A_1803, %dma_start3A_1834, %dma_start3A_1835, %dma_start3A_1836] : memref<4x128x8x128xf32, #tpu.memory_space<hbm>> -> memref<1x128x8x128xf32, #tpu.memory_space<hbm>>
      %dma_start3A_1838 = tpu.memref_squeeze %dma_start3A_1837 : memref<1x128x8x128xf32, #tpu.memory_space<hbm>> -> memref<128x8x128xf32, #tpu.memory_space<hbm>>
      %dma_start3A_1839 = arith.constant 0 : i32
      %dma_start3A_1840 = arith.constant 0 : i32
      %dma_start3A_1841 = tpu.memref_slice %dma_start3A_1838[%add3A_1802, %dma_start3A_1839, %dma_start3A_1840] : memref<128x8x128xf32, #tpu.memory_space<hbm>> -> memref<1x8x128xf32, #tpu.memory_space<hbm>>
      %dma_start3A_1842 = tpu.memref_squeeze %dma_start3A_1841 : memref<1x8x128xf32, #tpu.memory_space<hbm>> -> memref<8x128xf32, #tpu.memory_space<hbm>>
      %dma_start3A_1843 = arith.constant 0 : i32
      %dma_start3A_1844 = arith.constant 0 : i32
      %dma_start3A_1845 = tpu.memref_slice %arg8[%rem3A_1669, %dma_start3A_1843, %dma_start3A_1844] : memref<2x32x513xf32, #tpu.memory_space<vmem>> -> memref<1x32x513xf32, #tpu.memory_space<vmem>>
      %dma_start3A_1846 = tpu.memref_squeeze %dma_start3A_1845 : memref<1x32x513xf32, #tpu.memory_space<vmem>> -> memref<32x513xf32, #tpu.memory_space<vmem>>
      %dma_start3A_1847 = arith.constant 0 : i32
      %dma_start3A_1848 = arith.constant 256 : i32
      %dma_start3A_1849 = tpu.memref_slice %dma_start3A_1846[%dma_start3A_1847, %dma_start3A_1848] : memref<32x513xf32, #tpu.memory_space<vmem>> -> memref<8x128xf32, #tpu.memory_space<vmem>>
      tpu.enqueue_dma source(%dma_start3A_1849 : memref<8x128xf32, #tpu.memory_space<vmem>>) target(%dma_start3A_1842 : memref<8x128xf32, #tpu.memory_space<hbm>>) target_semaphore(%dma_start3A_1827 : memref<!tpu.dma_semaphore, #tpu.memory_space<semaphore_mem>>)
      %mul3A_1850 = arith.constant 4 : i32
      %mul3A_1851 = arith.muli %add3A, %mul3A_1850 : i32
      %add3A_1852 = arith.constant 3 : i32
      %add3A_1853 = arith.addi %mul3A_1851, %add3A_1852 : i32
      %dma_start3A_1854 = arith.constant 0 : i32
      %dma_start3A_1855 = arith.constant 0 : i32
      %dma_start3A_1856 = arith.constant 0 : i32
      %dma_start3A_1857 = tpu.memref_slice %arg8[%rem3A_1669, %dma_start3A_1855, %dma_start3A_1856] : memref<2x32x513xf32, #tpu.memory_space<vmem>> -> memref<1x32x513xf32, #tpu.memory_space<vmem>>
      %dma_start3A_1858 = tpu.memref_squeeze %dma_start3A_1857 : memref<1x32x513xf32, #tpu.memory_space<vmem>> -> memref<32x513xf32, #tpu.memory_space<vmem>>
      %dma_start3A_1859 = arith.constant 0 : i32
      %dma_start3A_1860 = arith.constant 384 : i32
      %dma_start3A_1861 = tpu.memref_slice %dma_start3A_1858[%dma_start3A_1859, %dma_start3A_1860] : memref<32x513xf32, #tpu.memory_space<vmem>> -> memref<8x128xf32, #tpu.memory_space<vmem>>
      %dma_start3A_1862 = arith.constant 0 : i32
      %dma_start3A_1863 = arith.constant 0 : i32
      %dma_start3A_1864 = arith.constant 0 : i32
      %dma_start3A_1865 = arith.constant 0 : i32
      %dma_start3A_1866 = tpu.memref_slice %arg4[%scan3A_1667, %dma_start3A_1862, %dma_start3A_1863, %dma_start3A_1864, %dma_start3A_1865] : memref<50x4x128x8x128xf32, #tpu.memory_space<hbm>> -> memref<1x4x128x8x128xf32, #tpu.memory_space<hbm>>
      %dma_start3A_1867 = tpu.memref_squeeze %dma_start3A_1866 : memref<1x4x128x8x128xf32, #tpu.memory_space<hbm>> -> memref<4x128x8x128xf32, #tpu.memory_space<hbm>>
      %dma_start3A_1868 = arith.constant 0 : i32
      %dma_start3A_1869 = arith.constant 0 : i32
      %dma_start3A_1870 = arith.constant 0 : i32
      %dma_start3A_1871 = tpu.memref_slice %dma_start3A_1867[%dma_start3A_1854, %dma_start3A_1868, %dma_start3A_1869, %dma_start3A_1870] : memref<4x128x8x128xf32, #tpu.memory_space<hbm>> -> memref<1x128x8x128xf32, #tpu.memory_space<hbm>>
      %dma_start3A_1872 = tpu.memref_squeeze %dma_start3A_1871 : memref<1x128x8x128xf32, #tpu.memory_space<hbm>> -> memref<128x8x128xf32, #tpu.memory_space<hbm>>
      %dma_start3A_1873 = arith.constant 0 : i32
      %dma_start3A_1874 = arith.constant 0 : i32
      %dma_start3A_1875 = tpu.memref_slice %dma_start3A_1872[%add3A_1853, %dma_start3A_1873, %dma_start3A_1874] : memref<128x8x128xf32, #tpu.memory_space<hbm>> -> memref<1x8x128xf32, #tpu.memory_space<hbm>>
      %dma_start3A_1876 = tpu.memref_squeeze %dma_start3A_1875 : memref<1x8x128xf32, #tpu.memory_space<hbm>> -> memref<8x128xf32, #tpu.memory_space<hbm>>
      %dma_start3A_1877 = tpu.memref_slice %arg10[%rem3A_1669] : memref<2x!tpu.dma_semaphore, #tpu.memory_space<semaphore_mem>> -> memref<1x!tpu.dma_semaphore, #tpu.memory_space<semaphore_mem>>
      %dma_start3A_1878 = tpu.memref_squeeze %dma_start3A_1877 : memref<1x!tpu.dma_semaphore, #tpu.memory_space<semaphore_mem>> -> memref<!tpu.dma_semaphore, #tpu.memory_space<semaphore_mem>>
      %dma_start3A_1879 = arith.constant 0 : i32
      %dma_start3A_1880 = arith.constant 0 : i32
      %dma_start3A_1881 = arith.constant 0 : i32
      %dma_start3A_1882 = arith.constant 0 : i32
      %dma_start3A_1883 = tpu.memref_slice %arg4[%scan3A_1667, %dma_start3A_1879, %dma_start3A_1880, %dma_start3A_1881, %dma_start3A_1882] : memref<50x4x128x8x128xf32, #tpu.memory_space<hbm>> -> memref<1x4x128x8x128xf32, #tpu.memory_space<hbm>>
      %dma_start3A_1884 = tpu.memref_squeeze %dma_start3A_1883 : memref<1x4x128x8x128xf32, #tpu.memory_space<hbm>> -> memref<4x128x8x128xf32, #tpu.memory_space<hbm>>
      %dma_start3A_1885 = arith.constant 0 : i32
      %dma_start3A_1886 = arith.constant 0 : i32
      %dma_start3A_1887 = arith.constant 0 : i32
      %dma_start3A_1888 = tpu.memref_slice %dma_start3A_1884[%dma_start3A_1854, %dma_start3A_1885, %dma_start3A_1886, %dma_start3A_1887] : memref<4x128x8x128xf32, #tpu.memory_space<hbm>> -> memref<1x128x8x128xf32, #tpu.memory_space<hbm>>
      %dma_start3A_1889 = tpu.memref_squeeze %dma_start3A_1888 : memref<1x128x8x128xf32, #tpu.memory_space<hbm>> -> memref<128x8x128xf32, #tpu.memory_space<hbm>>
      %dma_start3A_1890 = arith.constant 0 : i32
      %dma_start3A_1891 = arith.constant 0 : i32
      %dma_start3A_1892 = tpu.memref_slice %dma_start3A_1889[%add3A_1853, %dma_start3A_1890, %dma_start3A_1891] : memref<128x8x128xf32, #tpu.memory_space<hbm>> -> memref<1x8x128xf32, #tpu.memory_space<hbm>>
      %dma_start3A_1893 = tpu.memref_squeeze %dma_start3A_1892 : memref<1x8x128xf32, #tpu.memory_space<hbm>> -> memref<8x128xf32, #tpu.memory_space<hbm>>
      %dma_start3A_1894 = arith.constant 0 : i32
      %dma_start3A_1895 = arith.constant 0 : i32
      %dma_start3A_1896 = tpu.memref_slice %arg8[%rem3A_1669, %dma_start3A_1894, %dma_start3A_1895] : memref<2x32x513xf32, #tpu.memory_space<vmem>> -> memref<1x32x513xf32, #tpu.memory_space<vmem>>
      %dma_start3A_1897 = tpu.memref_squeeze %dma_start3A_1896 : memref<1x32x513xf32, #tpu.memory_space<vmem>> -> memref<32x513xf32, #tpu.memory_space<vmem>>
      %dma_start3A_1898 = arith.constant 0 : i32
      %dma_start3A_1899 = arith.constant 384 : i32
      %dma_start3A_1900 = tpu.memref_slice %dma_start3A_1897[%dma_start3A_1898, %dma_start3A_1899] : memref<32x513xf32, #tpu.memory_space<vmem>> -> memref<8x128xf32, #tpu.memory_space<vmem>>
      tpu.enqueue_dma source(%dma_start3A_1900 : memref<8x128xf32, #tpu.memory_space<vmem>>) target(%dma_start3A_1893 : memref<8x128xf32, #tpu.memory_space<hbm>>) target_semaphore(%dma_start3A_1878 : memref<!tpu.dma_semaphore, #tpu.memory_space<semaphore_mem>>)
      %mul3A_1901 = arith.constant 4 : i32
      %mul3A_1902 = arith.muli %add3A, %mul3A_1901 : i32
      %add3A_1903 = arith.constant 0 : i32
      %add3A_1904 = arith.addi %mul3A_1902, %add3A_1903 : i32
      %dma_start3A_1905 = arith.constant 1 : i32
      %dma_start3A_1906 = arith.constant 0 : i32
      %dma_start3A_1907 = arith.constant 0 : i32
      %dma_start3A_1908 = tpu.memref_slice %arg8[%rem3A_1669, %dma_start3A_1906, %dma_start3A_1907] : memref<2x32x513xf32, #tpu.memory_space<vmem>> -> memref<1x32x513xf32, #tpu.memory_space<vmem>>
      %dma_start3A_1909 = tpu.memref_squeeze %dma_start3A_1908 : memref<1x32x513xf32, #tpu.memory_space<vmem>> -> memref<32x513xf32, #tpu.memory_space<vmem>>
      %dma_start3A_1910 = arith.constant 8 : i32
      %dma_start3A_1911 = arith.constant 0 : i32
      %dma_start3A_1912 = tpu.memref_slice %dma_start3A_1909[%dma_start3A_1910, %dma_start3A_1911] : memref<32x513xf32, #tpu.memory_space<vmem>> -> memref<8x128xf32, #tpu.memory_space<vmem>>
      %dma_start3A_1913 = arith.constant 0 : i32
      %dma_start3A_1914 = arith.constant 0 : i32
      %dma_start3A_1915 = arith.constant 0 : i32
      %dma_start3A_1916 = arith.constant 0 : i32
      %dma_start3A_1917 = tpu.memref_slice %arg4[%scan3A_1667, %dma_start3A_1913, %dma_start3A_1914, %dma_start3A_1915, %dma_start3A_1916] : memref<50x4x128x8x128xf32, #tpu.memory_space<hbm>> -> memref<1x4x128x8x128xf32, #tpu.memory_space<hbm>>
      %dma_start3A_1918 = tpu.memref_squeeze %dma_start3A_1917 : memref<1x4x128x8x128xf32, #tpu.memory_space<hbm>> -> memref<4x128x8x128xf32, #tpu.memory_space<hbm>>
      %dma_start3A_1919 = arith.constant 0 : i32
      %dma_start3A_1920 = arith.constant 0 : i32
      %dma_start3A_1921 = arith.constant 0 : i32
      %dma_start3A_1922 = tpu.memref_slice %dma_start3A_1918[%dma_start3A_1905, %dma_start3A_1919, %dma_start3A_1920, %dma_start3A_1921] : memref<4x128x8x128xf32, #tpu.memory_space<hbm>> -> memref<1x128x8x128xf32, #tpu.memory_space<hbm>>
      %dma_start3A_1923 = tpu.memref_squeeze %dma_start3A_1922 : memref<1x128x8x128xf32, #tpu.memory_space<hbm>> -> memref<128x8x128xf32, #tpu.memory_space<hbm>>
      %dma_start3A_1924 = arith.constant 0 : i32
      %dma_start3A_1925 = arith.constant 0 : i32
      %dma_start3A_1926 = tpu.memref_slice %dma_start3A_1923[%add3A_1904, %dma_start3A_1924, %dma_start3A_1925] : memref<128x8x128xf32, #tpu.memory_space<hbm>> -> memref<1x8x128xf32, #tpu.memory_space<hbm>>
      %dma_start3A_1927 = tpu.memref_squeeze %dma_start3A_1926 : memref<1x8x128xf32, #tpu.memory_space<hbm>> -> memref<8x128xf32, #tpu.memory_space<hbm>>
      %dma_start3A_1928 = tpu.memref_slice %arg10[%rem3A_1669] : memref<2x!tpu.dma_semaphore, #tpu.memory_space<semaphore_mem>> -> memref<1x!tpu.dma_semaphore, #tpu.memory_space<semaphore_mem>>
      %dma_start3A_1929 = tpu.memref_squeeze %dma_start3A_1928 : memref<1x!tpu.dma_semaphore, #tpu.memory_space<semaphore_mem>> -> memref<!tpu.dma_semaphore, #tpu.memory_space<semaphore_mem>>
      %dma_start3A_1930 = arith.constant 0 : i32
      %dma_start3A_1931 = arith.constant 0 : i32
      %dma_start3A_1932 = arith.constant 0 : i32
      %dma_start3A_1933 = arith.constant 0 : i32
      %dma_start3A_1934 = tpu.memref_slice %arg4[%scan3A_1667, %dma_start3A_1930, %dma_start3A_1931, %dma_start3A_1932, %dma_start3A_1933] : memref<50x4x128x8x128xf32, #tpu.memory_space<hbm>> -> memref<1x4x128x8x128xf32, #tpu.memory_space<hbm>>
      %dma_start3A_1935 = tpu.memref_squeeze %dma_start3A_1934 : memref<1x4x128x8x128xf32, #tpu.memory_space<hbm>> -> memref<4x128x8x128xf32, #tpu.memory_space<hbm>>
      %dma_start3A_1936 = arith.constant 0 : i32
      %dma_start3A_1937 = arith.constant 0 : i32
      %dma_start3A_1938 = arith.constant 0 : i32
      %dma_start3A_1939 = tpu.memref_slice %dma_start3A_1935[%dma_start3A_1905, %dma_start3A_1936, %dma_start3A_1937, %dma_start3A_1938] : memref<4x128x8x128xf32, #tpu.memory_space<hbm>> -> memref<1x128x8x128xf32, #tpu.memory_space<hbm>>
      %dma_start3A_1940 = tpu.memref_squeeze %dma_start3A_1939 : memref<1x128x8x128xf32, #tpu.memory_space<hbm>> -> memref<128x8x128xf32, #tpu.memory_space<hbm>>
      %dma_start3A_1941 = arith.constant 0 : i32
      %dma_start3A_1942 = arith.constant 0 : i32
      %dma_start3A_1943 = tpu.memref_slice %dma_start3A_1940[%add3A_1904, %dma_start3A_1941, %dma_start3A_1942] : memref<128x8x128xf32, #tpu.memory_space<hbm>> -> memref<1x8x128xf32, #tpu.memory_space<hbm>>
      %dma_start3A_1944 = tpu.memref_squeeze %dma_start3A_1943 : memref<1x8x128xf32, #tpu.memory_space<hbm>> -> memref<8x128xf32, #tpu.memory_space<hbm>>
      %dma_start3A_1945 = arith.constant 0 : i32
      %dma_start3A_1946 = arith.constant 0 : i32
      %dma_start3A_1947 = tpu.memref_slice %arg8[%rem3A_1669, %dma_start3A_1945, %dma_start3A_1946] : memref<2x32x513xf32, #tpu.memory_space<vmem>> -> memref<1x32x513xf32, #tpu.memory_space<vmem>>
      %dma_start3A_1948 = tpu.memref_squeeze %dma_start3A_1947 : memref<1x32x513xf32, #tpu.memory_space<vmem>> -> memref<32x513xf32, #tpu.memory_space<vmem>>
      %dma_start3A_1949 = arith.constant 8 : i32
      %dma_start3A_1950 = arith.constant 0 : i32
      %dma_start3A_1951 = tpu.memref_slice %dma_start3A_1948[%dma_start3A_1949, %dma_start3A_1950] : memref<32x513xf32, #tpu.memory_space<vmem>> -> memref<8x128xf32, #tpu.memory_space<vmem>>
      tpu.enqueue_dma source(%dma_start3A_1951 : memref<8x128xf32, #tpu.memory_space<vmem>>) target(%dma_start3A_1944 : memref<8x128xf32, #tpu.memory_space<hbm>>) target_semaphore(%dma_start3A_1929 : memref<!tpu.dma_semaphore, #tpu.memory_space<semaphore_mem>>)
      %mul3A_1952 = arith.constant 4 : i32
      %mul3A_1953 = arith.muli %add3A, %mul3A_1952 : i32
      %add3A_1954 = arith.constant 1 : i32
      %add3A_1955 = arith.addi %mul3A_1953, %add3A_1954 : i32
      %dma_start3A_1956 = arith.constant 1 : i32
      %dma_start3A_1957 = arith.constant 0 : i32
      %dma_start3A_1958 = arith.constant 0 : i32
      %dma_start3A_1959 = tpu.memref_slice %arg8[%rem3A_1669, %dma_start3A_1957, %dma_start3A_1958] : memref<2x32x513xf32, #tpu.memory_space<vmem>> -> memref<1x32x513xf32, #tpu.memory_space<vmem>>
      %dma_start3A_1960 = tpu.memref_squeeze %dma_start3A_1959 : memref<1x32x513xf32, #tpu.memory_space<vmem>> -> memref<32x513xf32, #tpu.memory_space<vmem>>
      %dma_start3A_1961 = arith.constant 8 : i32
      %dma_start3A_1962 = arith.constant 128 : i32
      %dma_start3A_1963 = tpu.memref_slice %dma_start3A_1960[%dma_start3A_1961, %dma_start3A_1962] : memref<32x513xf32, #tpu.memory_space<vmem>> -> memref<8x128xf32, #tpu.memory_space<vmem>>
      %dma_start3A_1964 = arith.constant 0 : i32
      %dma_start3A_1965 = arith.constant 0 : i32
      %dma_start3A_1966 = arith.constant 0 : i32
      %dma_start3A_1967 = arith.constant 0 : i32
      %dma_start3A_1968 = tpu.memref_slice %arg4[%scan3A_1667, %dma_start3A_1964, %dma_start3A_1965, %dma_start3A_1966, %dma_start3A_1967] : memref<50x4x128x8x128xf32, #tpu.memory_space<hbm>> -> memref<1x4x128x8x128xf32, #tpu.memory_space<hbm>>
      %dma_start3A_1969 = tpu.memref_squeeze %dma_start3A_1968 : memref<1x4x128x8x128xf32, #tpu.memory_space<hbm>> -> memref<4x128x8x128xf32, #tpu.memory_space<hbm>>
      %dma_start3A_1970 = arith.constant 0 : i32
      %dma_start3A_1971 = arith.constant 0 : i32
      %dma_start3A_1972 = arith.constant 0 : i32
      %dma_start3A_1973 = tpu.memref_slice %dma_start3A_1969[%dma_start3A_1956, %dma_start3A_1970, %dma_start3A_1971, %dma_start3A_1972] : memref<4x128x8x128xf32, #tpu.memory_space<hbm>> -> memref<1x128x8x128xf32, #tpu.memory_space<hbm>>
      %dma_start3A_1974 = tpu.memref_squeeze %dma_start3A_1973 : memref<1x128x8x128xf32, #tpu.memory_space<hbm>> -> memref<128x8x128xf32, #tpu.memory_space<hbm>>
      %dma_start3A_1975 = arith.constant 0 : i32
      %dma_start3A_1976 = arith.constant 0 : i32
      %dma_start3A_1977 = tpu.memref_slice %dma_start3A_1974[%add3A_1955, %dma_start3A_1975, %dma_start3A_1976] : memref<128x8x128xf32, #tpu.memory_space<hbm>> -> memref<1x8x128xf32, #tpu.memory_space<hbm>>
      %dma_start3A_1978 = tpu.memref_squeeze %dma_start3A_1977 : memref<1x8x128xf32, #tpu.memory_space<hbm>> -> memref<8x128xf32, #tpu.memory_space<hbm>>
      %dma_start3A_1979 = tpu.memref_slice %arg10[%rem3A_1669] : memref<2x!tpu.dma_semaphore, #tpu.memory_space<semaphore_mem>> -> memref<1x!tpu.dma_semaphore, #tpu.memory_space<semaphore_mem>>
      %dma_start3A_1980 = tpu.memref_squeeze %dma_start3A_1979 : memref<1x!tpu.dma_semaphore, #tpu.memory_space<semaphore_mem>> -> memref<!tpu.dma_semaphore, #tpu.memory_space<semaphore_mem>>
      %dma_start3A_1981 = arith.constant 0 : i32
      %dma_start3A_1982 = arith.constant 0 : i32
      %dma_start3A_1983 = arith.constant 0 : i32
      %dma_start3A_1984 = arith.constant 0 : i32
      %dma_start3A_1985 = tpu.memref_slice %arg4[%scan3A_1667, %dma_start3A_1981, %dma_start3A_1982, %dma_start3A_1983, %dma_start3A_1984] : memref<50x4x128x8x128xf32, #tpu.memory_space<hbm>> -> memref<1x4x128x8x128xf32, #tpu.memory_space<hbm>>
      %dma_start3A_1986 = tpu.memref_squeeze %dma_start3A_1985 : memref<1x4x128x8x128xf32, #tpu.memory_space<hbm>> -> memref<4x128x8x128xf32, #tpu.memory_space<hbm>>
      %dma_start3A_1987 = arith.constant 0 : i32
      %dma_start3A_1988 = arith.constant 0 : i32
      %dma_start3A_1989 = arith.constant 0 : i32
      %dma_start3A_1990 = tpu.memref_slice %dma_start3A_1986[%dma_start3A_1956, %dma_start3A_1987, %dma_start3A_1988, %dma_start3A_1989] : memref<4x128x8x128xf32, #tpu.memory_space<hbm>> -> memref<1x128x8x128xf32, #tpu.memory_space<hbm>>
      %dma_start3A_1991 = tpu.memref_squeeze %dma_start3A_1990 : memref<1x128x8x128xf32, #tpu.memory_space<hbm>> -> memref<128x8x128xf32, #tpu.memory_space<hbm>>
      %dma_start3A_1992 = arith.constant 0 : i32
      %dma_start3A_1993 = arith.constant 0 : i32
      %dma_start3A_1994 = tpu.memref_slice %dma_start3A_1991[%add3A_1955, %dma_start3A_1992, %dma_start3A_1993] : memref<128x8x128xf32, #tpu.memory_space<hbm>> -> memref<1x8x128xf32, #tpu.memory_space<hbm>>
      %dma_start3A_1995 = tpu.memref_squeeze %dma_start3A_1994 : memref<1x8x128xf32, #tpu.memory_space<hbm>> -> memref<8x128xf32, #tpu.memory_space<hbm>>
      %dma_start3A_1996 = arith.constant 0 : i32
      %dma_start3A_1997 = arith.constant 0 : i32
      %dma_start3A_1998 = tpu.memref_slice %arg8[%rem3A_1669, %dma_start3A_1996, %dma_start3A_1997] : memref<2x32x513xf32, #tpu.memory_space<vmem>> -> memref<1x32x513xf32, #tpu.memory_space<vmem>>
      %dma_start3A_1999 = tpu.memref_squeeze %dma_start3A_1998 : memref<1x32x513xf32, #tpu.memory_space<vmem>> -> memref<32x513xf32, #tpu.memory_space<vmem>>
      %dma_start3A_2000 = arith.constant 8 : i32
      %dma_start3A_2001 = arith.constant 128 : i32
      %dma_start3A_2002 = tpu.memref_slice %dma_start3A_1999[%dma_start3A_2000, %dma_start3A_2001] : memref<32x513xf32, #tpu.memory_space<vmem>> -> memref<8x128xf32, #tpu.memory_space<vmem>>
      tpu.enqueue_dma source(%dma_start3A_2002 : memref<8x128xf32, #tpu.memory_space<vmem>>) target(%dma_start3A_1995 : memref<8x128xf32, #tpu.memory_space<hbm>>) target_semaphore(%dma_start3A_1980 : memref<!tpu.dma_semaphore, #tpu.memory_space<semaphore_mem>>)
      %mul3A_2003 = arith.constant 4 : i32
      %mul3A_2004 = arith.muli %add3A, %mul3A_2003 : i32
      %add3A_2005 = arith.constant 2 : i32
      %add3A_2006 = arith.addi %mul3A_2004, %add3A_2005 : i32
      %dma_start3A_2007 = arith.constant 1 : i32
      %dma_start3A_2008 = arith.constant 0 : i32
      %dma_start3A_2009 = arith.constant 0 : i32
      %dma_start3A_2010 = tpu.memref_slice %arg8[%rem3A_1669, %dma_start3A_2008, %dma_start3A_2009] : memref<2x32x513xf32, #tpu.memory_space<vmem>> -> memref<1x32x513xf32, #tpu.memory_space<vmem>>
      %dma_start3A_2011 = tpu.memref_squeeze %dma_start3A_2010 : memref<1x32x513xf32, #tpu.memory_space<vmem>> -> memref<32x513xf32, #tpu.memory_space<vmem>>
      %dma_start3A_2012 = arith.constant 8 : i32
      %dma_start3A_2013 = arith.constant 256 : i32
      %dma_start3A_2014 = tpu.memref_slice %dma_start3A_2011[%dma_start3A_2012, %dma_start3A_2013] : memref<32x513xf32, #tpu.memory_space<vmem>> -> memref<8x128xf32, #tpu.memory_space<vmem>>
      %dma_start3A_2015 = arith.constant 0 : i32
      %dma_start3A_2016 = arith.constant 0 : i32
      %dma_start3A_2017 = arith.constant 0 : i32
      %dma_start3A_2018 = arith.constant 0 : i32
      %dma_start3A_2019 = tpu.memref_slice %arg4[%scan3A_1667, %dma_start3A_2015, %dma_start3A_2016, %dma_start3A_2017, %dma_start3A_2018] : memref<50x4x128x8x128xf32, #tpu.memory_space<hbm>> -> memref<1x4x128x8x128xf32, #tpu.memory_space<hbm>>
      %dma_start3A_2020 = tpu.memref_squeeze %dma_start3A_2019 : memref<1x4x128x8x128xf32, #tpu.memory_space<hbm>> -> memref<4x128x8x128xf32, #tpu.memory_space<hbm>>
      %dma_start3A_2021 = arith.constant 0 : i32
      %dma_start3A_2022 = arith.constant 0 : i32
      %dma_start3A_2023 = arith.constant 0 : i32
      %dma_start3A_2024 = tpu.memref_slice %dma_start3A_2020[%dma_start3A_2007, %dma_start3A_2021, %dma_start3A_2022, %dma_start3A_2023] : memref<4x128x8x128xf32, #tpu.memory_space<hbm>> -> memref<1x128x8x128xf32, #tpu.memory_space<hbm>>
      %dma_start3A_2025 = tpu.memref_squeeze %dma_start3A_2024 : memref<1x128x8x128xf32, #tpu.memory_space<hbm>> -> memref<128x8x128xf32, #tpu.memory_space<hbm>>
      %dma_start3A_2026 = arith.constant 0 : i32
      %dma_start3A_2027 = arith.constant 0 : i32
      %dma_start3A_2028 = tpu.memref_slice %dma_start3A_2025[%add3A_2006, %dma_start3A_2026, %dma_start3A_2027] : memref<128x8x128xf32, #tpu.memory_space<hbm>> -> memref<1x8x128xf32, #tpu.memory_space<hbm>>
      %dma_start3A_2029 = tpu.memref_squeeze %dma_start3A_2028 : memref<1x8x128xf32, #tpu.memory_space<hbm>> -> memref<8x128xf32, #tpu.memory_space<hbm>>
      %dma_start3A_2030 = tpu.memref_slice %arg10[%rem3A_1669] : memref<2x!tpu.dma_semaphore, #tpu.memory_space<semaphore_mem>> -> memref<1x!tpu.dma_semaphore, #tpu.memory_space<semaphore_mem>>
      %dma_start3A_2031 = tpu.memref_squeeze %dma_start3A_2030 : memref<1x!tpu.dma_semaphore, #tpu.memory_space<semaphore_mem>> -> memref<!tpu.dma_semaphore, #tpu.memory_space<semaphore_mem>>
      %dma_start3A_2032 = arith.constant 0 : i32
      %dma_start3A_2033 = arith.constant 0 : i32
      %dma_start3A_2034 = arith.constant 0 : i32
      %dma_start3A_2035 = arith.constant 0 : i32
      %dma_start3A_2036 = tpu.memref_slice %arg4[%scan3A_1667, %dma_start3A_2032, %dma_start3A_2033, %dma_start3A_2034, %dma_start3A_2035] : memref<50x4x128x8x128xf32, #tpu.memory_space<hbm>> -> memref<1x4x128x8x128xf32, #tpu.memory_space<hbm>>
      %dma_start3A_2037 = tpu.memref_squeeze %dma_start3A_2036 : memref<1x4x128x8x128xf32, #tpu.memory_space<hbm>> -> memref<4x128x8x128xf32, #tpu.memory_space<hbm>>
      %dma_start3A_2038 = arith.constant 0 : i32
      %dma_start3A_2039 = arith.constant 0 : i32
      %dma_start3A_2040 = arith.constant 0 : i32
      %dma_start3A_2041 = tpu.memref_slice %dma_start3A_2037[%dma_start3A_2007, %dma_start3A_2038, %dma_start3A_2039, %dma_start3A_2040] : memref<4x128x8x128xf32, #tpu.memory_space<hbm>> -> memref<1x128x8x128xf32, #tpu.memory_space<hbm>>
      %dma_start3A_2042 = tpu.memref_squeeze %dma_start3A_2041 : memref<1x128x8x128xf32, #tpu.memory_space<hbm>> -> memref<128x8x128xf32, #tpu.memory_space<hbm>>
      %dma_start3A_2043 = arith.constant 0 : i32
      %dma_start3A_2044 = arith.constant 0 : i32
      %dma_start3A_2045 = tpu.memref_slice %dma_start3A_2042[%add3A_2006, %dma_start3A_2043, %dma_start3A_2044] : memref<128x8x128xf32, #tpu.memory_space<hbm>> -> memref<1x8x128xf32, #tpu.memory_space<hbm>>
      %dma_start3A_2046 = tpu.memref_squeeze %dma_start3A_2045 : memref<1x8x128xf32, #tpu.memory_space<hbm>> -> memref<8x128xf32, #tpu.memory_space<hbm>>
      %dma_start3A_2047 = arith.constant 0 : i32
      %dma_start3A_2048 = arith.constant 0 : i32
      %dma_start3A_2049 = tpu.memref_slice %arg8[%rem3A_1669, %dma_start3A_2047, %dma_start3A_2048] : memref<2x32x513xf32, #tpu.memory_space<vmem>> -> memref<1x32x513xf32, #tpu.memory_space<vmem>>
      %dma_start3A_2050 = tpu.memref_squeeze %dma_start3A_2049 : memref<1x32x513xf32, #tpu.memory_space<vmem>> -> memref<32x513xf32, #tpu.memory_space<vmem>>
      %dma_start3A_2051 = arith.constant 8 : i32
      %dma_start3A_2052 = arith.constant 256 : i32
      %dma_start3A_2053 = tpu.memref_slice %dma_start3A_2050[%dma_start3A_2051, %dma_start3A_2052] : memref<32x513xf32, #tpu.memory_space<vmem>> -> memref<8x128xf32, #tpu.memory_space<vmem>>
      tpu.enqueue_dma source(%dma_start3A_2053 : memref<8x128xf32, #tpu.memory_space<vmem>>) target(%dma_start3A_2046 : memref<8x128xf32, #tpu.memory_space<hbm>>) target_semaphore(%dma_start3A_2031 : memref<!tpu.dma_semaphore, #tpu.memory_space<semaphore_mem>>)
      %mul3A_2054 = arith.constant 4 : i32
      %mul3A_2055 = arith.muli %add3A, %mul3A_2054 : i32
      %add3A_2056 = arith.constant 3 : i32
      %add3A_2057 = arith.addi %mul3A_2055, %add3A_2056 : i32
      %dma_start3A_2058 = arith.constant 1 : i32
      %dma_start3A_2059 = arith.constant 0 : i32
      %dma_start3A_2060 = arith.constant 0 : i32
      %dma_start3A_2061 = tpu.memref_slice %arg8[%rem3A_1669, %dma_start3A_2059, %dma_start3A_2060] : memref<2x32x513xf32, #tpu.memory_space<vmem>> -> memref<1x32x513xf32, #tpu.memory_space<vmem>>
      %dma_start3A_2062 = tpu.memref_squeeze %dma_start3A_2061 : memref<1x32x513xf32, #tpu.memory_space<vmem>> -> memref<32x513xf32, #tpu.memory_space<vmem>>
      %dma_start3A_2063 = arith.constant 8 : i32
      %dma_start3A_2064 = arith.constant 384 : i32
      %dma_start3A_2065 = tpu.memref_slice %dma_start3A_2062[%dma_start3A_2063, %dma_start3A_2064] : memref<32x513xf32, #tpu.memory_space<vmem>> -> memref<8x128xf32, #tpu.memory_space<vmem>>
      %dma_start3A_2066 = arith.constant 0 : i32
      %dma_start3A_2067 = arith.constant 0 : i32
      %dma_start3A_2068 = arith.constant 0 : i32
      %dma_start3A_2069 = arith.constant 0 : i32
      %dma_start3A_2070 = tpu.memref_slice %arg4[%scan3A_1667, %dma_start3A_2066, %dma_start3A_2067, %dma_start3A_2068, %dma_start3A_2069] : memref<50x4x128x8x128xf32, #tpu.memory_space<hbm>> -> memref<1x4x128x8x128xf32, #tpu.memory_space<hbm>>
      %dma_start3A_2071 = tpu.memref_squeeze %dma_start3A_2070 : memref<1x4x128x8x128xf32, #tpu.memory_space<hbm>> -> memref<4x128x8x128xf32, #tpu.memory_space<hbm>>
      %dma_start3A_2072 = arith.constant 0 : i32
      %dma_start3A_2073 = arith.constant 0 : i32
      %dma_start3A_2074 = arith.constant 0 : i32
      %dma_start3A_2075 = tpu.memref_slice %dma_start3A_2071[%dma_start3A_2058, %dma_start3A_2072, %dma_start3A_2073, %dma_start3A_2074] : memref<4x128x8x128xf32, #tpu.memory_space<hbm>> -> memref<1x128x8x128xf32, #tpu.memory_space<hbm>>
      %dma_start3A_2076 = tpu.memref_squeeze %dma_start3A_2075 : memref<1x128x8x128xf32, #tpu.memory_space<hbm>> -> memref<128x8x128xf32, #tpu.memory_space<hbm>>
      %dma_start3A_2077 = arith.constant 0 : i32
      %dma_start3A_2078 = arith.constant 0 : i32
      %dma_start3A_2079 = tpu.memref_slice %dma_start3A_2076[%add3A_2057, %dma_start3A_2077, %dma_start3A_2078] : memref<128x8x128xf32, #tpu.memory_space<hbm>> -> memref<1x8x128xf32, #tpu.memory_space<hbm>>
      %dma_start3A_2080 = tpu.memref_squeeze %dma_start3A_2079 : memref<1x8x128xf32, #tpu.memory_space<hbm>> -> memref<8x128xf32, #tpu.memory_space<hbm>>
      %dma_start3A_2081 = tpu.memref_slice %arg10[%rem3A_1669] : memref<2x!tpu.dma_semaphore, #tpu.memory_space<semaphore_mem>> -> memref<1x!tpu.dma_semaphore, #tpu.memory_space<semaphore_mem>>
      %dma_start3A_2082 = tpu.memref_squeeze %dma_start3A_2081 : memref<1x!tpu.dma_semaphore, #tpu.memory_space<semaphore_mem>> -> memref<!tpu.dma_semaphore, #tpu.memory_space<semaphore_mem>>
      %dma_start3A_2083 = arith.constant 0 : i32
      %dma_start3A_2084 = arith.constant 0 : i32
      %dma_start3A_2085 = arith.constant 0 : i32
      %dma_start3A_2086 = arith.constant 0 : i32
      %dma_start3A_2087 = tpu.memref_slice %arg4[%scan3A_1667, %dma_start3A_2083, %dma_start3A_2084, %dma_start3A_2085, %dma_start3A_2086] : memref<50x4x128x8x128xf32, #tpu.memory_space<hbm>> -> memref<1x4x128x8x128xf32, #tpu.memory_space<hbm>>
      %dma_start3A_2088 = tpu.memref_squeeze %dma_start3A_2087 : memref<1x4x128x8x128xf32, #tpu.memory_space<hbm>> -> memref<4x128x8x128xf32, #tpu.memory_space<hbm>>
      %dma_start3A_2089 = arith.constant 0 : i32
      %dma_start3A_2090 = arith.constant 0 : i32
      %dma_start3A_2091 = arith.constant 0 : i32
      %dma_start3A_2092 = tpu.memref_slice %dma_start3A_2088[%dma_start3A_2058, %dma_start3A_2089, %dma_start3A_2090, %dma_start3A_2091] : memref<4x128x8x128xf32, #tpu.memory_space<hbm>> -> memref<1x128x8x128xf32, #tpu.memory_space<hbm>>
      %dma_start3A_2093 = tpu.memref_squeeze %dma_start3A_2092 : memref<1x128x8x128xf32, #tpu.memory_space<hbm>> -> memref<128x8x128xf32, #tpu.memory_space<hbm>>
      %dma_start3A_2094 = arith.constant 0 : i32
      %dma_start3A_2095 = arith.constant 0 : i32
      %dma_start3A_2096 = tpu.memref_slice %dma_start3A_2093[%add3A_2057, %dma_start3A_2094, %dma_start3A_2095] : memref<128x8x128xf32, #tpu.memory_space<hbm>> -> memref<1x8x128xf32, #tpu.memory_space<hbm>>
      %dma_start3A_2097 = tpu.memref_squeeze %dma_start3A_2096 : memref<1x8x128xf32, #tpu.memory_space<hbm>> -> memref<8x128xf32, #tpu.memory_space<hbm>>
      %dma_start3A_2098 = arith.constant 0 : i32
      %dma_start3A_2099 = arith.constant 0 : i32
      %dma_start3A_2100 = tpu.memref_slice %arg8[%rem3A_1669, %dma_start3A_2098, %dma_start3A_2099] : memref<2x32x513xf32, #tpu.memory_space<vmem>> -> memref<1x32x513xf32, #tpu.memory_space<vmem>>
      %dma_start3A_2101 = tpu.memref_squeeze %dma_start3A_2100 : memref<1x32x513xf32, #tpu.memory_space<vmem>> -> memref<32x513xf32, #tpu.memory_space<vmem>>
      %dma_start3A_2102 = arith.constant 8 : i32
      %dma_start3A_2103 = arith.constant 384 : i32
      %dma_start3A_2104 = tpu.memref_slice %dma_start3A_2101[%dma_start3A_2102, %dma_start3A_2103] : memref<32x513xf32, #tpu.memory_space<vmem>> -> memref<8x128xf32, #tpu.memory_space<vmem>>
      tpu.enqueue_dma source(%dma_start3A_2104 : memref<8x128xf32, #tpu.memory_space<vmem>>) target(%dma_start3A_2097 : memref<8x128xf32, #tpu.memory_space<hbm>>) target_semaphore(%dma_start3A_2082 : memref<!tpu.dma_semaphore, #tpu.memory_space<semaphore_mem>>)
      %mul3A_2105 = arith.constant 4 : i32
      %mul3A_2106 = arith.muli %add3A, %mul3A_2105 : i32
      %add3A_2107 = arith.constant 0 : i32
      %add3A_2108 = arith.addi %mul3A_2106, %add3A_2107 : i32
      %dma_start3A_2109 = arith.constant 2 : i32
      %dma_start3A_2110 = arith.constant 0 : i32
      %dma_start3A_2111 = arith.constant 0 : i32
      %dma_start3A_2112 = tpu.memref_slice %arg8[%rem3A_1669, %dma_start3A_2110, %dma_start3A_2111] : memref<2x32x513xf32, #tpu.memory_space<vmem>> -> memref<1x32x513xf32, #tpu.memory_space<vmem>>
      %dma_start3A_2113 = tpu.memref_squeeze %dma_start3A_2112 : memref<1x32x513xf32, #tpu.memory_space<vmem>> -> memref<32x513xf32, #tpu.memory_space<vmem>>
      %dma_start3A_2114 = arith.constant 16 : i32
      %dma_start3A_2115 = arith.constant 0 : i32
      %dma_start3A_2116 = tpu.memref_slice %dma_start3A_2113[%dma_start3A_2114, %dma_start3A_2115] : memref<32x513xf32, #tpu.memory_space<vmem>> -> memref<8x128xf32, #tpu.memory_space<vmem>>
      %dma_start3A_2117 = arith.constant 0 : i32
      %dma_start3A_2118 = arith.constant 0 : i32
      %dma_start3A_2119 = arith.constant 0 : i32
      %dma_start3A_2120 = arith.constant 0 : i32
      %dma_start3A_2121 = tpu.memref_slice %arg4[%scan3A_1667, %dma_start3A_2117, %dma_start3A_2118, %dma_start3A_2119, %dma_start3A_2120] : memref<50x4x128x8x128xf32, #tpu.memory_space<hbm>> -> memref<1x4x128x8x128xf32, #tpu.memory_space<hbm>>
      %dma_start3A_2122 = tpu.memref_squeeze %dma_start3A_2121 : memref<1x4x128x8x128xf32, #tpu.memory_space<hbm>> -> memref<4x128x8x128xf32, #tpu.memory_space<hbm>>
      %dma_start3A_2123 = arith.constant 0 : i32
      %dma_start3A_2124 = arith.constant 0 : i32
      %dma_start3A_2125 = arith.constant 0 : i32
      %dma_start3A_2126 = tpu.memref_slice %dma_start3A_2122[%dma_start3A_2109, %dma_start3A_2123, %dma_start3A_2124, %dma_start3A_2125] : memref<4x128x8x128xf32, #tpu.memory_space<hbm>> -> memref<1x128x8x128xf32, #tpu.memory_space<hbm>>
      %dma_start3A_2127 = tpu.memref_squeeze %dma_start3A_2126 : memref<1x128x8x128xf32, #tpu.memory_space<hbm>> -> memref<128x8x128xf32, #tpu.memory_space<hbm>>
      %dma_start3A_2128 = arith.constant 0 : i32
      %dma_start3A_2129 = arith.constant 0 : i32
      %dma_start3A_2130 = tpu.memref_slice %dma_start3A_2127[%add3A_2108, %dma_start3A_2128, %dma_start3A_2129] : memref<128x8x128xf32, #tpu.memory_space<hbm>> -> memref<1x8x128xf32, #tpu.memory_space<hbm>>
      %dma_start3A_2131 = tpu.memref_squeeze %dma_start3A_2130 : memref<1x8x128xf32, #tpu.memory_space<hbm>> -> memref<8x128xf32, #tpu.memory_space<hbm>>
      %dma_start3A_2132 = tpu.memref_slice %arg10[%rem3A_1669] : memref<2x!tpu.dma_semaphore, #tpu.memory_space<semaphore_mem>> -> memref<1x!tpu.dma_semaphore, #tpu.memory_space<semaphore_mem>>
      %dma_start3A_2133 = tpu.memref_squeeze %dma_start3A_2132 : memref<1x!tpu.dma_semaphore, #tpu.memory_space<semaphore_mem>> -> memref<!tpu.dma_semaphore, #tpu.memory_space<semaphore_mem>>
      %dma_start3A_2134 = arith.constant 0 : i32
      %dma_start3A_2135 = arith.constant 0 : i32
      %dma_start3A_2136 = arith.constant 0 : i32
      %dma_start3A_2137 = arith.constant 0 : i32
      %dma_start3A_2138 = tpu.memref_slice %arg4[%scan3A_1667, %dma_start3A_2134, %dma_start3A_2135, %dma_start3A_2136, %dma_start3A_2137] : memref<50x4x128x8x128xf32, #tpu.memory_space<hbm>> -> memref<1x4x128x8x128xf32, #tpu.memory_space<hbm>>
      %dma_start3A_2139 = tpu.memref_squeeze %dma_start3A_2138 : memref<1x4x128x8x128xf32, #tpu.memory_space<hbm>> -> memref<4x128x8x128xf32, #tpu.memory_space<hbm>>
      %dma_start3A_2140 = arith.constant 0 : i32
      %dma_start3A_2141 = arith.constant 0 : i32
      %dma_start3A_2142 = arith.constant 0 : i32
      %dma_start3A_2143 = tpu.memref_slice %dma_start3A_2139[%dma_start3A_2109, %dma_start3A_2140, %dma_start3A_2141, %dma_start3A_2142] : memref<4x128x8x128xf32, #tpu.memory_space<hbm>> -> memref<1x128x8x128xf32, #tpu.memory_space<hbm>>
      %dma_start3A_2144 = tpu.memref_squeeze %dma_start3A_2143 : memref<1x128x8x128xf32, #tpu.memory_space<hbm>> -> memref<128x8x128xf32, #tpu.memory_space<hbm>>
      %dma_start3A_2145 = arith.constant 0 : i32
      %dma_start3A_2146 = arith.constant 0 : i32
      %dma_start3A_2147 = tpu.memref_slice %dma_start3A_2144[%add3A_2108, %dma_start3A_2145, %dma_start3A_2146] : memref<128x8x128xf32, #tpu.memory_space<hbm>> -> memref<1x8x128xf32, #tpu.memory_space<hbm>>
      %dma_start3A_2148 = tpu.memref_squeeze %dma_start3A_2147 : memref<1x8x128xf32, #tpu.memory_space<hbm>> -> memref<8x128xf32, #tpu.memory_space<hbm>>
      %dma_start3A_2149 = arith.constant 0 : i32
      %dma_start3A_2150 = arith.constant 0 : i32
      %dma_start3A_2151 = tpu.memref_slice %arg8[%rem3A_1669, %dma_start3A_2149, %dma_start3A_2150] : memref<2x32x513xf32, #tpu.memory_space<vmem>> -> memref<1x32x513xf32, #tpu.memory_space<vmem>>
      %dma_start3A_2152 = tpu.memref_squeeze %dma_start3A_2151 : memref<1x32x513xf32, #tpu.memory_space<vmem>> -> memref<32x513xf32, #tpu.memory_space<vmem>>
      %dma_start3A_2153 = arith.constant 16 : i32
      %dma_start3A_2154 = arith.constant 0 : i32
      %dma_start3A_2155 = tpu.memref_slice %dma_start3A_2152[%dma_start3A_2153, %dma_start3A_2154] : memref<32x513xf32, #tpu.memory_space<vmem>> -> memref<8x128xf32, #tpu.memory_space<vmem>>
      tpu.enqueue_dma source(%dma_start3A_2155 : memref<8x128xf32, #tpu.memory_space<vmem>>) target(%dma_start3A_2148 : memref<8x128xf32, #tpu.memory_space<hbm>>) target_semaphore(%dma_start3A_2133 : memref<!tpu.dma_semaphore, #tpu.memory_space<semaphore_mem>>)
      %mul3A_2156 = arith.constant 4 : i32
      %mul3A_2157 = arith.muli %add3A, %mul3A_2156 : i32
      %add3A_2158 = arith.constant 1 : i32
      %add3A_2159 = arith.addi %mul3A_2157, %add3A_2158 : i32
      %dma_start3A_2160 = arith.constant 2 : i32
      %dma_start3A_2161 = arith.constant 0 : i32
      %dma_start3A_2162 = arith.constant 0 : i32
      %dma_start3A_2163 = tpu.memref_slice %arg8[%rem3A_1669, %dma_start3A_2161, %dma_start3A_2162] : memref<2x32x513xf32, #tpu.memory_space<vmem>> -> memref<1x32x513xf32, #tpu.memory_space<vmem>>
      %dma_start3A_2164 = tpu.memref_squeeze %dma_start3A_2163 : memref<1x32x513xf32, #tpu.memory_space<vmem>> -> memref<32x513xf32, #tpu.memory_space<vmem>>
      %dma_start3A_2165 = arith.constant 16 : i32
      %dma_start3A_2166 = arith.constant 128 : i32
      %dma_start3A_2167 = tpu.memref_slice %dma_start3A_2164[%dma_start3A_2165, %dma_start3A_2166] : memref<32x513xf32, #tpu.memory_space<vmem>> -> memref<8x128xf32, #tpu.memory_space<vmem>>
      %dma_start3A_2168 = arith.constant 0 : i32
      %dma_start3A_2169 = arith.constant 0 : i32
      %dma_start3A_2170 = arith.constant 0 : i32
      %dma_start3A_2171 = arith.constant 0 : i32
      %dma_start3A_2172 = tpu.memref_slice %arg4[%scan3A_1667, %dma_start3A_2168, %dma_start3A_2169, %dma_start3A_2170, %dma_start3A_2171] : memref<50x4x128x8x128xf32, #tpu.memory_space<hbm>> -> memref<1x4x128x8x128xf32, #tpu.memory_space<hbm>>
      %dma_start3A_2173 = tpu.memref_squeeze %dma_start3A_2172 : memref<1x4x128x8x128xf32, #tpu.memory_space<hbm>> -> memref<4x128x8x128xf32, #tpu.memory_space<hbm>>
      %dma_start3A_2174 = arith.constant 0 : i32
      %dma_start3A_2175 = arith.constant 0 : i32
      %dma_start3A_2176 = arith.constant 0 : i32
      %dma_start3A_2177 = tpu.memref_slice %dma_start3A_2173[%dma_start3A_2160, %dma_start3A_2174, %dma_start3A_2175, %dma_start3A_2176] : memref<4x128x8x128xf32, #tpu.memory_space<hbm>> -> memref<1x128x8x128xf32, #tpu.memory_space<hbm>>
      %dma_start3A_2178 = tpu.memref_squeeze %dma_start3A_2177 : memref<1x128x8x128xf32, #tpu.memory_space<hbm>> -> memref<128x8x128xf32, #tpu.memory_space<hbm>>
      %dma_start3A_2179 = arith.constant 0 : i32
      %dma_start3A_2180 = arith.constant 0 : i32
      %dma_start3A_2181 = tpu.memref_slice %dma_start3A_2178[%add3A_2159, %dma_start3A_2179, %dma_start3A_2180] : memref<128x8x128xf32, #tpu.memory_space<hbm>> -> memref<1x8x128xf32, #tpu.memory_space<hbm>>
      %dma_start3A_2182 = tpu.memref_squeeze %dma_start3A_2181 : memref<1x8x128xf32, #tpu.memory_space<hbm>> -> memref<8x128xf32, #tpu.memory_space<hbm>>
      %dma_start3A_2183 = tpu.memref_slice %arg10[%rem3A_1669] : memref<2x!tpu.dma_semaphore, #tpu.memory_space<semaphore_mem>> -> memref<1x!tpu.dma_semaphore, #tpu.memory_space<semaphore_mem>>
      %dma_start3A_2184 = tpu.memref_squeeze %dma_start3A_2183 : memref<1x!tpu.dma_semaphore, #tpu.memory_space<semaphore_mem>> -> memref<!tpu.dma_semaphore, #tpu.memory_space<semaphore_mem>>
      %dma_start3A_2185 = arith.constant 0 : i32
      %dma_start3A_2186 = arith.constant 0 : i32
      %dma_start3A_2187 = arith.constant 0 : i32
      %dma_start3A_2188 = arith.constant 0 : i32
      %dma_start3A_2189 = tpu.memref_slice %arg4[%scan3A_1667, %dma_start3A_2185, %dma_start3A_2186, %dma_start3A_2187, %dma_start3A_2188] : memref<50x4x128x8x128xf32, #tpu.memory_space<hbm>> -> memref<1x4x128x8x128xf32, #tpu.memory_space<hbm>>
      %dma_start3A_2190 = tpu.memref_squeeze %dma_start3A_2189 : memref<1x4x128x8x128xf32, #tpu.memory_space<hbm>> -> memref<4x128x8x128xf32, #tpu.memory_space<hbm>>
      %dma_start3A_2191 = arith.constant 0 : i32
      %dma_start3A_2192 = arith.constant 0 : i32
      %dma_start3A_2193 = arith.constant 0 : i32
      %dma_start3A_2194 = tpu.memref_slice %dma_start3A_2190[%dma_start3A_2160, %dma_start3A_2191, %dma_start3A_2192, %dma_start3A_2193] : memref<4x128x8x128xf32, #tpu.memory_space<hbm>> -> memref<1x128x8x128xf32, #tpu.memory_space<hbm>>
      %dma_start3A_2195 = tpu.memref_squeeze %dma_start3A_2194 : memref<1x128x8x128xf32, #tpu.memory_space<hbm>> -> memref<128x8x128xf32, #tpu.memory_space<hbm>>
      %dma_start3A_2196 = arith.constant 0 : i32
      %dma_start3A_2197 = arith.constant 0 : i32
      %dma_start3A_2198 = tpu.memref_slice %dma_start3A_2195[%add3A_2159, %dma_start3A_2196, %dma_start3A_2197] : memref<128x8x128xf32, #tpu.memory_space<hbm>> -> memref<1x8x128xf32, #tpu.memory_space<hbm>>
      %dma_start3A_2199 = tpu.memref_squeeze %dma_start3A_2198 : memref<1x8x128xf32, #tpu.memory_space<hbm>> -> memref<8x128xf32, #tpu.memory_space<hbm>>
      %dma_start3A_2200 = arith.constant 0 : i32
      %dma_start3A_2201 = arith.constant 0 : i32
      %dma_start3A_2202 = tpu.memref_slice %arg8[%rem3A_1669, %dma_start3A_2200, %dma_start3A_2201] : memref<2x32x513xf32, #tpu.memory_space<vmem>> -> memref<1x32x513xf32, #tpu.memory_space<vmem>>
      %dma_start3A_2203 = tpu.memref_squeeze %dma_start3A_2202 : memref<1x32x513xf32, #tpu.memory_space<vmem>> -> memref<32x513xf32, #tpu.memory_space<vmem>>
      %dma_start3A_2204 = arith.constant 16 : i32
      %dma_start3A_2205 = arith.constant 128 : i32
      %dma_start3A_2206 = tpu.memref_slice %dma_start3A_2203[%dma_start3A_2204, %dma_start3A_2205] : memref<32x513xf32, #tpu.memory_space<vmem>> -> memref<8x128xf32, #tpu.memory_space<vmem>>
      tpu.enqueue_dma source(%dma_start3A_2206 : memref<8x128xf32, #tpu.memory_space<vmem>>) target(%dma_start3A_2199 : memref<8x128xf32, #tpu.memory_space<hbm>>) target_semaphore(%dma_start3A_2184 : memref<!tpu.dma_semaphore, #tpu.memory_space<semaphore_mem>>)
      %mul3A_2207 = arith.constant 4 : i32
      %mul3A_2208 = arith.muli %add3A, %mul3A_2207 : i32
      %add3A_2209 = arith.constant 2 : i32
      %add3A_2210 = arith.addi %mul3A_2208, %add3A_2209 : i32
      %dma_start3A_2211 = arith.constant 2 : i32
      %dma_start3A_2212 = arith.constant 0 : i32
      %dma_start3A_2213 = arith.constant 0 : i32
      %dma_start3A_2214 = tpu.memref_slice %arg8[%rem3A_1669, %dma_start3A_2212, %dma_start3A_2213] : memref<2x32x513xf32, #tpu.memory_space<vmem>> -> memref<1x32x513xf32, #tpu.memory_space<vmem>>
      %dma_start3A_2215 = tpu.memref_squeeze %dma_start3A_2214 : memref<1x32x513xf32, #tpu.memory_space<vmem>> -> memref<32x513xf32, #tpu.memory_space<vmem>>
      %dma_start3A_2216 = arith.constant 16 : i32
      %dma_start3A_2217 = arith.constant 256 : i32
      %dma_start3A_2218 = tpu.memref_slice %dma_start3A_2215[%dma_start3A_2216, %dma_start3A_2217] : memref<32x513xf32, #tpu.memory_space<vmem>> -> memref<8x128xf32, #tpu.memory_space<vmem>>
      %dma_start3A_2219 = arith.constant 0 : i32
      %dma_start3A_2220 = arith.constant 0 : i32
      %dma_start3A_2221 = arith.constant 0 : i32
      %dma_start3A_2222 = arith.constant 0 : i32
      %dma_start3A_2223 = tpu.memref_slice %arg4[%scan3A_1667, %dma_start3A_2219, %dma_start3A_2220, %dma_start3A_2221, %dma_start3A_2222] : memref<50x4x128x8x128xf32, #tpu.memory_space<hbm>> -> memref<1x4x128x8x128xf32, #tpu.memory_space<hbm>>
      %dma_start3A_2224 = tpu.memref_squeeze %dma_start3A_2223 : memref<1x4x128x8x128xf32, #tpu.memory_space<hbm>> -> memref<4x128x8x128xf32, #tpu.memory_space<hbm>>
      %dma_start3A_2225 = arith.constant 0 : i32
      %dma_start3A_2226 = arith.constant 0 : i32
      %dma_start3A_2227 = arith.constant 0 : i32
      %dma_start3A_2228 = tpu.memref_slice %dma_start3A_2224[%dma_start3A_2211, %dma_start3A_2225, %dma_start3A_2226, %dma_start3A_2227] : memref<4x128x8x128xf32, #tpu.memory_space<hbm>> -> memref<1x128x8x128xf32, #tpu.memory_space<hbm>>
      %dma_start3A_2229 = tpu.memref_squeeze %dma_start3A_2228 : memref<1x128x8x128xf32, #tpu.memory_space<hbm>> -> memref<128x8x128xf32, #tpu.memory_space<hbm>>
      %dma_start3A_2230 = arith.constant 0 : i32
      %dma_start3A_2231 = arith.constant 0 : i32
      %dma_start3A_2232 = tpu.memref_slice %dma_start3A_2229[%add3A_2210, %dma_start3A_2230, %dma_start3A_2231] : memref<128x8x128xf32, #tpu.memory_space<hbm>> -> memref<1x8x128xf32, #tpu.memory_space<hbm>>
      %dma_start3A_2233 = tpu.memref_squeeze %dma_start3A_2232 : memref<1x8x128xf32, #tpu.memory_space<hbm>> -> memref<8x128xf32, #tpu.memory_space<hbm>>
      %dma_start3A_2234 = tpu.memref_slice %arg10[%rem3A_1669] : memref<2x!tpu.dma_semaphore, #tpu.memory_space<semaphore_mem>> -> memref<1x!tpu.dma_semaphore, #tpu.memory_space<semaphore_mem>>
      %dma_start3A_2235 = tpu.memref_squeeze %dma_start3A_2234 : memref<1x!tpu.dma_semaphore, #tpu.memory_space<semaphore_mem>> -> memref<!tpu.dma_semaphore, #tpu.memory_space<semaphore_mem>>
      %dma_start3A_2236 = arith.constant 0 : i32
      %dma_start3A_2237 = arith.constant 0 : i32
      %dma_start3A_2238 = arith.constant 0 : i32
      %dma_start3A_2239 = arith.constant 0 : i32
      %dma_start3A_2240 = tpu.memref_slice %arg4[%scan3A_1667, %dma_start3A_2236, %dma_start3A_2237, %dma_start3A_2238, %dma_start3A_2239] : memref<50x4x128x8x128xf32, #tpu.memory_space<hbm>> -> memref<1x4x128x8x128xf32, #tpu.memory_space<hbm>>
      %dma_start3A_2241 = tpu.memref_squeeze %dma_start3A_2240 : memref<1x4x128x8x128xf32, #tpu.memory_space<hbm>> -> memref<4x128x8x128xf32, #tpu.memory_space<hbm>>
      %dma_start3A_2242 = arith.constant 0 : i32
      %dma_start3A_2243 = arith.constant 0 : i32
      %dma_start3A_2244 = arith.constant 0 : i32
      %dma_start3A_2245 = tpu.memref_slice %dma_start3A_2241[%dma_start3A_2211, %dma_start3A_2242, %dma_start3A_2243, %dma_start3A_2244] : memref<4x128x8x128xf32, #tpu.memory_space<hbm>> -> memref<1x128x8x128xf32, #tpu.memory_space<hbm>>
      %dma_start3A_2246 = tpu.memref_squeeze %dma_start3A_2245 : memref<1x128x8x128xf32, #tpu.memory_space<hbm>> -> memref<128x8x128xf32, #tpu.memory_space<hbm>>
      %dma_start3A_2247 = arith.constant 0 : i32
      %dma_start3A_2248 = arith.constant 0 : i32
      %dma_start3A_2249 = tpu.memref_slice %dma_start3A_2246[%add3A_2210, %dma_start3A_2247, %dma_start3A_2248] : memref<128x8x128xf32, #tpu.memory_space<hbm>> -> memref<1x8x128xf32, #tpu.memory_space<hbm>>
      %dma_start3A_2250 = tpu.memref_squeeze %dma_start3A_2249 : memref<1x8x128xf32, #tpu.memory_space<hbm>> -> memref<8x128xf32, #tpu.memory_space<hbm>>
      %dma_start3A_2251 = arith.constant 0 : i32
      %dma_start3A_2252 = arith.constant 0 : i32
      %dma_start3A_2253 = tpu.memref_slice %arg8[%rem3A_1669, %dma_start3A_2251, %dma_start3A_2252] : memref<2x32x513xf32, #tpu.memory_space<vmem>> -> memref<1x32x513xf32, #tpu.memory_space<vmem>>
      %dma_start3A_2254 = tpu.memref_squeeze %dma_start3A_2253 : memref<1x32x513xf32, #tpu.memory_space<vmem>> -> memref<32x513xf32, #tpu.memory_space<vmem>>
      %dma_start3A_2255 = arith.constant 16 : i32
      %dma_start3A_2256 = arith.constant 256 : i32
      %dma_start3A_2257 = tpu.memref_slice %dma_start3A_2254[%dma_start3A_2255, %dma_start3A_2256] : memref<32x513xf32, #tpu.memory_space<vmem>> -> memref<8x128xf32, #tpu.memory_space<vmem>>
      tpu.enqueue_dma source(%dma_start3A_2257 : memref<8x128xf32, #tpu.memory_space<vmem>>) target(%dma_start3A_2250 : memref<8x128xf32, #tpu.memory_space<hbm>>) target_semaphore(%dma_start3A_2235 : memref<!tpu.dma_semaphore, #tpu.memory_space<semaphore_mem>>)
      %mul3A_2258 = arith.constant 4 : i32
      %mul3A_2259 = arith.muli %add3A, %mul3A_2258 : i32
      %add3A_2260 = arith.constant 3 : i32
      %add3A_2261 = arith.addi %mul3A_2259, %add3A_2260 : i32
      %dma_start3A_2262 = arith.constant 2 : i32
      %dma_start3A_2263 = arith.constant 0 : i32
      %dma_start3A_2264 = arith.constant 0 : i32
      %dma_start3A_2265 = tpu.memref_slice %arg8[%rem3A_1669, %dma_start3A_2263, %dma_start3A_2264] : memref<2x32x513xf32, #tpu.memory_space<vmem>> -> memref<1x32x513xf32, #tpu.memory_space<vmem>>
      %dma_start3A_2266 = tpu.memref_squeeze %dma_start3A_2265 : memref<1x32x513xf32, #tpu.memory_space<vmem>> -> memref<32x513xf32, #tpu.memory_space<vmem>>
      %dma_start3A_2267 = arith.constant 16 : i32
      %dma_start3A_2268 = arith.constant 384 : i32
      %dma_start3A_2269 = tpu.memref_slice %dma_start3A_2266[%dma_start3A_2267, %dma_start3A_2268] : memref<32x513xf32, #tpu.memory_space<vmem>> -> memref<8x128xf32, #tpu.memory_space<vmem>>
      %dma_start3A_2270 = arith.constant 0 : i32
      %dma_start3A_2271 = arith.constant 0 : i32
      %dma_start3A_2272 = arith.constant 0 : i32
      %dma_start3A_2273 = arith.constant 0 : i32
      %dma_start3A_2274 = tpu.memref_slice %arg4[%scan3A_1667, %dma_start3A_2270, %dma_start3A_2271, %dma_start3A_2272, %dma_start3A_2273] : memref<50x4x128x8x128xf32, #tpu.memory_space<hbm>> -> memref<1x4x128x8x128xf32, #tpu.memory_space<hbm>>
      %dma_start3A_2275 = tpu.memref_squeeze %dma_start3A_2274 : memref<1x4x128x8x128xf32, #tpu.memory_space<hbm>> -> memref<4x128x8x128xf32, #tpu.memory_space<hbm>>
      %dma_start3A_2276 = arith.constant 0 : i32
      %dma_start3A_2277 = arith.constant 0 : i32
      %dma_start3A_2278 = arith.constant 0 : i32
      %dma_start3A_2279 = tpu.memref_slice %dma_start3A_2275[%dma_start3A_2262, %dma_start3A_2276, %dma_start3A_2277, %dma_start3A_2278] : memref<4x128x8x128xf32, #tpu.memory_space<hbm>> -> memref<1x128x8x128xf32, #tpu.memory_space<hbm>>
      %dma_start3A_2280 = tpu.memref_squeeze %dma_start3A_2279 : memref<1x128x8x128xf32, #tpu.memory_space<hbm>> -> memref<128x8x128xf32, #tpu.memory_space<hbm>>
      %dma_start3A_2281 = arith.constant 0 : i32
      %dma_start3A_2282 = arith.constant 0 : i32
      %dma_start3A_2283 = tpu.memref_slice %dma_start3A_2280[%add3A_2261, %dma_start3A_2281, %dma_start3A_2282] : memref<128x8x128xf32, #tpu.memory_space<hbm>> -> memref<1x8x128xf32, #tpu.memory_space<hbm>>
      %dma_start3A_2284 = tpu.memref_squeeze %dma_start3A_2283 : memref<1x8x128xf32, #tpu.memory_space<hbm>> -> memref<8x128xf32, #tpu.memory_space<hbm>>
      %dma_start3A_2285 = tpu.memref_slice %arg10[%rem3A_1669] : memref<2x!tpu.dma_semaphore, #tpu.memory_space<semaphore_mem>> -> memref<1x!tpu.dma_semaphore, #tpu.memory_space<semaphore_mem>>
      %dma_start3A_2286 = tpu.memref_squeeze %dma_start3A_2285 : memref<1x!tpu.dma_semaphore, #tpu.memory_space<semaphore_mem>> -> memref<!tpu.dma_semaphore, #tpu.memory_space<semaphore_mem>>
      %dma_start3A_2287 = arith.constant 0 : i32
      %dma_start3A_2288 = arith.constant 0 : i32
      %dma_start3A_2289 = arith.constant 0 : i32
      %dma_start3A_2290 = arith.constant 0 : i32
      %dma_start3A_2291 = tpu.memref_slice %arg4[%scan3A_1667, %dma_start3A_2287, %dma_start3A_2288, %dma_start3A_2289, %dma_start3A_2290] : memref<50x4x128x8x128xf32, #tpu.memory_space<hbm>> -> memref<1x4x128x8x128xf32, #tpu.memory_space<hbm>>
      %dma_start3A_2292 = tpu.memref_squeeze %dma_start3A_2291 : memref<1x4x128x8x128xf32, #tpu.memory_space<hbm>> -> memref<4x128x8x128xf32, #tpu.memory_space<hbm>>
      %dma_start3A_2293 = arith.constant 0 : i32
      %dma_start3A_2294 = arith.constant 0 : i32
      %dma_start3A_2295 = arith.constant 0 : i32
      %dma_start3A_2296 = tpu.memref_slice %dma_start3A_2292[%dma_start3A_2262, %dma_start3A_2293, %dma_start3A_2294, %dma_start3A_2295] : memref<4x128x8x128xf32, #tpu.memory_space<hbm>> -> memref<1x128x8x128xf32, #tpu.memory_space<hbm>>
      %dma_start3A_2297 = tpu.memref_squeeze %dma_start3A_2296 : memref<1x128x8x128xf32, #tpu.memory_space<hbm>> -> memref<128x8x128xf32, #tpu.memory_space<hbm>>
      %dma_start3A_2298 = arith.constant 0 : i32
      %dma_start3A_2299 = arith.constant 0 : i32
      %dma_start3A_2300 = tpu.memref_slice %dma_start3A_2297[%add3A_2261, %dma_start3A_2298, %dma_start3A_2299] : memref<128x8x128xf32, #tpu.memory_space<hbm>> -> memref<1x8x128xf32, #tpu.memory_space<hbm>>
      %dma_start3A_2301 = tpu.memref_squeeze %dma_start3A_2300 : memref<1x8x128xf32, #tpu.memory_space<hbm>> -> memref<8x128xf32, #tpu.memory_space<hbm>>
      %dma_start3A_2302 = arith.constant 0 : i32
      %dma_start3A_2303 = arith.constant 0 : i32
      %dma_start3A_2304 = tpu.memref_slice %arg8[%rem3A_1669, %dma_start3A_2302, %dma_start3A_2303] : memref<2x32x513xf32, #tpu.memory_space<vmem>> -> memref<1x32x513xf32, #tpu.memory_space<vmem>>
      %dma_start3A_2305 = tpu.memref_squeeze %dma_start3A_2304 : memref<1x32x513xf32, #tpu.memory_space<vmem>> -> memref<32x513xf32, #tpu.memory_space<vmem>>
      %dma_start3A_2306 = arith.constant 16 : i32
      %dma_start3A_2307 = arith.constant 384 : i32
      %dma_start3A_2308 = tpu.memref_slice %dma_start3A_2305[%dma_start3A_2306, %dma_start3A_2307] : memref<32x513xf32, #tpu.memory_space<vmem>> -> memref<8x128xf32, #tpu.memory_space<vmem>>
      tpu.enqueue_dma source(%dma_start3A_2308 : memref<8x128xf32, #tpu.memory_space<vmem>>) target(%dma_start3A_2301 : memref<8x128xf32, #tpu.memory_space<hbm>>) target_semaphore(%dma_start3A_2286 : memref<!tpu.dma_semaphore, #tpu.memory_space<semaphore_mem>>)
      %mul3A_2309 = arith.constant 4 : i32
      %mul3A_2310 = arith.muli %add3A, %mul3A_2309 : i32
      %add3A_2311 = arith.constant 0 : i32
      %add3A_2312 = arith.addi %mul3A_2310, %add3A_2311 : i32
      %dma_start3A_2313 = arith.constant 3 : i32
      %dma_start3A_2314 = arith.constant 0 : i32
      %dma_start3A_2315 = arith.constant 0 : i32
      %dma_start3A_2316 = tpu.memref_slice %arg8[%rem3A_1669, %dma_start3A_2314, %dma_start3A_2315] : memref<2x32x513xf32, #tpu.memory_space<vmem>> -> memref<1x32x513xf32, #tpu.memory_space<vmem>>
      %dma_start3A_2317 = tpu.memref_squeeze %dma_start3A_2316 : memref<1x32x513xf32, #tpu.memory_space<vmem>> -> memref<32x513xf32, #tpu.memory_space<vmem>>
      %dma_start3A_2318 = arith.constant 24 : i32
      %dma_start3A_2319 = arith.constant 0 : i32
      %dma_start3A_2320 = tpu.memref_slice %dma_start3A_2317[%dma_start3A_2318, %dma_start3A_2319] : memref<32x513xf32, #tpu.memory_space<vmem>> -> memref<8x128xf32, #tpu.memory_space<vmem>>
      %dma_start3A_2321 = arith.constant 0 : i32
      %dma_start3A_2322 = arith.constant 0 : i32
      %dma_start3A_2323 = arith.constant 0 : i32
      %dma_start3A_2324 = arith.constant 0 : i32
      %dma_start3A_2325 = tpu.memref_slice %arg4[%scan3A_1667, %dma_start3A_2321, %dma_start3A_2322, %dma_start3A_2323, %dma_start3A_2324] : memref<50x4x128x8x128xf32, #tpu.memory_space<hbm>> -> memref<1x4x128x8x128xf32, #tpu.memory_space<hbm>>
      %dma_start3A_2326 = tpu.memref_squeeze %dma_start3A_2325 : memref<1x4x128x8x128xf32, #tpu.memory_space<hbm>> -> memref<4x128x8x128xf32, #tpu.memory_space<hbm>>
      %dma_start3A_2327 = arith.constant 0 : i32
      %dma_start3A_2328 = arith.constant 0 : i32
      %dma_start3A_2329 = arith.constant 0 : i32
      %dma_start3A_2330 = tpu.memref_slice %dma_start3A_2326[%dma_start3A_2313, %dma_start3A_2327, %dma_start3A_2328, %dma_start3A_2329] : memref<4x128x8x128xf32, #tpu.memory_space<hbm>> -> memref<1x128x8x128xf32, #tpu.memory_space<hbm>>
      %dma_start3A_2331 = tpu.memref_squeeze %dma_start3A_2330 : memref<1x128x8x128xf32, #tpu.memory_space<hbm>> -> memref<128x8x128xf32, #tpu.memory_space<hbm>>
      %dma_start3A_2332 = arith.constant 0 : i32
      %dma_start3A_2333 = arith.constant 0 : i32
      %dma_start3A_2334 = tpu.memref_slice %dma_start3A_2331[%add3A_2312, %dma_start3A_2332, %dma_start3A_2333] : memref<128x8x128xf32, #tpu.memory_space<hbm>> -> memref<1x8x128xf32, #tpu.memory_space<hbm>>
      %dma_start3A_2335 = tpu.memref_squeeze %dma_start3A_2334 : memref<1x8x128xf32, #tpu.memory_space<hbm>> -> memref<8x128xf32, #tpu.memory_space<hbm>>
      %dma_start3A_2336 = tpu.memref_slice %arg10[%rem3A_1669] : memref<2x!tpu.dma_semaphore, #tpu.memory_space<semaphore_mem>> -> memref<1x!tpu.dma_semaphore, #tpu.memory_space<semaphore_mem>>
      %dma_start3A_2337 = tpu.memref_squeeze %dma_start3A_2336 : memref<1x!tpu.dma_semaphore, #tpu.memory_space<semaphore_mem>> -> memref<!tpu.dma_semaphore, #tpu.memory_space<semaphore_mem>>
      %dma_start3A_2338 = arith.constant 0 : i32
      %dma_start3A_2339 = arith.constant 0 : i32
      %dma_start3A_2340 = arith.constant 0 : i32
      %dma_start3A_2341 = arith.constant 0 : i32
      %dma_start3A_2342 = tpu.memref_slice %arg4[%scan3A_1667, %dma_start3A_2338, %dma_start3A_2339, %dma_start3A_2340, %dma_start3A_2341] : memref<50x4x128x8x128xf32, #tpu.memory_space<hbm>> -> memref<1x4x128x8x128xf32, #tpu.memory_space<hbm>>
      %dma_start3A_2343 = tpu.memref_squeeze %dma_start3A_2342 : memref<1x4x128x8x128xf32, #tpu.memory_space<hbm>> -> memref<4x128x8x128xf32, #tpu.memory_space<hbm>>
      %dma_start3A_2344 = arith.constant 0 : i32
      %dma_start3A_2345 = arith.constant 0 : i32
      %dma_start3A_2346 = arith.constant 0 : i32
      %dma_start3A_2347 = tpu.memref_slice %dma_start3A_2343[%dma_start3A_2313, %dma_start3A_2344, %dma_start3A_2345, %dma_start3A_2346] : memref<4x128x8x128xf32, #tpu.memory_space<hbm>> -> memref<1x128x8x128xf32, #tpu.memory_space<hbm>>
      %dma_start3A_2348 = tpu.memref_squeeze %dma_start3A_2347 : memref<1x128x8x128xf32, #tpu.memory_space<hbm>> -> memref<128x8x128xf32, #tpu.memory_space<hbm>>
      %dma_start3A_2349 = arith.constant 0 : i32
      %dma_start3A_2350 = arith.constant 0 : i32
      %dma_start3A_2351 = tpu.memref_slice %dma_start3A_2348[%add3A_2312, %dma_start3A_2349, %dma_start3A_2350] : memref<128x8x128xf32, #tpu.memory_space<hbm>> -> memref<1x8x128xf32, #tpu.memory_space<hbm>>
      %dma_start3A_2352 = tpu.memref_squeeze %dma_start3A_2351 : memref<1x8x128xf32, #tpu.memory_space<hbm>> -> memref<8x128xf32, #tpu.memory_space<hbm>>
      %dma_start3A_2353 = arith.constant 0 : i32
      %dma_start3A_2354 = arith.constant 0 : i32
      %dma_start3A_2355 = tpu.memref_slice %arg8[%rem3A_1669, %dma_start3A_2353, %dma_start3A_2354] : memref<2x32x513xf32, #tpu.memory_space<vmem>> -> memref<1x32x513xf32, #tpu.memory_space<vmem>>
      %dma_start3A_2356 = tpu.memref_squeeze %dma_start3A_2355 : memref<1x32x513xf32, #tpu.memory_space<vmem>> -> memref<32x513xf32, #tpu.memory_space<vmem>>
      %dma_start3A_2357 = arith.constant 24 : i32
      %dma_start3A_2358 = arith.constant 0 : i32
      %dma_start3A_2359 = tpu.memref_slice %dma_start3A_2356[%dma_start3A_2357, %dma_start3A_2358] : memref<32x513xf32, #tpu.memory_space<vmem>> -> memref<8x128xf32, #tpu.memory_space<vmem>>
      tpu.enqueue_dma source(%dma_start3A_2359 : memref<8x128xf32, #tpu.memory_space<vmem>>) target(%dma_start3A_2352 : memref<8x128xf32, #tpu.memory_space<hbm>>) target_semaphore(%dma_start3A_2337 : memref<!tpu.dma_semaphore, #tpu.memory_space<semaphore_mem>>)
      %mul3A_2360 = arith.constant 4 : i32
      %mul3A_2361 = arith.muli %add3A, %mul3A_2360 : i32
      %add3A_2362 = arith.constant 1 : i32
      %add3A_2363 = arith.addi %mul3A_2361, %add3A_2362 : i32
      %dma_start3A_2364 = arith.constant 3 : i32
      %dma_start3A_2365 = arith.constant 0 : i32
      %dma_start3A_2366 = arith.constant 0 : i32
      %dma_start3A_2367 = tpu.memref_slice %arg8[%rem3A_1669, %dma_start3A_2365, %dma_start3A_2366] : memref<2x32x513xf32, #tpu.memory_space<vmem>> -> memref<1x32x513xf32, #tpu.memory_space<vmem>>
      %dma_start3A_2368 = tpu.memref_squeeze %dma_start3A_2367 : memref<1x32x513xf32, #tpu.memory_space<vmem>> -> memref<32x513xf32, #tpu.memory_space<vmem>>
      %dma_start3A_2369 = arith.constant 24 : i32
      %dma_start3A_2370 = arith.constant 128 : i32
      %dma_start3A_2371 = tpu.memref_slice %dma_start3A_2368[%dma_start3A_2369, %dma_start3A_2370] : memref<32x513xf32, #tpu.memory_space<vmem>> -> memref<8x128xf32, #tpu.memory_space<vmem>>
      %dma_start3A_2372 = arith.constant 0 : i32
      %dma_start3A_2373 = arith.constant 0 : i32
      %dma_start3A_2374 = arith.constant 0 : i32
      %dma_start3A_2375 = arith.constant 0 : i32
      %dma_start3A_2376 = tpu.memref_slice %arg4[%scan3A_1667, %dma_start3A_2372, %dma_start3A_2373, %dma_start3A_2374, %dma_start3A_2375] : memref<50x4x128x8x128xf32, #tpu.memory_space<hbm>> -> memref<1x4x128x8x128xf32, #tpu.memory_space<hbm>>
      %dma_start3A_2377 = tpu.memref_squeeze %dma_start3A_2376 : memref<1x4x128x8x128xf32, #tpu.memory_space<hbm>> -> memref<4x128x8x128xf32, #tpu.memory_space<hbm>>
      %dma_start3A_2378 = arith.constant 0 : i32
      %dma_start3A_2379 = arith.constant 0 : i32
      %dma_start3A_2380 = arith.constant 0 : i32
      %dma_start3A_2381 = tpu.memref_slice %dma_start3A_2377[%dma_start3A_2364, %dma_start3A_2378, %dma_start3A_2379, %dma_start3A_2380] : memref<4x128x8x128xf32, #tpu.memory_space<hbm>> -> memref<1x128x8x128xf32, #tpu.memory_space<hbm>>
      %dma_start3A_2382 = tpu.memref_squeeze %dma_start3A_2381 : memref<1x128x8x128xf32, #tpu.memory_space<hbm>> -> memref<128x8x128xf32, #tpu.memory_space<hbm>>
      %dma_start3A_2383 = arith.constant 0 : i32
      %dma_start3A_2384 = arith.constant 0 : i32
      %dma_start3A_2385 = tpu.memref_slice %dma_start3A_2382[%add3A_2363, %dma_start3A_2383, %dma_start3A_2384] : memref<128x8x128xf32, #tpu.memory_space<hbm>> -> memref<1x8x128xf32, #tpu.memory_space<hbm>>
      %dma_start3A_2386 = tpu.memref_squeeze %dma_start3A_2385 : memref<1x8x128xf32, #tpu.memory_space<hbm>> -> memref<8x128xf32, #tpu.memory_space<hbm>>
      %dma_start3A_2387 = tpu.memref_slice %arg10[%rem3A_1669] : memref<2x!tpu.dma_semaphore, #tpu.memory_space<semaphore_mem>> -> memref<1x!tpu.dma_semaphore, #tpu.memory_space<semaphore_mem>>
      %dma_start3A_2388 = tpu.memref_squeeze %dma_start3A_2387 : memref<1x!tpu.dma_semaphore, #tpu.memory_space<semaphore_mem>> -> memref<!tpu.dma_semaphore, #tpu.memory_space<semaphore_mem>>
      %dma_start3A_2389 = arith.constant 0 : i32
      %dma_start3A_2390 = arith.constant 0 : i32
      %dma_start3A_2391 = arith.constant 0 : i32
      %dma_start3A_2392 = arith.constant 0 : i32
      %dma_start3A_2393 = tpu.memref_slice %arg4[%scan3A_1667, %dma_start3A_2389, %dma_start3A_2390, %dma_start3A_2391, %dma_start3A_2392] : memref<50x4x128x8x128xf32, #tpu.memory_space<hbm>> -> memref<1x4x128x8x128xf32, #tpu.memory_space<hbm>>
      %dma_start3A_2394 = tpu.memref_squeeze %dma_start3A_2393 : memref<1x4x128x8x128xf32, #tpu.memory_space<hbm>> -> memref<4x128x8x128xf32, #tpu.memory_space<hbm>>
      %dma_start3A_2395 = arith.constant 0 : i32
      %dma_start3A_2396 = arith.constant 0 : i32
      %dma_start3A_2397 = arith.constant 0 : i32
      %dma_start3A_2398 = tpu.memref_slice %dma_start3A_2394[%dma_start3A_2364, %dma_start3A_2395, %dma_start3A_2396, %dma_start3A_2397] : memref<4x128x8x128xf32, #tpu.memory_space<hbm>> -> memref<1x128x8x128xf32, #tpu.memory_space<hbm>>
      %dma_start3A_2399 = tpu.memref_squeeze %dma_start3A_2398 : memref<1x128x8x128xf32, #tpu.memory_space<hbm>> -> memref<128x8x128xf32, #tpu.memory_space<hbm>>
      %dma_start3A_2400 = arith.constant 0 : i32
      %dma_start3A_2401 = arith.constant 0 : i32
      %dma_start3A_2402 = tpu.memref_slice %dma_start3A_2399[%add3A_2363, %dma_start3A_2400, %dma_start3A_2401] : memref<128x8x128xf32, #tpu.memory_space<hbm>> -> memref<1x8x128xf32, #tpu.memory_space<hbm>>
      %dma_start3A_2403 = tpu.memref_squeeze %dma_start3A_2402 : memref<1x8x128xf32, #tpu.memory_space<hbm>> -> memref<8x128xf32, #tpu.memory_space<hbm>>
      %dma_start3A_2404 = arith.constant 0 : i32
      %dma_start3A_2405 = arith.constant 0 : i32
      %dma_start3A_2406 = tpu.memref_slice %arg8[%rem3A_1669, %dma_start3A_2404, %dma_start3A_2405] : memref<2x32x513xf32, #tpu.memory_space<vmem>> -> memref<1x32x513xf32, #tpu.memory_space<vmem>>
      %dma_start3A_2407 = tpu.memref_squeeze %dma_start3A_2406 : memref<1x32x513xf32, #tpu.memory_space<vmem>> -> memref<32x513xf32, #tpu.memory_space<vmem>>
      %dma_start3A_2408 = arith.constant 24 : i32
      %dma_start3A_2409 = arith.constant 128 : i32
      %dma_start3A_2410 = tpu.memref_slice %dma_start3A_2407[%dma_start3A_2408, %dma_start3A_2409] : memref<32x513xf32, #tpu.memory_space<vmem>> -> memref<8x128xf32, #tpu.memory_space<vmem>>
      tpu.enqueue_dma source(%dma_start3A_2410 : memref<8x128xf32, #tpu.memory_space<vmem>>) target(%dma_start3A_2403 : memref<8x128xf32, #tpu.memory_space<hbm>>) target_semaphore(%dma_start3A_2388 : memref<!tpu.dma_semaphore, #tpu.memory_space<semaphore_mem>>)
      %mul3A_2411 = arith.constant 4 : i32
      %mul3A_2412 = arith.muli %add3A, %mul3A_2411 : i32
      %add3A_2413 = arith.constant 2 : i32
      %add3A_2414 = arith.addi %mul3A_2412, %add3A_2413 : i32
      %dma_start3A_2415 = arith.constant 3 : i32
      %dma_start3A_2416 = arith.constant 0 : i32
      %dma_start3A_2417 = arith.constant 0 : i32
      %dma_start3A_2418 = tpu.memref_slice %arg8[%rem3A_1669, %dma_start3A_2416, %dma_start3A_2417] : memref<2x32x513xf32, #tpu.memory_space<vmem>> -> memref<1x32x513xf32, #tpu.memory_space<vmem>>
      %dma_start3A_2419 = tpu.memref_squeeze %dma_start3A_2418 : memref<1x32x513xf32, #tpu.memory_space<vmem>> -> memref<32x513xf32, #tpu.memory_space<vmem>>
      %dma_start3A_2420 = arith.constant 24 : i32
      %dma_start3A_2421 = arith.constant 256 : i32
      %dma_start3A_2422 = tpu.memref_slice %dma_start3A_2419[%dma_start3A_2420, %dma_start3A_2421] : memref<32x513xf32, #tpu.memory_space<vmem>> -> memref<8x128xf32, #tpu.memory_space<vmem>>
      %dma_start3A_2423 = arith.constant 0 : i32
      %dma_start3A_2424 = arith.constant 0 : i32
      %dma_start3A_2425 = arith.constant 0 : i32
      %dma_start3A_2426 = arith.constant 0 : i32
      %dma_start3A_2427 = tpu.memref_slice %arg4[%scan3A_1667, %dma_start3A_2423, %dma_start3A_2424, %dma_start3A_2425, %dma_start3A_2426] : memref<50x4x128x8x128xf32, #tpu.memory_space<hbm>> -> memref<1x4x128x8x128xf32, #tpu.memory_space<hbm>>
      %dma_start3A_2428 = tpu.memref_squeeze %dma_start3A_2427 : memref<1x4x128x8x128xf32, #tpu.memory_space<hbm>> -> memref<4x128x8x128xf32, #tpu.memory_space<hbm>>
      %dma_start3A_2429 = arith.constant 0 : i32
      %dma_start3A_2430 = arith.constant 0 : i32
      %dma_start3A_2431 = arith.constant 0 : i32
      %dma_start3A_2432 = tpu.memref_slice %dma_start3A_2428[%dma_start3A_2415, %dma_start3A_2429, %dma_start3A_2430, %dma_start3A_2431] : memref<4x128x8x128xf32, #tpu.memory_space<hbm>> -> memref<1x128x8x128xf32, #tpu.memory_space<hbm>>
      %dma_start3A_2433 = tpu.memref_squeeze %dma_start3A_2432 : memref<1x128x8x128xf32, #tpu.memory_space<hbm>> -> memref<128x8x128xf32, #tpu.memory_space<hbm>>
      %dma_start3A_2434 = arith.constant 0 : i32
      %dma_start3A_2435 = arith.constant 0 : i32
      %dma_start3A_2436 = tpu.memref_slice %dma_start3A_2433[%add3A_2414, %dma_start3A_2434, %dma_start3A_2435] : memref<128x8x128xf32, #tpu.memory_space<hbm>> -> memref<1x8x128xf32, #tpu.memory_space<hbm>>
      %dma_start3A_2437 = tpu.memref_squeeze %dma_start3A_2436 : memref<1x8x128xf32, #tpu.memory_space<hbm>> -> memref<8x128xf32, #tpu.memory_space<hbm>>
      %dma_start3A_2438 = tpu.memref_slice %arg10[%rem3A_1669] : memref<2x!tpu.dma_semaphore, #tpu.memory_space<semaphore_mem>> -> memref<1x!tpu.dma_semaphore, #tpu.memory_space<semaphore_mem>>
      %dma_start3A_2439 = tpu.memref_squeeze %dma_start3A_2438 : memref<1x!tpu.dma_semaphore, #tpu.memory_space<semaphore_mem>> -> memref<!tpu.dma_semaphore, #tpu.memory_space<semaphore_mem>>
      %dma_start3A_2440 = arith.constant 0 : i32
      %dma_start3A_2441 = arith.constant 0 : i32
      %dma_start3A_2442 = arith.constant 0 : i32
      %dma_start3A_2443 = arith.constant 0 : i32
      %dma_start3A_2444 = tpu.memref_slice %arg4[%scan3A_1667, %dma_start3A_2440, %dma_start3A_2441, %dma_start3A_2442, %dma_start3A_2443] : memref<50x4x128x8x128xf32, #tpu.memory_space<hbm>> -> memref<1x4x128x8x128xf32, #tpu.memory_space<hbm>>
      %dma_start3A_2445 = tpu.memref_squeeze %dma_start3A_2444 : memref<1x4x128x8x128xf32, #tpu.memory_space<hbm>> -> memref<4x128x8x128xf32, #tpu.memory_space<hbm>>
      %dma_start3A_2446 = arith.constant 0 : i32
      %dma_start3A_2447 = arith.constant 0 : i32
      %dma_start3A_2448 = arith.constant 0 : i32
      %dma_start3A_2449 = tpu.memref_slice %dma_start3A_2445[%dma_start3A_2415, %dma_start3A_2446, %dma_start3A_2447, %dma_start3A_2448] : memref<4x128x8x128xf32, #tpu.memory_space<hbm>> -> memref<1x128x8x128xf32, #tpu.memory_space<hbm>>
      %dma_start3A_2450 = tpu.memref_squeeze %dma_start3A_2449 : memref<1x128x8x128xf32, #tpu.memory_space<hbm>> -> memref<128x8x128xf32, #tpu.memory_space<hbm>>
      %dma_start3A_2451 = arith.constant 0 : i32
      %dma_start3A_2452 = arith.constant 0 : i32
      %dma_start3A_2453 = tpu.memref_slice %dma_start3A_2450[%add3A_2414, %dma_start3A_2451, %dma_start3A_2452] : memref<128x8x128xf32, #tpu.memory_space<hbm>> -> memref<1x8x128xf32, #tpu.memory_space<hbm>>
      %dma_start3A_2454 = tpu.memref_squeeze %dma_start3A_2453 : memref<1x8x128xf32, #tpu.memory_space<hbm>> -> memref<8x128xf32, #tpu.memory_space<hbm>>
      %dma_start3A_2455 = arith.constant 0 : i32
      %dma_start3A_2456 = arith.constant 0 : i32
      %dma_start3A_2457 = tpu.memref_slice %arg8[%rem3A_1669, %dma_start3A_2455, %dma_start3A_2456] : memref<2x32x513xf32, #tpu.memory_space<vmem>> -> memref<1x32x513xf32, #tpu.memory_space<vmem>>
      %dma_start3A_2458 = tpu.memref_squeeze %dma_start3A_2457 : memref<1x32x513xf32, #tpu.memory_space<vmem>> -> memref<32x513xf32, #tpu.memory_space<vmem>>
      %dma_start3A_2459 = arith.constant 24 : i32
      %dma_start3A_2460 = arith.constant 256 : i32
      %dma_start3A_2461 = tpu.memref_slice %dma_start3A_2458[%dma_start3A_2459, %dma_start3A_2460] : memref<32x513xf32, #tpu.memory_space<vmem>> -> memref<8x128xf32, #tpu.memory_space<vmem>>
      tpu.enqueue_dma source(%dma_start3A_2461 : memref<8x128xf32, #tpu.memory_space<vmem>>) target(%dma_start3A_2454 : memref<8x128xf32, #tpu.memory_space<hbm>>) target_semaphore(%dma_start3A_2439 : memref<!tpu.dma_semaphore, #tpu.memory_space<semaphore_mem>>)
      %mul3A_2462 = arith.constant 4 : i32
      %mul3A_2463 = arith.muli %add3A, %mul3A_2462 : i32
      %add3A_2464 = arith.constant 3 : i32
      %add3A_2465 = arith.addi %mul3A_2463, %add3A_2464 : i32
      %dma_start3A_2466 = arith.constant 3 : i32
      %dma_start3A_2467 = arith.constant 0 : i32
      %dma_start3A_2468 = arith.constant 0 : i32
      %dma_start3A_2469 = tpu.memref_slice %arg8[%rem3A_1669, %dma_start3A_2467, %dma_start3A_2468] : memref<2x32x513xf32, #tpu.memory_space<vmem>> -> memref<1x32x513xf32, #tpu.memory_space<vmem>>
      %dma_start3A_2470 = tpu.memref_squeeze %dma_start3A_2469 : memref<1x32x513xf32, #tpu.memory_space<vmem>> -> memref<32x513xf32, #tpu.memory_space<vmem>>
      %dma_start3A_2471 = arith.constant 24 : i32
      %dma_start3A_2472 = arith.constant 384 : i32
      %dma_start3A_2473 = tpu.memref_slice %dma_start3A_2470[%dma_start3A_2471, %dma_start3A_2472] : memref<32x513xf32, #tpu.memory_space<vmem>> -> memref<8x128xf32, #tpu.memory_space<vmem>>
      %dma_start3A_2474 = arith.constant 0 : i32
      %dma_start3A_2475 = arith.constant 0 : i32
      %dma_start3A_2476 = arith.constant 0 : i32
      %dma_start3A_2477 = arith.constant 0 : i32
      %dma_start3A_2478 = tpu.memref_slice %arg4[%scan3A_1667, %dma_start3A_2474, %dma_start3A_2475, %dma_start3A_2476, %dma_start3A_2477] : memref<50x4x128x8x128xf32, #tpu.memory_space<hbm>> -> memref<1x4x128x8x128xf32, #tpu.memory_space<hbm>>
      %dma_start3A_2479 = tpu.memref_squeeze %dma_start3A_2478 : memref<1x4x128x8x128xf32, #tpu.memory_space<hbm>> -> memref<4x128x8x128xf32, #tpu.memory_space<hbm>>
      %dma_start3A_2480 = arith.constant 0 : i32
      %dma_start3A_2481 = arith.constant 0 : i32
      %dma_start3A_2482 = arith.constant 0 : i32
      %dma_start3A_2483 = tpu.memref_slice %dma_start3A_2479[%dma_start3A_2466, %dma_start3A_2480, %dma_start3A_2481, %dma_start3A_2482] : memref<4x128x8x128xf32, #tpu.memory_space<hbm>> -> memref<1x128x8x128xf32, #tpu.memory_space<hbm>>
      %dma_start3A_2484 = tpu.memref_squeeze %dma_start3A_2483 : memref<1x128x8x128xf32, #tpu.memory_space<hbm>> -> memref<128x8x128xf32, #tpu.memory_space<hbm>>
      %dma_start3A_2485 = arith.constant 0 : i32
      %dma_start3A_2486 = arith.constant 0 : i32
      %dma_start3A_2487 = tpu.memref_slice %dma_start3A_2484[%add3A_2465, %dma_start3A_2485, %dma_start3A_2486] : memref<128x8x128xf32, #tpu.memory_space<hbm>> -> memref<1x8x128xf32, #tpu.memory_space<hbm>>
      %dma_start3A_2488 = tpu.memref_squeeze %dma_start3A_2487 : memref<1x8x128xf32, #tpu.memory_space<hbm>> -> memref<8x128xf32, #tpu.memory_space<hbm>>
      %dma_start3A_2489 = tpu.memref_slice %arg10[%rem3A_1669] : memref<2x!tpu.dma_semaphore, #tpu.memory_space<semaphore_mem>> -> memref<1x!tpu.dma_semaphore, #tpu.memory_space<semaphore_mem>>
      %dma_start3A_2490 = tpu.memref_squeeze %dma_start3A_2489 : memref<1x!tpu.dma_semaphore, #tpu.memory_space<semaphore_mem>> -> memref<!tpu.dma_semaphore, #tpu.memory_space<semaphore_mem>>
      %dma_start3A_2491 = arith.constant 0 : i32
      %dma_start3A_2492 = arith.constant 0 : i32
      %dma_start3A_2493 = arith.constant 0 : i32
      %dma_start3A_2494 = arith.constant 0 : i32
      %dma_start3A_2495 = tpu.memref_slice %arg4[%scan3A_1667, %dma_start3A_2491, %dma_start3A_2492, %dma_start3A_2493, %dma_start3A_2494] : memref<50x4x128x8x128xf32, #tpu.memory_space<hbm>> -> memref<1x4x128x8x128xf32, #tpu.memory_space<hbm>>
      %dma_start3A_2496 = tpu.memref_squeeze %dma_start3A_2495 : memref<1x4x128x8x128xf32, #tpu.memory_space<hbm>> -> memref<4x128x8x128xf32, #tpu.memory_space<hbm>>
      %dma_start3A_2497 = arith.constant 0 : i32
      %dma_start3A_2498 = arith.constant 0 : i32
      %dma_start3A_2499 = arith.constant 0 : i32
      %dma_start3A_2500 = tpu.memref_slice %dma_start3A_2496[%dma_start3A_2466, %dma_start3A_2497, %dma_start3A_2498, %dma_start3A_2499] : memref<4x128x8x128xf32, #tpu.memory_space<hbm>> -> memref<1x128x8x128xf32, #tpu.memory_space<hbm>>
      %dma_start3A_2501 = tpu.memref_squeeze %dma_start3A_2500 : memref<1x128x8x128xf32, #tpu.memory_space<hbm>> -> memref<128x8x128xf32, #tpu.memory_space<hbm>>
      %dma_start3A_2502 = arith.constant 0 : i32
      %dma_start3A_2503 = arith.constant 0 : i32
      %dma_start3A_2504 = tpu.memref_slice %dma_start3A_2501[%add3A_2465, %dma_start3A_2502, %dma_start3A_2503] : memref<128x8x128xf32, #tpu.memory_space<hbm>> -> memref<1x8x128xf32, #tpu.memory_space<hbm>>
      %dma_start3A_2505 = tpu.memref_squeeze %dma_start3A_2504 : memref<1x8x128xf32, #tpu.memory_space<hbm>> -> memref<8x128xf32, #tpu.memory_space<hbm>>
      %dma_start3A_2506 = arith.constant 0 : i32
      %dma_start3A_2507 = arith.constant 0 : i32
      %dma_start3A_2508 = tpu.memref_slice %arg8[%rem3A_1669, %dma_start3A_2506, %dma_start3A_2507] : memref<2x32x513xf32, #tpu.memory_space<vmem>> -> memref<1x32x513xf32, #tpu.memory_space<vmem>>
      %dma_start3A_2509 = tpu.memref_squeeze %dma_start3A_2508 : memref<1x32x513xf32, #tpu.memory_space<vmem>> -> memref<32x513xf32, #tpu.memory_space<vmem>>
      %dma_start3A_2510 = arith.constant 24 : i32
      %dma_start3A_2511 = arith.constant 384 : i32
      %dma_start3A_2512 = tpu.memref_slice %dma_start3A_2509[%dma_start3A_2510, %dma_start3A_2511] : memref<32x513xf32, #tpu.memory_space<vmem>> -> memref<8x128xf32, #tpu.memory_space<vmem>>
      tpu.enqueue_dma source(%dma_start3A_2512 : memref<8x128xf32, #tpu.memory_space<vmem>>) target(%dma_start3A_2505 : memref<8x128xf32, #tpu.memory_space<hbm>>) target_semaphore(%dma_start3A_2490 : memref<!tpu.dma_semaphore, #tpu.memory_space<semaphore_mem>>)
      %scan3A_2513 = arith.constant 0 : i32
      scf.yield %scan3A_2513 : i32
    }
    %scan3A_35 = arith.constant 50 : i32
    %dma_wait3A = arith.constant 0 : i32
    %dma_wait3A_36 = arith.constant 0 : i32
    %dma_wait3A_37 = arith.constant 0 : i32
    %dma_wait3A_38 = arith.constant 0 : i32
    %dma_wait3A_39 = arith.constant 0 : i32
    %dma_wait3A_40 = arith.constant 0 : i32
    %dma_wait3A_41 = arith.constant 0 : i32
    %dma_wait3A_42 = tpu.memref_slice %arg8[%dma_wait3A, %dma_wait3A_40, %dma_wait3A_41] : memref<2x32x513xf32, #tpu.memory_space<vmem>> -> memref<1x32x513xf32, #tpu.memory_space<vmem>>
    %dma_wait3A_43 = tpu.memref_squeeze %dma_wait3A_42 : memref<1x32x513xf32, #tpu.memory_space<vmem>> -> memref<32x513xf32, #tpu.memory_space<vmem>>
    %dma_wait3A_44 = arith.constant 0 : i32
    %dma_wait3A_45 = arith.constant 0 : i32
    %dma_wait3A_46 = tpu.memref_slice %dma_wait3A_43[%dma_wait3A_44, %dma_wait3A_45] : memref<32x513xf32, #tpu.memory_space<vmem>> -> memref<8x128xf32, #tpu.memory_space<vmem>>
    %dma_wait3A_47 = arith.constant 0 : i32
    %dma_wait3A_48 = arith.constant 0 : i32
    %dma_wait3A_49 = arith.constant 0 : i32
    %dma_wait3A_50 = arith.constant 0 : i32
    %dma_wait3A_51 = tpu.memref_slice %arg4[%dma_wait3A_36, %dma_wait3A_47, %dma_wait3A_48, %dma_wait3A_49, %dma_wait3A_50] : memref<50x4x128x8x128xf32, #tpu.memory_space<hbm>> -> memref<1x4x128x8x128xf32, #tpu.memory_space<hbm>>
    %dma_wait3A_52 = tpu.memref_squeeze %dma_wait3A_51 : memref<1x4x128x8x128xf32, #tpu.memory_space<hbm>> -> memref<4x128x8x128xf32, #tpu.memory_space<hbm>>
    %dma_wait3A_53 = arith.constant 0 : i32
    %dma_wait3A_54 = arith.constant 0 : i32
    %dma_wait3A_55 = arith.constant 0 : i32
    %dma_wait3A_56 = tpu.memref_slice %dma_wait3A_52[%dma_wait3A_37, %dma_wait3A_53, %dma_wait3A_54, %dma_wait3A_55] : memref<4x128x8x128xf32, #tpu.memory_space<hbm>> -> memref<1x128x8x128xf32, #tpu.memory_space<hbm>>
    %dma_wait3A_57 = tpu.memref_squeeze %dma_wait3A_56 : memref<1x128x8x128xf32, #tpu.memory_space<hbm>> -> memref<128x8x128xf32, #tpu.memory_space<hbm>>
    %dma_wait3A_58 = arith.constant 0 : i32
    %dma_wait3A_59 = arith.constant 0 : i32
    %dma_wait3A_60 = tpu.memref_slice %dma_wait3A_57[%dma_wait3A_38, %dma_wait3A_58, %dma_wait3A_59] : memref<128x8x128xf32, #tpu.memory_space<hbm>> -> memref<1x8x128xf32, #tpu.memory_space<hbm>>
    %dma_wait3A_61 = tpu.memref_squeeze %dma_wait3A_60 : memref<1x8x128xf32, #tpu.memory_space<hbm>> -> memref<8x128xf32, #tpu.memory_space<hbm>>
    %dma_wait3A_62 = tpu.memref_slice %arg10[%dma_wait3A_39] : memref<2x!tpu.dma_semaphore, #tpu.memory_space<semaphore_mem>> -> memref<1x!tpu.dma_semaphore, #tpu.memory_space<semaphore_mem>>
    %dma_wait3A_63 = tpu.memref_squeeze %dma_wait3A_62 : memref<1x!tpu.dma_semaphore, #tpu.memory_space<semaphore_mem>> -> memref<!tpu.dma_semaphore, #tpu.memory_space<semaphore_mem>>
    %dma_wait3A_64 = arith.constant 0 : i32
    %dma_wait3A_65 = arith.constant 0 : i32
    %dma_wait3A_66 = arith.constant 0 : i32
    %dma_wait3A_67 = arith.constant 0 : i32
    %dma_wait3A_68 = tpu.memref_slice %arg4[%dma_wait3A_36, %dma_wait3A_64, %dma_wait3A_65, %dma_wait3A_66, %dma_wait3A_67] : memref<50x4x128x8x128xf32, #tpu.memory_space<hbm>> -> memref<1x4x128x8x128xf32, #tpu.memory_space<hbm>>
    %dma_wait3A_69 = tpu.memref_squeeze %dma_wait3A_68 : memref<1x4x128x8x128xf32, #tpu.memory_space<hbm>> -> memref<4x128x8x128xf32, #tpu.memory_space<hbm>>
    %dma_wait3A_70 = arith.constant 0 : i32
    %dma_wait3A_71 = arith.constant 0 : i32
    %dma_wait3A_72 = arith.constant 0 : i32
    %dma_wait3A_73 = tpu.memref_slice %dma_wait3A_69[%dma_wait3A_37, %dma_wait3A_70, %dma_wait3A_71, %dma_wait3A_72] : memref<4x128x8x128xf32, #tpu.memory_space<hbm>> -> memref<1x128x8x128xf32, #tpu.memory_space<hbm>>
    %dma_wait3A_74 = tpu.memref_squeeze %dma_wait3A_73 : memref<1x128x8x128xf32, #tpu.memory_space<hbm>> -> memref<128x8x128xf32, #tpu.memory_space<hbm>>
    %dma_wait3A_75 = arith.constant 0 : i32
    %dma_wait3A_76 = arith.constant 0 : i32
    %dma_wait3A_77 = tpu.memref_slice %dma_wait3A_74[%dma_wait3A_38, %dma_wait3A_75, %dma_wait3A_76] : memref<128x8x128xf32, #tpu.memory_space<hbm>> -> memref<1x8x128xf32, #tpu.memory_space<hbm>>
    %dma_wait3A_78 = tpu.memref_squeeze %dma_wait3A_77 : memref<1x8x128xf32, #tpu.memory_space<hbm>> -> memref<8x128xf32, #tpu.memory_space<hbm>>
    %dma_wait3A_79 = arith.constant 0 : i32
    %dma_wait3A_80 = arith.constant 0 : i32
    %dma_wait3A_81 = tpu.memref_slice %arg8[%dma_wait3A, %dma_wait3A_79, %dma_wait3A_80] : memref<2x32x513xf32, #tpu.memory_space<vmem>> -> memref<1x32x513xf32, #tpu.memory_space<vmem>>
    %dma_wait3A_82 = tpu.memref_squeeze %dma_wait3A_81 : memref<1x32x513xf32, #tpu.memory_space<vmem>> -> memref<32x513xf32, #tpu.memory_space<vmem>>
    %dma_wait3A_83 = arith.constant 0 : i32
    %dma_wait3A_84 = arith.constant 0 : i32
    %dma_wait3A_85 = tpu.memref_slice %dma_wait3A_82[%dma_wait3A_83, %dma_wait3A_84] : memref<32x513xf32, #tpu.memory_space<vmem>> -> memref<8x128xf32, #tpu.memory_space<vmem>>
    tpu.wait_dma2 semaphore(%dma_wait3A_63 : memref<!tpu.dma_semaphore, #tpu.memory_space<semaphore_mem>>) src(%dma_wait3A_85 : memref<8x128xf32, #tpu.memory_space<vmem>>) dst(%dma_wait3A_78 : memref<8x128xf32, #tpu.memory_space<hbm>>)
    %dma_wait3A_86 = arith.constant 0 : i32
    %dma_wait3A_87 = arith.constant 0 : i32
    %dma_wait3A_88 = arith.constant 0 : i32
    %dma_wait3A_89 = arith.constant 0 : i32
    %dma_wait3A_90 = arith.constant 0 : i32
    %dma_wait3A_91 = arith.constant 0 : i32
    %dma_wait3A_92 = arith.constant 0 : i32
    %dma_wait3A_93 = tpu.memref_slice %arg8[%dma_wait3A_86, %dma_wait3A_91, %dma_wait3A_92] : memref<2x32x513xf32, #tpu.memory_space<vmem>> -> memref<1x32x513xf32, #tpu.memory_space<vmem>>
    %dma_wait3A_94 = tpu.memref_squeeze %dma_wait3A_93 : memref<1x32x513xf32, #tpu.memory_space<vmem>> -> memref<32x513xf32, #tpu.memory_space<vmem>>
    %dma_wait3A_95 = arith.constant 0 : i32
    %dma_wait3A_96 = arith.constant 0 : i32
    %dma_wait3A_97 = tpu.memref_slice %dma_wait3A_94[%dma_wait3A_95, %dma_wait3A_96] : memref<32x513xf32, #tpu.memory_space<vmem>> -> memref<8x128xf32, #tpu.memory_space<vmem>>
    %dma_wait3A_98 = arith.constant 0 : i32
    %dma_wait3A_99 = arith.constant 0 : i32
    %dma_wait3A_100 = arith.constant 0 : i32
    %dma_wait3A_101 = arith.constant 0 : i32
    %dma_wait3A_102 = tpu.memref_slice %arg4[%dma_wait3A_87, %dma_wait3A_98, %dma_wait3A_99, %dma_wait3A_100, %dma_wait3A_101] : memref<50x4x128x8x128xf32, #tpu.memory_space<hbm>> -> memref<1x4x128x8x128xf32, #tpu.memory_space<hbm>>
    %dma_wait3A_103 = tpu.memref_squeeze %dma_wait3A_102 : memref<1x4x128x8x128xf32, #tpu.memory_space<hbm>> -> memref<4x128x8x128xf32, #tpu.memory_space<hbm>>
    %dma_wait3A_104 = arith.constant 0 : i32
    %dma_wait3A_105 = arith.constant 0 : i32
    %dma_wait3A_106 = arith.constant 0 : i32
    %dma_wait3A_107 = tpu.memref_slice %dma_wait3A_103[%dma_wait3A_88, %dma_wait3A_104, %dma_wait3A_105, %dma_wait3A_106] : memref<4x128x8x128xf32, #tpu.memory_space<hbm>> -> memref<1x128x8x128xf32, #tpu.memory_space<hbm>>
    %dma_wait3A_108 = tpu.memref_squeeze %dma_wait3A_107 : memref<1x128x8x128xf32, #tpu.memory_space<hbm>> -> memref<128x8x128xf32, #tpu.memory_space<hbm>>
    %dma_wait3A_109 = arith.constant 0 : i32
    %dma_wait3A_110 = arith.constant 0 : i32
    %dma_wait3A_111 = tpu.memref_slice %dma_wait3A_108[%dma_wait3A_89, %dma_wait3A_109, %dma_wait3A_110] : memref<128x8x128xf32, #tpu.memory_space<hbm>> -> memref<1x8x128xf32, #tpu.memory_space<hbm>>
    %dma_wait3A_112 = tpu.memref_squeeze %dma_wait3A_111 : memref<1x8x128xf32, #tpu.memory_space<hbm>> -> memref<8x128xf32, #tpu.memory_space<hbm>>
    %dma_wait3A_113 = tpu.memref_slice %arg10[%dma_wait3A_90] : memref<2x!tpu.dma_semaphore, #tpu.memory_space<semaphore_mem>> -> memref<1x!tpu.dma_semaphore, #tpu.memory_space<semaphore_mem>>
    %dma_wait3A_114 = tpu.memref_squeeze %dma_wait3A_113 : memref<1x!tpu.dma_semaphore, #tpu.memory_space<semaphore_mem>> -> memref<!tpu.dma_semaphore, #tpu.memory_space<semaphore_mem>>
    %dma_wait3A_115 = arith.constant 0 : i32
    %dma_wait3A_116 = arith.constant 0 : i32
    %dma_wait3A_117 = arith.constant 0 : i32
    %dma_wait3A_118 = arith.constant 0 : i32
    %dma_wait3A_119 = tpu.memref_slice %arg4[%dma_wait3A_87, %dma_wait3A_115, %dma_wait3A_116, %dma_wait3A_117, %dma_wait3A_118] : memref<50x4x128x8x128xf32, #tpu.memory_space<hbm>> -> memref<1x4x128x8x128xf32, #tpu.memory_space<hbm>>
    %dma_wait3A_120 = tpu.memref_squeeze %dma_wait3A_119 : memref<1x4x128x8x128xf32, #tpu.memory_space<hbm>> -> memref<4x128x8x128xf32, #tpu.memory_space<hbm>>
    %dma_wait3A_121 = arith.constant 0 : i32
    %dma_wait3A_122 = arith.constant 0 : i32
    %dma_wait3A_123 = arith.constant 0 : i32
    %dma_wait3A_124 = tpu.memref_slice %dma_wait3A_120[%dma_wait3A_88, %dma_wait3A_121, %dma_wait3A_122, %dma_wait3A_123] : memref<4x128x8x128xf32, #tpu.memory_space<hbm>> -> memref<1x128x8x128xf32, #tpu.memory_space<hbm>>
    %dma_wait3A_125 = tpu.memref_squeeze %dma_wait3A_124 : memref<1x128x8x128xf32, #tpu.memory_space<hbm>> -> memref<128x8x128xf32, #tpu.memory_space<hbm>>
    %dma_wait3A_126 = arith.constant 0 : i32
    %dma_wait3A_127 = arith.constant 0 : i32
    %dma_wait3A_128 = tpu.memref_slice %dma_wait3A_125[%dma_wait3A_89, %dma_wait3A_126, %dma_wait3A_127] : memref<128x8x128xf32, #tpu.memory_space<hbm>> -> memref<1x8x128xf32, #tpu.memory_space<hbm>>
    %dma_wait3A_129 = tpu.memref_squeeze %dma_wait3A_128 : memref<1x8x128xf32, #tpu.memory_space<hbm>> -> memref<8x128xf32, #tpu.memory_space<hbm>>
    %dma_wait3A_130 = arith.constant 0 : i32
    %dma_wait3A_131 = arith.constant 0 : i32
    %dma_wait3A_132 = tpu.memref_slice %arg8[%dma_wait3A_86, %dma_wait3A_130, %dma_wait3A_131] : memref<2x32x513xf32, #tpu.memory_space<vmem>> -> memref<1x32x513xf32, #tpu.memory_space<vmem>>
    %dma_wait3A_133 = tpu.memref_squeeze %dma_wait3A_132 : memref<1x32x513xf32, #tpu.memory_space<vmem>> -> memref<32x513xf32, #tpu.memory_space<vmem>>
    %dma_wait3A_134 = arith.constant 0 : i32
    %dma_wait3A_135 = arith.constant 0 : i32
    %dma_wait3A_136 = tpu.memref_slice %dma_wait3A_133[%dma_wait3A_134, %dma_wait3A_135] : memref<32x513xf32, #tpu.memory_space<vmem>> -> memref<8x128xf32, #tpu.memory_space<vmem>>
    tpu.wait_dma2 semaphore(%dma_wait3A_114 : memref<!tpu.dma_semaphore, #tpu.memory_space<semaphore_mem>>) src(%dma_wait3A_136 : memref<8x128xf32, #tpu.memory_space<vmem>>) dst(%dma_wait3A_129 : memref<8x128xf32, #tpu.memory_space<hbm>>)
    %dma_wait3A_137 = arith.constant 0 : i32
    %dma_wait3A_138 = arith.constant 0 : i32
    %dma_wait3A_139 = arith.constant 0 : i32
    %dma_wait3A_140 = arith.constant 0 : i32
    %dma_wait3A_141 = arith.constant 0 : i32
    %dma_wait3A_142 = arith.constant 0 : i32
    %dma_wait3A_143 = arith.constant 0 : i32
    %dma_wait3A_144 = tpu.memref_slice %arg8[%dma_wait3A_137, %dma_wait3A_142, %dma_wait3A_143] : memref<2x32x513xf32, #tpu.memory_space<vmem>> -> memref<1x32x513xf32, #tpu.memory_space<vmem>>
    %dma_wait3A_145 = tpu.memref_squeeze %dma_wait3A_144 : memref<1x32x513xf32, #tpu.memory_space<vmem>> -> memref<32x513xf32, #tpu.memory_space<vmem>>
    %dma_wait3A_146 = arith.constant 0 : i32
    %dma_wait3A_147 = arith.constant 0 : i32
    %dma_wait3A_148 = tpu.memref_slice %dma_wait3A_145[%dma_wait3A_146, %dma_wait3A_147] : memref<32x513xf32, #tpu.memory_space<vmem>> -> memref<8x128xf32, #tpu.memory_space<vmem>>
    %dma_wait3A_149 = arith.constant 0 : i32
    %dma_wait3A_150 = arith.constant 0 : i32
    %dma_wait3A_151 = arith.constant 0 : i32
    %dma_wait3A_152 = arith.constant 0 : i32
    %dma_wait3A_153 = tpu.memref_slice %arg4[%dma_wait3A_138, %dma_wait3A_149, %dma_wait3A_150, %dma_wait3A_151, %dma_wait3A_152] : memref<50x4x128x8x128xf32, #tpu.memory_space<hbm>> -> memref<1x4x128x8x128xf32, #tpu.memory_space<hbm>>
    %dma_wait3A_154 = tpu.memref_squeeze %dma_wait3A_153 : memref<1x4x128x8x128xf32, #tpu.memory_space<hbm>> -> memref<4x128x8x128xf32, #tpu.memory_space<hbm>>
    %dma_wait3A_155 = arith.constant 0 : i32
    %dma_wait3A_156 = arith.constant 0 : i32
    %dma_wait3A_157 = arith.constant 0 : i32
    %dma_wait3A_158 = tpu.memref_slice %dma_wait3A_154[%dma_wait3A_139, %dma_wait3A_155, %dma_wait3A_156, %dma_wait3A_157] : memref<4x128x8x128xf32, #tpu.memory_space<hbm>> -> memref<1x128x8x128xf32, #tpu.memory_space<hbm>>
    %dma_wait3A_159 = tpu.memref_squeeze %dma_wait3A_158 : memref<1x128x8x128xf32, #tpu.memory_space<hbm>> -> memref<128x8x128xf32, #tpu.memory_space<hbm>>
    %dma_wait3A_160 = arith.constant 0 : i32
    %dma_wait3A_161 = arith.constant 0 : i32
    %dma_wait3A_162 = tpu.memref_slice %dma_wait3A_159[%dma_wait3A_140, %dma_wait3A_160, %dma_wait3A_161] : memref<128x8x128xf32, #tpu.memory_space<hbm>> -> memref<1x8x128xf32, #tpu.memory_space<hbm>>
    %dma_wait3A_163 = tpu.memref_squeeze %dma_wait3A_162 : memref<1x8x128xf32, #tpu.memory_space<hbm>> -> memref<8x128xf32, #tpu.memory_space<hbm>>
    %dma_wait3A_164 = tpu.memref_slice %arg10[%dma_wait3A_141] : memref<2x!tpu.dma_semaphore, #tpu.memory_space<semaphore_mem>> -> memref<1x!tpu.dma_semaphore, #tpu.memory_space<semaphore_mem>>
    %dma_wait3A_165 = tpu.memref_squeeze %dma_wait3A_164 : memref<1x!tpu.dma_semaphore, #tpu.memory_space<semaphore_mem>> -> memref<!tpu.dma_semaphore, #tpu.memory_space<semaphore_mem>>
    %dma_wait3A_166 = arith.constant 0 : i32
    %dma_wait3A_167 = arith.constant 0 : i32
    %dma_wait3A_168 = arith.constant 0 : i32
    %dma_wait3A_169 = arith.constant 0 : i32
    %dma_wait3A_170 = tpu.memref_slice %arg4[%dma_wait3A_138, %dma_wait3A_166, %dma_wait3A_167, %dma_wait3A_168, %dma_wait3A_169] : memref<50x4x128x8x128xf32, #tpu.memory_space<hbm>> -> memref<1x4x128x8x128xf32, #tpu.memory_space<hbm>>
    %dma_wait3A_171 = tpu.memref_squeeze %dma_wait3A_170 : memref<1x4x128x8x128xf32, #tpu.memory_space<hbm>> -> memref<4x128x8x128xf32, #tpu.memory_space<hbm>>
    %dma_wait3A_172 = arith.constant 0 : i32
    %dma_wait3A_173 = arith.constant 0 : i32
    %dma_wait3A_174 = arith.constant 0 : i32
    %dma_wait3A_175 = tpu.memref_slice %dma_wait3A_171[%dma_wait3A_139, %dma_wait3A_172, %dma_wait3A_173, %dma_wait3A_174] : memref<4x128x8x128xf32, #tpu.memory_space<hbm>> -> memref<1x128x8x128xf32, #tpu.memory_space<hbm>>
    %dma_wait3A_176 = tpu.memref_squeeze %dma_wait3A_175 : memref<1x128x8x128xf32, #tpu.memory_space<hbm>> -> memref<128x8x128xf32, #tpu.memory_space<hbm>>
    %dma_wait3A_177 = arith.constant 0 : i32
    %dma_wait3A_178 = arith.constant 0 : i32
    %dma_wait3A_179 = tpu.memref_slice %dma_wait3A_176[%dma_wait3A_140, %dma_wait3A_177, %dma_wait3A_178] : memref<128x8x128xf32, #tpu.memory_space<hbm>> -> memref<1x8x128xf32, #tpu.memory_space<hbm>>
    %dma_wait3A_180 = tpu.memref_squeeze %dma_wait3A_179 : memref<1x8x128xf32, #tpu.memory_space<hbm>> -> memref<8x128xf32, #tpu.memory_space<hbm>>
    %dma_wait3A_181 = arith.constant 0 : i32
    %dma_wait3A_182 = arith.constant 0 : i32
    %dma_wait3A_183 = tpu.memref_slice %arg8[%dma_wait3A_137, %dma_wait3A_181, %dma_wait3A_182] : memref<2x32x513xf32, #tpu.memory_space<vmem>> -> memref<1x32x513xf32, #tpu.memory_space<vmem>>
    %dma_wait3A_184 = tpu.memref_squeeze %dma_wait3A_183 : memref<1x32x513xf32, #tpu.memory_space<vmem>> -> memref<32x513xf32, #tpu.memory_space<vmem>>
    %dma_wait3A_185 = arith.constant 0 : i32
    %dma_wait3A_186 = arith.constant 0 : i32
    %dma_wait3A_187 = tpu.memref_slice %dma_wait3A_184[%dma_wait3A_185, %dma_wait3A_186] : memref<32x513xf32, #tpu.memory_space<vmem>> -> memref<8x128xf32, #tpu.memory_space<vmem>>
    tpu.wait_dma2 semaphore(%dma_wait3A_165 : memref<!tpu.dma_semaphore, #tpu.memory_space<semaphore_mem>>) src(%dma_wait3A_187 : memref<8x128xf32, #tpu.memory_space<vmem>>) dst(%dma_wait3A_180 : memref<8x128xf32, #tpu.memory_space<hbm>>)
    %dma_wait3A_188 = arith.constant 0 : i32
    %dma_wait3A_189 = arith.constant 0 : i32
    %dma_wait3A_190 = arith.constant 0 : i32
    %dma_wait3A_191 = arith.constant 0 : i32
    %dma_wait3A_192 = arith.constant 0 : i32
    %dma_wait3A_193 = arith.constant 0 : i32
    %dma_wait3A_194 = arith.constant 0 : i32
    %dma_wait3A_195 = tpu.memref_slice %arg8[%dma_wait3A_188, %dma_wait3A_193, %dma_wait3A_194] : memref<2x32x513xf32, #tpu.memory_space<vmem>> -> memref<1x32x513xf32, #tpu.memory_space<vmem>>
    %dma_wait3A_196 = tpu.memref_squeeze %dma_wait3A_195 : memref<1x32x513xf32, #tpu.memory_space<vmem>> -> memref<32x513xf32, #tpu.memory_space<vmem>>
    %dma_wait3A_197 = arith.constant 0 : i32
    %dma_wait3A_198 = arith.constant 0 : i32
    %dma_wait3A_199 = tpu.memref_slice %dma_wait3A_196[%dma_wait3A_197, %dma_wait3A_198] : memref<32x513xf32, #tpu.memory_space<vmem>> -> memref<8x128xf32, #tpu.memory_space<vmem>>
    %dma_wait3A_200 = arith.constant 0 : i32
    %dma_wait3A_201 = arith.constant 0 : i32
    %dma_wait3A_202 = arith.constant 0 : i32
    %dma_wait3A_203 = arith.constant 0 : i32
    %dma_wait3A_204 = tpu.memref_slice %arg4[%dma_wait3A_189, %dma_wait3A_200, %dma_wait3A_201, %dma_wait3A_202, %dma_wait3A_203] : memref<50x4x128x8x128xf32, #tpu.memory_space<hbm>> -> memref<1x4x128x8x128xf32, #tpu.memory_space<hbm>>
    %dma_wait3A_205 = tpu.memref_squeeze %dma_wait3A_204 : memref<1x4x128x8x128xf32, #tpu.memory_space<hbm>> -> memref<4x128x8x128xf32, #tpu.memory_space<hbm>>
    %dma_wait3A_206 = arith.constant 0 : i32
    %dma_wait3A_207 = arith.constant 0 : i32
    %dma_wait3A_208 = arith.constant 0 : i32
    %dma_wait3A_209 = tpu.memref_slice %dma_wait3A_205[%dma_wait3A_190, %dma_wait3A_206, %dma_wait3A_207, %dma_wait3A_208] : memref<4x128x8x128xf32, #tpu.memory_space<hbm>> -> memref<1x128x8x128xf32, #tpu.memory_space<hbm>>
    %dma_wait3A_210 = tpu.memref_squeeze %dma_wait3A_209 : memref<1x128x8x128xf32, #tpu.memory_space<hbm>> -> memref<128x8x128xf32, #tpu.memory_space<hbm>>
    %dma_wait3A_211 = arith.constant 0 : i32
    %dma_wait3A_212 = arith.constant 0 : i32
    %dma_wait3A_213 = tpu.memref_slice %dma_wait3A_210[%dma_wait3A_191, %dma_wait3A_211, %dma_wait3A_212] : memref<128x8x128xf32, #tpu.memory_space<hbm>> -> memref<1x8x128xf32, #tpu.memory_space<hbm>>
    %dma_wait3A_214 = tpu.memref_squeeze %dma_wait3A_213 : memref<1x8x128xf32, #tpu.memory_space<hbm>> -> memref<8x128xf32, #tpu.memory_space<hbm>>
    %dma_wait3A_215 = tpu.memref_slice %arg10[%dma_wait3A_192] : memref<2x!tpu.dma_semaphore, #tpu.memory_space<semaphore_mem>> -> memref<1x!tpu.dma_semaphore, #tpu.memory_space<semaphore_mem>>
    %dma_wait3A_216 = tpu.memref_squeeze %dma_wait3A_215 : memref<1x!tpu.dma_semaphore, #tpu.memory_space<semaphore_mem>> -> memref<!tpu.dma_semaphore, #tpu.memory_space<semaphore_mem>>
    %dma_wait3A_217 = arith.constant 0 : i32
    %dma_wait3A_218 = arith.constant 0 : i32
    %dma_wait3A_219 = arith.constant 0 : i32
    %dma_wait3A_220 = arith.constant 0 : i32
    %dma_wait3A_221 = tpu.memref_slice %arg4[%dma_wait3A_189, %dma_wait3A_217, %dma_wait3A_218, %dma_wait3A_219, %dma_wait3A_220] : memref<50x4x128x8x128xf32, #tpu.memory_space<hbm>> -> memref<1x4x128x8x128xf32, #tpu.memory_space<hbm>>
    %dma_wait3A_222 = tpu.memref_squeeze %dma_wait3A_221 : memref<1x4x128x8x128xf32, #tpu.memory_space<hbm>> -> memref<4x128x8x128xf32, #tpu.memory_space<hbm>>
    %dma_wait3A_223 = arith.constant 0 : i32
    %dma_wait3A_224 = arith.constant 0 : i32
    %dma_wait3A_225 = arith.constant 0 : i32
    %dma_wait3A_226 = tpu.memref_slice %dma_wait3A_222[%dma_wait3A_190, %dma_wait3A_223, %dma_wait3A_224, %dma_wait3A_225] : memref<4x128x8x128xf32, #tpu.memory_space<hbm>> -> memref<1x128x8x128xf32, #tpu.memory_space<hbm>>
    %dma_wait3A_227 = tpu.memref_squeeze %dma_wait3A_226 : memref<1x128x8x128xf32, #tpu.memory_space<hbm>> -> memref<128x8x128xf32, #tpu.memory_space<hbm>>
    %dma_wait3A_228 = arith.constant 0 : i32
    %dma_wait3A_229 = arith.constant 0 : i32
    %dma_wait3A_230 = tpu.memref_slice %dma_wait3A_227[%dma_wait3A_191, %dma_wait3A_228, %dma_wait3A_229] : memref<128x8x128xf32, #tpu.memory_space<hbm>> -> memref<1x8x128xf32, #tpu.memory_space<hbm>>
    %dma_wait3A_231 = tpu.memref_squeeze %dma_wait3A_230 : memref<1x8x128xf32, #tpu.memory_space<hbm>> -> memref<8x128xf32, #tpu.memory_space<hbm>>
    %dma_wait3A_232 = arith.constant 0 : i32
    %dma_wait3A_233 = arith.constant 0 : i32
    %dma_wait3A_234 = tpu.memref_slice %arg8[%dma_wait3A_188, %dma_wait3A_232, %dma_wait3A_233] : memref<2x32x513xf32, #tpu.memory_space<vmem>> -> memref<1x32x513xf32, #tpu.memory_space<vmem>>
    %dma_wait3A_235 = tpu.memref_squeeze %dma_wait3A_234 : memref<1x32x513xf32, #tpu.memory_space<vmem>> -> memref<32x513xf32, #tpu.memory_space<vmem>>
    %dma_wait3A_236 = arith.constant 0 : i32
    %dma_wait3A_237 = arith.constant 0 : i32
    %dma_wait3A_238 = tpu.memref_slice %dma_wait3A_235[%dma_wait3A_236, %dma_wait3A_237] : memref<32x513xf32, #tpu.memory_space<vmem>> -> memref<8x128xf32, #tpu.memory_space<vmem>>
    tpu.wait_dma2 semaphore(%dma_wait3A_216 : memref<!tpu.dma_semaphore, #tpu.memory_space<semaphore_mem>>) src(%dma_wait3A_238 : memref<8x128xf32, #tpu.memory_space<vmem>>) dst(%dma_wait3A_231 : memref<8x128xf32, #tpu.memory_space<hbm>>)
    %dma_wait3A_239 = arith.constant 0 : i32
    %dma_wait3A_240 = arith.constant 0 : i32
    %dma_wait3A_241 = arith.constant 0 : i32
    %dma_wait3A_242 = arith.constant 0 : i32
    %dma_wait3A_243 = arith.constant 0 : i32
    %dma_wait3A_244 = arith.constant 0 : i32
    %dma_wait3A_245 = arith.constant 0 : i32
    %dma_wait3A_246 = tpu.memref_slice %arg8[%dma_wait3A_239, %dma_wait3A_244, %dma_wait3A_245] : memref<2x32x513xf32, #tpu.memory_space<vmem>> -> memref<1x32x513xf32, #tpu.memory_space<vmem>>
    %dma_wait3A_247 = tpu.memref_squeeze %dma_wait3A_246 : memref<1x32x513xf32, #tpu.memory_space<vmem>> -> memref<32x513xf32, #tpu.memory_space<vmem>>
    %dma_wait3A_248 = arith.constant 0 : i32
    %dma_wait3A_249 = arith.constant 0 : i32
    %dma_wait3A_250 = tpu.memref_slice %dma_wait3A_247[%dma_wait3A_248, %dma_wait3A_249] : memref<32x513xf32, #tpu.memory_space<vmem>> -> memref<8x128xf32, #tpu.memory_space<vmem>>
    %dma_wait3A_251 = arith.constant 0 : i32
    %dma_wait3A_252 = arith.constant 0 : i32
    %dma_wait3A_253 = arith.constant 0 : i32
    %dma_wait3A_254 = arith.constant 0 : i32
    %dma_wait3A_255 = tpu.memref_slice %arg4[%dma_wait3A_240, %dma_wait3A_251, %dma_wait3A_252, %dma_wait3A_253, %dma_wait3A_254] : memref<50x4x128x8x128xf32, #tpu.memory_space<hbm>> -> memref<1x4x128x8x128xf32, #tpu.memory_space<hbm>>
    %dma_wait3A_256 = tpu.memref_squeeze %dma_wait3A_255 : memref<1x4x128x8x128xf32, #tpu.memory_space<hbm>> -> memref<4x128x8x128xf32, #tpu.memory_space<hbm>>
    %dma_wait3A_257 = arith.constant 0 : i32
    %dma_wait3A_258 = arith.constant 0 : i32
    %dma_wait3A_259 = arith.constant 0 : i32
    %dma_wait3A_260 = tpu.memref_slice %dma_wait3A_256[%dma_wait3A_241, %dma_wait3A_257, %dma_wait3A_258, %dma_wait3A_259] : memref<4x128x8x128xf32, #tpu.memory_space<hbm>> -> memref<1x128x8x128xf32, #tpu.memory_space<hbm>>
    %dma_wait3A_261 = tpu.memref_squeeze %dma_wait3A_260 : memref<1x128x8x128xf32, #tpu.memory_space<hbm>> -> memref<128x8x128xf32, #tpu.memory_space<hbm>>
    %dma_wait3A_262 = arith.constant 0 : i32
    %dma_wait3A_263 = arith.constant 0 : i32
    %dma_wait3A_264 = tpu.memref_slice %dma_wait3A_261[%dma_wait3A_242, %dma_wait3A_262, %dma_wait3A_263] : memref<128x8x128xf32, #tpu.memory_space<hbm>> -> memref<1x8x128xf32, #tpu.memory_space<hbm>>
    %dma_wait3A_265 = tpu.memref_squeeze %dma_wait3A_264 : memref<1x8x128xf32, #tpu.memory_space<hbm>> -> memref<8x128xf32, #tpu.memory_space<hbm>>
    %dma_wait3A_266 = tpu.memref_slice %arg10[%dma_wait3A_243] : memref<2x!tpu.dma_semaphore, #tpu.memory_space<semaphore_mem>> -> memref<1x!tpu.dma_semaphore, #tpu.memory_space<semaphore_mem>>
    %dma_wait3A_267 = tpu.memref_squeeze %dma_wait3A_266 : memref<1x!tpu.dma_semaphore, #tpu.memory_space<semaphore_mem>> -> memref<!tpu.dma_semaphore, #tpu.memory_space<semaphore_mem>>
    %dma_wait3A_268 = arith.constant 0 : i32
    %dma_wait3A_269 = arith.constant 0 : i32
    %dma_wait3A_270 = arith.constant 0 : i32
    %dma_wait3A_271 = arith.constant 0 : i32
    %dma_wait3A_272 = tpu.memref_slice %arg4[%dma_wait3A_240, %dma_wait3A_268, %dma_wait3A_269, %dma_wait3A_270, %dma_wait3A_271] : memref<50x4x128x8x128xf32, #tpu.memory_space<hbm>> -> memref<1x4x128x8x128xf32, #tpu.memory_space<hbm>>
    %dma_wait3A_273 = tpu.memref_squeeze %dma_wait3A_272 : memref<1x4x128x8x128xf32, #tpu.memory_space<hbm>> -> memref<4x128x8x128xf32, #tpu.memory_space<hbm>>
    %dma_wait3A_274 = arith.constant 0 : i32
    %dma_wait3A_275 = arith.constant 0 : i32
    %dma_wait3A_276 = arith.constant 0 : i32
    %dma_wait3A_277 = tpu.memref_slice %dma_wait3A_273[%dma_wait3A_241, %dma_wait3A_274, %dma_wait3A_275, %dma_wait3A_276] : memref<4x128x8x128xf32, #tpu.memory_space<hbm>> -> memref<1x128x8x128xf32, #tpu.memory_space<hbm>>
    %dma_wait3A_278 = tpu.memref_squeeze %dma_wait3A_277 : memref<1x128x8x128xf32, #tpu.memory_space<hbm>> -> memref<128x8x128xf32, #tpu.memory_space<hbm>>
    %dma_wait3A_279 = arith.constant 0 : i32
    %dma_wait3A_280 = arith.constant 0 : i32
    %dma_wait3A_281 = tpu.memref_slice %dma_wait3A_278[%dma_wait3A_242, %dma_wait3A_279, %dma_wait3A_280] : memref<128x8x128xf32, #tpu.memory_space<hbm>> -> memref<1x8x128xf32, #tpu.memory_space<hbm>>
    %dma_wait3A_282 = tpu.memref_squeeze %dma_wait3A_281 : memref<1x8x128xf32, #tpu.memory_space<hbm>> -> memref<8x128xf32, #tpu.memory_space<hbm>>
    %dma_wait3A_283 = arith.constant 0 : i32
    %dma_wait3A_284 = arith.constant 0 : i32
    %dma_wait3A_285 = tpu.memref_slice %arg8[%dma_wait3A_239, %dma_wait3A_283, %dma_wait3A_284] : memref<2x32x513xf32, #tpu.memory_space<vmem>> -> memref<1x32x513xf32, #tpu.memory_space<vmem>>
    %dma_wait3A_286 = tpu.memref_squeeze %dma_wait3A_285 : memref<1x32x513xf32, #tpu.memory_space<vmem>> -> memref<32x513xf32, #tpu.memory_space<vmem>>
    %dma_wait3A_287 = arith.constant 0 : i32
    %dma_wait3A_288 = arith.constant 0 : i32
    %dma_wait3A_289 = tpu.memref_slice %dma_wait3A_286[%dma_wait3A_287, %dma_wait3A_288] : memref<32x513xf32, #tpu.memory_space<vmem>> -> memref<8x128xf32, #tpu.memory_space<vmem>>
    tpu.wait_dma2 semaphore(%dma_wait3A_267 : memref<!tpu.dma_semaphore, #tpu.memory_space<semaphore_mem>>) src(%dma_wait3A_289 : memref<8x128xf32, #tpu.memory_space<vmem>>) dst(%dma_wait3A_282 : memref<8x128xf32, #tpu.memory_space<hbm>>)
    %dma_wait3A_290 = arith.constant 0 : i32
    %dma_wait3A_291 = arith.constant 0 : i32
    %dma_wait3A_292 = arith.constant 0 : i32
    %dma_wait3A_293 = arith.constant 0 : i32
    %dma_wait3A_294 = arith.constant 0 : i32
    %dma_wait3A_295 = arith.constant 0 : i32
    %dma_wait3A_296 = arith.constant 0 : i32
    %dma_wait3A_297 = tpu.memref_slice %arg8[%dma_wait3A_290, %dma_wait3A_295, %dma_wait3A_296] : memref<2x32x513xf32, #tpu.memory_space<vmem>> -> memref<1x32x513xf32, #tpu.memory_space<vmem>>
    %dma_wait3A_298 = tpu.memref_squeeze %dma_wait3A_297 : memref<1x32x513xf32, #tpu.memory_space<vmem>> -> memref<32x513xf32, #tpu.memory_space<vmem>>
    %dma_wait3A_299 = arith.constant 0 : i32
    %dma_wait3A_300 = arith.constant 0 : i32
    %dma_wait3A_301 = tpu.memref_slice %dma_wait3A_298[%dma_wait3A_299, %dma_wait3A_300] : memref<32x513xf32, #tpu.memory_space<vmem>> -> memref<8x128xf32, #tpu.memory_space<vmem>>
    %dma_wait3A_302 = arith.constant 0 : i32
    %dma_wait3A_303 = arith.constant 0 : i32
    %dma_wait3A_304 = arith.constant 0 : i32
    %dma_wait3A_305 = arith.constant 0 : i32
    %dma_wait3A_306 = tpu.memref_slice %arg4[%dma_wait3A_291, %dma_wait3A_302, %dma_wait3A_303, %dma_wait3A_304, %dma_wait3A_305] : memref<50x4x128x8x128xf32, #tpu.memory_space<hbm>> -> memref<1x4x128x8x128xf32, #tpu.memory_space<hbm>>
    %dma_wait3A_307 = tpu.memref_squeeze %dma_wait3A_306 : memref<1x4x128x8x128xf32, #tpu.memory_space<hbm>> -> memref<4x128x8x128xf32, #tpu.memory_space<hbm>>
    %dma_wait3A_308 = arith.constant 0 : i32
    %dma_wait3A_309 = arith.constant 0 : i32
    %dma_wait3A_310 = arith.constant 0 : i32
    %dma_wait3A_311 = tpu.memref_slice %dma_wait3A_307[%dma_wait3A_292, %dma_wait3A_308, %dma_wait3A_309, %dma_wait3A_310] : memref<4x128x8x128xf32, #tpu.memory_space<hbm>> -> memref<1x128x8x128xf32, #tpu.memory_space<hbm>>
    %dma_wait3A_312 = tpu.memref_squeeze %dma_wait3A_311 : memref<1x128x8x128xf32, #tpu.memory_space<hbm>> -> memref<128x8x128xf32, #tpu.memory_space<hbm>>
    %dma_wait3A_313 = arith.constant 0 : i32
    %dma_wait3A_314 = arith.constant 0 : i32
    %dma_wait3A_315 = tpu.memref_slice %dma_wait3A_312[%dma_wait3A_293, %dma_wait3A_313, %dma_wait3A_314] : memref<128x8x128xf32, #tpu.memory_space<hbm>> -> memref<1x8x128xf32, #tpu.memory_space<hbm>>
    %dma_wait3A_316 = tpu.memref_squeeze %dma_wait3A_315 : memref<1x8x128xf32, #tpu.memory_space<hbm>> -> memref<8x128xf32, #tpu.memory_space<hbm>>
    %dma_wait3A_317 = tpu.memref_slice %arg10[%dma_wait3A_294] : memref<2x!tpu.dma_semaphore, #tpu.memory_space<semaphore_mem>> -> memref<1x!tpu.dma_semaphore, #tpu.memory_space<semaphore_mem>>
    %dma_wait3A_318 = tpu.memref_squeeze %dma_wait3A_317 : memref<1x!tpu.dma_semaphore, #tpu.memory_space<semaphore_mem>> -> memref<!tpu.dma_semaphore, #tpu.memory_space<semaphore_mem>>
    %dma_wait3A_319 = arith.constant 0 : i32
    %dma_wait3A_320 = arith.constant 0 : i32
    %dma_wait3A_321 = arith.constant 0 : i32
    %dma_wait3A_322 = arith.constant 0 : i32
    %dma_wait3A_323 = tpu.memref_slice %arg4[%dma_wait3A_291, %dma_wait3A_319, %dma_wait3A_320, %dma_wait3A_321, %dma_wait3A_322] : memref<50x4x128x8x128xf32, #tpu.memory_space<hbm>> -> memref<1x4x128x8x128xf32, #tpu.memory_space<hbm>>
    %dma_wait3A_324 = tpu.memref_squeeze %dma_wait3A_323 : memref<1x4x128x8x128xf32, #tpu.memory_space<hbm>> -> memref<4x128x8x128xf32, #tpu.memory_space<hbm>>
    %dma_wait3A_325 = arith.constant 0 : i32
    %dma_wait3A_326 = arith.constant 0 : i32
    %dma_wait3A_327 = arith.constant 0 : i32
    %dma_wait3A_328 = tpu.memref_slice %dma_wait3A_324[%dma_wait3A_292, %dma_wait3A_325, %dma_wait3A_326, %dma_wait3A_327] : memref<4x128x8x128xf32, #tpu.memory_space<hbm>> -> memref<1x128x8x128xf32, #tpu.memory_space<hbm>>
    %dma_wait3A_329 = tpu.memref_squeeze %dma_wait3A_328 : memref<1x128x8x128xf32, #tpu.memory_space<hbm>> -> memref<128x8x128xf32, #tpu.memory_space<hbm>>
    %dma_wait3A_330 = arith.constant 0 : i32
    %dma_wait3A_331 = arith.constant 0 : i32
    %dma_wait3A_332 = tpu.memref_slice %dma_wait3A_329[%dma_wait3A_293, %dma_wait3A_330, %dma_wait3A_331] : memref<128x8x128xf32, #tpu.memory_space<hbm>> -> memref<1x8x128xf32, #tpu.memory_space<hbm>>
    %dma_wait3A_333 = tpu.memref_squeeze %dma_wait3A_332 : memref<1x8x128xf32, #tpu.memory_space<hbm>> -> memref<8x128xf32, #tpu.memory_space<hbm>>
    %dma_wait3A_334 = arith.constant 0 : i32
    %dma_wait3A_335 = arith.constant 0 : i32
    %dma_wait3A_336 = tpu.memref_slice %arg8[%dma_wait3A_290, %dma_wait3A_334, %dma_wait3A_335] : memref<2x32x513xf32, #tpu.memory_space<vmem>> -> memref<1x32x513xf32, #tpu.memory_space<vmem>>
    %dma_wait3A_337 = tpu.memref_squeeze %dma_wait3A_336 : memref<1x32x513xf32, #tpu.memory_space<vmem>> -> memref<32x513xf32, #tpu.memory_space<vmem>>
    %dma_wait3A_338 = arith.constant 0 : i32
    %dma_wait3A_339 = arith.constant 0 : i32
    %dma_wait3A_340 = tpu.memref_slice %dma_wait3A_337[%dma_wait3A_338, %dma_wait3A_339] : memref<32x513xf32, #tpu.memory_space<vmem>> -> memref<8x128xf32, #tpu.memory_space<vmem>>
    tpu.wait_dma2 semaphore(%dma_wait3A_318 : memref<!tpu.dma_semaphore, #tpu.memory_space<semaphore_mem>>) src(%dma_wait3A_340 : memref<8x128xf32, #tpu.memory_space<vmem>>) dst(%dma_wait3A_333 : memref<8x128xf32, #tpu.memory_space<hbm>>)
    %dma_wait3A_341 = arith.constant 0 : i32
    %dma_wait3A_342 = arith.constant 0 : i32
    %dma_wait3A_343 = arith.constant 0 : i32
    %dma_wait3A_344 = arith.constant 0 : i32
    %dma_wait3A_345 = arith.constant 0 : i32
    %dma_wait3A_346 = arith.constant 0 : i32
    %dma_wait3A_347 = arith.constant 0 : i32
    %dma_wait3A_348 = tpu.memref_slice %arg8[%dma_wait3A_341, %dma_wait3A_346, %dma_wait3A_347] : memref<2x32x513xf32, #tpu.memory_space<vmem>> -> memref<1x32x513xf32, #tpu.memory_space<vmem>>
    %dma_wait3A_349 = tpu.memref_squeeze %dma_wait3A_348 : memref<1x32x513xf32, #tpu.memory_space<vmem>> -> memref<32x513xf32, #tpu.memory_space<vmem>>
    %dma_wait3A_350 = arith.constant 0 : i32
    %dma_wait3A_351 = arith.constant 0 : i32
    %dma_wait3A_352 = tpu.memref_slice %dma_wait3A_349[%dma_wait3A_350, %dma_wait3A_351] : memref<32x513xf32, #tpu.memory_space<vmem>> -> memref<8x128xf32, #tpu.memory_space<vmem>>
    %dma_wait3A_353 = arith.constant 0 : i32
    %dma_wait3A_354 = arith.constant 0 : i32
    %dma_wait3A_355 = arith.constant 0 : i32
    %dma_wait3A_356 = arith.constant 0 : i32
    %dma_wait3A_357 = tpu.memref_slice %arg4[%dma_wait3A_342, %dma_wait3A_353, %dma_wait3A_354, %dma_wait3A_355, %dma_wait3A_356] : memref<50x4x128x8x128xf32, #tpu.memory_space<hbm>> -> memref<1x4x128x8x128xf32, #tpu.memory_space<hbm>>
    %dma_wait3A_358 = tpu.memref_squeeze %dma_wait3A_357 : memref<1x4x128x8x128xf32, #tpu.memory_space<hbm>> -> memref<4x128x8x128xf32, #tpu.memory_space<hbm>>
    %dma_wait3A_359 = arith.constant 0 : i32
    %dma_wait3A_360 = arith.constant 0 : i32
    %dma_wait3A_361 = arith.constant 0 : i32
    %dma_wait3A_362 = tpu.memref_slice %dma_wait3A_358[%dma_wait3A_343, %dma_wait3A_359, %dma_wait3A_360, %dma_wait3A_361] : memref<4x128x8x128xf32, #tpu.memory_space<hbm>> -> memref<1x128x8x128xf32, #tpu.memory_space<hbm>>
    %dma_wait3A_363 = tpu.memref_squeeze %dma_wait3A_362 : memref<1x128x8x128xf32, #tpu.memory_space<hbm>> -> memref<128x8x128xf32, #tpu.memory_space<hbm>>
    %dma_wait3A_364 = arith.constant 0 : i32
    %dma_wait3A_365 = arith.constant 0 : i32
    %dma_wait3A_366 = tpu.memref_slice %dma_wait3A_363[%dma_wait3A_344, %dma_wait3A_364, %dma_wait3A_365] : memref<128x8x128xf32, #tpu.memory_space<hbm>> -> memref<1x8x128xf32, #tpu.memory_space<hbm>>
    %dma_wait3A_367 = tpu.memref_squeeze %dma_wait3A_366 : memref<1x8x128xf32, #tpu.memory_space<hbm>> -> memref<8x128xf32, #tpu.memory_space<hbm>>
    %dma_wait3A_368 = tpu.memref_slice %arg10[%dma_wait3A_345] : memref<2x!tpu.dma_semaphore, #tpu.memory_space<semaphore_mem>> -> memref<1x!tpu.dma_semaphore, #tpu.memory_space<semaphore_mem>>
    %dma_wait3A_369 = tpu.memref_squeeze %dma_wait3A_368 : memref<1x!tpu.dma_semaphore, #tpu.memory_space<semaphore_mem>> -> memref<!tpu.dma_semaphore, #tpu.memory_space<semaphore_mem>>
    %dma_wait3A_370 = arith.constant 0 : i32
    %dma_wait3A_371 = arith.constant 0 : i32
    %dma_wait3A_372 = arith.constant 0 : i32
    %dma_wait3A_373 = arith.constant 0 : i32
    %dma_wait3A_374 = tpu.memref_slice %arg4[%dma_wait3A_342, %dma_wait3A_370, %dma_wait3A_371, %dma_wait3A_372, %dma_wait3A_373] : memref<50x4x128x8x128xf32, #tpu.memory_space<hbm>> -> memref<1x4x128x8x128xf32, #tpu.memory_space<hbm>>
    %dma_wait3A_375 = tpu.memref_squeeze %dma_wait3A_374 : memref<1x4x128x8x128xf32, #tpu.memory_space<hbm>> -> memref<4x128x8x128xf32, #tpu.memory_space<hbm>>
    %dma_wait3A_376 = arith.constant 0 : i32
    %dma_wait3A_377 = arith.constant 0 : i32
    %dma_wait3A_378 = arith.constant 0 : i32
    %dma_wait3A_379 = tpu.memref_slice %dma_wait3A_375[%dma_wait3A_343, %dma_wait3A_376, %dma_wait3A_377, %dma_wait3A_378] : memref<4x128x8x128xf32, #tpu.memory_space<hbm>> -> memref<1x128x8x128xf32, #tpu.memory_space<hbm>>
    %dma_wait3A_380 = tpu.memref_squeeze %dma_wait3A_379 : memref<1x128x8x128xf32, #tpu.memory_space<hbm>> -> memref<128x8x128xf32, #tpu.memory_space<hbm>>
    %dma_wait3A_381 = arith.constant 0 : i32
    %dma_wait3A_382 = arith.constant 0 : i32
    %dma_wait3A_383 = tpu.memref_slice %dma_wait3A_380[%dma_wait3A_344, %dma_wait3A_381, %dma_wait3A_382] : memref<128x8x128xf32, #tpu.memory_space<hbm>> -> memref<1x8x128xf32, #tpu.memory_space<hbm>>
    %dma_wait3A_384 = tpu.memref_squeeze %dma_wait3A_383 : memref<1x8x128xf32, #tpu.memory_space<hbm>> -> memref<8x128xf32, #tpu.memory_space<hbm>>
    %dma_wait3A_385 = arith.constant 0 : i32
    %dma_wait3A_386 = arith.constant 0 : i32
    %dma_wait3A_387 = tpu.memref_slice %arg8[%dma_wait3A_341, %dma_wait3A_385, %dma_wait3A_386] : memref<2x32x513xf32, #tpu.memory_space<vmem>> -> memref<1x32x513xf32, #tpu.memory_space<vmem>>
    %dma_wait3A_388 = tpu.memref_squeeze %dma_wait3A_387 : memref<1x32x513xf32, #tpu.memory_space<vmem>> -> memref<32x513xf32, #tpu.memory_space<vmem>>
    %dma_wait3A_389 = arith.constant 0 : i32
    %dma_wait3A_390 = arith.constant 0 : i32
    %dma_wait3A_391 = tpu.memref_slice %dma_wait3A_388[%dma_wait3A_389, %dma_wait3A_390] : memref<32x513xf32, #tpu.memory_space<vmem>> -> memref<8x128xf32, #tpu.memory_space<vmem>>
    tpu.wait_dma2 semaphore(%dma_wait3A_369 : memref<!tpu.dma_semaphore, #tpu.memory_space<semaphore_mem>>) src(%dma_wait3A_391 : memref<8x128xf32, #tpu.memory_space<vmem>>) dst(%dma_wait3A_384 : memref<8x128xf32, #tpu.memory_space<hbm>>)
    %dma_wait3A_392 = arith.constant 0 : i32
    %dma_wait3A_393 = arith.constant 0 : i32
    %dma_wait3A_394 = arith.constant 0 : i32
    %dma_wait3A_395 = arith.constant 0 : i32
    %dma_wait3A_396 = arith.constant 0 : i32
    %dma_wait3A_397 = arith.constant 0 : i32
    %dma_wait3A_398 = arith.constant 0 : i32
    %dma_wait3A_399 = tpu.memref_slice %arg8[%dma_wait3A_392, %dma_wait3A_397, %dma_wait3A_398] : memref<2x32x513xf32, #tpu.memory_space<vmem>> -> memref<1x32x513xf32, #tpu.memory_space<vmem>>
    %dma_wait3A_400 = tpu.memref_squeeze %dma_wait3A_399 : memref<1x32x513xf32, #tpu.memory_space<vmem>> -> memref<32x513xf32, #tpu.memory_space<vmem>>
    %dma_wait3A_401 = arith.constant 0 : i32
    %dma_wait3A_402 = arith.constant 0 : i32
    %dma_wait3A_403 = tpu.memref_slice %dma_wait3A_400[%dma_wait3A_401, %dma_wait3A_402] : memref<32x513xf32, #tpu.memory_space<vmem>> -> memref<8x128xf32, #tpu.memory_space<vmem>>
    %dma_wait3A_404 = arith.constant 0 : i32
    %dma_wait3A_405 = arith.constant 0 : i32
    %dma_wait3A_406 = arith.constant 0 : i32
    %dma_wait3A_407 = arith.constant 0 : i32
    %dma_wait3A_408 = tpu.memref_slice %arg4[%dma_wait3A_393, %dma_wait3A_404, %dma_wait3A_405, %dma_wait3A_406, %dma_wait3A_407] : memref<50x4x128x8x128xf32, #tpu.memory_space<hbm>> -> memref<1x4x128x8x128xf32, #tpu.memory_space<hbm>>
    %dma_wait3A_409 = tpu.memref_squeeze %dma_wait3A_408 : memref<1x4x128x8x128xf32, #tpu.memory_space<hbm>> -> memref<4x128x8x128xf32, #tpu.memory_space<hbm>>
    %dma_wait3A_410 = arith.constant 0 : i32
    %dma_wait3A_411 = arith.constant 0 : i32
    %dma_wait3A_412 = arith.constant 0 : i32
    %dma_wait3A_413 = tpu.memref_slice %dma_wait3A_409[%dma_wait3A_394, %dma_wait3A_410, %dma_wait3A_411, %dma_wait3A_412] : memref<4x128x8x128xf32, #tpu.memory_space<hbm>> -> memref<1x128x8x128xf32, #tpu.memory_space<hbm>>
    %dma_wait3A_414 = tpu.memref_squeeze %dma_wait3A_413 : memref<1x128x8x128xf32, #tpu.memory_space<hbm>> -> memref<128x8x128xf32, #tpu.memory_space<hbm>>
    %dma_wait3A_415 = arith.constant 0 : i32
    %dma_wait3A_416 = arith.constant 0 : i32
    %dma_wait3A_417 = tpu.memref_slice %dma_wait3A_414[%dma_wait3A_395, %dma_wait3A_415, %dma_wait3A_416] : memref<128x8x128xf32, #tpu.memory_space<hbm>> -> memref<1x8x128xf32, #tpu.memory_space<hbm>>
    %dma_wait3A_418 = tpu.memref_squeeze %dma_wait3A_417 : memref<1x8x128xf32, #tpu.memory_space<hbm>> -> memref<8x128xf32, #tpu.memory_space<hbm>>
    %dma_wait3A_419 = tpu.memref_slice %arg10[%dma_wait3A_396] : memref<2x!tpu.dma_semaphore, #tpu.memory_space<semaphore_mem>> -> memref<1x!tpu.dma_semaphore, #tpu.memory_space<semaphore_mem>>
    %dma_wait3A_420 = tpu.memref_squeeze %dma_wait3A_419 : memref<1x!tpu.dma_semaphore, #tpu.memory_space<semaphore_mem>> -> memref<!tpu.dma_semaphore, #tpu.memory_space<semaphore_mem>>
    %dma_wait3A_421 = arith.constant 0 : i32
    %dma_wait3A_422 = arith.constant 0 : i32
    %dma_wait3A_423 = arith.constant 0 : i32
    %dma_wait3A_424 = arith.constant 0 : i32
    %dma_wait3A_425 = tpu.memref_slice %arg4[%dma_wait3A_393, %dma_wait3A_421, %dma_wait3A_422, %dma_wait3A_423, %dma_wait3A_424] : memref<50x4x128x8x128xf32, #tpu.memory_space<hbm>> -> memref<1x4x128x8x128xf32, #tpu.memory_space<hbm>>
    %dma_wait3A_426 = tpu.memref_squeeze %dma_wait3A_425 : memref<1x4x128x8x128xf32, #tpu.memory_space<hbm>> -> memref<4x128x8x128xf32, #tpu.memory_space<hbm>>
    %dma_wait3A_427 = arith.constant 0 : i32
    %dma_wait3A_428 = arith.constant 0 : i32
    %dma_wait3A_429 = arith.constant 0 : i32
    %dma_wait3A_430 = tpu.memref_slice %dma_wait3A_426[%dma_wait3A_394, %dma_wait3A_427, %dma_wait3A_428, %dma_wait3A_429] : memref<4x128x8x128xf32, #tpu.memory_space<hbm>> -> memref<1x128x8x128xf32, #tpu.memory_space<hbm>>
    %dma_wait3A_431 = tpu.memref_squeeze %dma_wait3A_430 : memref<1x128x8x128xf32, #tpu.memory_space<hbm>> -> memref<128x8x128xf32, #tpu.memory_space<hbm>>
    %dma_wait3A_432 = arith.constant 0 : i32
    %dma_wait3A_433 = arith.constant 0 : i32
    %dma_wait3A_434 = tpu.memref_slice %dma_wait3A_431[%dma_wait3A_395, %dma_wait3A_432, %dma_wait3A_433] : memref<128x8x128xf32, #tpu.memory_space<hbm>> -> memref<1x8x128xf32, #tpu.memory_space<hbm>>
    %dma_wait3A_435 = tpu.memref_squeeze %dma_wait3A_434 : memref<1x8x128xf32, #tpu.memory_space<hbm>> -> memref<8x128xf32, #tpu.memory_space<hbm>>
    %dma_wait3A_436 = arith.constant 0 : i32
    %dma_wait3A_437 = arith.constant 0 : i32
    %dma_wait3A_438 = tpu.memref_slice %arg8[%dma_wait3A_392, %dma_wait3A_436, %dma_wait3A_437] : memref<2x32x513xf32, #tpu.memory_space<vmem>> -> memref<1x32x513xf32, #tpu.memory_space<vmem>>
    %dma_wait3A_439 = tpu.memref_squeeze %dma_wait3A_438 : memref<1x32x513xf32, #tpu.memory_space<vmem>> -> memref<32x513xf32, #tpu.memory_space<vmem>>
    %dma_wait3A_440 = arith.constant 0 : i32
    %dma_wait3A_441 = arith.constant 0 : i32
    %dma_wait3A_442 = tpu.memref_slice %dma_wait3A_439[%dma_wait3A_440, %dma_wait3A_441] : memref<32x513xf32, #tpu.memory_space<vmem>> -> memref<8x128xf32, #tpu.memory_space<vmem>>
    tpu.wait_dma2 semaphore(%dma_wait3A_420 : memref<!tpu.dma_semaphore, #tpu.memory_space<semaphore_mem>>) src(%dma_wait3A_442 : memref<8x128xf32, #tpu.memory_space<vmem>>) dst(%dma_wait3A_435 : memref<8x128xf32, #tpu.memory_space<hbm>>)
    %dma_wait3A_443 = arith.constant 0 : i32
    %dma_wait3A_444 = arith.constant 0 : i32
    %dma_wait3A_445 = arith.constant 0 : i32
    %dma_wait3A_446 = arith.constant 0 : i32
    %dma_wait3A_447 = arith.constant 0 : i32
    %dma_wait3A_448 = arith.constant 0 : i32
    %dma_wait3A_449 = arith.constant 0 : i32
    %dma_wait3A_450 = tpu.memref_slice %arg8[%dma_wait3A_443, %dma_wait3A_448, %dma_wait3A_449] : memref<2x32x513xf32, #tpu.memory_space<vmem>> -> memref<1x32x513xf32, #tpu.memory_space<vmem>>
    %dma_wait3A_451 = tpu.memref_squeeze %dma_wait3A_450 : memref<1x32x513xf32, #tpu.memory_space<vmem>> -> memref<32x513xf32, #tpu.memory_space<vmem>>
    %dma_wait3A_452 = arith.constant 0 : i32
    %dma_wait3A_453 = arith.constant 0 : i32
    %dma_wait3A_454 = tpu.memref_slice %dma_wait3A_451[%dma_wait3A_452, %dma_wait3A_453] : memref<32x513xf32, #tpu.memory_space<vmem>> -> memref<8x128xf32, #tpu.memory_space<vmem>>
    %dma_wait3A_455 = arith.constant 0 : i32
    %dma_wait3A_456 = arith.constant 0 : i32
    %dma_wait3A_457 = arith.constant 0 : i32
    %dma_wait3A_458 = arith.constant 0 : i32
    %dma_wait3A_459 = tpu.memref_slice %arg4[%dma_wait3A_444, %dma_wait3A_455, %dma_wait3A_456, %dma_wait3A_457, %dma_wait3A_458] : memref<50x4x128x8x128xf32, #tpu.memory_space<hbm>> -> memref<1x4x128x8x128xf32, #tpu.memory_space<hbm>>
    %dma_wait3A_460 = tpu.memref_squeeze %dma_wait3A_459 : memref<1x4x128x8x128xf32, #tpu.memory_space<hbm>> -> memref<4x128x8x128xf32, #tpu.memory_space<hbm>>
    %dma_wait3A_461 = arith.constant 0 : i32
    %dma_wait3A_462 = arith.constant 0 : i32
    %dma_wait3A_463 = arith.constant 0 : i32
    %dma_wait3A_464 = tpu.memref_slice %dma_wait3A_460[%dma_wait3A_445, %dma_wait3A_461, %dma_wait3A_462, %dma_wait3A_463] : memref<4x128x8x128xf32, #tpu.memory_space<hbm>> -> memref<1x128x8x128xf32, #tpu.memory_space<hbm>>
    %dma_wait3A_465 = tpu.memref_squeeze %dma_wait3A_464 : memref<1x128x8x128xf32, #tpu.memory_space<hbm>> -> memref<128x8x128xf32, #tpu.memory_space<hbm>>
    %dma_wait3A_466 = arith.constant 0 : i32
    %dma_wait3A_467 = arith.constant 0 : i32
    %dma_wait3A_468 = tpu.memref_slice %dma_wait3A_465[%dma_wait3A_446, %dma_wait3A_466, %dma_wait3A_467] : memref<128x8x128xf32, #tpu.memory_space<hbm>> -> memref<1x8x128xf32, #tpu.memory_space<hbm>>
    %dma_wait3A_469 = tpu.memref_squeeze %dma_wait3A_468 : memref<1x8x128xf32, #tpu.memory_space<hbm>> -> memref<8x128xf32, #tpu.memory_space<hbm>>
    %dma_wait3A_470 = tpu.memref_slice %arg10[%dma_wait3A_447] : memref<2x!tpu.dma_semaphore, #tpu.memory_space<semaphore_mem>> -> memref<1x!tpu.dma_semaphore, #tpu.memory_space<semaphore_mem>>
    %dma_wait3A_471 = tpu.memref_squeeze %dma_wait3A_470 : memref<1x!tpu.dma_semaphore, #tpu.memory_space<semaphore_mem>> -> memref<!tpu.dma_semaphore, #tpu.memory_space<semaphore_mem>>
    %dma_wait3A_472 = arith.constant 0 : i32
    %dma_wait3A_473 = arith.constant 0 : i32
    %dma_wait3A_474 = arith.constant 0 : i32
    %dma_wait3A_475 = arith.constant 0 : i32
    %dma_wait3A_476 = tpu.memref_slice %arg4[%dma_wait3A_444, %dma_wait3A_472, %dma_wait3A_473, %dma_wait3A_474, %dma_wait3A_475] : memref<50x4x128x8x128xf32, #tpu.memory_space<hbm>> -> memref<1x4x128x8x128xf32, #tpu.memory_space<hbm>>
    %dma_wait3A_477 = tpu.memref_squeeze %dma_wait3A_476 : memref<1x4x128x8x128xf32, #tpu.memory_space<hbm>> -> memref<4x128x8x128xf32, #tpu.memory_space<hbm>>
    %dma_wait3A_478 = arith.constant 0 : i32
    %dma_wait3A_479 = arith.constant 0 : i32
    %dma_wait3A_480 = arith.constant 0 : i32
    %dma_wait3A_481 = tpu.memref_slice %dma_wait3A_477[%dma_wait3A_445, %dma_wait3A_478, %dma_wait3A_479, %dma_wait3A_480] : memref<4x128x8x128xf32, #tpu.memory_space<hbm>> -> memref<1x128x8x128xf32, #tpu.memory_space<hbm>>
    %dma_wait3A_482 = tpu.memref_squeeze %dma_wait3A_481 : memref<1x128x8x128xf32, #tpu.memory_space<hbm>> -> memref<128x8x128xf32, #tpu.memory_space<hbm>>
    %dma_wait3A_483 = arith.constant 0 : i32
    %dma_wait3A_484 = arith.constant 0 : i32
    %dma_wait3A_485 = tpu.memref_slice %dma_wait3A_482[%dma_wait3A_446, %dma_wait3A_483, %dma_wait3A_484] : memref<128x8x128xf32, #tpu.memory_space<hbm>> -> memref<1x8x128xf32, #tpu.memory_space<hbm>>
    %dma_wait3A_486 = tpu.memref_squeeze %dma_wait3A_485 : memref<1x8x128xf32, #tpu.memory_space<hbm>> -> memref<8x128xf32, #tpu.memory_space<hbm>>
    %dma_wait3A_487 = arith.constant 0 : i32
    %dma_wait3A_488 = arith.constant 0 : i32
    %dma_wait3A_489 = tpu.memref_slice %arg8[%dma_wait3A_443, %dma_wait3A_487, %dma_wait3A_488] : memref<2x32x513xf32, #tpu.memory_space<vmem>> -> memref<1x32x513xf32, #tpu.memory_space<vmem>>
    %dma_wait3A_490 = tpu.memref_squeeze %dma_wait3A_489 : memref<1x32x513xf32, #tpu.memory_space<vmem>> -> memref<32x513xf32, #tpu.memory_space<vmem>>
    %dma_wait3A_491 = arith.constant 0 : i32
    %dma_wait3A_492 = arith.constant 0 : i32
    %dma_wait3A_493 = tpu.memref_slice %dma_wait3A_490[%dma_wait3A_491, %dma_wait3A_492] : memref<32x513xf32, #tpu.memory_space<vmem>> -> memref<8x128xf32, #tpu.memory_space<vmem>>
    tpu.wait_dma2 semaphore(%dma_wait3A_471 : memref<!tpu.dma_semaphore, #tpu.memory_space<semaphore_mem>>) src(%dma_wait3A_493 : memref<8x128xf32, #tpu.memory_space<vmem>>) dst(%dma_wait3A_486 : memref<8x128xf32, #tpu.memory_space<hbm>>)
    %dma_wait3A_494 = arith.constant 0 : i32
    %dma_wait3A_495 = arith.constant 0 : i32
    %dma_wait3A_496 = arith.constant 0 : i32
    %dma_wait3A_497 = arith.constant 0 : i32
    %dma_wait3A_498 = arith.constant 0 : i32
    %dma_wait3A_499 = arith.constant 0 : i32
    %dma_wait3A_500 = arith.constant 0 : i32
    %dma_wait3A_501 = tpu.memref_slice %arg8[%dma_wait3A_494, %dma_wait3A_499, %dma_wait3A_500] : memref<2x32x513xf32, #tpu.memory_space<vmem>> -> memref<1x32x513xf32, #tpu.memory_space<vmem>>
    %dma_wait3A_502 = tpu.memref_squeeze %dma_wait3A_501 : memref<1x32x513xf32, #tpu.memory_space<vmem>> -> memref<32x513xf32, #tpu.memory_space<vmem>>
    %dma_wait3A_503 = arith.constant 0 : i32
    %dma_wait3A_504 = arith.constant 0 : i32
    %dma_wait3A_505 = tpu.memref_slice %dma_wait3A_502[%dma_wait3A_503, %dma_wait3A_504] : memref<32x513xf32, #tpu.memory_space<vmem>> -> memref<8x128xf32, #tpu.memory_space<vmem>>
    %dma_wait3A_506 = arith.constant 0 : i32
    %dma_wait3A_507 = arith.constant 0 : i32
    %dma_wait3A_508 = arith.constant 0 : i32
    %dma_wait3A_509 = arith.constant 0 : i32
    %dma_wait3A_510 = tpu.memref_slice %arg4[%dma_wait3A_495, %dma_wait3A_506, %dma_wait3A_507, %dma_wait3A_508, %dma_wait3A_509] : memref<50x4x128x8x128xf32, #tpu.memory_space<hbm>> -> memref<1x4x128x8x128xf32, #tpu.memory_space<hbm>>
    %dma_wait3A_511 = tpu.memref_squeeze %dma_wait3A_510 : memref<1x4x128x8x128xf32, #tpu.memory_space<hbm>> -> memref<4x128x8x128xf32, #tpu.memory_space<hbm>>
    %dma_wait3A_512 = arith.constant 0 : i32
    %dma_wait3A_513 = arith.constant 0 : i32
    %dma_wait3A_514 = arith.constant 0 : i32
    %dma_wait3A_515 = tpu.memref_slice %dma_wait3A_511[%dma_wait3A_496, %dma_wait3A_512, %dma_wait3A_513, %dma_wait3A_514] : memref<4x128x8x128xf32, #tpu.memory_space<hbm>> -> memref<1x128x8x128xf32, #tpu.memory_space<hbm>>
    %dma_wait3A_516 = tpu.memref_squeeze %dma_wait3A_515 : memref<1x128x8x128xf32, #tpu.memory_space<hbm>> -> memref<128x8x128xf32, #tpu.memory_space<hbm>>
    %dma_wait3A_517 = arith.constant 0 : i32
    %dma_wait3A_518 = arith.constant 0 : i32
    %dma_wait3A_519 = tpu.memref_slice %dma_wait3A_516[%dma_wait3A_497, %dma_wait3A_517, %dma_wait3A_518] : memref<128x8x128xf32, #tpu.memory_space<hbm>> -> memref<1x8x128xf32, #tpu.memory_space<hbm>>
    %dma_wait3A_520 = tpu.memref_squeeze %dma_wait3A_519 : memref<1x8x128xf32, #tpu.memory_space<hbm>> -> memref<8x128xf32, #tpu.memory_space<hbm>>
    %dma_wait3A_521 = tpu.memref_slice %arg10[%dma_wait3A_498] : memref<2x!tpu.dma_semaphore, #tpu.memory_space<semaphore_mem>> -> memref<1x!tpu.dma_semaphore, #tpu.memory_space<semaphore_mem>>
    %dma_wait3A_522 = tpu.memref_squeeze %dma_wait3A_521 : memref<1x!tpu.dma_semaphore, #tpu.memory_space<semaphore_mem>> -> memref<!tpu.dma_semaphore, #tpu.memory_space<semaphore_mem>>
    %dma_wait3A_523 = arith.constant 0 : i32
    %dma_wait3A_524 = arith.constant 0 : i32
    %dma_wait3A_525 = arith.constant 0 : i32
    %dma_wait3A_526 = arith.constant 0 : i32
    %dma_wait3A_527 = tpu.memref_slice %arg4[%dma_wait3A_495, %dma_wait3A_523, %dma_wait3A_524, %dma_wait3A_525, %dma_wait3A_526] : memref<50x4x128x8x128xf32, #tpu.memory_space<hbm>> -> memref<1x4x128x8x128xf32, #tpu.memory_space<hbm>>
    %dma_wait3A_528 = tpu.memref_squeeze %dma_wait3A_527 : memref<1x4x128x8x128xf32, #tpu.memory_space<hbm>> -> memref<4x128x8x128xf32, #tpu.memory_space<hbm>>
    %dma_wait3A_529 = arith.constant 0 : i32
    %dma_wait3A_530 = arith.constant 0 : i32
    %dma_wait3A_531 = arith.constant 0 : i32
    %dma_wait3A_532 = tpu.memref_slice %dma_wait3A_528[%dma_wait3A_496, %dma_wait3A_529, %dma_wait3A_530, %dma_wait3A_531] : memref<4x128x8x128xf32, #tpu.memory_space<hbm>> -> memref<1x128x8x128xf32, #tpu.memory_space<hbm>>
    %dma_wait3A_533 = tpu.memref_squeeze %dma_wait3A_532 : memref<1x128x8x128xf32, #tpu.memory_space<hbm>> -> memref<128x8x128xf32, #tpu.memory_space<hbm>>
    %dma_wait3A_534 = arith.constant 0 : i32
    %dma_wait3A_535 = arith.constant 0 : i32
    %dma_wait3A_536 = tpu.memref_slice %dma_wait3A_533[%dma_wait3A_497, %dma_wait3A_534, %dma_wait3A_535] : memref<128x8x128xf32, #tpu.memory_space<hbm>> -> memref<1x8x128xf32, #tpu.memory_space<hbm>>
    %dma_wait3A_537 = tpu.memref_squeeze %dma_wait3A_536 : memref<1x8x128xf32, #tpu.memory_space<hbm>> -> memref<8x128xf32, #tpu.memory_space<hbm>>
    %dma_wait3A_538 = arith.constant 0 : i32
    %dma_wait3A_539 = arith.constant 0 : i32
    %dma_wait3A_540 = tpu.memref_slice %arg8[%dma_wait3A_494, %dma_wait3A_538, %dma_wait3A_539] : memref<2x32x513xf32, #tpu.memory_space<vmem>> -> memref<1x32x513xf32, #tpu.memory_space<vmem>>
    %dma_wait3A_541 = tpu.memref_squeeze %dma_wait3A_540 : memref<1x32x513xf32, #tpu.memory_space<vmem>> -> memref<32x513xf32, #tpu.memory_space<vmem>>
    %dma_wait3A_542 = arith.constant 0 : i32
    %dma_wait3A_543 = arith.constant 0 : i32
    %dma_wait3A_544 = tpu.memref_slice %dma_wait3A_541[%dma_wait3A_542, %dma_wait3A_543] : memref<32x513xf32, #tpu.memory_space<vmem>> -> memref<8x128xf32, #tpu.memory_space<vmem>>
    tpu.wait_dma2 semaphore(%dma_wait3A_522 : memref<!tpu.dma_semaphore, #tpu.memory_space<semaphore_mem>>) src(%dma_wait3A_544 : memref<8x128xf32, #tpu.memory_space<vmem>>) dst(%dma_wait3A_537 : memref<8x128xf32, #tpu.memory_space<hbm>>)
    %dma_wait3A_545 = arith.constant 0 : i32
    %dma_wait3A_546 = arith.constant 0 : i32
    %dma_wait3A_547 = arith.constant 0 : i32
    %dma_wait3A_548 = arith.constant 0 : i32
    %dma_wait3A_549 = arith.constant 0 : i32
    %dma_wait3A_550 = arith.constant 0 : i32
    %dma_wait3A_551 = arith.constant 0 : i32
    %dma_wait3A_552 = tpu.memref_slice %arg8[%dma_wait3A_545, %dma_wait3A_550, %dma_wait3A_551] : memref<2x32x513xf32, #tpu.memory_space<vmem>> -> memref<1x32x513xf32, #tpu.memory_space<vmem>>
    %dma_wait3A_553 = tpu.memref_squeeze %dma_wait3A_552 : memref<1x32x513xf32, #tpu.memory_space<vmem>> -> memref<32x513xf32, #tpu.memory_space<vmem>>
    %dma_wait3A_554 = arith.constant 0 : i32
    %dma_wait3A_555 = arith.constant 0 : i32
    %dma_wait3A_556 = tpu.memref_slice %dma_wait3A_553[%dma_wait3A_554, %dma_wait3A_555] : memref<32x513xf32, #tpu.memory_space<vmem>> -> memref<8x128xf32, #tpu.memory_space<vmem>>
    %dma_wait3A_557 = arith.constant 0 : i32
    %dma_wait3A_558 = arith.constant 0 : i32
    %dma_wait3A_559 = arith.constant 0 : i32
    %dma_wait3A_560 = arith.constant 0 : i32
    %dma_wait3A_561 = tpu.memref_slice %arg4[%dma_wait3A_546, %dma_wait3A_557, %dma_wait3A_558, %dma_wait3A_559, %dma_wait3A_560] : memref<50x4x128x8x128xf32, #tpu.memory_space<hbm>> -> memref<1x4x128x8x128xf32, #tpu.memory_space<hbm>>
    %dma_wait3A_562 = tpu.memref_squeeze %dma_wait3A_561 : memref<1x4x128x8x128xf32, #tpu.memory_space<hbm>> -> memref<4x128x8x128xf32, #tpu.memory_space<hbm>>
    %dma_wait3A_563 = arith.constant 0 : i32
    %dma_wait3A_564 = arith.constant 0 : i32
    %dma_wait3A_565 = arith.constant 0 : i32
    %dma_wait3A_566 = tpu.memref_slice %dma_wait3A_562[%dma_wait3A_547, %dma_wait3A_563, %dma_wait3A_564, %dma_wait3A_565] : memref<4x128x8x128xf32, #tpu.memory_space<hbm>> -> memref<1x128x8x128xf32, #tpu.memory_space<hbm>>
    %dma_wait3A_567 = tpu.memref_squeeze %dma_wait3A_566 : memref<1x128x8x128xf32, #tpu.memory_space<hbm>> -> memref<128x8x128xf32, #tpu.memory_space<hbm>>
    %dma_wait3A_568 = arith.constant 0 : i32
    %dma_wait3A_569 = arith.constant 0 : i32
    %dma_wait3A_570 = tpu.memref_slice %dma_wait3A_567[%dma_wait3A_548, %dma_wait3A_568, %dma_wait3A_569] : memref<128x8x128xf32, #tpu.memory_space<hbm>> -> memref<1x8x128xf32, #tpu.memory_space<hbm>>
    %dma_wait3A_571 = tpu.memref_squeeze %dma_wait3A_570 : memref<1x8x128xf32, #tpu.memory_space<hbm>> -> memref<8x128xf32, #tpu.memory_space<hbm>>
    %dma_wait3A_572 = tpu.memref_slice %arg10[%dma_wait3A_549] : memref<2x!tpu.dma_semaphore, #tpu.memory_space<semaphore_mem>> -> memref<1x!tpu.dma_semaphore, #tpu.memory_space<semaphore_mem>>
    %dma_wait3A_573 = tpu.memref_squeeze %dma_wait3A_572 : memref<1x!tpu.dma_semaphore, #tpu.memory_space<semaphore_mem>> -> memref<!tpu.dma_semaphore, #tpu.memory_space<semaphore_mem>>
    %dma_wait3A_574 = arith.constant 0 : i32
    %dma_wait3A_575 = arith.constant 0 : i32
    %dma_wait3A_576 = arith.constant 0 : i32
    %dma_wait3A_577 = arith.constant 0 : i32
    %dma_wait3A_578 = tpu.memref_slice %arg4[%dma_wait3A_546, %dma_wait3A_574, %dma_wait3A_575, %dma_wait3A_576, %dma_wait3A_577] : memref<50x4x128x8x128xf32, #tpu.memory_space<hbm>> -> memref<1x4x128x8x128xf32, #tpu.memory_space<hbm>>
    %dma_wait3A_579 = tpu.memref_squeeze %dma_wait3A_578 : memref<1x4x128x8x128xf32, #tpu.memory_space<hbm>> -> memref<4x128x8x128xf32, #tpu.memory_space<hbm>>
    %dma_wait3A_580 = arith.constant 0 : i32
    %dma_wait3A_581 = arith.constant 0 : i32
    %dma_wait3A_582 = arith.constant 0 : i32
    %dma_wait3A_583 = tpu.memref_slice %dma_wait3A_579[%dma_wait3A_547, %dma_wait3A_580, %dma_wait3A_581, %dma_wait3A_582] : memref<4x128x8x128xf32, #tpu.memory_space<hbm>> -> memref<1x128x8x128xf32, #tpu.memory_space<hbm>>
    %dma_wait3A_584 = tpu.memref_squeeze %dma_wait3A_583 : memref<1x128x8x128xf32, #tpu.memory_space<hbm>> -> memref<128x8x128xf32, #tpu.memory_space<hbm>>
    %dma_wait3A_585 = arith.constant 0 : i32
    %dma_wait3A_586 = arith.constant 0 : i32
    %dma_wait3A_587 = tpu.memref_slice %dma_wait3A_584[%dma_wait3A_548, %dma_wait3A_585, %dma_wait3A_586] : memref<128x8x128xf32, #tpu.memory_space<hbm>> -> memref<1x8x128xf32, #tpu.memory_space<hbm>>
    %dma_wait3A_588 = tpu.memref_squeeze %dma_wait3A_587 : memref<1x8x128xf32, #tpu.memory_space<hbm>> -> memref<8x128xf32, #tpu.memory_space<hbm>>
    %dma_wait3A_589 = arith.constant 0 : i32
    %dma_wait3A_590 = arith.constant 0 : i32
    %dma_wait3A_591 = tpu.memref_slice %arg8[%dma_wait3A_545, %dma_wait3A_589, %dma_wait3A_590] : memref<2x32x513xf32, #tpu.memory_space<vmem>> -> memref<1x32x513xf32, #tpu.memory_space<vmem>>
    %dma_wait3A_592 = tpu.memref_squeeze %dma_wait3A_591 : memref<1x32x513xf32, #tpu.memory_space<vmem>> -> memref<32x513xf32, #tpu.memory_space<vmem>>
    %dma_wait3A_593 = arith.constant 0 : i32
    %dma_wait3A_594 = arith.constant 0 : i32
    %dma_wait3A_595 = tpu.memref_slice %dma_wait3A_592[%dma_wait3A_593, %dma_wait3A_594] : memref<32x513xf32, #tpu.memory_space<vmem>> -> memref<8x128xf32, #tpu.memory_space<vmem>>
    tpu.wait_dma2 semaphore(%dma_wait3A_573 : memref<!tpu.dma_semaphore, #tpu.memory_space<semaphore_mem>>) src(%dma_wait3A_595 : memref<8x128xf32, #tpu.memory_space<vmem>>) dst(%dma_wait3A_588 : memref<8x128xf32, #tpu.memory_space<hbm>>)
    %dma_wait3A_596 = arith.constant 0 : i32
    %dma_wait3A_597 = arith.constant 0 : i32
    %dma_wait3A_598 = arith.constant 0 : i32
    %dma_wait3A_599 = arith.constant 0 : i32
    %dma_wait3A_600 = arith.constant 0 : i32
    %dma_wait3A_601 = arith.constant 0 : i32
    %dma_wait3A_602 = arith.constant 0 : i32
    %dma_wait3A_603 = tpu.memref_slice %arg8[%dma_wait3A_596, %dma_wait3A_601, %dma_wait3A_602] : memref<2x32x513xf32, #tpu.memory_space<vmem>> -> memref<1x32x513xf32, #tpu.memory_space<vmem>>
    %dma_wait3A_604 = tpu.memref_squeeze %dma_wait3A_603 : memref<1x32x513xf32, #tpu.memory_space<vmem>> -> memref<32x513xf32, #tpu.memory_space<vmem>>
    %dma_wait3A_605 = arith.constant 0 : i32
    %dma_wait3A_606 = arith.constant 0 : i32
    %dma_wait3A_607 = tpu.memref_slice %dma_wait3A_604[%dma_wait3A_605, %dma_wait3A_606] : memref<32x513xf32, #tpu.memory_space<vmem>> -> memref<8x128xf32, #tpu.memory_space<vmem>>
    %dma_wait3A_608 = arith.constant 0 : i32
    %dma_wait3A_609 = arith.constant 0 : i32
    %dma_wait3A_610 = arith.constant 0 : i32
    %dma_wait3A_611 = arith.constant 0 : i32
    %dma_wait3A_612 = tpu.memref_slice %arg4[%dma_wait3A_597, %dma_wait3A_608, %dma_wait3A_609, %dma_wait3A_610, %dma_wait3A_611] : memref<50x4x128x8x128xf32, #tpu.memory_space<hbm>> -> memref<1x4x128x8x128xf32, #tpu.memory_space<hbm>>
    %dma_wait3A_613 = tpu.memref_squeeze %dma_wait3A_612 : memref<1x4x128x8x128xf32, #tpu.memory_space<hbm>> -> memref<4x128x8x128xf32, #tpu.memory_space<hbm>>
    %dma_wait3A_614 = arith.constant 0 : i32
    %dma_wait3A_615 = arith.constant 0 : i32
    %dma_wait3A_616 = arith.constant 0 : i32
    %dma_wait3A_617 = tpu.memref_slice %dma_wait3A_613[%dma_wait3A_598, %dma_wait3A_614, %dma_wait3A_615, %dma_wait3A_616] : memref<4x128x8x128xf32, #tpu.memory_space<hbm>> -> memref<1x128x8x128xf32, #tpu.memory_space<hbm>>
    %dma_wait3A_618 = tpu.memref_squeeze %dma_wait3A_617 : memref<1x128x8x128xf32, #tpu.memory_space<hbm>> -> memref<128x8x128xf32, #tpu.memory_space<hbm>>
    %dma_wait3A_619 = arith.constant 0 : i32
    %dma_wait3A_620 = arith.constant 0 : i32
    %dma_wait3A_621 = tpu.memref_slice %dma_wait3A_618[%dma_wait3A_599, %dma_wait3A_619, %dma_wait3A_620] : memref<128x8x128xf32, #tpu.memory_space<hbm>> -> memref<1x8x128xf32, #tpu.memory_space<hbm>>
    %dma_wait3A_622 = tpu.memref_squeeze %dma_wait3A_621 : memref<1x8x128xf32, #tpu.memory_space<hbm>> -> memref<8x128xf32, #tpu.memory_space<hbm>>
    %dma_wait3A_623 = tpu.memref_slice %arg10[%dma_wait3A_600] : memref<2x!tpu.dma_semaphore, #tpu.memory_space<semaphore_mem>> -> memref<1x!tpu.dma_semaphore, #tpu.memory_space<semaphore_mem>>
    %dma_wait3A_624 = tpu.memref_squeeze %dma_wait3A_623 : memref<1x!tpu.dma_semaphore, #tpu.memory_space<semaphore_mem>> -> memref<!tpu.dma_semaphore, #tpu.memory_space<semaphore_mem>>
    %dma_wait3A_625 = arith.constant 0 : i32
    %dma_wait3A_626 = arith.constant 0 : i32
    %dma_wait3A_627 = arith.constant 0 : i32
    %dma_wait3A_628 = arith.constant 0 : i32
    %dma_wait3A_629 = tpu.memref_slice %arg4[%dma_wait3A_597, %dma_wait3A_625, %dma_wait3A_626, %dma_wait3A_627, %dma_wait3A_628] : memref<50x4x128x8x128xf32, #tpu.memory_space<hbm>> -> memref<1x4x128x8x128xf32, #tpu.memory_space<hbm>>
    %dma_wait3A_630 = tpu.memref_squeeze %dma_wait3A_629 : memref<1x4x128x8x128xf32, #tpu.memory_space<hbm>> -> memref<4x128x8x128xf32, #tpu.memory_space<hbm>>
    %dma_wait3A_631 = arith.constant 0 : i32
    %dma_wait3A_632 = arith.constant 0 : i32
    %dma_wait3A_633 = arith.constant 0 : i32
    %dma_wait3A_634 = tpu.memref_slice %dma_wait3A_630[%dma_wait3A_598, %dma_wait3A_631, %dma_wait3A_632, %dma_wait3A_633] : memref<4x128x8x128xf32, #tpu.memory_space<hbm>> -> memref<1x128x8x128xf32, #tpu.memory_space<hbm>>
    %dma_wait3A_635 = tpu.memref_squeeze %dma_wait3A_634 : memref<1x128x8x128xf32, #tpu.memory_space<hbm>> -> memref<128x8x128xf32, #tpu.memory_space<hbm>>
    %dma_wait3A_636 = arith.constant 0 : i32
    %dma_wait3A_637 = arith.constant 0 : i32
    %dma_wait3A_638 = tpu.memref_slice %dma_wait3A_635[%dma_wait3A_599, %dma_wait3A_636, %dma_wait3A_637] : memref<128x8x128xf32, #tpu.memory_space<hbm>> -> memref<1x8x128xf32, #tpu.memory_space<hbm>>
    %dma_wait3A_639 = tpu.memref_squeeze %dma_wait3A_638 : memref<1x8x128xf32, #tpu.memory_space<hbm>> -> memref<8x128xf32, #tpu.memory_space<hbm>>
    %dma_wait3A_640 = arith.constant 0 : i32
    %dma_wait3A_641 = arith.constant 0 : i32
    %dma_wait3A_642 = tpu.memref_slice %arg8[%dma_wait3A_596, %dma_wait3A_640, %dma_wait3A_641] : memref<2x32x513xf32, #tpu.memory_space<vmem>> -> memref<1x32x513xf32, #tpu.memory_space<vmem>>
    %dma_wait3A_643 = tpu.memref_squeeze %dma_wait3A_642 : memref<1x32x513xf32, #tpu.memory_space<vmem>> -> memref<32x513xf32, #tpu.memory_space<vmem>>
    %dma_wait3A_644 = arith.constant 0 : i32
    %dma_wait3A_645 = arith.constant 0 : i32
    %dma_wait3A_646 = tpu.memref_slice %dma_wait3A_643[%dma_wait3A_644, %dma_wait3A_645] : memref<32x513xf32, #tpu.memory_space<vmem>> -> memref<8x128xf32, #tpu.memory_space<vmem>>
    tpu.wait_dma2 semaphore(%dma_wait3A_624 : memref<!tpu.dma_semaphore, #tpu.memory_space<semaphore_mem>>) src(%dma_wait3A_646 : memref<8x128xf32, #tpu.memory_space<vmem>>) dst(%dma_wait3A_639 : memref<8x128xf32, #tpu.memory_space<hbm>>)
    %dma_wait3A_647 = arith.constant 0 : i32
    %dma_wait3A_648 = arith.constant 0 : i32
    %dma_wait3A_649 = arith.constant 0 : i32
    %dma_wait3A_650 = arith.constant 0 : i32
    %dma_wait3A_651 = arith.constant 0 : i32
    %dma_wait3A_652 = arith.constant 0 : i32
    %dma_wait3A_653 = arith.constant 0 : i32
    %dma_wait3A_654 = tpu.memref_slice %arg8[%dma_wait3A_647, %dma_wait3A_652, %dma_wait3A_653] : memref<2x32x513xf32, #tpu.memory_space<vmem>> -> memref<1x32x513xf32, #tpu.memory_space<vmem>>
    %dma_wait3A_655 = tpu.memref_squeeze %dma_wait3A_654 : memref<1x32x513xf32, #tpu.memory_space<vmem>> -> memref<32x513xf32, #tpu.memory_space<vmem>>
    %dma_wait3A_656 = arith.constant 0 : i32
    %dma_wait3A_657 = arith.constant 0 : i32
    %dma_wait3A_658 = tpu.memref_slice %dma_wait3A_655[%dma_wait3A_656, %dma_wait3A_657] : memref<32x513xf32, #tpu.memory_space<vmem>> -> memref<8x128xf32, #tpu.memory_space<vmem>>
    %dma_wait3A_659 = arith.constant 0 : i32
    %dma_wait3A_660 = arith.constant 0 : i32
    %dma_wait3A_661 = arith.constant 0 : i32
    %dma_wait3A_662 = arith.constant 0 : i32
    %dma_wait3A_663 = tpu.memref_slice %arg4[%dma_wait3A_648, %dma_wait3A_659, %dma_wait3A_660, %dma_wait3A_661, %dma_wait3A_662] : memref<50x4x128x8x128xf32, #tpu.memory_space<hbm>> -> memref<1x4x128x8x128xf32, #tpu.memory_space<hbm>>
    %dma_wait3A_664 = tpu.memref_squeeze %dma_wait3A_663 : memref<1x4x128x8x128xf32, #tpu.memory_space<hbm>> -> memref<4x128x8x128xf32, #tpu.memory_space<hbm>>
    %dma_wait3A_665 = arith.constant 0 : i32
    %dma_wait3A_666 = arith.constant 0 : i32
    %dma_wait3A_667 = arith.constant 0 : i32
    %dma_wait3A_668 = tpu.memref_slice %dma_wait3A_664[%dma_wait3A_649, %dma_wait3A_665, %dma_wait3A_666, %dma_wait3A_667] : memref<4x128x8x128xf32, #tpu.memory_space<hbm>> -> memref<1x128x8x128xf32, #tpu.memory_space<hbm>>
    %dma_wait3A_669 = tpu.memref_squeeze %dma_wait3A_668 : memref<1x128x8x128xf32, #tpu.memory_space<hbm>> -> memref<128x8x128xf32, #tpu.memory_space<hbm>>
    %dma_wait3A_670 = arith.constant 0 : i32
    %dma_wait3A_671 = arith.constant 0 : i32
    %dma_wait3A_672 = tpu.memref_slice %dma_wait3A_669[%dma_wait3A_650, %dma_wait3A_670, %dma_wait3A_671] : memref<128x8x128xf32, #tpu.memory_space<hbm>> -> memref<1x8x128xf32, #tpu.memory_space<hbm>>
    %dma_wait3A_673 = tpu.memref_squeeze %dma_wait3A_672 : memref<1x8x128xf32, #tpu.memory_space<hbm>> -> memref<8x128xf32, #tpu.memory_space<hbm>>
    %dma_wait3A_674 = tpu.memref_slice %arg10[%dma_wait3A_651] : memref<2x!tpu.dma_semaphore, #tpu.memory_space<semaphore_mem>> -> memref<1x!tpu.dma_semaphore, #tpu.memory_space<semaphore_mem>>
    %dma_wait3A_675 = tpu.memref_squeeze %dma_wait3A_674 : memref<1x!tpu.dma_semaphore, #tpu.memory_space<semaphore_mem>> -> memref<!tpu.dma_semaphore, #tpu.memory_space<semaphore_mem>>
    %dma_wait3A_676 = arith.constant 0 : i32
    %dma_wait3A_677 = arith.constant 0 : i32
    %dma_wait3A_678 = arith.constant 0 : i32
    %dma_wait3A_679 = arith.constant 0 : i32
    %dma_wait3A_680 = tpu.memref_slice %arg4[%dma_wait3A_648, %dma_wait3A_676, %dma_wait3A_677, %dma_wait3A_678, %dma_wait3A_679] : memref<50x4x128x8x128xf32, #tpu.memory_space<hbm>> -> memref<1x4x128x8x128xf32, #tpu.memory_space<hbm>>
    %dma_wait3A_681 = tpu.memref_squeeze %dma_wait3A_680 : memref<1x4x128x8x128xf32, #tpu.memory_space<hbm>> -> memref<4x128x8x128xf32, #tpu.memory_space<hbm>>
    %dma_wait3A_682 = arith.constant 0 : i32
    %dma_wait3A_683 = arith.constant 0 : i32
    %dma_wait3A_684 = arith.constant 0 : i32
    %dma_wait3A_685 = tpu.memref_slice %dma_wait3A_681[%dma_wait3A_649, %dma_wait3A_682, %dma_wait3A_683, %dma_wait3A_684] : memref<4x128x8x128xf32, #tpu.memory_space<hbm>> -> memref<1x128x8x128xf32, #tpu.memory_space<hbm>>
    %dma_wait3A_686 = tpu.memref_squeeze %dma_wait3A_685 : memref<1x128x8x128xf32, #tpu.memory_space<hbm>> -> memref<128x8x128xf32, #tpu.memory_space<hbm>>
    %dma_wait3A_687 = arith.constant 0 : i32
    %dma_wait3A_688 = arith.constant 0 : i32
    %dma_wait3A_689 = tpu.memref_slice %dma_wait3A_686[%dma_wait3A_650, %dma_wait3A_687, %dma_wait3A_688] : memref<128x8x128xf32, #tpu.memory_space<hbm>> -> memref<1x8x128xf32, #tpu.memory_space<hbm>>
    %dma_wait3A_690 = tpu.memref_squeeze %dma_wait3A_689 : memref<1x8x128xf32, #tpu.memory_space<hbm>> -> memref<8x128xf32, #tpu.memory_space<hbm>>
    %dma_wait3A_691 = arith.constant 0 : i32
    %dma_wait3A_692 = arith.constant 0 : i32
    %dma_wait3A_693 = tpu.memref_slice %arg8[%dma_wait3A_647, %dma_wait3A_691, %dma_wait3A_692] : memref<2x32x513xf32, #tpu.memory_space<vmem>> -> memref<1x32x513xf32, #tpu.memory_space<vmem>>
    %dma_wait3A_694 = tpu.memref_squeeze %dma_wait3A_693 : memref<1x32x513xf32, #tpu.memory_space<vmem>> -> memref<32x513xf32, #tpu.memory_space<vmem>>
    %dma_wait3A_695 = arith.constant 0 : i32
    %dma_wait3A_696 = arith.constant 0 : i32
    %dma_wait3A_697 = tpu.memref_slice %dma_wait3A_694[%dma_wait3A_695, %dma_wait3A_696] : memref<32x513xf32, #tpu.memory_space<vmem>> -> memref<8x128xf32, #tpu.memory_space<vmem>>
    tpu.wait_dma2 semaphore(%dma_wait3A_675 : memref<!tpu.dma_semaphore, #tpu.memory_space<semaphore_mem>>) src(%dma_wait3A_697 : memref<8x128xf32, #tpu.memory_space<vmem>>) dst(%dma_wait3A_690 : memref<8x128xf32, #tpu.memory_space<hbm>>)
    %dma_wait3A_698 = arith.constant 0 : i32
    %dma_wait3A_699 = arith.constant 0 : i32
    %dma_wait3A_700 = arith.constant 0 : i32
    %dma_wait3A_701 = arith.constant 0 : i32
    %dma_wait3A_702 = arith.constant 0 : i32
    %dma_wait3A_703 = arith.constant 0 : i32
    %dma_wait3A_704 = arith.constant 0 : i32
    %dma_wait3A_705 = tpu.memref_slice %arg8[%dma_wait3A_698, %dma_wait3A_703, %dma_wait3A_704] : memref<2x32x513xf32, #tpu.memory_space<vmem>> -> memref<1x32x513xf32, #tpu.memory_space<vmem>>
    %dma_wait3A_706 = tpu.memref_squeeze %dma_wait3A_705 : memref<1x32x513xf32, #tpu.memory_space<vmem>> -> memref<32x513xf32, #tpu.memory_space<vmem>>
    %dma_wait3A_707 = arith.constant 0 : i32
    %dma_wait3A_708 = arith.constant 0 : i32
    %dma_wait3A_709 = tpu.memref_slice %dma_wait3A_706[%dma_wait3A_707, %dma_wait3A_708] : memref<32x513xf32, #tpu.memory_space<vmem>> -> memref<8x128xf32, #tpu.memory_space<vmem>>
    %dma_wait3A_710 = arith.constant 0 : i32
    %dma_wait3A_711 = arith.constant 0 : i32
    %dma_wait3A_712 = arith.constant 0 : i32
    %dma_wait3A_713 = arith.constant 0 : i32
    %dma_wait3A_714 = tpu.memref_slice %arg4[%dma_wait3A_699, %dma_wait3A_710, %dma_wait3A_711, %dma_wait3A_712, %dma_wait3A_713] : memref<50x4x128x8x128xf32, #tpu.memory_space<hbm>> -> memref<1x4x128x8x128xf32, #tpu.memory_space<hbm>>
    %dma_wait3A_715 = tpu.memref_squeeze %dma_wait3A_714 : memref<1x4x128x8x128xf32, #tpu.memory_space<hbm>> -> memref<4x128x8x128xf32, #tpu.memory_space<hbm>>
    %dma_wait3A_716 = arith.constant 0 : i32
    %dma_wait3A_717 = arith.constant 0 : i32
    %dma_wait3A_718 = arith.constant 0 : i32
    %dma_wait3A_719 = tpu.memref_slice %dma_wait3A_715[%dma_wait3A_700, %dma_wait3A_716, %dma_wait3A_717, %dma_wait3A_718] : memref<4x128x8x128xf32, #tpu.memory_space<hbm>> -> memref<1x128x8x128xf32, #tpu.memory_space<hbm>>
    %dma_wait3A_720 = tpu.memref_squeeze %dma_wait3A_719 : memref<1x128x8x128xf32, #tpu.memory_space<hbm>> -> memref<128x8x128xf32, #tpu.memory_space<hbm>>
    %dma_wait3A_721 = arith.constant 0 : i32
    %dma_wait3A_722 = arith.constant 0 : i32
    %dma_wait3A_723 = tpu.memref_slice %dma_wait3A_720[%dma_wait3A_701, %dma_wait3A_721, %dma_wait3A_722] : memref<128x8x128xf32, #tpu.memory_space<hbm>> -> memref<1x8x128xf32, #tpu.memory_space<hbm>>
    %dma_wait3A_724 = tpu.memref_squeeze %dma_wait3A_723 : memref<1x8x128xf32, #tpu.memory_space<hbm>> -> memref<8x128xf32, #tpu.memory_space<hbm>>
    %dma_wait3A_725 = tpu.memref_slice %arg10[%dma_wait3A_702] : memref<2x!tpu.dma_semaphore, #tpu.memory_space<semaphore_mem>> -> memref<1x!tpu.dma_semaphore, #tpu.memory_space<semaphore_mem>>
    %dma_wait3A_726 = tpu.memref_squeeze %dma_wait3A_725 : memref<1x!tpu.dma_semaphore, #tpu.memory_space<semaphore_mem>> -> memref<!tpu.dma_semaphore, #tpu.memory_space<semaphore_mem>>
    %dma_wait3A_727 = arith.constant 0 : i32
    %dma_wait3A_728 = arith.constant 0 : i32
    %dma_wait3A_729 = arith.constant 0 : i32
    %dma_wait3A_730 = arith.constant 0 : i32
    %dma_wait3A_731 = tpu.memref_slice %arg4[%dma_wait3A_699, %dma_wait3A_727, %dma_wait3A_728, %dma_wait3A_729, %dma_wait3A_730] : memref<50x4x128x8x128xf32, #tpu.memory_space<hbm>> -> memref<1x4x128x8x128xf32, #tpu.memory_space<hbm>>
    %dma_wait3A_732 = tpu.memref_squeeze %dma_wait3A_731 : memref<1x4x128x8x128xf32, #tpu.memory_space<hbm>> -> memref<4x128x8x128xf32, #tpu.memory_space<hbm>>
    %dma_wait3A_733 = arith.constant 0 : i32
    %dma_wait3A_734 = arith.constant 0 : i32
    %dma_wait3A_735 = arith.constant 0 : i32
    %dma_wait3A_736 = tpu.memref_slice %dma_wait3A_732[%dma_wait3A_700, %dma_wait3A_733, %dma_wait3A_734, %dma_wait3A_735] : memref<4x128x8x128xf32, #tpu.memory_space<hbm>> -> memref<1x128x8x128xf32, #tpu.memory_space<hbm>>
    %dma_wait3A_737 = tpu.memref_squeeze %dma_wait3A_736 : memref<1x128x8x128xf32, #tpu.memory_space<hbm>> -> memref<128x8x128xf32, #tpu.memory_space<hbm>>
    %dma_wait3A_738 = arith.constant 0 : i32
    %dma_wait3A_739 = arith.constant 0 : i32
    %dma_wait3A_740 = tpu.memref_slice %dma_wait3A_737[%dma_wait3A_701, %dma_wait3A_738, %dma_wait3A_739] : memref<128x8x128xf32, #tpu.memory_space<hbm>> -> memref<1x8x128xf32, #tpu.memory_space<hbm>>
    %dma_wait3A_741 = tpu.memref_squeeze %dma_wait3A_740 : memref<1x8x128xf32, #tpu.memory_space<hbm>> -> memref<8x128xf32, #tpu.memory_space<hbm>>
    %dma_wait3A_742 = arith.constant 0 : i32
    %dma_wait3A_743 = arith.constant 0 : i32
    %dma_wait3A_744 = tpu.memref_slice %arg8[%dma_wait3A_698, %dma_wait3A_742, %dma_wait3A_743] : memref<2x32x513xf32, #tpu.memory_space<vmem>> -> memref<1x32x513xf32, #tpu.memory_space<vmem>>
    %dma_wait3A_745 = tpu.memref_squeeze %dma_wait3A_744 : memref<1x32x513xf32, #tpu.memory_space<vmem>> -> memref<32x513xf32, #tpu.memory_space<vmem>>
    %dma_wait3A_746 = arith.constant 0 : i32
    %dma_wait3A_747 = arith.constant 0 : i32
    %dma_wait3A_748 = tpu.memref_slice %dma_wait3A_745[%dma_wait3A_746, %dma_wait3A_747] : memref<32x513xf32, #tpu.memory_space<vmem>> -> memref<8x128xf32, #tpu.memory_space<vmem>>
    tpu.wait_dma2 semaphore(%dma_wait3A_726 : memref<!tpu.dma_semaphore, #tpu.memory_space<semaphore_mem>>) src(%dma_wait3A_748 : memref<8x128xf32, #tpu.memory_space<vmem>>) dst(%dma_wait3A_741 : memref<8x128xf32, #tpu.memory_space<hbm>>)
    %dma_wait3A_749 = arith.constant 0 : i32
    %dma_wait3A_750 = arith.constant 0 : i32
    %dma_wait3A_751 = arith.constant 0 : i32
    %dma_wait3A_752 = arith.constant 0 : i32
    %dma_wait3A_753 = arith.constant 0 : i32
    %dma_wait3A_754 = arith.constant 0 : i32
    %dma_wait3A_755 = arith.constant 0 : i32
    %dma_wait3A_756 = tpu.memref_slice %arg8[%dma_wait3A_749, %dma_wait3A_754, %dma_wait3A_755] : memref<2x32x513xf32, #tpu.memory_space<vmem>> -> memref<1x32x513xf32, #tpu.memory_space<vmem>>
    %dma_wait3A_757 = tpu.memref_squeeze %dma_wait3A_756 : memref<1x32x513xf32, #tpu.memory_space<vmem>> -> memref<32x513xf32, #tpu.memory_space<vmem>>
    %dma_wait3A_758 = arith.constant 0 : i32
    %dma_wait3A_759 = arith.constant 0 : i32
    %dma_wait3A_760 = tpu.memref_slice %dma_wait3A_757[%dma_wait3A_758, %dma_wait3A_759] : memref<32x513xf32, #tpu.memory_space<vmem>> -> memref<8x128xf32, #tpu.memory_space<vmem>>
    %dma_wait3A_761 = arith.constant 0 : i32
    %dma_wait3A_762 = arith.constant 0 : i32
    %dma_wait3A_763 = arith.constant 0 : i32
    %dma_wait3A_764 = arith.constant 0 : i32
    %dma_wait3A_765 = tpu.memref_slice %arg4[%dma_wait3A_750, %dma_wait3A_761, %dma_wait3A_762, %dma_wait3A_763, %dma_wait3A_764] : memref<50x4x128x8x128xf32, #tpu.memory_space<hbm>> -> memref<1x4x128x8x128xf32, #tpu.memory_space<hbm>>
    %dma_wait3A_766 = tpu.memref_squeeze %dma_wait3A_765 : memref<1x4x128x8x128xf32, #tpu.memory_space<hbm>> -> memref<4x128x8x128xf32, #tpu.memory_space<hbm>>
    %dma_wait3A_767 = arith.constant 0 : i32
    %dma_wait3A_768 = arith.constant 0 : i32
    %dma_wait3A_769 = arith.constant 0 : i32
    %dma_wait3A_770 = tpu.memref_slice %dma_wait3A_766[%dma_wait3A_751, %dma_wait3A_767, %dma_wait3A_768, %dma_wait3A_769] : memref<4x128x8x128xf32, #tpu.memory_space<hbm>> -> memref<1x128x8x128xf32, #tpu.memory_space<hbm>>
    %dma_wait3A_771 = tpu.memref_squeeze %dma_wait3A_770 : memref<1x128x8x128xf32, #tpu.memory_space<hbm>> -> memref<128x8x128xf32, #tpu.memory_space<hbm>>
    %dma_wait3A_772 = arith.constant 0 : i32
    %dma_wait3A_773 = arith.constant 0 : i32
    %dma_wait3A_774 = tpu.memref_slice %dma_wait3A_771[%dma_wait3A_752, %dma_wait3A_772, %dma_wait3A_773] : memref<128x8x128xf32, #tpu.memory_space<hbm>> -> memref<1x8x128xf32, #tpu.memory_space<hbm>>
    %dma_wait3A_775 = tpu.memref_squeeze %dma_wait3A_774 : memref<1x8x128xf32, #tpu.memory_space<hbm>> -> memref<8x128xf32, #tpu.memory_space<hbm>>
    %dma_wait3A_776 = tpu.memref_slice %arg10[%dma_wait3A_753] : memref<2x!tpu.dma_semaphore, #tpu.memory_space<semaphore_mem>> -> memref<1x!tpu.dma_semaphore, #tpu.memory_space<semaphore_mem>>
    %dma_wait3A_777 = tpu.memref_squeeze %dma_wait3A_776 : memref<1x!tpu.dma_semaphore, #tpu.memory_space<semaphore_mem>> -> memref<!tpu.dma_semaphore, #tpu.memory_space<semaphore_mem>>
    %dma_wait3A_778 = arith.constant 0 : i32
    %dma_wait3A_779 = arith.constant 0 : i32
    %dma_wait3A_780 = arith.constant 0 : i32
    %dma_wait3A_781 = arith.constant 0 : i32
    %dma_wait3A_782 = tpu.memref_slice %arg4[%dma_wait3A_750, %dma_wait3A_778, %dma_wait3A_779, %dma_wait3A_780, %dma_wait3A_781] : memref<50x4x128x8x128xf32, #tpu.memory_space<hbm>> -> memref<1x4x128x8x128xf32, #tpu.memory_space<hbm>>
    %dma_wait3A_783 = tpu.memref_squeeze %dma_wait3A_782 : memref<1x4x128x8x128xf32, #tpu.memory_space<hbm>> -> memref<4x128x8x128xf32, #tpu.memory_space<hbm>>
    %dma_wait3A_784 = arith.constant 0 : i32
    %dma_wait3A_785 = arith.constant 0 : i32
    %dma_wait3A_786 = arith.constant 0 : i32
    %dma_wait3A_787 = tpu.memref_slice %dma_wait3A_783[%dma_wait3A_751, %dma_wait3A_784, %dma_wait3A_785, %dma_wait3A_786] : memref<4x128x8x128xf32, #tpu.memory_space<hbm>> -> memref<1x128x8x128xf32, #tpu.memory_space<hbm>>
    %dma_wait3A_788 = tpu.memref_squeeze %dma_wait3A_787 : memref<1x128x8x128xf32, #tpu.memory_space<hbm>> -> memref<128x8x128xf32, #tpu.memory_space<hbm>>
    %dma_wait3A_789 = arith.constant 0 : i32
    %dma_wait3A_790 = arith.constant 0 : i32
    %dma_wait3A_791 = tpu.memref_slice %dma_wait3A_788[%dma_wait3A_752, %dma_wait3A_789, %dma_wait3A_790] : memref<128x8x128xf32, #tpu.memory_space<hbm>> -> memref<1x8x128xf32, #tpu.memory_space<hbm>>
    %dma_wait3A_792 = tpu.memref_squeeze %dma_wait3A_791 : memref<1x8x128xf32, #tpu.memory_space<hbm>> -> memref<8x128xf32, #tpu.memory_space<hbm>>
    %dma_wait3A_793 = arith.constant 0 : i32
    %dma_wait3A_794 = arith.constant 0 : i32
    %dma_wait3A_795 = tpu.memref_slice %arg8[%dma_wait3A_749, %dma_wait3A_793, %dma_wait3A_794] : memref<2x32x513xf32, #tpu.memory_space<vmem>> -> memref<1x32x513xf32, #tpu.memory_space<vmem>>
    %dma_wait3A_796 = tpu.memref_squeeze %dma_wait3A_795 : memref<1x32x513xf32, #tpu.memory_space<vmem>> -> memref<32x513xf32, #tpu.memory_space<vmem>>
    %dma_wait3A_797 = arith.constant 0 : i32
    %dma_wait3A_798 = arith.constant 0 : i32
    %dma_wait3A_799 = tpu.memref_slice %dma_wait3A_796[%dma_wait3A_797, %dma_wait3A_798] : memref<32x513xf32, #tpu.memory_space<vmem>> -> memref<8x128xf32, #tpu.memory_space<vmem>>
    tpu.wait_dma2 semaphore(%dma_wait3A_777 : memref<!tpu.dma_semaphore, #tpu.memory_space<semaphore_mem>>) src(%dma_wait3A_799 : memref<8x128xf32, #tpu.memory_space<vmem>>) dst(%dma_wait3A_792 : memref<8x128xf32, #tpu.memory_space<hbm>>)
    %dma_wait3A_800 = arith.constant 0 : i32
    %dma_wait3A_801 = arith.constant 0 : i32
    %dma_wait3A_802 = arith.constant 0 : i32
    %dma_wait3A_803 = arith.constant 0 : i32
    %dma_wait3A_804 = arith.constant 0 : i32
    %dma_wait3A_805 = arith.constant 0 : i32
    %dma_wait3A_806 = arith.constant 0 : i32
    %dma_wait3A_807 = tpu.memref_slice %arg8[%dma_wait3A_800, %dma_wait3A_805, %dma_wait3A_806] : memref<2x32x513xf32, #tpu.memory_space<vmem>> -> memref<1x32x513xf32, #tpu.memory_space<vmem>>
    %dma_wait3A_808 = tpu.memref_squeeze %dma_wait3A_807 : memref<1x32x513xf32, #tpu.memory_space<vmem>> -> memref<32x513xf32, #tpu.memory_space<vmem>>
    %dma_wait3A_809 = arith.constant 0 : i32
    %dma_wait3A_810 = arith.constant 0 : i32
    %dma_wait3A_811 = tpu.memref_slice %dma_wait3A_808[%dma_wait3A_809, %dma_wait3A_810] : memref<32x513xf32, #tpu.memory_space<vmem>> -> memref<8x128xf32, #tpu.memory_space<vmem>>
    %dma_wait3A_812 = arith.constant 0 : i32
    %dma_wait3A_813 = arith.constant 0 : i32
    %dma_wait3A_814 = arith.constant 0 : i32
    %dma_wait3A_815 = arith.constant 0 : i32
    %dma_wait3A_816 = tpu.memref_slice %arg4[%dma_wait3A_801, %dma_wait3A_812, %dma_wait3A_813, %dma_wait3A_814, %dma_wait3A_815] : memref<50x4x128x8x128xf32, #tpu.memory_space<hbm>> -> memref<1x4x128x8x128xf32, #tpu.memory_space<hbm>>
    %dma_wait3A_817 = tpu.memref_squeeze %dma_wait3A_816 : memref<1x4x128x8x128xf32, #tpu.memory_space<hbm>> -> memref<4x128x8x128xf32, #tpu.memory_space<hbm>>
    %dma_wait3A_818 = arith.constant 0 : i32
    %dma_wait3A_819 = arith.constant 0 : i32
    %dma_wait3A_820 = arith.constant 0 : i32
    %dma_wait3A_821 = tpu.memref_slice %dma_wait3A_817[%dma_wait3A_802, %dma_wait3A_818, %dma_wait3A_819, %dma_wait3A_820] : memref<4x128x8x128xf32, #tpu.memory_space<hbm>> -> memref<1x128x8x128xf32, #tpu.memory_space<hbm>>
    %dma_wait3A_822 = tpu.memref_squeeze %dma_wait3A_821 : memref<1x128x8x128xf32, #tpu.memory_space<hbm>> -> memref<128x8x128xf32, #tpu.memory_space<hbm>>
    %dma_wait3A_823 = arith.constant 0 : i32
    %dma_wait3A_824 = arith.constant 0 : i32
    %dma_wait3A_825 = tpu.memref_slice %dma_wait3A_822[%dma_wait3A_803, %dma_wait3A_823, %dma_wait3A_824] : memref<128x8x128xf32, #tpu.memory_space<hbm>> -> memref<1x8x128xf32, #tpu.memory_space<hbm>>
    %dma_wait3A_826 = tpu.memref_squeeze %dma_wait3A_825 : memref<1x8x128xf32, #tpu.memory_space<hbm>> -> memref<8x128xf32, #tpu.memory_space<hbm>>
    %dma_wait3A_827 = tpu.memref_slice %arg10[%dma_wait3A_804] : memref<2x!tpu.dma_semaphore, #tpu.memory_space<semaphore_mem>> -> memref<1x!tpu.dma_semaphore, #tpu.memory_space<semaphore_mem>>
    %dma_wait3A_828 = tpu.memref_squeeze %dma_wait3A_827 : memref<1x!tpu.dma_semaphore, #tpu.memory_space<semaphore_mem>> -> memref<!tpu.dma_semaphore, #tpu.memory_space<semaphore_mem>>
    %dma_wait3A_829 = arith.constant 0 : i32
    %dma_wait3A_830 = arith.constant 0 : i32
    %dma_wait3A_831 = arith.constant 0 : i32
    %dma_wait3A_832 = arith.constant 0 : i32
    %dma_wait3A_833 = tpu.memref_slice %arg4[%dma_wait3A_801, %dma_wait3A_829, %dma_wait3A_830, %dma_wait3A_831, %dma_wait3A_832] : memref<50x4x128x8x128xf32, #tpu.memory_space<hbm>> -> memref<1x4x128x8x128xf32, #tpu.memory_space<hbm>>
    %dma_wait3A_834 = tpu.memref_squeeze %dma_wait3A_833 : memref<1x4x128x8x128xf32, #tpu.memory_space<hbm>> -> memref<4x128x8x128xf32, #tpu.memory_space<hbm>>
    %dma_wait3A_835 = arith.constant 0 : i32
    %dma_wait3A_836 = arith.constant 0 : i32
    %dma_wait3A_837 = arith.constant 0 : i32
    %dma_wait3A_838 = tpu.memref_slice %dma_wait3A_834[%dma_wait3A_802, %dma_wait3A_835, %dma_wait3A_836, %dma_wait3A_837] : memref<4x128x8x128xf32, #tpu.memory_space<hbm>> -> memref<1x128x8x128xf32, #tpu.memory_space<hbm>>
    %dma_wait3A_839 = tpu.memref_squeeze %dma_wait3A_838 : memref<1x128x8x128xf32, #tpu.memory_space<hbm>> -> memref<128x8x128xf32, #tpu.memory_space<hbm>>
    %dma_wait3A_840 = arith.constant 0 : i32
    %dma_wait3A_841 = arith.constant 0 : i32
    %dma_wait3A_842 = tpu.memref_slice %dma_wait3A_839[%dma_wait3A_803, %dma_wait3A_840, %dma_wait3A_841] : memref<128x8x128xf32, #tpu.memory_space<hbm>> -> memref<1x8x128xf32, #tpu.memory_space<hbm>>
    %dma_wait3A_843 = tpu.memref_squeeze %dma_wait3A_842 : memref<1x8x128xf32, #tpu.memory_space<hbm>> -> memref<8x128xf32, #tpu.memory_space<hbm>>
    %dma_wait3A_844 = arith.constant 0 : i32
    %dma_wait3A_845 = arith.constant 0 : i32
    %dma_wait3A_846 = tpu.memref_slice %arg8[%dma_wait3A_800, %dma_wait3A_844, %dma_wait3A_845] : memref<2x32x513xf32, #tpu.memory_space<vmem>> -> memref<1x32x513xf32, #tpu.memory_space<vmem>>
    %dma_wait3A_847 = tpu.memref_squeeze %dma_wait3A_846 : memref<1x32x513xf32, #tpu.memory_space<vmem>> -> memref<32x513xf32, #tpu.memory_space<vmem>>
    %dma_wait3A_848 = arith.constant 0 : i32
    %dma_wait3A_849 = arith.constant 0 : i32
    %dma_wait3A_850 = tpu.memref_slice %dma_wait3A_847[%dma_wait3A_848, %dma_wait3A_849] : memref<32x513xf32, #tpu.memory_space<vmem>> -> memref<8x128xf32, #tpu.memory_space<vmem>>
    tpu.wait_dma2 semaphore(%dma_wait3A_828 : memref<!tpu.dma_semaphore, #tpu.memory_space<semaphore_mem>>) src(%dma_wait3A_850 : memref<8x128xf32, #tpu.memory_space<vmem>>) dst(%dma_wait3A_843 : memref<8x128xf32, #tpu.memory_space<hbm>>)
    %dma_wait3A_851 = arith.constant 1 : i32
    %dma_wait3A_852 = arith.constant 0 : i32
    %dma_wait3A_853 = arith.constant 0 : i32
    %dma_wait3A_854 = arith.constant 0 : i32
    %dma_wait3A_855 = arith.constant 1 : i32
    %dma_wait3A_856 = arith.constant 0 : i32
    %dma_wait3A_857 = arith.constant 0 : i32
    %dma_wait3A_858 = tpu.memref_slice %arg8[%dma_wait3A_851, %dma_wait3A_856, %dma_wait3A_857] : memref<2x32x513xf32, #tpu.memory_space<vmem>> -> memref<1x32x513xf32, #tpu.memory_space<vmem>>
    %dma_wait3A_859 = tpu.memref_squeeze %dma_wait3A_858 : memref<1x32x513xf32, #tpu.memory_space<vmem>> -> memref<32x513xf32, #tpu.memory_space<vmem>>
    %dma_wait3A_860 = arith.constant 0 : i32
    %dma_wait3A_861 = arith.constant 0 : i32
    %dma_wait3A_862 = tpu.memref_slice %dma_wait3A_859[%dma_wait3A_860, %dma_wait3A_861] : memref<32x513xf32, #tpu.memory_space<vmem>> -> memref<8x128xf32, #tpu.memory_space<vmem>>
    %dma_wait3A_863 = arith.constant 0 : i32
    %dma_wait3A_864 = arith.constant 0 : i32
    %dma_wait3A_865 = arith.constant 0 : i32
    %dma_wait3A_866 = arith.constant 0 : i32
    %dma_wait3A_867 = tpu.memref_slice %arg4[%dma_wait3A_852, %dma_wait3A_863, %dma_wait3A_864, %dma_wait3A_865, %dma_wait3A_866] : memref<50x4x128x8x128xf32, #tpu.memory_space<hbm>> -> memref<1x4x128x8x128xf32, #tpu.memory_space<hbm>>
    %dma_wait3A_868 = tpu.memref_squeeze %dma_wait3A_867 : memref<1x4x128x8x128xf32, #tpu.memory_space<hbm>> -> memref<4x128x8x128xf32, #tpu.memory_space<hbm>>
    %dma_wait3A_869 = arith.constant 0 : i32
    %dma_wait3A_870 = arith.constant 0 : i32
    %dma_wait3A_871 = arith.constant 0 : i32
    %dma_wait3A_872 = tpu.memref_slice %dma_wait3A_868[%dma_wait3A_853, %dma_wait3A_869, %dma_wait3A_870, %dma_wait3A_871] : memref<4x128x8x128xf32, #tpu.memory_space<hbm>> -> memref<1x128x8x128xf32, #tpu.memory_space<hbm>>
    %dma_wait3A_873 = tpu.memref_squeeze %dma_wait3A_872 : memref<1x128x8x128xf32, #tpu.memory_space<hbm>> -> memref<128x8x128xf32, #tpu.memory_space<hbm>>
    %dma_wait3A_874 = arith.constant 0 : i32
    %dma_wait3A_875 = arith.constant 0 : i32
    %dma_wait3A_876 = tpu.memref_slice %dma_wait3A_873[%dma_wait3A_854, %dma_wait3A_874, %dma_wait3A_875] : memref<128x8x128xf32, #tpu.memory_space<hbm>> -> memref<1x8x128xf32, #tpu.memory_space<hbm>>
    %dma_wait3A_877 = tpu.memref_squeeze %dma_wait3A_876 : memref<1x8x128xf32, #tpu.memory_space<hbm>> -> memref<8x128xf32, #tpu.memory_space<hbm>>
    %dma_wait3A_878 = tpu.memref_slice %arg10[%dma_wait3A_855] : memref<2x!tpu.dma_semaphore, #tpu.memory_space<semaphore_mem>> -> memref<1x!tpu.dma_semaphore, #tpu.memory_space<semaphore_mem>>
    %dma_wait3A_879 = tpu.memref_squeeze %dma_wait3A_878 : memref<1x!tpu.dma_semaphore, #tpu.memory_space<semaphore_mem>> -> memref<!tpu.dma_semaphore, #tpu.memory_space<semaphore_mem>>
    %dma_wait3A_880 = arith.constant 0 : i32
    %dma_wait3A_881 = arith.constant 0 : i32
    %dma_wait3A_882 = arith.constant 0 : i32
    %dma_wait3A_883 = arith.constant 0 : i32
    %dma_wait3A_884 = tpu.memref_slice %arg4[%dma_wait3A_852, %dma_wait3A_880, %dma_wait3A_881, %dma_wait3A_882, %dma_wait3A_883] : memref<50x4x128x8x128xf32, #tpu.memory_space<hbm>> -> memref<1x4x128x8x128xf32, #tpu.memory_space<hbm>>
    %dma_wait3A_885 = tpu.memref_squeeze %dma_wait3A_884 : memref<1x4x128x8x128xf32, #tpu.memory_space<hbm>> -> memref<4x128x8x128xf32, #tpu.memory_space<hbm>>
    %dma_wait3A_886 = arith.constant 0 : i32
    %dma_wait3A_887 = arith.constant 0 : i32
    %dma_wait3A_888 = arith.constant 0 : i32
    %dma_wait3A_889 = tpu.memref_slice %dma_wait3A_885[%dma_wait3A_853, %dma_wait3A_886, %dma_wait3A_887, %dma_wait3A_888] : memref<4x128x8x128xf32, #tpu.memory_space<hbm>> -> memref<1x128x8x128xf32, #tpu.memory_space<hbm>>
    %dma_wait3A_890 = tpu.memref_squeeze %dma_wait3A_889 : memref<1x128x8x128xf32, #tpu.memory_space<hbm>> -> memref<128x8x128xf32, #tpu.memory_space<hbm>>
    %dma_wait3A_891 = arith.constant 0 : i32
    %dma_wait3A_892 = arith.constant 0 : i32
    %dma_wait3A_893 = tpu.memref_slice %dma_wait3A_890[%dma_wait3A_854, %dma_wait3A_891, %dma_wait3A_892] : memref<128x8x128xf32, #tpu.memory_space<hbm>> -> memref<1x8x128xf32, #tpu.memory_space<hbm>>
    %dma_wait3A_894 = tpu.memref_squeeze %dma_wait3A_893 : memref<1x8x128xf32, #tpu.memory_space<hbm>> -> memref<8x128xf32, #tpu.memory_space<hbm>>
    %dma_wait3A_895 = arith.constant 0 : i32
    %dma_wait3A_896 = arith.constant 0 : i32
    %dma_wait3A_897 = tpu.memref_slice %arg8[%dma_wait3A_851, %dma_wait3A_895, %dma_wait3A_896] : memref<2x32x513xf32, #tpu.memory_space<vmem>> -> memref<1x32x513xf32, #tpu.memory_space<vmem>>
    %dma_wait3A_898 = tpu.memref_squeeze %dma_wait3A_897 : memref<1x32x513xf32, #tpu.memory_space<vmem>> -> memref<32x513xf32, #tpu.memory_space<vmem>>
    %dma_wait3A_899 = arith.constant 0 : i32
    %dma_wait3A_900 = arith.constant 0 : i32
    %dma_wait3A_901 = tpu.memref_slice %dma_wait3A_898[%dma_wait3A_899, %dma_wait3A_900] : memref<32x513xf32, #tpu.memory_space<vmem>> -> memref<8x128xf32, #tpu.memory_space<vmem>>
    tpu.wait_dma2 semaphore(%dma_wait3A_879 : memref<!tpu.dma_semaphore, #tpu.memory_space<semaphore_mem>>) src(%dma_wait3A_901 : memref<8x128xf32, #tpu.memory_space<vmem>>) dst(%dma_wait3A_894 : memref<8x128xf32, #tpu.memory_space<hbm>>)
    %dma_wait3A_902 = arith.constant 1 : i32
    %dma_wait3A_903 = arith.constant 0 : i32
    %dma_wait3A_904 = arith.constant 0 : i32
    %dma_wait3A_905 = arith.constant 0 : i32
    %dma_wait3A_906 = arith.constant 1 : i32
    %dma_wait3A_907 = arith.constant 0 : i32
    %dma_wait3A_908 = arith.constant 0 : i32
    %dma_wait3A_909 = tpu.memref_slice %arg8[%dma_wait3A_902, %dma_wait3A_907, %dma_wait3A_908] : memref<2x32x513xf32, #tpu.memory_space<vmem>> -> memref<1x32x513xf32, #tpu.memory_space<vmem>>
    %dma_wait3A_910 = tpu.memref_squeeze %dma_wait3A_909 : memref<1x32x513xf32, #tpu.memory_space<vmem>> -> memref<32x513xf32, #tpu.memory_space<vmem>>
    %dma_wait3A_911 = arith.constant 0 : i32
    %dma_wait3A_912 = arith.constant 0 : i32
    %dma_wait3A_913 = tpu.memref_slice %dma_wait3A_910[%dma_wait3A_911, %dma_wait3A_912] : memref<32x513xf32, #tpu.memory_space<vmem>> -> memref<8x128xf32, #tpu.memory_space<vmem>>
    %dma_wait3A_914 = arith.constant 0 : i32
    %dma_wait3A_915 = arith.constant 0 : i32
    %dma_wait3A_916 = arith.constant 0 : i32
    %dma_wait3A_917 = arith.constant 0 : i32
    %dma_wait3A_918 = tpu.memref_slice %arg4[%dma_wait3A_903, %dma_wait3A_914, %dma_wait3A_915, %dma_wait3A_916, %dma_wait3A_917] : memref<50x4x128x8x128xf32, #tpu.memory_space<hbm>> -> memref<1x4x128x8x128xf32, #tpu.memory_space<hbm>>
    %dma_wait3A_919 = tpu.memref_squeeze %dma_wait3A_918 : memref<1x4x128x8x128xf32, #tpu.memory_space<hbm>> -> memref<4x128x8x128xf32, #tpu.memory_space<hbm>>
    %dma_wait3A_920 = arith.constant 0 : i32
    %dma_wait3A_921 = arith.constant 0 : i32
    %dma_wait3A_922 = arith.constant 0 : i32
    %dma_wait3A_923 = tpu.memref_slice %dma_wait3A_919[%dma_wait3A_904, %dma_wait3A_920, %dma_wait3A_921, %dma_wait3A_922] : memref<4x128x8x128xf32, #tpu.memory_space<hbm>> -> memref<1x128x8x128xf32, #tpu.memory_space<hbm>>
    %dma_wait3A_924 = tpu.memref_squeeze %dma_wait3A_923 : memref<1x128x8x128xf32, #tpu.memory_space<hbm>> -> memref<128x8x128xf32, #tpu.memory_space<hbm>>
    %dma_wait3A_925 = arith.constant 0 : i32
    %dma_wait3A_926 = arith.constant 0 : i32
    %dma_wait3A_927 = tpu.memref_slice %dma_wait3A_924[%dma_wait3A_905, %dma_wait3A_925, %dma_wait3A_926] : memref<128x8x128xf32, #tpu.memory_space<hbm>> -> memref<1x8x128xf32, #tpu.memory_space<hbm>>
    %dma_wait3A_928 = tpu.memref_squeeze %dma_wait3A_927 : memref<1x8x128xf32, #tpu.memory_space<hbm>> -> memref<8x128xf32, #tpu.memory_space<hbm>>
    %dma_wait3A_929 = tpu.memref_slice %arg10[%dma_wait3A_906] : memref<2x!tpu.dma_semaphore, #tpu.memory_space<semaphore_mem>> -> memref<1x!tpu.dma_semaphore, #tpu.memory_space<semaphore_mem>>
    %dma_wait3A_930 = tpu.memref_squeeze %dma_wait3A_929 : memref<1x!tpu.dma_semaphore, #tpu.memory_space<semaphore_mem>> -> memref<!tpu.dma_semaphore, #tpu.memory_space<semaphore_mem>>
    %dma_wait3A_931 = arith.constant 0 : i32
    %dma_wait3A_932 = arith.constant 0 : i32
    %dma_wait3A_933 = arith.constant 0 : i32
    %dma_wait3A_934 = arith.constant 0 : i32
    %dma_wait3A_935 = tpu.memref_slice %arg4[%dma_wait3A_903, %dma_wait3A_931, %dma_wait3A_932, %dma_wait3A_933, %dma_wait3A_934] : memref<50x4x128x8x128xf32, #tpu.memory_space<hbm>> -> memref<1x4x128x8x128xf32, #tpu.memory_space<hbm>>
    %dma_wait3A_936 = tpu.memref_squeeze %dma_wait3A_935 : memref<1x4x128x8x128xf32, #tpu.memory_space<hbm>> -> memref<4x128x8x128xf32, #tpu.memory_space<hbm>>
    %dma_wait3A_937 = arith.constant 0 : i32
    %dma_wait3A_938 = arith.constant 0 : i32
    %dma_wait3A_939 = arith.constant 0 : i32
    %dma_wait3A_940 = tpu.memref_slice %dma_wait3A_936[%dma_wait3A_904, %dma_wait3A_937, %dma_wait3A_938, %dma_wait3A_939] : memref<4x128x8x128xf32, #tpu.memory_space<hbm>> -> memref<1x128x8x128xf32, #tpu.memory_space<hbm>>
    %dma_wait3A_941 = tpu.memref_squeeze %dma_wait3A_940 : memref<1x128x8x128xf32, #tpu.memory_space<hbm>> -> memref<128x8x128xf32, #tpu.memory_space<hbm>>
    %dma_wait3A_942 = arith.constant 0 : i32
    %dma_wait3A_943 = arith.constant 0 : i32
    %dma_wait3A_944 = tpu.memref_slice %dma_wait3A_941[%dma_wait3A_905, %dma_wait3A_942, %dma_wait3A_943] : memref<128x8x128xf32, #tpu.memory_space<hbm>> -> memref<1x8x128xf32, #tpu.memory_space<hbm>>
    %dma_wait3A_945 = tpu.memref_squeeze %dma_wait3A_944 : memref<1x8x128xf32, #tpu.memory_space<hbm>> -> memref<8x128xf32, #tpu.memory_space<hbm>>
    %dma_wait3A_946 = arith.constant 0 : i32
    %dma_wait3A_947 = arith.constant 0 : i32
    %dma_wait3A_948 = tpu.memref_slice %arg8[%dma_wait3A_902, %dma_wait3A_946, %dma_wait3A_947] : memref<2x32x513xf32, #tpu.memory_space<vmem>> -> memref<1x32x513xf32, #tpu.memory_space<vmem>>
    %dma_wait3A_949 = tpu.memref_squeeze %dma_wait3A_948 : memref<1x32x513xf32, #tpu.memory_space<vmem>> -> memref<32x513xf32, #tpu.memory_space<vmem>>
    %dma_wait3A_950 = arith.constant 0 : i32
    %dma_wait3A_951 = arith.constant 0 : i32
    %dma_wait3A_952 = tpu.memref_slice %dma_wait3A_949[%dma_wait3A_950, %dma_wait3A_951] : memref<32x513xf32, #tpu.memory_space<vmem>> -> memref<8x128xf32, #tpu.memory_space<vmem>>
    tpu.wait_dma2 semaphore(%dma_wait3A_930 : memref<!tpu.dma_semaphore, #tpu.memory_space<semaphore_mem>>) src(%dma_wait3A_952 : memref<8x128xf32, #tpu.memory_space<vmem>>) dst(%dma_wait3A_945 : memref<8x128xf32, #tpu.memory_space<hbm>>)
    %dma_wait3A_953 = arith.constant 1 : i32
    %dma_wait3A_954 = arith.constant 0 : i32
    %dma_wait3A_955 = arith.constant 0 : i32
    %dma_wait3A_956 = arith.constant 0 : i32
    %dma_wait3A_957 = arith.constant 1 : i32
    %dma_wait3A_958 = arith.constant 0 : i32
    %dma_wait3A_959 = arith.constant 0 : i32
    %dma_wait3A_960 = tpu.memref_slice %arg8[%dma_wait3A_953, %dma_wait3A_958, %dma_wait3A_959] : memref<2x32x513xf32, #tpu.memory_space<vmem>> -> memref<1x32x513xf32, #tpu.memory_space<vmem>>
    %dma_wait3A_961 = tpu.memref_squeeze %dma_wait3A_960 : memref<1x32x513xf32, #tpu.memory_space<vmem>> -> memref<32x513xf32, #tpu.memory_space<vmem>>
    %dma_wait3A_962 = arith.constant 0 : i32
    %dma_wait3A_963 = arith.constant 0 : i32
    %dma_wait3A_964 = tpu.memref_slice %dma_wait3A_961[%dma_wait3A_962, %dma_wait3A_963] : memref<32x513xf32, #tpu.memory_space<vmem>> -> memref<8x128xf32, #tpu.memory_space<vmem>>
    %dma_wait3A_965 = arith.constant 0 : i32
    %dma_wait3A_966 = arith.constant 0 : i32
    %dma_wait3A_967 = arith.constant 0 : i32
    %dma_wait3A_968 = arith.constant 0 : i32
    %dma_wait3A_969 = tpu.memref_slice %arg4[%dma_wait3A_954, %dma_wait3A_965, %dma_wait3A_966, %dma_wait3A_967, %dma_wait3A_968] : memref<50x4x128x8x128xf32, #tpu.memory_space<hbm>> -> memref<1x4x128x8x128xf32, #tpu.memory_space<hbm>>
    %dma_wait3A_970 = tpu.memref_squeeze %dma_wait3A_969 : memref<1x4x128x8x128xf32, #tpu.memory_space<hbm>> -> memref<4x128x8x128xf32, #tpu.memory_space<hbm>>
    %dma_wait3A_971 = arith.constant 0 : i32
    %dma_wait3A_972 = arith.constant 0 : i32
    %dma_wait3A_973 = arith.constant 0 : i32
    %dma_wait3A_974 = tpu.memref_slice %dma_wait3A_970[%dma_wait3A_955, %dma_wait3A_971, %dma_wait3A_972, %dma_wait3A_973] : memref<4x128x8x128xf32, #tpu.memory_space<hbm>> -> memref<1x128x8x128xf32, #tpu.memory_space<hbm>>
    %dma_wait3A_975 = tpu.memref_squeeze %dma_wait3A_974 : memref<1x128x8x128xf32, #tpu.memory_space<hbm>> -> memref<128x8x128xf32, #tpu.memory_space<hbm>>
    %dma_wait3A_976 = arith.constant 0 : i32
    %dma_wait3A_977 = arith.constant 0 : i32
    %dma_wait3A_978 = tpu.memref_slice %dma_wait3A_975[%dma_wait3A_956, %dma_wait3A_976, %dma_wait3A_977] : memref<128x8x128xf32, #tpu.memory_space<hbm>> -> memref<1x8x128xf32, #tpu.memory_space<hbm>>
    %dma_wait3A_979 = tpu.memref_squeeze %dma_wait3A_978 : memref<1x8x128xf32, #tpu.memory_space<hbm>> -> memref<8x128xf32, #tpu.memory_space<hbm>>
    %dma_wait3A_980 = tpu.memref_slice %arg10[%dma_wait3A_957] : memref<2x!tpu.dma_semaphore, #tpu.memory_space<semaphore_mem>> -> memref<1x!tpu.dma_semaphore, #tpu.memory_space<semaphore_mem>>
    %dma_wait3A_981 = tpu.memref_squeeze %dma_wait3A_980 : memref<1x!tpu.dma_semaphore, #tpu.memory_space<semaphore_mem>> -> memref<!tpu.dma_semaphore, #tpu.memory_space<semaphore_mem>>
    %dma_wait3A_982 = arith.constant 0 : i32
    %dma_wait3A_983 = arith.constant 0 : i32
    %dma_wait3A_984 = arith.constant 0 : i32
    %dma_wait3A_985 = arith.constant 0 : i32
    %dma_wait3A_986 = tpu.memref_slice %arg4[%dma_wait3A_954, %dma_wait3A_982, %dma_wait3A_983, %dma_wait3A_984, %dma_wait3A_985] : memref<50x4x128x8x128xf32, #tpu.memory_space<hbm>> -> memref<1x4x128x8x128xf32, #tpu.memory_space<hbm>>
    %dma_wait3A_987 = tpu.memref_squeeze %dma_wait3A_986 : memref<1x4x128x8x128xf32, #tpu.memory_space<hbm>> -> memref<4x128x8x128xf32, #tpu.memory_space<hbm>>
    %dma_wait3A_988 = arith.constant 0 : i32
    %dma_wait3A_989 = arith.constant 0 : i32
    %dma_wait3A_990 = arith.constant 0 : i32
    %dma_wait3A_991 = tpu.memref_slice %dma_wait3A_987[%dma_wait3A_955, %dma_wait3A_988, %dma_wait3A_989, %dma_wait3A_990] : memref<4x128x8x128xf32, #tpu.memory_space<hbm>> -> memref<1x128x8x128xf32, #tpu.memory_space<hbm>>
    %dma_wait3A_992 = tpu.memref_squeeze %dma_wait3A_991 : memref<1x128x8x128xf32, #tpu.memory_space<hbm>> -> memref<128x8x128xf32, #tpu.memory_space<hbm>>
    %dma_wait3A_993 = arith.constant 0 : i32
    %dma_wait3A_994 = arith.constant 0 : i32
    %dma_wait3A_995 = tpu.memref_slice %dma_wait3A_992[%dma_wait3A_956, %dma_wait3A_993, %dma_wait3A_994] : memref<128x8x128xf32, #tpu.memory_space<hbm>> -> memref<1x8x128xf32, #tpu.memory_space<hbm>>
    %dma_wait3A_996 = tpu.memref_squeeze %dma_wait3A_995 : memref<1x8x128xf32, #tpu.memory_space<hbm>> -> memref<8x128xf32, #tpu.memory_space<hbm>>
    %dma_wait3A_997 = arith.constant 0 : i32
    %dma_wait3A_998 = arith.constant 0 : i32
    %dma_wait3A_999 = tpu.memref_slice %arg8[%dma_wait3A_953, %dma_wait3A_997, %dma_wait3A_998] : memref<2x32x513xf32, #tpu.memory_space<vmem>> -> memref<1x32x513xf32, #tpu.memory_space<vmem>>
    %dma_wait3A_1000 = tpu.memref_squeeze %dma_wait3A_999 : memref<1x32x513xf32, #tpu.memory_space<vmem>> -> memref<32x513xf32, #tpu.memory_space<vmem>>
    %dma_wait3A_1001 = arith.constant 0 : i32
    %dma_wait3A_1002 = arith.constant 0 : i32
    %dma_wait3A_1003 = tpu.memref_slice %dma_wait3A_1000[%dma_wait3A_1001, %dma_wait3A_1002] : memref<32x513xf32, #tpu.memory_space<vmem>> -> memref<8x128xf32, #tpu.memory_space<vmem>>
    tpu.wait_dma2 semaphore(%dma_wait3A_981 : memref<!tpu.dma_semaphore, #tpu.memory_space<semaphore_mem>>) src(%dma_wait3A_1003 : memref<8x128xf32, #tpu.memory_space<vmem>>) dst(%dma_wait3A_996 : memref<8x128xf32, #tpu.memory_space<hbm>>)
    %dma_wait3A_1004 = arith.constant 1 : i32
    %dma_wait3A_1005 = arith.constant 0 : i32
    %dma_wait3A_1006 = arith.constant 0 : i32
    %dma_wait3A_1007 = arith.constant 0 : i32
    %dma_wait3A_1008 = arith.constant 1 : i32
    %dma_wait3A_1009 = arith.constant 0 : i32
    %dma_wait3A_1010 = arith.constant 0 : i32
    %dma_wait3A_1011 = tpu.memref_slice %arg8[%dma_wait3A_1004, %dma_wait3A_1009, %dma_wait3A_1010] : memref<2x32x513xf32, #tpu.memory_space<vmem>> -> memref<1x32x513xf32, #tpu.memory_space<vmem>>
    %dma_wait3A_1012 = tpu.memref_squeeze %dma_wait3A_1011 : memref<1x32x513xf32, #tpu.memory_space<vmem>> -> memref<32x513xf32, #tpu.memory_space<vmem>>
    %dma_wait3A_1013 = arith.constant 0 : i32
    %dma_wait3A_1014 = arith.constant 0 : i32
    %dma_wait3A_1015 = tpu.memref_slice %dma_wait3A_1012[%dma_wait3A_1013, %dma_wait3A_1014] : memref<32x513xf32, #tpu.memory_space<vmem>> -> memref<8x128xf32, #tpu.memory_space<vmem>>
    %dma_wait3A_1016 = arith.constant 0 : i32
    %dma_wait3A_1017 = arith.constant 0 : i32
    %dma_wait3A_1018 = arith.constant 0 : i32
    %dma_wait3A_1019 = arith.constant 0 : i32
    %dma_wait3A_1020 = tpu.memref_slice %arg4[%dma_wait3A_1005, %dma_wait3A_1016, %dma_wait3A_1017, %dma_wait3A_1018, %dma_wait3A_1019] : memref<50x4x128x8x128xf32, #tpu.memory_space<hbm>> -> memref<1x4x128x8x128xf32, #tpu.memory_space<hbm>>
    %dma_wait3A_1021 = tpu.memref_squeeze %dma_wait3A_1020 : memref<1x4x128x8x128xf32, #tpu.memory_space<hbm>> -> memref<4x128x8x128xf32, #tpu.memory_space<hbm>>
    %dma_wait3A_1022 = arith.constant 0 : i32
    %dma_wait3A_1023 = arith.constant 0 : i32
    %dma_wait3A_1024 = arith.constant 0 : i32
    %dma_wait3A_1025 = tpu.memref_slice %dma_wait3A_1021[%dma_wait3A_1006, %dma_wait3A_1022, %dma_wait3A_1023, %dma_wait3A_1024] : memref<4x128x8x128xf32, #tpu.memory_space<hbm>> -> memref<1x128x8x128xf32, #tpu.memory_space<hbm>>
    %dma_wait3A_1026 = tpu.memref_squeeze %dma_wait3A_1025 : memref<1x128x8x128xf32, #tpu.memory_space<hbm>> -> memref<128x8x128xf32, #tpu.memory_space<hbm>>
    %dma_wait3A_1027 = arith.constant 0 : i32
    %dma_wait3A_1028 = arith.constant 0 : i32
    %dma_wait3A_1029 = tpu.memref_slice %dma_wait3A_1026[%dma_wait3A_1007, %dma_wait3A_1027, %dma_wait3A_1028] : memref<128x8x128xf32, #tpu.memory_space<hbm>> -> memref<1x8x128xf32, #tpu.memory_space<hbm>>
    %dma_wait3A_1030 = tpu.memref_squeeze %dma_wait3A_1029 : memref<1x8x128xf32, #tpu.memory_space<hbm>> -> memref<8x128xf32, #tpu.memory_space<hbm>>
    %dma_wait3A_1031 = tpu.memref_slice %arg10[%dma_wait3A_1008] : memref<2x!tpu.dma_semaphore, #tpu.memory_space<semaphore_mem>> -> memref<1x!tpu.dma_semaphore, #tpu.memory_space<semaphore_mem>>
    %dma_wait3A_1032 = tpu.memref_squeeze %dma_wait3A_1031 : memref<1x!tpu.dma_semaphore, #tpu.memory_space<semaphore_mem>> -> memref<!tpu.dma_semaphore, #tpu.memory_space<semaphore_mem>>
    %dma_wait3A_1033 = arith.constant 0 : i32
    %dma_wait3A_1034 = arith.constant 0 : i32
    %dma_wait3A_1035 = arith.constant 0 : i32
    %dma_wait3A_1036 = arith.constant 0 : i32
    %dma_wait3A_1037 = tpu.memref_slice %arg4[%dma_wait3A_1005, %dma_wait3A_1033, %dma_wait3A_1034, %dma_wait3A_1035, %dma_wait3A_1036] : memref<50x4x128x8x128xf32, #tpu.memory_space<hbm>> -> memref<1x4x128x8x128xf32, #tpu.memory_space<hbm>>
    %dma_wait3A_1038 = tpu.memref_squeeze %dma_wait3A_1037 : memref<1x4x128x8x128xf32, #tpu.memory_space<hbm>> -> memref<4x128x8x128xf32, #tpu.memory_space<hbm>>
    %dma_wait3A_1039 = arith.constant 0 : i32
    %dma_wait3A_1040 = arith.constant 0 : i32
    %dma_wait3A_1041 = arith.constant 0 : i32
    %dma_wait3A_1042 = tpu.memref_slice %dma_wait3A_1038[%dma_wait3A_1006, %dma_wait3A_1039, %dma_wait3A_1040, %dma_wait3A_1041] : memref<4x128x8x128xf32, #tpu.memory_space<hbm>> -> memref<1x128x8x128xf32, #tpu.memory_space<hbm>>
    %dma_wait3A_1043 = tpu.memref_squeeze %dma_wait3A_1042 : memref<1x128x8x128xf32, #tpu.memory_space<hbm>> -> memref<128x8x128xf32, #tpu.memory_space<hbm>>
    %dma_wait3A_1044 = arith.constant 0 : i32
    %dma_wait3A_1045 = arith.constant 0 : i32
    %dma_wait3A_1046 = tpu.memref_slice %dma_wait3A_1043[%dma_wait3A_1007, %dma_wait3A_1044, %dma_wait3A_1045] : memref<128x8x128xf32, #tpu.memory_space<hbm>> -> memref<1x8x128xf32, #tpu.memory_space<hbm>>
    %dma_wait3A_1047 = tpu.memref_squeeze %dma_wait3A_1046 : memref<1x8x128xf32, #tpu.memory_space<hbm>> -> memref<8x128xf32, #tpu.memory_space<hbm>>
    %dma_wait3A_1048 = arith.constant 0 : i32
    %dma_wait3A_1049 = arith.constant 0 : i32
    %dma_wait3A_1050 = tpu.memref_slice %arg8[%dma_wait3A_1004, %dma_wait3A_1048, %dma_wait3A_1049] : memref<2x32x513xf32, #tpu.memory_space<vmem>> -> memref<1x32x513xf32, #tpu.memory_space<vmem>>
    %dma_wait3A_1051 = tpu.memref_squeeze %dma_wait3A_1050 : memref<1x32x513xf32, #tpu.memory_space<vmem>> -> memref<32x513xf32, #tpu.memory_space<vmem>>
    %dma_wait3A_1052 = arith.constant 0 : i32
    %dma_wait3A_1053 = arith.constant 0 : i32
    %dma_wait3A_1054 = tpu.memref_slice %dma_wait3A_1051[%dma_wait3A_1052, %dma_wait3A_1053] : memref<32x513xf32, #tpu.memory_space<vmem>> -> memref<8x128xf32, #tpu.memory_space<vmem>>
    tpu.wait_dma2 semaphore(%dma_wait3A_1032 : memref<!tpu.dma_semaphore, #tpu.memory_space<semaphore_mem>>) src(%dma_wait3A_1054 : memref<8x128xf32, #tpu.memory_space<vmem>>) dst(%dma_wait3A_1047 : memref<8x128xf32, #tpu.memory_space<hbm>>)
    %dma_wait3A_1055 = arith.constant 1 : i32
    %dma_wait3A_1056 = arith.constant 0 : i32
    %dma_wait3A_1057 = arith.constant 0 : i32
    %dma_wait3A_1058 = arith.constant 0 : i32
    %dma_wait3A_1059 = arith.constant 1 : i32
    %dma_wait3A_1060 = arith.constant 0 : i32
    %dma_wait3A_1061 = arith.constant 0 : i32
    %dma_wait3A_1062 = tpu.memref_slice %arg8[%dma_wait3A_1055, %dma_wait3A_1060, %dma_wait3A_1061] : memref<2x32x513xf32, #tpu.memory_space<vmem>> -> memref<1x32x513xf32, #tpu.memory_space<vmem>>
    %dma_wait3A_1063 = tpu.memref_squeeze %dma_wait3A_1062 : memref<1x32x513xf32, #tpu.memory_space<vmem>> -> memref<32x513xf32, #tpu.memory_space<vmem>>
    %dma_wait3A_1064 = arith.constant 0 : i32
    %dma_wait3A_1065 = arith.constant 0 : i32
    %dma_wait3A_1066 = tpu.memref_slice %dma_wait3A_1063[%dma_wait3A_1064, %dma_wait3A_1065] : memref<32x513xf32, #tpu.memory_space<vmem>> -> memref<8x128xf32, #tpu.memory_space<vmem>>
    %dma_wait3A_1067 = arith.constant 0 : i32
    %dma_wait3A_1068 = arith.constant 0 : i32
    %dma_wait3A_1069 = arith.constant 0 : i32
    %dma_wait3A_1070 = arith.constant 0 : i32
    %dma_wait3A_1071 = tpu.memref_slice %arg4[%dma_wait3A_1056, %dma_wait3A_1067, %dma_wait3A_1068, %dma_wait3A_1069, %dma_wait3A_1070] : memref<50x4x128x8x128xf32, #tpu.memory_space<hbm>> -> memref<1x4x128x8x128xf32, #tpu.memory_space<hbm>>
    %dma_wait3A_1072 = tpu.memref_squeeze %dma_wait3A_1071 : memref<1x4x128x8x128xf32, #tpu.memory_space<hbm>> -> memref<4x128x8x128xf32, #tpu.memory_space<hbm>>
    %dma_wait3A_1073 = arith.constant 0 : i32
    %dma_wait3A_1074 = arith.constant 0 : i32
    %dma_wait3A_1075 = arith.constant 0 : i32
    %dma_wait3A_1076 = tpu.memref_slice %dma_wait3A_1072[%dma_wait3A_1057, %dma_wait3A_1073, %dma_wait3A_1074, %dma_wait3A_1075] : memref<4x128x8x128xf32, #tpu.memory_space<hbm>> -> memref<1x128x8x128xf32, #tpu.memory_space<hbm>>
    %dma_wait3A_1077 = tpu.memref_squeeze %dma_wait3A_1076 : memref<1x128x8x128xf32, #tpu.memory_space<hbm>> -> memref<128x8x128xf32, #tpu.memory_space<hbm>>
    %dma_wait3A_1078 = arith.constant 0 : i32
    %dma_wait3A_1079 = arith.constant 0 : i32
    %dma_wait3A_1080 = tpu.memref_slice %dma_wait3A_1077[%dma_wait3A_1058, %dma_wait3A_1078, %dma_wait3A_1079] : memref<128x8x128xf32, #tpu.memory_space<hbm>> -> memref<1x8x128xf32, #tpu.memory_space<hbm>>
    %dma_wait3A_1081 = tpu.memref_squeeze %dma_wait3A_1080 : memref<1x8x128xf32, #tpu.memory_space<hbm>> -> memref<8x128xf32, #tpu.memory_space<hbm>>
    %dma_wait3A_1082 = tpu.memref_slice %arg10[%dma_wait3A_1059] : memref<2x!tpu.dma_semaphore, #tpu.memory_space<semaphore_mem>> -> memref<1x!tpu.dma_semaphore, #tpu.memory_space<semaphore_mem>>
    %dma_wait3A_1083 = tpu.memref_squeeze %dma_wait3A_1082 : memref<1x!tpu.dma_semaphore, #tpu.memory_space<semaphore_mem>> -> memref<!tpu.dma_semaphore, #tpu.memory_space<semaphore_mem>>
    %dma_wait3A_1084 = arith.constant 0 : i32
    %dma_wait3A_1085 = arith.constant 0 : i32
    %dma_wait3A_1086 = arith.constant 0 : i32
    %dma_wait3A_1087 = arith.constant 0 : i32
    %dma_wait3A_1088 = tpu.memref_slice %arg4[%dma_wait3A_1056, %dma_wait3A_1084, %dma_wait3A_1085, %dma_wait3A_1086, %dma_wait3A_1087] : memref<50x4x128x8x128xf32, #tpu.memory_space<hbm>> -> memref<1x4x128x8x128xf32, #tpu.memory_space<hbm>>
    %dma_wait3A_1089 = tpu.memref_squeeze %dma_wait3A_1088 : memref<1x4x128x8x128xf32, #tpu.memory_space<hbm>> -> memref<4x128x8x128xf32, #tpu.memory_space<hbm>>
    %dma_wait3A_1090 = arith.constant 0 : i32
    %dma_wait3A_1091 = arith.constant 0 : i32
    %dma_wait3A_1092 = arith.constant 0 : i32
    %dma_wait3A_1093 = tpu.memref_slice %dma_wait3A_1089[%dma_wait3A_1057, %dma_wait3A_1090, %dma_wait3A_1091, %dma_wait3A_1092] : memref<4x128x8x128xf32, #tpu.memory_space<hbm>> -> memref<1x128x8x128xf32, #tpu.memory_space<hbm>>
    %dma_wait3A_1094 = tpu.memref_squeeze %dma_wait3A_1093 : memref<1x128x8x128xf32, #tpu.memory_space<hbm>> -> memref<128x8x128xf32, #tpu.memory_space<hbm>>
    %dma_wait3A_1095 = arith.constant 0 : i32
    %dma_wait3A_1096 = arith.constant 0 : i32
    %dma_wait3A_1097 = tpu.memref_slice %dma_wait3A_1094[%dma_wait3A_1058, %dma_wait3A_1095, %dma_wait3A_1096] : memref<128x8x128xf32, #tpu.memory_space<hbm>> -> memref<1x8x128xf32, #tpu.memory_space<hbm>>
    %dma_wait3A_1098 = tpu.memref_squeeze %dma_wait3A_1097 : memref<1x8x128xf32, #tpu.memory_space<hbm>> -> memref<8x128xf32, #tpu.memory_space<hbm>>
    %dma_wait3A_1099 = arith.constant 0 : i32
    %dma_wait3A_1100 = arith.constant 0 : i32
    %dma_wait3A_1101 = tpu.memref_slice %arg8[%dma_wait3A_1055, %dma_wait3A_1099, %dma_wait3A_1100] : memref<2x32x513xf32, #tpu.memory_space<vmem>> -> memref<1x32x513xf32, #tpu.memory_space<vmem>>
    %dma_wait3A_1102 = tpu.memref_squeeze %dma_wait3A_1101 : memref<1x32x513xf32, #tpu.memory_space<vmem>> -> memref<32x513xf32, #tpu.memory_space<vmem>>
    %dma_wait3A_1103 = arith.constant 0 : i32
    %dma_wait3A_1104 = arith.constant 0 : i32
    %dma_wait3A_1105 = tpu.memref_slice %dma_wait3A_1102[%dma_wait3A_1103, %dma_wait3A_1104] : memref<32x513xf32, #tpu.memory_space<vmem>> -> memref<8x128xf32, #tpu.memory_space<vmem>>
    tpu.wait_dma2 semaphore(%dma_wait3A_1083 : memref<!tpu.dma_semaphore, #tpu.memory_space<semaphore_mem>>) src(%dma_wait3A_1105 : memref<8x128xf32, #tpu.memory_space<vmem>>) dst(%dma_wait3A_1098 : memref<8x128xf32, #tpu.memory_space<hbm>>)
    %dma_wait3A_1106 = arith.constant 1 : i32
    %dma_wait3A_1107 = arith.constant 0 : i32
    %dma_wait3A_1108 = arith.constant 0 : i32
    %dma_wait3A_1109 = arith.constant 0 : i32
    %dma_wait3A_1110 = arith.constant 1 : i32
    %dma_wait3A_1111 = arith.constant 0 : i32
    %dma_wait3A_1112 = arith.constant 0 : i32
    %dma_wait3A_1113 = tpu.memref_slice %arg8[%dma_wait3A_1106, %dma_wait3A_1111, %dma_wait3A_1112] : memref<2x32x513xf32, #tpu.memory_space<vmem>> -> memref<1x32x513xf32, #tpu.memory_space<vmem>>
    %dma_wait3A_1114 = tpu.memref_squeeze %dma_wait3A_1113 : memref<1x32x513xf32, #tpu.memory_space<vmem>> -> memref<32x513xf32, #tpu.memory_space<vmem>>
    %dma_wait3A_1115 = arith.constant 0 : i32
    %dma_wait3A_1116 = arith.constant 0 : i32
    %dma_wait3A_1117 = tpu.memref_slice %dma_wait3A_1114[%dma_wait3A_1115, %dma_wait3A_1116] : memref<32x513xf32, #tpu.memory_space<vmem>> -> memref<8x128xf32, #tpu.memory_space<vmem>>
    %dma_wait3A_1118 = arith.constant 0 : i32
    %dma_wait3A_1119 = arith.constant 0 : i32
    %dma_wait3A_1120 = arith.constant 0 : i32
    %dma_wait3A_1121 = arith.constant 0 : i32
    %dma_wait3A_1122 = tpu.memref_slice %arg4[%dma_wait3A_1107, %dma_wait3A_1118, %dma_wait3A_1119, %dma_wait3A_1120, %dma_wait3A_1121] : memref<50x4x128x8x128xf32, #tpu.memory_space<hbm>> -> memref<1x4x128x8x128xf32, #tpu.memory_space<hbm>>
    %dma_wait3A_1123 = tpu.memref_squeeze %dma_wait3A_1122 : memref<1x4x128x8x128xf32, #tpu.memory_space<hbm>> -> memref<4x128x8x128xf32, #tpu.memory_space<hbm>>
    %dma_wait3A_1124 = arith.constant 0 : i32
    %dma_wait3A_1125 = arith.constant 0 : i32
    %dma_wait3A_1126 = arith.constant 0 : i32
    %dma_wait3A_1127 = tpu.memref_slice %dma_wait3A_1123[%dma_wait3A_1108, %dma_wait3A_1124, %dma_wait3A_1125, %dma_wait3A_1126] : memref<4x128x8x128xf32, #tpu.memory_space<hbm>> -> memref<1x128x8x128xf32, #tpu.memory_space<hbm>>
    %dma_wait3A_1128 = tpu.memref_squeeze %dma_wait3A_1127 : memref<1x128x8x128xf32, #tpu.memory_space<hbm>> -> memref<128x8x128xf32, #tpu.memory_space<hbm>>
    %dma_wait3A_1129 = arith.constant 0 : i32
    %dma_wait3A_1130 = arith.constant 0 : i32
    %dma_wait3A_1131 = tpu.memref_slice %dma_wait3A_1128[%dma_wait3A_1109, %dma_wait3A_1129, %dma_wait3A_1130] : memref<128x8x128xf32, #tpu.memory_space<hbm>> -> memref<1x8x128xf32, #tpu.memory_space<hbm>>
    %dma_wait3A_1132 = tpu.memref_squeeze %dma_wait3A_1131 : memref<1x8x128xf32, #tpu.memory_space<hbm>> -> memref<8x128xf32, #tpu.memory_space<hbm>>
    %dma_wait3A_1133 = tpu.memref_slice %arg10[%dma_wait3A_1110] : memref<2x!tpu.dma_semaphore, #tpu.memory_space<semaphore_mem>> -> memref<1x!tpu.dma_semaphore, #tpu.memory_space<semaphore_mem>>
    %dma_wait3A_1134 = tpu.memref_squeeze %dma_wait3A_1133 : memref<1x!tpu.dma_semaphore, #tpu.memory_space<semaphore_mem>> -> memref<!tpu.dma_semaphore, #tpu.memory_space<semaphore_mem>>
    %dma_wait3A_1135 = arith.constant 0 : i32
    %dma_wait3A_1136 = arith.constant 0 : i32
    %dma_wait3A_1137 = arith.constant 0 : i32
    %dma_wait3A_1138 = arith.constant 0 : i32
    %dma_wait3A_1139 = tpu.memref_slice %arg4[%dma_wait3A_1107, %dma_wait3A_1135, %dma_wait3A_1136, %dma_wait3A_1137, %dma_wait3A_1138] : memref<50x4x128x8x128xf32, #tpu.memory_space<hbm>> -> memref<1x4x128x8x128xf32, #tpu.memory_space<hbm>>
    %dma_wait3A_1140 = tpu.memref_squeeze %dma_wait3A_1139 : memref<1x4x128x8x128xf32, #tpu.memory_space<hbm>> -> memref<4x128x8x128xf32, #tpu.memory_space<hbm>>
    %dma_wait3A_1141 = arith.constant 0 : i32
    %dma_wait3A_1142 = arith.constant 0 : i32
    %dma_wait3A_1143 = arith.constant 0 : i32
    %dma_wait3A_1144 = tpu.memref_slice %dma_wait3A_1140[%dma_wait3A_1108, %dma_wait3A_1141, %dma_wait3A_1142, %dma_wait3A_1143] : memref<4x128x8x128xf32, #tpu.memory_space<hbm>> -> memref<1x128x8x128xf32, #tpu.memory_space<hbm>>
    %dma_wait3A_1145 = tpu.memref_squeeze %dma_wait3A_1144 : memref<1x128x8x128xf32, #tpu.memory_space<hbm>> -> memref<128x8x128xf32, #tpu.memory_space<hbm>>
    %dma_wait3A_1146 = arith.constant 0 : i32
    %dma_wait3A_1147 = arith.constant 0 : i32
    %dma_wait3A_1148 = tpu.memref_slice %dma_wait3A_1145[%dma_wait3A_1109, %dma_wait3A_1146, %dma_wait3A_1147] : memref<128x8x128xf32, #tpu.memory_space<hbm>> -> memref<1x8x128xf32, #tpu.memory_space<hbm>>
    %dma_wait3A_1149 = tpu.memref_squeeze %dma_wait3A_1148 : memref<1x8x128xf32, #tpu.memory_space<hbm>> -> memref<8x128xf32, #tpu.memory_space<hbm>>
    %dma_wait3A_1150 = arith.constant 0 : i32
    %dma_wait3A_1151 = arith.constant 0 : i32
    %dma_wait3A_1152 = tpu.memref_slice %arg8[%dma_wait3A_1106, %dma_wait3A_1150, %dma_wait3A_1151] : memref<2x32x513xf32, #tpu.memory_space<vmem>> -> memref<1x32x513xf32, #tpu.memory_space<vmem>>
    %dma_wait3A_1153 = tpu.memref_squeeze %dma_wait3A_1152 : memref<1x32x513xf32, #tpu.memory_space<vmem>> -> memref<32x513xf32, #tpu.memory_space<vmem>>
    %dma_wait3A_1154 = arith.constant 0 : i32
    %dma_wait3A_1155 = arith.constant 0 : i32
    %dma_wait3A_1156 = tpu.memref_slice %dma_wait3A_1153[%dma_wait3A_1154, %dma_wait3A_1155] : memref<32x513xf32, #tpu.memory_space<vmem>> -> memref<8x128xf32, #tpu.memory_space<vmem>>
    tpu.wait_dma2 semaphore(%dma_wait3A_1134 : memref<!tpu.dma_semaphore, #tpu.memory_space<semaphore_mem>>) src(%dma_wait3A_1156 : memref<8x128xf32, #tpu.memory_space<vmem>>) dst(%dma_wait3A_1149 : memref<8x128xf32, #tpu.memory_space<hbm>>)
    %dma_wait3A_1157 = arith.constant 1 : i32
    %dma_wait3A_1158 = arith.constant 0 : i32
    %dma_wait3A_1159 = arith.constant 0 : i32
    %dma_wait3A_1160 = arith.constant 0 : i32
    %dma_wait3A_1161 = arith.constant 1 : i32
    %dma_wait3A_1162 = arith.constant 0 : i32
    %dma_wait3A_1163 = arith.constant 0 : i32
    %dma_wait3A_1164 = tpu.memref_slice %arg8[%dma_wait3A_1157, %dma_wait3A_1162, %dma_wait3A_1163] : memref<2x32x513xf32, #tpu.memory_space<vmem>> -> memref<1x32x513xf32, #tpu.memory_space<vmem>>
    %dma_wait3A_1165 = tpu.memref_squeeze %dma_wait3A_1164 : memref<1x32x513xf32, #tpu.memory_space<vmem>> -> memref<32x513xf32, #tpu.memory_space<vmem>>
    %dma_wait3A_1166 = arith.constant 0 : i32
    %dma_wait3A_1167 = arith.constant 0 : i32
    %dma_wait3A_1168 = tpu.memref_slice %dma_wait3A_1165[%dma_wait3A_1166, %dma_wait3A_1167] : memref<32x513xf32, #tpu.memory_space<vmem>> -> memref<8x128xf32, #tpu.memory_space<vmem>>
    %dma_wait3A_1169 = arith.constant 0 : i32
    %dma_wait3A_1170 = arith.constant 0 : i32
    %dma_wait3A_1171 = arith.constant 0 : i32
    %dma_wait3A_1172 = arith.constant 0 : i32
    %dma_wait3A_1173 = tpu.memref_slice %arg4[%dma_wait3A_1158, %dma_wait3A_1169, %dma_wait3A_1170, %dma_wait3A_1171, %dma_wait3A_1172] : memref<50x4x128x8x128xf32, #tpu.memory_space<hbm>> -> memref<1x4x128x8x128xf32, #tpu.memory_space<hbm>>
    %dma_wait3A_1174 = tpu.memref_squeeze %dma_wait3A_1173 : memref<1x4x128x8x128xf32, #tpu.memory_space<hbm>> -> memref<4x128x8x128xf32, #tpu.memory_space<hbm>>
    %dma_wait3A_1175 = arith.constant 0 : i32
    %dma_wait3A_1176 = arith.constant 0 : i32
    %dma_wait3A_1177 = arith.constant 0 : i32
    %dma_wait3A_1178 = tpu.memref_slice %dma_wait3A_1174[%dma_wait3A_1159, %dma_wait3A_1175, %dma_wait3A_1176, %dma_wait3A_1177] : memref<4x128x8x128xf32, #tpu.memory_space<hbm>> -> memref<1x128x8x128xf32, #tpu.memory_space<hbm>>
    %dma_wait3A_1179 = tpu.memref_squeeze %dma_wait3A_1178 : memref<1x128x8x128xf32, #tpu.memory_space<hbm>> -> memref<128x8x128xf32, #tpu.memory_space<hbm>>
    %dma_wait3A_1180 = arith.constant 0 : i32
    %dma_wait3A_1181 = arith.constant 0 : i32
    %dma_wait3A_1182 = tpu.memref_slice %dma_wait3A_1179[%dma_wait3A_1160, %dma_wait3A_1180, %dma_wait3A_1181] : memref<128x8x128xf32, #tpu.memory_space<hbm>> -> memref<1x8x128xf32, #tpu.memory_space<hbm>>
    %dma_wait3A_1183 = tpu.memref_squeeze %dma_wait3A_1182 : memref<1x8x128xf32, #tpu.memory_space<hbm>> -> memref<8x128xf32, #tpu.memory_space<hbm>>
    %dma_wait3A_1184 = tpu.memref_slice %arg10[%dma_wait3A_1161] : memref<2x!tpu.dma_semaphore, #tpu.memory_space<semaphore_mem>> -> memref<1x!tpu.dma_semaphore, #tpu.memory_space<semaphore_mem>>
    %dma_wait3A_1185 = tpu.memref_squeeze %dma_wait3A_1184 : memref<1x!tpu.dma_semaphore, #tpu.memory_space<semaphore_mem>> -> memref<!tpu.dma_semaphore, #tpu.memory_space<semaphore_mem>>
    %dma_wait3A_1186 = arith.constant 0 : i32
    %dma_wait3A_1187 = arith.constant 0 : i32
    %dma_wait3A_1188 = arith.constant 0 : i32
    %dma_wait3A_1189 = arith.constant 0 : i32
    %dma_wait3A_1190 = tpu.memref_slice %arg4[%dma_wait3A_1158, %dma_wait3A_1186, %dma_wait3A_1187, %dma_wait3A_1188, %dma_wait3A_1189] : memref<50x4x128x8x128xf32, #tpu.memory_space<hbm>> -> memref<1x4x128x8x128xf32, #tpu.memory_space<hbm>>
    %dma_wait3A_1191 = tpu.memref_squeeze %dma_wait3A_1190 : memref<1x4x128x8x128xf32, #tpu.memory_space<hbm>> -> memref<4x128x8x128xf32, #tpu.memory_space<hbm>>
    %dma_wait3A_1192 = arith.constant 0 : i32
    %dma_wait3A_1193 = arith.constant 0 : i32
    %dma_wait3A_1194 = arith.constant 0 : i32
    %dma_wait3A_1195 = tpu.memref_slice %dma_wait3A_1191[%dma_wait3A_1159, %dma_wait3A_1192, %dma_wait3A_1193, %dma_wait3A_1194] : memref<4x128x8x128xf32, #tpu.memory_space<hbm>> -> memref<1x128x8x128xf32, #tpu.memory_space<hbm>>
    %dma_wait3A_1196 = tpu.memref_squeeze %dma_wait3A_1195 : memref<1x128x8x128xf32, #tpu.memory_space<hbm>> -> memref<128x8x128xf32, #tpu.memory_space<hbm>>
    %dma_wait3A_1197 = arith.constant 0 : i32
    %dma_wait3A_1198 = arith.constant 0 : i32
    %dma_wait3A_1199 = tpu.memref_slice %dma_wait3A_1196[%dma_wait3A_1160, %dma_wait3A_1197, %dma_wait3A_1198] : memref<128x8x128xf32, #tpu.memory_space<hbm>> -> memref<1x8x128xf32, #tpu.memory_space<hbm>>
    %dma_wait3A_1200 = tpu.memref_squeeze %dma_wait3A_1199 : memref<1x8x128xf32, #tpu.memory_space<hbm>> -> memref<8x128xf32, #tpu.memory_space<hbm>>
    %dma_wait3A_1201 = arith.constant 0 : i32
    %dma_wait3A_1202 = arith.constant 0 : i32
    %dma_wait3A_1203 = tpu.memref_slice %arg8[%dma_wait3A_1157, %dma_wait3A_1201, %dma_wait3A_1202] : memref<2x32x513xf32, #tpu.memory_space<vmem>> -> memref<1x32x513xf32, #tpu.memory_space<vmem>>
    %dma_wait3A_1204 = tpu.memref_squeeze %dma_wait3A_1203 : memref<1x32x513xf32, #tpu.memory_space<vmem>> -> memref<32x513xf32, #tpu.memory_space<vmem>>
    %dma_wait3A_1205 = arith.constant 0 : i32
    %dma_wait3A_1206 = arith.constant 0 : i32
    %dma_wait3A_1207 = tpu.memref_slice %dma_wait3A_1204[%dma_wait3A_1205, %dma_wait3A_1206] : memref<32x513xf32, #tpu.memory_space<vmem>> -> memref<8x128xf32, #tpu.memory_space<vmem>>
    tpu.wait_dma2 semaphore(%dma_wait3A_1185 : memref<!tpu.dma_semaphore, #tpu.memory_space<semaphore_mem>>) src(%dma_wait3A_1207 : memref<8x128xf32, #tpu.memory_space<vmem>>) dst(%dma_wait3A_1200 : memref<8x128xf32, #tpu.memory_space<hbm>>)
    %dma_wait3A_1208 = arith.constant 1 : i32
    %dma_wait3A_1209 = arith.constant 0 : i32
    %dma_wait3A_1210 = arith.constant 0 : i32
    %dma_wait3A_1211 = arith.constant 0 : i32
    %dma_wait3A_1212 = arith.constant 1 : i32
    %dma_wait3A_1213 = arith.constant 0 : i32
    %dma_wait3A_1214 = arith.constant 0 : i32
    %dma_wait3A_1215 = tpu.memref_slice %arg8[%dma_wait3A_1208, %dma_wait3A_1213, %dma_wait3A_1214] : memref<2x32x513xf32, #tpu.memory_space<vmem>> -> memref<1x32x513xf32, #tpu.memory_space<vmem>>
    %dma_wait3A_1216 = tpu.memref_squeeze %dma_wait3A_1215 : memref<1x32x513xf32, #tpu.memory_space<vmem>> -> memref<32x513xf32, #tpu.memory_space<vmem>>
    %dma_wait3A_1217 = arith.constant 0 : i32
    %dma_wait3A_1218 = arith.constant 0 : i32
    %dma_wait3A_1219 = tpu.memref_slice %dma_wait3A_1216[%dma_wait3A_1217, %dma_wait3A_1218] : memref<32x513xf32, #tpu.memory_space<vmem>> -> memref<8x128xf32, #tpu.memory_space<vmem>>
    %dma_wait3A_1220 = arith.constant 0 : i32
    %dma_wait3A_1221 = arith.constant 0 : i32
    %dma_wait3A_1222 = arith.constant 0 : i32
    %dma_wait3A_1223 = arith.constant 0 : i32
    %dma_wait3A_1224 = tpu.memref_slice %arg4[%dma_wait3A_1209, %dma_wait3A_1220, %dma_wait3A_1221, %dma_wait3A_1222, %dma_wait3A_1223] : memref<50x4x128x8x128xf32, #tpu.memory_space<hbm>> -> memref<1x4x128x8x128xf32, #tpu.memory_space<hbm>>
    %dma_wait3A_1225 = tpu.memref_squeeze %dma_wait3A_1224 : memref<1x4x128x8x128xf32, #tpu.memory_space<hbm>> -> memref<4x128x8x128xf32, #tpu.memory_space<hbm>>
    %dma_wait3A_1226 = arith.constant 0 : i32
    %dma_wait3A_1227 = arith.constant 0 : i32
    %dma_wait3A_1228 = arith.constant 0 : i32
    %dma_wait3A_1229 = tpu.memref_slice %dma_wait3A_1225[%dma_wait3A_1210, %dma_wait3A_1226, %dma_wait3A_1227, %dma_wait3A_1228] : memref<4x128x8x128xf32, #tpu.memory_space<hbm>> -> memref<1x128x8x128xf32, #tpu.memory_space<hbm>>
    %dma_wait3A_1230 = tpu.memref_squeeze %dma_wait3A_1229 : memref<1x128x8x128xf32, #tpu.memory_space<hbm>> -> memref<128x8x128xf32, #tpu.memory_space<hbm>>
    %dma_wait3A_1231 = arith.constant 0 : i32
    %dma_wait3A_1232 = arith.constant 0 : i32
    %dma_wait3A_1233 = tpu.memref_slice %dma_wait3A_1230[%dma_wait3A_1211, %dma_wait3A_1231, %dma_wait3A_1232] : memref<128x8x128xf32, #tpu.memory_space<hbm>> -> memref<1x8x128xf32, #tpu.memory_space<hbm>>
    %dma_wait3A_1234 = tpu.memref_squeeze %dma_wait3A_1233 : memref<1x8x128xf32, #tpu.memory_space<hbm>> -> memref<8x128xf32, #tpu.memory_space<hbm>>
    %dma_wait3A_1235 = tpu.memref_slice %arg10[%dma_wait3A_1212] : memref<2x!tpu.dma_semaphore, #tpu.memory_space<semaphore_mem>> -> memref<1x!tpu.dma_semaphore, #tpu.memory_space<semaphore_mem>>
    %dma_wait3A_1236 = tpu.memref_squeeze %dma_wait3A_1235 : memref<1x!tpu.dma_semaphore, #tpu.memory_space<semaphore_mem>> -> memref<!tpu.dma_semaphore, #tpu.memory_space<semaphore_mem>>
    %dma_wait3A_1237 = arith.constant 0 : i32
    %dma_wait3A_1238 = arith.constant 0 : i32
    %dma_wait3A_1239 = arith.constant 0 : i32
    %dma_wait3A_1240 = arith.constant 0 : i32
    %dma_wait3A_1241 = tpu.memref_slice %arg4[%dma_wait3A_1209, %dma_wait3A_1237, %dma_wait3A_1238, %dma_wait3A_1239, %dma_wait3A_1240] : memref<50x4x128x8x128xf32, #tpu.memory_space<hbm>> -> memref<1x4x128x8x128xf32, #tpu.memory_space<hbm>>
    %dma_wait3A_1242 = tpu.memref_squeeze %dma_wait3A_1241 : memref<1x4x128x8x128xf32, #tpu.memory_space<hbm>> -> memref<4x128x8x128xf32, #tpu.memory_space<hbm>>
    %dma_wait3A_1243 = arith.constant 0 : i32
    %dma_wait3A_1244 = arith.constant 0 : i32
    %dma_wait3A_1245 = arith.constant 0 : i32
    %dma_wait3A_1246 = tpu.memref_slice %dma_wait3A_1242[%dma_wait3A_1210, %dma_wait3A_1243, %dma_wait3A_1244, %dma_wait3A_1245] : memref<4x128x8x128xf32, #tpu.memory_space<hbm>> -> memref<1x128x8x128xf32, #tpu.memory_space<hbm>>
    %dma_wait3A_1247 = tpu.memref_squeeze %dma_wait3A_1246 : memref<1x128x8x128xf32, #tpu.memory_space<hbm>> -> memref<128x8x128xf32, #tpu.memory_space<hbm>>
    %dma_wait3A_1248 = arith.constant 0 : i32
    %dma_wait3A_1249 = arith.constant 0 : i32
    %dma_wait3A_1250 = tpu.memref_slice %dma_wait3A_1247[%dma_wait3A_1211, %dma_wait3A_1248, %dma_wait3A_1249] : memref<128x8x128xf32, #tpu.memory_space<hbm>> -> memref<1x8x128xf32, #tpu.memory_space<hbm>>
    %dma_wait3A_1251 = tpu.memref_squeeze %dma_wait3A_1250 : memref<1x8x128xf32, #tpu.memory_space<hbm>> -> memref<8x128xf32, #tpu.memory_space<hbm>>
    %dma_wait3A_1252 = arith.constant 0 : i32
    %dma_wait3A_1253 = arith.constant 0 : i32
    %dma_wait3A_1254 = tpu.memref_slice %arg8[%dma_wait3A_1208, %dma_wait3A_1252, %dma_wait3A_1253] : memref<2x32x513xf32, #tpu.memory_space<vmem>> -> memref<1x32x513xf32, #tpu.memory_space<vmem>>
    %dma_wait3A_1255 = tpu.memref_squeeze %dma_wait3A_1254 : memref<1x32x513xf32, #tpu.memory_space<vmem>> -> memref<32x513xf32, #tpu.memory_space<vmem>>
    %dma_wait3A_1256 = arith.constant 0 : i32
    %dma_wait3A_1257 = arith.constant 0 : i32
    %dma_wait3A_1258 = tpu.memref_slice %dma_wait3A_1255[%dma_wait3A_1256, %dma_wait3A_1257] : memref<32x513xf32, #tpu.memory_space<vmem>> -> memref<8x128xf32, #tpu.memory_space<vmem>>
    tpu.wait_dma2 semaphore(%dma_wait3A_1236 : memref<!tpu.dma_semaphore, #tpu.memory_space<semaphore_mem>>) src(%dma_wait3A_1258 : memref<8x128xf32, #tpu.memory_space<vmem>>) dst(%dma_wait3A_1251 : memref<8x128xf32, #tpu.memory_space<hbm>>)
    %dma_wait3A_1259 = arith.constant 1 : i32
    %dma_wait3A_1260 = arith.constant 0 : i32
    %dma_wait3A_1261 = arith.constant 0 : i32
    %dma_wait3A_1262 = arith.constant 0 : i32
    %dma_wait3A_1263 = arith.constant 1 : i32
    %dma_wait3A_1264 = arith.constant 0 : i32
    %dma_wait3A_1265 = arith.constant 0 : i32
    %dma_wait3A_1266 = tpu.memref_slice %arg8[%dma_wait3A_1259, %dma_wait3A_1264, %dma_wait3A_1265] : memref<2x32x513xf32, #tpu.memory_space<vmem>> -> memref<1x32x513xf32, #tpu.memory_space<vmem>>
    %dma_wait3A_1267 = tpu.memref_squeeze %dma_wait3A_1266 : memref<1x32x513xf32, #tpu.memory_space<vmem>> -> memref<32x513xf32, #tpu.memory_space<vmem>>
    %dma_wait3A_1268 = arith.constant 0 : i32
    %dma_wait3A_1269 = arith.constant 0 : i32
    %dma_wait3A_1270 = tpu.memref_slice %dma_wait3A_1267[%dma_wait3A_1268, %dma_wait3A_1269] : memref<32x513xf32, #tpu.memory_space<vmem>> -> memref<8x128xf32, #tpu.memory_space<vmem>>
    %dma_wait3A_1271 = arith.constant 0 : i32
    %dma_wait3A_1272 = arith.constant 0 : i32
    %dma_wait3A_1273 = arith.constant 0 : i32
    %dma_wait3A_1274 = arith.constant 0 : i32
    %dma_wait3A_1275 = tpu.memref_slice %arg4[%dma_wait3A_1260, %dma_wait3A_1271, %dma_wait3A_1272, %dma_wait3A_1273, %dma_wait3A_1274] : memref<50x4x128x8x128xf32, #tpu.memory_space<hbm>> -> memref<1x4x128x8x128xf32, #tpu.memory_space<hbm>>
    %dma_wait3A_1276 = tpu.memref_squeeze %dma_wait3A_1275 : memref<1x4x128x8x128xf32, #tpu.memory_space<hbm>> -> memref<4x128x8x128xf32, #tpu.memory_space<hbm>>
    %dma_wait3A_1277 = arith.constant 0 : i32
    %dma_wait3A_1278 = arith.constant 0 : i32
    %dma_wait3A_1279 = arith.constant 0 : i32
    %dma_wait3A_1280 = tpu.memref_slice %dma_wait3A_1276[%dma_wait3A_1261, %dma_wait3A_1277, %dma_wait3A_1278, %dma_wait3A_1279] : memref<4x128x8x128xf32, #tpu.memory_space<hbm>> -> memref<1x128x8x128xf32, #tpu.memory_space<hbm>>
    %dma_wait3A_1281 = tpu.memref_squeeze %dma_wait3A_1280 : memref<1x128x8x128xf32, #tpu.memory_space<hbm>> -> memref<128x8x128xf32, #tpu.memory_space<hbm>>
    %dma_wait3A_1282 = arith.constant 0 : i32
    %dma_wait3A_1283 = arith.constant 0 : i32
    %dma_wait3A_1284 = tpu.memref_slice %dma_wait3A_1281[%dma_wait3A_1262, %dma_wait3A_1282, %dma_wait3A_1283] : memref<128x8x128xf32, #tpu.memory_space<hbm>> -> memref<1x8x128xf32, #tpu.memory_space<hbm>>
    %dma_wait3A_1285 = tpu.memref_squeeze %dma_wait3A_1284 : memref<1x8x128xf32, #tpu.memory_space<hbm>> -> memref<8x128xf32, #tpu.memory_space<hbm>>
    %dma_wait3A_1286 = tpu.memref_slice %arg10[%dma_wait3A_1263] : memref<2x!tpu.dma_semaphore, #tpu.memory_space<semaphore_mem>> -> memref<1x!tpu.dma_semaphore, #tpu.memory_space<semaphore_mem>>
    %dma_wait3A_1287 = tpu.memref_squeeze %dma_wait3A_1286 : memref<1x!tpu.dma_semaphore, #tpu.memory_space<semaphore_mem>> -> memref<!tpu.dma_semaphore, #tpu.memory_space<semaphore_mem>>
    %dma_wait3A_1288 = arith.constant 0 : i32
    %dma_wait3A_1289 = arith.constant 0 : i32
    %dma_wait3A_1290 = arith.constant 0 : i32
    %dma_wait3A_1291 = arith.constant 0 : i32
    %dma_wait3A_1292 = tpu.memref_slice %arg4[%dma_wait3A_1260, %dma_wait3A_1288, %dma_wait3A_1289, %dma_wait3A_1290, %dma_wait3A_1291] : memref<50x4x128x8x128xf32, #tpu.memory_space<hbm>> -> memref<1x4x128x8x128xf32, #tpu.memory_space<hbm>>
    %dma_wait3A_1293 = tpu.memref_squeeze %dma_wait3A_1292 : memref<1x4x128x8x128xf32, #tpu.memory_space<hbm>> -> memref<4x128x8x128xf32, #tpu.memory_space<hbm>>
    %dma_wait3A_1294 = arith.constant 0 : i32
    %dma_wait3A_1295 = arith.constant 0 : i32
    %dma_wait3A_1296 = arith.constant 0 : i32
    %dma_wait3A_1297 = tpu.memref_slice %dma_wait3A_1293[%dma_wait3A_1261, %dma_wait3A_1294, %dma_wait3A_1295, %dma_wait3A_1296] : memref<4x128x8x128xf32, #tpu.memory_space<hbm>> -> memref<1x128x8x128xf32, #tpu.memory_space<hbm>>
    %dma_wait3A_1298 = tpu.memref_squeeze %dma_wait3A_1297 : memref<1x128x8x128xf32, #tpu.memory_space<hbm>> -> memref<128x8x128xf32, #tpu.memory_space<hbm>>
    %dma_wait3A_1299 = arith.constant 0 : i32
    %dma_wait3A_1300 = arith.constant 0 : i32
    %dma_wait3A_1301 = tpu.memref_slice %dma_wait3A_1298[%dma_wait3A_1262, %dma_wait3A_1299, %dma_wait3A_1300] : memref<128x8x128xf32, #tpu.memory_space<hbm>> -> memref<1x8x128xf32, #tpu.memory_space<hbm>>
    %dma_wait3A_1302 = tpu.memref_squeeze %dma_wait3A_1301 : memref<1x8x128xf32, #tpu.memory_space<hbm>> -> memref<8x128xf32, #tpu.memory_space<hbm>>
    %dma_wait3A_1303 = arith.constant 0 : i32
    %dma_wait3A_1304 = arith.constant 0 : i32
    %dma_wait3A_1305 = tpu.memref_slice %arg8[%dma_wait3A_1259, %dma_wait3A_1303, %dma_wait3A_1304] : memref<2x32x513xf32, #tpu.memory_space<vmem>> -> memref<1x32x513xf32, #tpu.memory_space<vmem>>
    %dma_wait3A_1306 = tpu.memref_squeeze %dma_wait3A_1305 : memref<1x32x513xf32, #tpu.memory_space<vmem>> -> memref<32x513xf32, #tpu.memory_space<vmem>>
    %dma_wait3A_1307 = arith.constant 0 : i32
    %dma_wait3A_1308 = arith.constant 0 : i32
    %dma_wait3A_1309 = tpu.memref_slice %dma_wait3A_1306[%dma_wait3A_1307, %dma_wait3A_1308] : memref<32x513xf32, #tpu.memory_space<vmem>> -> memref<8x128xf32, #tpu.memory_space<vmem>>
    tpu.wait_dma2 semaphore(%dma_wait3A_1287 : memref<!tpu.dma_semaphore, #tpu.memory_space<semaphore_mem>>) src(%dma_wait3A_1309 : memref<8x128xf32, #tpu.memory_space<vmem>>) dst(%dma_wait3A_1302 : memref<8x128xf32, #tpu.memory_space<hbm>>)
    %dma_wait3A_1310 = arith.constant 1 : i32
    %dma_wait3A_1311 = arith.constant 0 : i32
    %dma_wait3A_1312 = arith.constant 0 : i32
    %dma_wait3A_1313 = arith.constant 0 : i32
    %dma_wait3A_1314 = arith.constant 1 : i32
    %dma_wait3A_1315 = arith.constant 0 : i32
    %dma_wait3A_1316 = arith.constant 0 : i32
    %dma_wait3A_1317 = tpu.memref_slice %arg8[%dma_wait3A_1310, %dma_wait3A_1315, %dma_wait3A_1316] : memref<2x32x513xf32, #tpu.memory_space<vmem>> -> memref<1x32x513xf32, #tpu.memory_space<vmem>>
    %dma_wait3A_1318 = tpu.memref_squeeze %dma_wait3A_1317 : memref<1x32x513xf32, #tpu.memory_space<vmem>> -> memref<32x513xf32, #tpu.memory_space<vmem>>
    %dma_wait3A_1319 = arith.constant 0 : i32
    %dma_wait3A_1320 = arith.constant 0 : i32
    %dma_wait3A_1321 = tpu.memref_slice %dma_wait3A_1318[%dma_wait3A_1319, %dma_wait3A_1320] : memref<32x513xf32, #tpu.memory_space<vmem>> -> memref<8x128xf32, #tpu.memory_space<vmem>>
    %dma_wait3A_1322 = arith.constant 0 : i32
    %dma_wait3A_1323 = arith.constant 0 : i32
    %dma_wait3A_1324 = arith.constant 0 : i32
    %dma_wait3A_1325 = arith.constant 0 : i32
    %dma_wait3A_1326 = tpu.memref_slice %arg4[%dma_wait3A_1311, %dma_wait3A_1322, %dma_wait3A_1323, %dma_wait3A_1324, %dma_wait3A_1325] : memref<50x4x128x8x128xf32, #tpu.memory_space<hbm>> -> memref<1x4x128x8x128xf32, #tpu.memory_space<hbm>>
    %dma_wait3A_1327 = tpu.memref_squeeze %dma_wait3A_1326 : memref<1x4x128x8x128xf32, #tpu.memory_space<hbm>> -> memref<4x128x8x128xf32, #tpu.memory_space<hbm>>
    %dma_wait3A_1328 = arith.constant 0 : i32
    %dma_wait3A_1329 = arith.constant 0 : i32
    %dma_wait3A_1330 = arith.constant 0 : i32
    %dma_wait3A_1331 = tpu.memref_slice %dma_wait3A_1327[%dma_wait3A_1312, %dma_wait3A_1328, %dma_wait3A_1329, %dma_wait3A_1330] : memref<4x128x8x128xf32, #tpu.memory_space<hbm>> -> memref<1x128x8x128xf32, #tpu.memory_space<hbm>>
    %dma_wait3A_1332 = tpu.memref_squeeze %dma_wait3A_1331 : memref<1x128x8x128xf32, #tpu.memory_space<hbm>> -> memref<128x8x128xf32, #tpu.memory_space<hbm>>
    %dma_wait3A_1333 = arith.constant 0 : i32
    %dma_wait3A_1334 = arith.constant 0 : i32
    %dma_wait3A_1335 = tpu.memref_slice %dma_wait3A_1332[%dma_wait3A_1313, %dma_wait3A_1333, %dma_wait3A_1334] : memref<128x8x128xf32, #tpu.memory_space<hbm>> -> memref<1x8x128xf32, #tpu.memory_space<hbm>>
    %dma_wait3A_1336 = tpu.memref_squeeze %dma_wait3A_1335 : memref<1x8x128xf32, #tpu.memory_space<hbm>> -> memref<8x128xf32, #tpu.memory_space<hbm>>
    %dma_wait3A_1337 = tpu.memref_slice %arg10[%dma_wait3A_1314] : memref<2x!tpu.dma_semaphore, #tpu.memory_space<semaphore_mem>> -> memref<1x!tpu.dma_semaphore, #tpu.memory_space<semaphore_mem>>
    %dma_wait3A_1338 = tpu.memref_squeeze %dma_wait3A_1337 : memref<1x!tpu.dma_semaphore, #tpu.memory_space<semaphore_mem>> -> memref<!tpu.dma_semaphore, #tpu.memory_space<semaphore_mem>>
    %dma_wait3A_1339 = arith.constant 0 : i32
    %dma_wait3A_1340 = arith.constant 0 : i32
    %dma_wait3A_1341 = arith.constant 0 : i32
    %dma_wait3A_1342 = arith.constant 0 : i32
    %dma_wait3A_1343 = tpu.memref_slice %arg4[%dma_wait3A_1311, %dma_wait3A_1339, %dma_wait3A_1340, %dma_wait3A_1341, %dma_wait3A_1342] : memref<50x4x128x8x128xf32, #tpu.memory_space<hbm>> -> memref<1x4x128x8x128xf32, #tpu.memory_space<hbm>>
    %dma_wait3A_1344 = tpu.memref_squeeze %dma_wait3A_1343 : memref<1x4x128x8x128xf32, #tpu.memory_space<hbm>> -> memref<4x128x8x128xf32, #tpu.memory_space<hbm>>
    %dma_wait3A_1345 = arith.constant 0 : i32
    %dma_wait3A_1346 = arith.constant 0 : i32
    %dma_wait3A_1347 = arith.constant 0 : i32
    %dma_wait3A_1348 = tpu.memref_slice %dma_wait3A_1344[%dma_wait3A_1312, %dma_wait3A_1345, %dma_wait3A_1346, %dma_wait3A_1347] : memref<4x128x8x128xf32, #tpu.memory_space<hbm>> -> memref<1x128x8x128xf32, #tpu.memory_space<hbm>>
    %dma_wait3A_1349 = tpu.memref_squeeze %dma_wait3A_1348 : memref<1x128x8x128xf32, #tpu.memory_space<hbm>> -> memref<128x8x128xf32, #tpu.memory_space<hbm>>
    %dma_wait3A_1350 = arith.constant 0 : i32
    %dma_wait3A_1351 = arith.constant 0 : i32
    %dma_wait3A_1352 = tpu.memref_slice %dma_wait3A_1349[%dma_wait3A_1313, %dma_wait3A_1350, %dma_wait3A_1351] : memref<128x8x128xf32, #tpu.memory_space<hbm>> -> memref<1x8x128xf32, #tpu.memory_space<hbm>>
    %dma_wait3A_1353 = tpu.memref_squeeze %dma_wait3A_1352 : memref<1x8x128xf32, #tpu.memory_space<hbm>> -> memref<8x128xf32, #tpu.memory_space<hbm>>
    %dma_wait3A_1354 = arith.constant 0 : i32
    %dma_wait3A_1355 = arith.constant 0 : i32
    %dma_wait3A_1356 = tpu.memref_slice %arg8[%dma_wait3A_1310, %dma_wait3A_1354, %dma_wait3A_1355] : memref<2x32x513xf32, #tpu.memory_space<vmem>> -> memref<1x32x513xf32, #tpu.memory_space<vmem>>
    %dma_wait3A_1357 = tpu.memref_squeeze %dma_wait3A_1356 : memref<1x32x513xf32, #tpu.memory_space<vmem>> -> memref<32x513xf32, #tpu.memory_space<vmem>>
    %dma_wait3A_1358 = arith.constant 0 : i32
    %dma_wait3A_1359 = arith.constant 0 : i32
    %dma_wait3A_1360 = tpu.memref_slice %dma_wait3A_1357[%dma_wait3A_1358, %dma_wait3A_1359] : memref<32x513xf32, #tpu.memory_space<vmem>> -> memref<8x128xf32, #tpu.memory_space<vmem>>
    tpu.wait_dma2 semaphore(%dma_wait3A_1338 : memref<!tpu.dma_semaphore, #tpu.memory_space<semaphore_mem>>) src(%dma_wait3A_1360 : memref<8x128xf32, #tpu.memory_space<vmem>>) dst(%dma_wait3A_1353 : memref<8x128xf32, #tpu.memory_space<hbm>>)
    %dma_wait3A_1361 = arith.constant 1 : i32
    %dma_wait3A_1362 = arith.constant 0 : i32
    %dma_wait3A_1363 = arith.constant 0 : i32
    %dma_wait3A_1364 = arith.constant 0 : i32
    %dma_wait3A_1365 = arith.constant 1 : i32
    %dma_wait3A_1366 = arith.constant 0 : i32
    %dma_wait3A_1367 = arith.constant 0 : i32
    %dma_wait3A_1368 = tpu.memref_slice %arg8[%dma_wait3A_1361, %dma_wait3A_1366, %dma_wait3A_1367] : memref<2x32x513xf32, #tpu.memory_space<vmem>> -> memref<1x32x513xf32, #tpu.memory_space<vmem>>
    %dma_wait3A_1369 = tpu.memref_squeeze %dma_wait3A_1368 : memref<1x32x513xf32, #tpu.memory_space<vmem>> -> memref<32x513xf32, #tpu.memory_space<vmem>>
    %dma_wait3A_1370 = arith.constant 0 : i32
    %dma_wait3A_1371 = arith.constant 0 : i32
    %dma_wait3A_1372 = tpu.memref_slice %dma_wait3A_1369[%dma_wait3A_1370, %dma_wait3A_1371] : memref<32x513xf32, #tpu.memory_space<vmem>> -> memref<8x128xf32, #tpu.memory_space<vmem>>
    %dma_wait3A_1373 = arith.constant 0 : i32
    %dma_wait3A_1374 = arith.constant 0 : i32
    %dma_wait3A_1375 = arith.constant 0 : i32
    %dma_wait3A_1376 = arith.constant 0 : i32
    %dma_wait3A_1377 = tpu.memref_slice %arg4[%dma_wait3A_1362, %dma_wait3A_1373, %dma_wait3A_1374, %dma_wait3A_1375, %dma_wait3A_1376] : memref<50x4x128x8x128xf32, #tpu.memory_space<hbm>> -> memref<1x4x128x8x128xf32, #tpu.memory_space<hbm>>
    %dma_wait3A_1378 = tpu.memref_squeeze %dma_wait3A_1377 : memref<1x4x128x8x128xf32, #tpu.memory_space<hbm>> -> memref<4x128x8x128xf32, #tpu.memory_space<hbm>>
    %dma_wait3A_1379 = arith.constant 0 : i32
    %dma_wait3A_1380 = arith.constant 0 : i32
    %dma_wait3A_1381 = arith.constant 0 : i32
    %dma_wait3A_1382 = tpu.memref_slice %dma_wait3A_1378[%dma_wait3A_1363, %dma_wait3A_1379, %dma_wait3A_1380, %dma_wait3A_1381] : memref<4x128x8x128xf32, #tpu.memory_space<hbm>> -> memref<1x128x8x128xf32, #tpu.memory_space<hbm>>
    %dma_wait3A_1383 = tpu.memref_squeeze %dma_wait3A_1382 : memref<1x128x8x128xf32, #tpu.memory_space<hbm>> -> memref<128x8x128xf32, #tpu.memory_space<hbm>>
    %dma_wait3A_1384 = arith.constant 0 : i32
    %dma_wait3A_1385 = arith.constant 0 : i32
    %dma_wait3A_1386 = tpu.memref_slice %dma_wait3A_1383[%dma_wait3A_1364, %dma_wait3A_1384, %dma_wait3A_1385] : memref<128x8x128xf32, #tpu.memory_space<hbm>> -> memref<1x8x128xf32, #tpu.memory_space<hbm>>
    %dma_wait3A_1387 = tpu.memref_squeeze %dma_wait3A_1386 : memref<1x8x128xf32, #tpu.memory_space<hbm>> -> memref<8x128xf32, #tpu.memory_space<hbm>>
    %dma_wait3A_1388 = tpu.memref_slice %arg10[%dma_wait3A_1365] : memref<2x!tpu.dma_semaphore, #tpu.memory_space<semaphore_mem>> -> memref<1x!tpu.dma_semaphore, #tpu.memory_space<semaphore_mem>>
    %dma_wait3A_1389 = tpu.memref_squeeze %dma_wait3A_1388 : memref<1x!tpu.dma_semaphore, #tpu.memory_space<semaphore_mem>> -> memref<!tpu.dma_semaphore, #tpu.memory_space<semaphore_mem>>
    %dma_wait3A_1390 = arith.constant 0 : i32
    %dma_wait3A_1391 = arith.constant 0 : i32
    %dma_wait3A_1392 = arith.constant 0 : i32
    %dma_wait3A_1393 = arith.constant 0 : i32
    %dma_wait3A_1394 = tpu.memref_slice %arg4[%dma_wait3A_1362, %dma_wait3A_1390, %dma_wait3A_1391, %dma_wait3A_1392, %dma_wait3A_1393] : memref<50x4x128x8x128xf32, #tpu.memory_space<hbm>> -> memref<1x4x128x8x128xf32, #tpu.memory_space<hbm>>
    %dma_wait3A_1395 = tpu.memref_squeeze %dma_wait3A_1394 : memref<1x4x128x8x128xf32, #tpu.memory_space<hbm>> -> memref<4x128x8x128xf32, #tpu.memory_space<hbm>>
    %dma_wait3A_1396 = arith.constant 0 : i32
    %dma_wait3A_1397 = arith.constant 0 : i32
    %dma_wait3A_1398 = arith.constant 0 : i32
    %dma_wait3A_1399 = tpu.memref_slice %dma_wait3A_1395[%dma_wait3A_1363, %dma_wait3A_1396, %dma_wait3A_1397, %dma_wait3A_1398] : memref<4x128x8x128xf32, #tpu.memory_space<hbm>> -> memref<1x128x8x128xf32, #tpu.memory_space<hbm>>
    %dma_wait3A_1400 = tpu.memref_squeeze %dma_wait3A_1399 : memref<1x128x8x128xf32, #tpu.memory_space<hbm>> -> memref<128x8x128xf32, #tpu.memory_space<hbm>>
    %dma_wait3A_1401 = arith.constant 0 : i32
    %dma_wait3A_1402 = arith.constant 0 : i32
    %dma_wait3A_1403 = tpu.memref_slice %dma_wait3A_1400[%dma_wait3A_1364, %dma_wait3A_1401, %dma_wait3A_1402] : memref<128x8x128xf32, #tpu.memory_space<hbm>> -> memref<1x8x128xf32, #tpu.memory_space<hbm>>
    %dma_wait3A_1404 = tpu.memref_squeeze %dma_wait3A_1403 : memref<1x8x128xf32, #tpu.memory_space<hbm>> -> memref<8x128xf32, #tpu.memory_space<hbm>>
    %dma_wait3A_1405 = arith.constant 0 : i32
    %dma_wait3A_1406 = arith.constant 0 : i32
    %dma_wait3A_1407 = tpu.memref_slice %arg8[%dma_wait3A_1361, %dma_wait3A_1405, %dma_wait3A_1406] : memref<2x32x513xf32, #tpu.memory_space<vmem>> -> memref<1x32x513xf32, #tpu.memory_space<vmem>>
    %dma_wait3A_1408 = tpu.memref_squeeze %dma_wait3A_1407 : memref<1x32x513xf32, #tpu.memory_space<vmem>> -> memref<32x513xf32, #tpu.memory_space<vmem>>
    %dma_wait3A_1409 = arith.constant 0 : i32
    %dma_wait3A_1410 = arith.constant 0 : i32
    %dma_wait3A_1411 = tpu.memref_slice %dma_wait3A_1408[%dma_wait3A_1409, %dma_wait3A_1410] : memref<32x513xf32, #tpu.memory_space<vmem>> -> memref<8x128xf32, #tpu.memory_space<vmem>>
    tpu.wait_dma2 semaphore(%dma_wait3A_1389 : memref<!tpu.dma_semaphore, #tpu.memory_space<semaphore_mem>>) src(%dma_wait3A_1411 : memref<8x128xf32, #tpu.memory_space<vmem>>) dst(%dma_wait3A_1404 : memref<8x128xf32, #tpu.memory_space<hbm>>)
    %dma_wait3A_1412 = arith.constant 1 : i32
    %dma_wait3A_1413 = arith.constant 0 : i32
    %dma_wait3A_1414 = arith.constant 0 : i32
    %dma_wait3A_1415 = arith.constant 0 : i32
    %dma_wait3A_1416 = arith.constant 1 : i32
    %dma_wait3A_1417 = arith.constant 0 : i32
    %dma_wait3A_1418 = arith.constant 0 : i32
    %dma_wait3A_1419 = tpu.memref_slice %arg8[%dma_wait3A_1412, %dma_wait3A_1417, %dma_wait3A_1418] : memref<2x32x513xf32, #tpu.memory_space<vmem>> -> memref<1x32x513xf32, #tpu.memory_space<vmem>>
    %dma_wait3A_1420 = tpu.memref_squeeze %dma_wait3A_1419 : memref<1x32x513xf32, #tpu.memory_space<vmem>> -> memref<32x513xf32, #tpu.memory_space<vmem>>
    %dma_wait3A_1421 = arith.constant 0 : i32
    %dma_wait3A_1422 = arith.constant 0 : i32
    %dma_wait3A_1423 = tpu.memref_slice %dma_wait3A_1420[%dma_wait3A_1421, %dma_wait3A_1422] : memref<32x513xf32, #tpu.memory_space<vmem>> -> memref<8x128xf32, #tpu.memory_space<vmem>>
    %dma_wait3A_1424 = arith.constant 0 : i32
    %dma_wait3A_1425 = arith.constant 0 : i32
    %dma_wait3A_1426 = arith.constant 0 : i32
    %dma_wait3A_1427 = arith.constant 0 : i32
    %dma_wait3A_1428 = tpu.memref_slice %arg4[%dma_wait3A_1413, %dma_wait3A_1424, %dma_wait3A_1425, %dma_wait3A_1426, %dma_wait3A_1427] : memref<50x4x128x8x128xf32, #tpu.memory_space<hbm>> -> memref<1x4x128x8x128xf32, #tpu.memory_space<hbm>>
    %dma_wait3A_1429 = tpu.memref_squeeze %dma_wait3A_1428 : memref<1x4x128x8x128xf32, #tpu.memory_space<hbm>> -> memref<4x128x8x128xf32, #tpu.memory_space<hbm>>
    %dma_wait3A_1430 = arith.constant 0 : i32
    %dma_wait3A_1431 = arith.constant 0 : i32
    %dma_wait3A_1432 = arith.constant 0 : i32
    %dma_wait3A_1433 = tpu.memref_slice %dma_wait3A_1429[%dma_wait3A_1414, %dma_wait3A_1430, %dma_wait3A_1431, %dma_wait3A_1432] : memref<4x128x8x128xf32, #tpu.memory_space<hbm>> -> memref<1x128x8x128xf32, #tpu.memory_space<hbm>>
    %dma_wait3A_1434 = tpu.memref_squeeze %dma_wait3A_1433 : memref<1x128x8x128xf32, #tpu.memory_space<hbm>> -> memref<128x8x128xf32, #tpu.memory_space<hbm>>
    %dma_wait3A_1435 = arith.constant 0 : i32
    %dma_wait3A_1436 = arith.constant 0 : i32
    %dma_wait3A_1437 = tpu.memref_slice %dma_wait3A_1434[%dma_wait3A_1415, %dma_wait3A_1435, %dma_wait3A_1436] : memref<128x8x128xf32, #tpu.memory_space<hbm>> -> memref<1x8x128xf32, #tpu.memory_space<hbm>>
    %dma_wait3A_1438 = tpu.memref_squeeze %dma_wait3A_1437 : memref<1x8x128xf32, #tpu.memory_space<hbm>> -> memref<8x128xf32, #tpu.memory_space<hbm>>
    %dma_wait3A_1439 = tpu.memref_slice %arg10[%dma_wait3A_1416] : memref<2x!tpu.dma_semaphore, #tpu.memory_space<semaphore_mem>> -> memref<1x!tpu.dma_semaphore, #tpu.memory_space<semaphore_mem>>
    %dma_wait3A_1440 = tpu.memref_squeeze %dma_wait3A_1439 : memref<1x!tpu.dma_semaphore, #tpu.memory_space<semaphore_mem>> -> memref<!tpu.dma_semaphore, #tpu.memory_space<semaphore_mem>>
    %dma_wait3A_1441 = arith.constant 0 : i32
    %dma_wait3A_1442 = arith.constant 0 : i32
    %dma_wait3A_1443 = arith.constant 0 : i32
    %dma_wait3A_1444 = arith.constant 0 : i32
    %dma_wait3A_1445 = tpu.memref_slice %arg4[%dma_wait3A_1413, %dma_wait3A_1441, %dma_wait3A_1442, %dma_wait3A_1443, %dma_wait3A_1444] : memref<50x4x128x8x128xf32, #tpu.memory_space<hbm>> -> memref<1x4x128x8x128xf32, #tpu.memory_space<hbm>>
    %dma_wait3A_1446 = tpu.memref_squeeze %dma_wait3A_1445 : memref<1x4x128x8x128xf32, #tpu.memory_space<hbm>> -> memref<4x128x8x128xf32, #tpu.memory_space<hbm>>
    %dma_wait3A_1447 = arith.constant 0 : i32
    %dma_wait3A_1448 = arith.constant 0 : i32
    %dma_wait3A_1449 = arith.constant 0 : i32
    %dma_wait3A_1450 = tpu.memref_slice %dma_wait3A_1446[%dma_wait3A_1414, %dma_wait3A_1447, %dma_wait3A_1448, %dma_wait3A_1449] : memref<4x128x8x128xf32, #tpu.memory_space<hbm>> -> memref<1x128x8x128xf32, #tpu.memory_space<hbm>>
    %dma_wait3A_1451 = tpu.memref_squeeze %dma_wait3A_1450 : memref<1x128x8x128xf32, #tpu.memory_space<hbm>> -> memref<128x8x128xf32, #tpu.memory_space<hbm>>
    %dma_wait3A_1452 = arith.constant 0 : i32
    %dma_wait3A_1453 = arith.constant 0 : i32
    %dma_wait3A_1454 = tpu.memref_slice %dma_wait3A_1451[%dma_wait3A_1415, %dma_wait3A_1452, %dma_wait3A_1453] : memref<128x8x128xf32, #tpu.memory_space<hbm>> -> memref<1x8x128xf32, #tpu.memory_space<hbm>>
    %dma_wait3A_1455 = tpu.memref_squeeze %dma_wait3A_1454 : memref<1x8x128xf32, #tpu.memory_space<hbm>> -> memref<8x128xf32, #tpu.memory_space<hbm>>
    %dma_wait3A_1456 = arith.constant 0 : i32
    %dma_wait3A_1457 = arith.constant 0 : i32
    %dma_wait3A_1458 = tpu.memref_slice %arg8[%dma_wait3A_1412, %dma_wait3A_1456, %dma_wait3A_1457] : memref<2x32x513xf32, #tpu.memory_space<vmem>> -> memref<1x32x513xf32, #tpu.memory_space<vmem>>
    %dma_wait3A_1459 = tpu.memref_squeeze %dma_wait3A_1458 : memref<1x32x513xf32, #tpu.memory_space<vmem>> -> memref<32x513xf32, #tpu.memory_space<vmem>>
    %dma_wait3A_1460 = arith.constant 0 : i32
    %dma_wait3A_1461 = arith.constant 0 : i32
    %dma_wait3A_1462 = tpu.memref_slice %dma_wait3A_1459[%dma_wait3A_1460, %dma_wait3A_1461] : memref<32x513xf32, #tpu.memory_space<vmem>> -> memref<8x128xf32, #tpu.memory_space<vmem>>
    tpu.wait_dma2 semaphore(%dma_wait3A_1440 : memref<!tpu.dma_semaphore, #tpu.memory_space<semaphore_mem>>) src(%dma_wait3A_1462 : memref<8x128xf32, #tpu.memory_space<vmem>>) dst(%dma_wait3A_1455 : memref<8x128xf32, #tpu.memory_space<hbm>>)
    %dma_wait3A_1463 = arith.constant 1 : i32
    %dma_wait3A_1464 = arith.constant 0 : i32
    %dma_wait3A_1465 = arith.constant 0 : i32
    %dma_wait3A_1466 = arith.constant 0 : i32
    %dma_wait3A_1467 = arith.constant 1 : i32
    %dma_wait3A_1468 = arith.constant 0 : i32
    %dma_wait3A_1469 = arith.constant 0 : i32
    %dma_wait3A_1470 = tpu.memref_slice %arg8[%dma_wait3A_1463, %dma_wait3A_1468, %dma_wait3A_1469] : memref<2x32x513xf32, #tpu.memory_space<vmem>> -> memref<1x32x513xf32, #tpu.memory_space<vmem>>
    %dma_wait3A_1471 = tpu.memref_squeeze %dma_wait3A_1470 : memref<1x32x513xf32, #tpu.memory_space<vmem>> -> memref<32x513xf32, #tpu.memory_space<vmem>>
    %dma_wait3A_1472 = arith.constant 0 : i32
    %dma_wait3A_1473 = arith.constant 0 : i32
    %dma_wait3A_1474 = tpu.memref_slice %dma_wait3A_1471[%dma_wait3A_1472, %dma_wait3A_1473] : memref<32x513xf32, #tpu.memory_space<vmem>> -> memref<8x128xf32, #tpu.memory_space<vmem>>
    %dma_wait3A_1475 = arith.constant 0 : i32
    %dma_wait3A_1476 = arith.constant 0 : i32
    %dma_wait3A_1477 = arith.constant 0 : i32
    %dma_wait3A_1478 = arith.constant 0 : i32
    %dma_wait3A_1479 = tpu.memref_slice %arg4[%dma_wait3A_1464, %dma_wait3A_1475, %dma_wait3A_1476, %dma_wait3A_1477, %dma_wait3A_1478] : memref<50x4x128x8x128xf32, #tpu.memory_space<hbm>> -> memref<1x4x128x8x128xf32, #tpu.memory_space<hbm>>
    %dma_wait3A_1480 = tpu.memref_squeeze %dma_wait3A_1479 : memref<1x4x128x8x128xf32, #tpu.memory_space<hbm>> -> memref<4x128x8x128xf32, #tpu.memory_space<hbm>>
    %dma_wait3A_1481 = arith.constant 0 : i32
    %dma_wait3A_1482 = arith.constant 0 : i32
    %dma_wait3A_1483 = arith.constant 0 : i32
    %dma_wait3A_1484 = tpu.memref_slice %dma_wait3A_1480[%dma_wait3A_1465, %dma_wait3A_1481, %dma_wait3A_1482, %dma_wait3A_1483] : memref<4x128x8x128xf32, #tpu.memory_space<hbm>> -> memref<1x128x8x128xf32, #tpu.memory_space<hbm>>
    %dma_wait3A_1485 = tpu.memref_squeeze %dma_wait3A_1484 : memref<1x128x8x128xf32, #tpu.memory_space<hbm>> -> memref<128x8x128xf32, #tpu.memory_space<hbm>>
    %dma_wait3A_1486 = arith.constant 0 : i32
    %dma_wait3A_1487 = arith.constant 0 : i32
    %dma_wait3A_1488 = tpu.memref_slice %dma_wait3A_1485[%dma_wait3A_1466, %dma_wait3A_1486, %dma_wait3A_1487] : memref<128x8x128xf32, #tpu.memory_space<hbm>> -> memref<1x8x128xf32, #tpu.memory_space<hbm>>
    %dma_wait3A_1489 = tpu.memref_squeeze %dma_wait3A_1488 : memref<1x8x128xf32, #tpu.memory_space<hbm>> -> memref<8x128xf32, #tpu.memory_space<hbm>>
    %dma_wait3A_1490 = tpu.memref_slice %arg10[%dma_wait3A_1467] : memref<2x!tpu.dma_semaphore, #tpu.memory_space<semaphore_mem>> -> memref<1x!tpu.dma_semaphore, #tpu.memory_space<semaphore_mem>>
    %dma_wait3A_1491 = tpu.memref_squeeze %dma_wait3A_1490 : memref<1x!tpu.dma_semaphore, #tpu.memory_space<semaphore_mem>> -> memref<!tpu.dma_semaphore, #tpu.memory_space<semaphore_mem>>
    %dma_wait3A_1492 = arith.constant 0 : i32
    %dma_wait3A_1493 = arith.constant 0 : i32
    %dma_wait3A_1494 = arith.constant 0 : i32
    %dma_wait3A_1495 = arith.constant 0 : i32
    %dma_wait3A_1496 = tpu.memref_slice %arg4[%dma_wait3A_1464, %dma_wait3A_1492, %dma_wait3A_1493, %dma_wait3A_1494, %dma_wait3A_1495] : memref<50x4x128x8x128xf32, #tpu.memory_space<hbm>> -> memref<1x4x128x8x128xf32, #tpu.memory_space<hbm>>
    %dma_wait3A_1497 = tpu.memref_squeeze %dma_wait3A_1496 : memref<1x4x128x8x128xf32, #tpu.memory_space<hbm>> -> memref<4x128x8x128xf32, #tpu.memory_space<hbm>>
    %dma_wait3A_1498 = arith.constant 0 : i32
    %dma_wait3A_1499 = arith.constant 0 : i32
    %dma_wait3A_1500 = arith.constant 0 : i32
    %dma_wait3A_1501 = tpu.memref_slice %dma_wait3A_1497[%dma_wait3A_1465, %dma_wait3A_1498, %dma_wait3A_1499, %dma_wait3A_1500] : memref<4x128x8x128xf32, #tpu.memory_space<hbm>> -> memref<1x128x8x128xf32, #tpu.memory_space<hbm>>
    %dma_wait3A_1502 = tpu.memref_squeeze %dma_wait3A_1501 : memref<1x128x8x128xf32, #tpu.memory_space<hbm>> -> memref<128x8x128xf32, #tpu.memory_space<hbm>>
    %dma_wait3A_1503 = arith.constant 0 : i32
    %dma_wait3A_1504 = arith.constant 0 : i32
    %dma_wait3A_1505 = tpu.memref_slice %dma_wait3A_1502[%dma_wait3A_1466, %dma_wait3A_1503, %dma_wait3A_1504] : memref<128x8x128xf32, #tpu.memory_space<hbm>> -> memref<1x8x128xf32, #tpu.memory_space<hbm>>
    %dma_wait3A_1506 = tpu.memref_squeeze %dma_wait3A_1505 : memref<1x8x128xf32, #tpu.memory_space<hbm>> -> memref<8x128xf32, #tpu.memory_space<hbm>>
    %dma_wait3A_1507 = arith.constant 0 : i32
    %dma_wait3A_1508 = arith.constant 0 : i32
    %dma_wait3A_1509 = tpu.memref_slice %arg8[%dma_wait3A_1463, %dma_wait3A_1507, %dma_wait3A_1508] : memref<2x32x513xf32, #tpu.memory_space<vmem>> -> memref<1x32x513xf32, #tpu.memory_space<vmem>>
    %dma_wait3A_1510 = tpu.memref_squeeze %dma_wait3A_1509 : memref<1x32x513xf32, #tpu.memory_space<vmem>> -> memref<32x513xf32, #tpu.memory_space<vmem>>
    %dma_wait3A_1511 = arith.constant 0 : i32
    %dma_wait3A_1512 = arith.constant 0 : i32
    %dma_wait3A_1513 = tpu.memref_slice %dma_wait3A_1510[%dma_wait3A_1511, %dma_wait3A_1512] : memref<32x513xf32, #tpu.memory_space<vmem>> -> memref<8x128xf32, #tpu.memory_space<vmem>>
    tpu.wait_dma2 semaphore(%dma_wait3A_1491 : memref<!tpu.dma_semaphore, #tpu.memory_space<semaphore_mem>>) src(%dma_wait3A_1513 : memref<8x128xf32, #tpu.memory_space<vmem>>) dst(%dma_wait3A_1506 : memref<8x128xf32, #tpu.memory_space<hbm>>)
    %dma_wait3A_1514 = arith.constant 1 : i32
    %dma_wait3A_1515 = arith.constant 0 : i32
    %dma_wait3A_1516 = arith.constant 0 : i32
    %dma_wait3A_1517 = arith.constant 0 : i32
    %dma_wait3A_1518 = arith.constant 1 : i32
    %dma_wait3A_1519 = arith.constant 0 : i32
    %dma_wait3A_1520 = arith.constant 0 : i32
    %dma_wait3A_1521 = tpu.memref_slice %arg8[%dma_wait3A_1514, %dma_wait3A_1519, %dma_wait3A_1520] : memref<2x32x513xf32, #tpu.memory_space<vmem>> -> memref<1x32x513xf32, #tpu.memory_space<vmem>>
    %dma_wait3A_1522 = tpu.memref_squeeze %dma_wait3A_1521 : memref<1x32x513xf32, #tpu.memory_space<vmem>> -> memref<32x513xf32, #tpu.memory_space<vmem>>
    %dma_wait3A_1523 = arith.constant 0 : i32
    %dma_wait3A_1524 = arith.constant 0 : i32
    %dma_wait3A_1525 = tpu.memref_slice %dma_wait3A_1522[%dma_wait3A_1523, %dma_wait3A_1524] : memref<32x513xf32, #tpu.memory_space<vmem>> -> memref<8x128xf32, #tpu.memory_space<vmem>>
    %dma_wait3A_1526 = arith.constant 0 : i32
    %dma_wait3A_1527 = arith.constant 0 : i32
    %dma_wait3A_1528 = arith.constant 0 : i32
    %dma_wait3A_1529 = arith.constant 0 : i32
    %dma_wait3A_1530 = tpu.memref_slice %arg4[%dma_wait3A_1515, %dma_wait3A_1526, %dma_wait3A_1527, %dma_wait3A_1528, %dma_wait3A_1529] : memref<50x4x128x8x128xf32, #tpu.memory_space<hbm>> -> memref<1x4x128x8x128xf32, #tpu.memory_space<hbm>>
    %dma_wait3A_1531 = tpu.memref_squeeze %dma_wait3A_1530 : memref<1x4x128x8x128xf32, #tpu.memory_space<hbm>> -> memref<4x128x8x128xf32, #tpu.memory_space<hbm>>
    %dma_wait3A_1532 = arith.constant 0 : i32
    %dma_wait3A_1533 = arith.constant 0 : i32
    %dma_wait3A_1534 = arith.constant 0 : i32
    %dma_wait3A_1535 = tpu.memref_slice %dma_wait3A_1531[%dma_wait3A_1516, %dma_wait3A_1532, %dma_wait3A_1533, %dma_wait3A_1534] : memref<4x128x8x128xf32, #tpu.memory_space<hbm>> -> memref<1x128x8x128xf32, #tpu.memory_space<hbm>>
    %dma_wait3A_1536 = tpu.memref_squeeze %dma_wait3A_1535 : memref<1x128x8x128xf32, #tpu.memory_space<hbm>> -> memref<128x8x128xf32, #tpu.memory_space<hbm>>
    %dma_wait3A_1537 = arith.constant 0 : i32
    %dma_wait3A_1538 = arith.constant 0 : i32
    %dma_wait3A_1539 = tpu.memref_slice %dma_wait3A_1536[%dma_wait3A_1517, %dma_wait3A_1537, %dma_wait3A_1538] : memref<128x8x128xf32, #tpu.memory_space<hbm>> -> memref<1x8x128xf32, #tpu.memory_space<hbm>>
    %dma_wait3A_1540 = tpu.memref_squeeze %dma_wait3A_1539 : memref<1x8x128xf32, #tpu.memory_space<hbm>> -> memref<8x128xf32, #tpu.memory_space<hbm>>
    %dma_wait3A_1541 = tpu.memref_slice %arg10[%dma_wait3A_1518] : memref<2x!tpu.dma_semaphore, #tpu.memory_space<semaphore_mem>> -> memref<1x!tpu.dma_semaphore, #tpu.memory_space<semaphore_mem>>
    %dma_wait3A_1542 = tpu.memref_squeeze %dma_wait3A_1541 : memref<1x!tpu.dma_semaphore, #tpu.memory_space<semaphore_mem>> -> memref<!tpu.dma_semaphore, #tpu.memory_space<semaphore_mem>>
    %dma_wait3A_1543 = arith.constant 0 : i32
    %dma_wait3A_1544 = arith.constant 0 : i32
    %dma_wait3A_1545 = arith.constant 0 : i32
    %dma_wait3A_1546 = arith.constant 0 : i32
    %dma_wait3A_1547 = tpu.memref_slice %arg4[%dma_wait3A_1515, %dma_wait3A_1543, %dma_wait3A_1544, %dma_wait3A_1545, %dma_wait3A_1546] : memref<50x4x128x8x128xf32, #tpu.memory_space<hbm>> -> memref<1x4x128x8x128xf32, #tpu.memory_space<hbm>>
    %dma_wait3A_1548 = tpu.memref_squeeze %dma_wait3A_1547 : memref<1x4x128x8x128xf32, #tpu.memory_space<hbm>> -> memref<4x128x8x128xf32, #tpu.memory_space<hbm>>
    %dma_wait3A_1549 = arith.constant 0 : i32
    %dma_wait3A_1550 = arith.constant 0 : i32
    %dma_wait3A_1551 = arith.constant 0 : i32
    %dma_wait3A_1552 = tpu.memref_slice %dma_wait3A_1548[%dma_wait3A_1516, %dma_wait3A_1549, %dma_wait3A_1550, %dma_wait3A_1551] : memref<4x128x8x128xf32, #tpu.memory_space<hbm>> -> memref<1x128x8x128xf32, #tpu.memory_space<hbm>>
    %dma_wait3A_1553 = tpu.memref_squeeze %dma_wait3A_1552 : memref<1x128x8x128xf32, #tpu.memory_space<hbm>> -> memref<128x8x128xf32, #tpu.memory_space<hbm>>
    %dma_wait3A_1554 = arith.constant 0 : i32
    %dma_wait3A_1555 = arith.constant 0 : i32
    %dma_wait3A_1556 = tpu.memref_slice %dma_wait3A_1553[%dma_wait3A_1517, %dma_wait3A_1554, %dma_wait3A_1555] : memref<128x8x128xf32, #tpu.memory_space<hbm>> -> memref<1x8x128xf32, #tpu.memory_space<hbm>>
    %dma_wait3A_1557 = tpu.memref_squeeze %dma_wait3A_1556 : memref<1x8x128xf32, #tpu.memory_space<hbm>> -> memref<8x128xf32, #tpu.memory_space<hbm>>
    %dma_wait3A_1558 = arith.constant 0 : i32
    %dma_wait3A_1559 = arith.constant 0 : i32
    %dma_wait3A_1560 = tpu.memref_slice %arg8[%dma_wait3A_1514, %dma_wait3A_1558, %dma_wait3A_1559] : memref<2x32x513xf32, #tpu.memory_space<vmem>> -> memref<1x32x513xf32, #tpu.memory_space<vmem>>
    %dma_wait3A_1561 = tpu.memref_squeeze %dma_wait3A_1560 : memref<1x32x513xf32, #tpu.memory_space<vmem>> -> memref<32x513xf32, #tpu.memory_space<vmem>>
    %dma_wait3A_1562 = arith.constant 0 : i32
    %dma_wait3A_1563 = arith.constant 0 : i32
    %dma_wait3A_1564 = tpu.memref_slice %dma_wait3A_1561[%dma_wait3A_1562, %dma_wait3A_1563] : memref<32x513xf32, #tpu.memory_space<vmem>> -> memref<8x128xf32, #tpu.memory_space<vmem>>
    tpu.wait_dma2 semaphore(%dma_wait3A_1542 : memref<!tpu.dma_semaphore, #tpu.memory_space<semaphore_mem>>) src(%dma_wait3A_1564 : memref<8x128xf32, #tpu.memory_space<vmem>>) dst(%dma_wait3A_1557 : memref<8x128xf32, #tpu.memory_space<hbm>>)
    %dma_wait3A_1565 = arith.constant 1 : i32
    %dma_wait3A_1566 = arith.constant 0 : i32
    %dma_wait3A_1567 = arith.constant 0 : i32
    %dma_wait3A_1568 = arith.constant 0 : i32
    %dma_wait3A_1569 = arith.constant 1 : i32
    %dma_wait3A_1570 = arith.constant 0 : i32
    %dma_wait3A_1571 = arith.constant 0 : i32
    %dma_wait3A_1572 = tpu.memref_slice %arg8[%dma_wait3A_1565, %dma_wait3A_1570, %dma_wait3A_1571] : memref<2x32x513xf32, #tpu.memory_space<vmem>> -> memref<1x32x513xf32, #tpu.memory_space<vmem>>
    %dma_wait3A_1573 = tpu.memref_squeeze %dma_wait3A_1572 : memref<1x32x513xf32, #tpu.memory_space<vmem>> -> memref<32x513xf32, #tpu.memory_space<vmem>>
    %dma_wait3A_1574 = arith.constant 0 : i32
    %dma_wait3A_1575 = arith.constant 0 : i32
    %dma_wait3A_1576 = tpu.memref_slice %dma_wait3A_1573[%dma_wait3A_1574, %dma_wait3A_1575] : memref<32x513xf32, #tpu.memory_space<vmem>> -> memref<8x128xf32, #tpu.memory_space<vmem>>
    %dma_wait3A_1577 = arith.constant 0 : i32
    %dma_wait3A_1578 = arith.constant 0 : i32
    %dma_wait3A_1579 = arith.constant 0 : i32
    %dma_wait3A_1580 = arith.constant 0 : i32
    %dma_wait3A_1581 = tpu.memref_slice %arg4[%dma_wait3A_1566, %dma_wait3A_1577, %dma_wait3A_1578, %dma_wait3A_1579, %dma_wait3A_1580] : memref<50x4x128x8x128xf32, #tpu.memory_space<hbm>> -> memref<1x4x128x8x128xf32, #tpu.memory_space<hbm>>
    %dma_wait3A_1582 = tpu.memref_squeeze %dma_wait3A_1581 : memref<1x4x128x8x128xf32, #tpu.memory_space<hbm>> -> memref<4x128x8x128xf32, #tpu.memory_space<hbm>>
    %dma_wait3A_1583 = arith.constant 0 : i32
    %dma_wait3A_1584 = arith.constant 0 : i32
    %dma_wait3A_1585 = arith.constant 0 : i32
    %dma_wait3A_1586 = tpu.memref_slice %dma_wait3A_1582[%dma_wait3A_1567, %dma_wait3A_1583, %dma_wait3A_1584, %dma_wait3A_1585] : memref<4x128x8x128xf32, #tpu.memory_space<hbm>> -> memref<1x128x8x128xf32, #tpu.memory_space<hbm>>
    %dma_wait3A_1587 = tpu.memref_squeeze %dma_wait3A_1586 : memref<1x128x8x128xf32, #tpu.memory_space<hbm>> -> memref<128x8x128xf32, #tpu.memory_space<hbm>>
    %dma_wait3A_1588 = arith.constant 0 : i32
    %dma_wait3A_1589 = arith.constant 0 : i32
    %dma_wait3A_1590 = tpu.memref_slice %dma_wait3A_1587[%dma_wait3A_1568, %dma_wait3A_1588, %dma_wait3A_1589] : memref<128x8x128xf32, #tpu.memory_space<hbm>> -> memref<1x8x128xf32, #tpu.memory_space<hbm>>
    %dma_wait3A_1591 = tpu.memref_squeeze %dma_wait3A_1590 : memref<1x8x128xf32, #tpu.memory_space<hbm>> -> memref<8x128xf32, #tpu.memory_space<hbm>>
    %dma_wait3A_1592 = tpu.memref_slice %arg10[%dma_wait3A_1569] : memref<2x!tpu.dma_semaphore, #tpu.memory_space<semaphore_mem>> -> memref<1x!tpu.dma_semaphore, #tpu.memory_space<semaphore_mem>>
    %dma_wait3A_1593 = tpu.memref_squeeze %dma_wait3A_1592 : memref<1x!tpu.dma_semaphore, #tpu.memory_space<semaphore_mem>> -> memref<!tpu.dma_semaphore, #tpu.memory_space<semaphore_mem>>
    %dma_wait3A_1594 = arith.constant 0 : i32
    %dma_wait3A_1595 = arith.constant 0 : i32
    %dma_wait3A_1596 = arith.constant 0 : i32
    %dma_wait3A_1597 = arith.constant 0 : i32
    %dma_wait3A_1598 = tpu.memref_slice %arg4[%dma_wait3A_1566, %dma_wait3A_1594, %dma_wait3A_1595, %dma_wait3A_1596, %dma_wait3A_1597] : memref<50x4x128x8x128xf32, #tpu.memory_space<hbm>> -> memref<1x4x128x8x128xf32, #tpu.memory_space<hbm>>
    %dma_wait3A_1599 = tpu.memref_squeeze %dma_wait3A_1598 : memref<1x4x128x8x128xf32, #tpu.memory_space<hbm>> -> memref<4x128x8x128xf32, #tpu.memory_space<hbm>>
    %dma_wait3A_1600 = arith.constant 0 : i32
    %dma_wait3A_1601 = arith.constant 0 : i32
    %dma_wait3A_1602 = arith.constant 0 : i32
    %dma_wait3A_1603 = tpu.memref_slice %dma_wait3A_1599[%dma_wait3A_1567, %dma_wait3A_1600, %dma_wait3A_1601, %dma_wait3A_1602] : memref<4x128x8x128xf32, #tpu.memory_space<hbm>> -> memref<1x128x8x128xf32, #tpu.memory_space<hbm>>
    %dma_wait3A_1604 = tpu.memref_squeeze %dma_wait3A_1603 : memref<1x128x8x128xf32, #tpu.memory_space<hbm>> -> memref<128x8x128xf32, #tpu.memory_space<hbm>>
    %dma_wait3A_1605 = arith.constant 0 : i32
    %dma_wait3A_1606 = arith.constant 0 : i32
    %dma_wait3A_1607 = tpu.memref_slice %dma_wait3A_1604[%dma_wait3A_1568, %dma_wait3A_1605, %dma_wait3A_1606] : memref<128x8x128xf32, #tpu.memory_space<hbm>> -> memref<1x8x128xf32, #tpu.memory_space<hbm>>
    %dma_wait3A_1608 = tpu.memref_squeeze %dma_wait3A_1607 : memref<1x8x128xf32, #tpu.memory_space<hbm>> -> memref<8x128xf32, #tpu.memory_space<hbm>>
    %dma_wait3A_1609 = arith.constant 0 : i32
    %dma_wait3A_1610 = arith.constant 0 : i32
    %dma_wait3A_1611 = tpu.memref_slice %arg8[%dma_wait3A_1565, %dma_wait3A_1609, %dma_wait3A_1610] : memref<2x32x513xf32, #tpu.memory_space<vmem>> -> memref<1x32x513xf32, #tpu.memory_space<vmem>>
    %dma_wait3A_1612 = tpu.memref_squeeze %dma_wait3A_1611 : memref<1x32x513xf32, #tpu.memory_space<vmem>> -> memref<32x513xf32, #tpu.memory_space<vmem>>
    %dma_wait3A_1613 = arith.constant 0 : i32
    %dma_wait3A_1614 = arith.constant 0 : i32
    %dma_wait3A_1615 = tpu.memref_slice %dma_wait3A_1612[%dma_wait3A_1613, %dma_wait3A_1614] : memref<32x513xf32, #tpu.memory_space<vmem>> -> memref<8x128xf32, #tpu.memory_space<vmem>>
    tpu.wait_dma2 semaphore(%dma_wait3A_1593 : memref<!tpu.dma_semaphore, #tpu.memory_space<semaphore_mem>>) src(%dma_wait3A_1615 : memref<8x128xf32, #tpu.memory_space<vmem>>) dst(%dma_wait3A_1608 : memref<8x128xf32, #tpu.memory_space<hbm>>)
    %dma_wait3A_1616 = arith.constant 1 : i32
    %dma_wait3A_1617 = arith.constant 0 : i32
    %dma_wait3A_1618 = arith.constant 0 : i32
    %dma_wait3A_1619 = arith.constant 0 : i32
    %dma_wait3A_1620 = arith.constant 1 : i32
    %dma_wait3A_1621 = arith.constant 0 : i32
    %dma_wait3A_1622 = arith.constant 0 : i32
    %dma_wait3A_1623 = tpu.memref_slice %arg8[%dma_wait3A_1616, %dma_wait3A_1621, %dma_wait3A_1622] : memref<2x32x513xf32, #tpu.memory_space<vmem>> -> memref<1x32x513xf32, #tpu.memory_space<vmem>>
    %dma_wait3A_1624 = tpu.memref_squeeze %dma_wait3A_1623 : memref<1x32x513xf32, #tpu.memory_space<vmem>> -> memref<32x513xf32, #tpu.memory_space<vmem>>
    %dma_wait3A_1625 = arith.constant 0 : i32
    %dma_wait3A_1626 = arith.constant 0 : i32
    %dma_wait3A_1627 = tpu.memref_slice %dma_wait3A_1624[%dma_wait3A_1625, %dma_wait3A_1626] : memref<32x513xf32, #tpu.memory_space<vmem>> -> memref<8x128xf32, #tpu.memory_space<vmem>>
    %dma_wait3A_1628 = arith.constant 0 : i32
    %dma_wait3A_1629 = arith.constant 0 : i32
    %dma_wait3A_1630 = arith.constant 0 : i32
    %dma_wait3A_1631 = arith.constant 0 : i32
    %dma_wait3A_1632 = tpu.memref_slice %arg4[%dma_wait3A_1617, %dma_wait3A_1628, %dma_wait3A_1629, %dma_wait3A_1630, %dma_wait3A_1631] : memref<50x4x128x8x128xf32, #tpu.memory_space<hbm>> -> memref<1x4x128x8x128xf32, #tpu.memory_space<hbm>>
    %dma_wait3A_1633 = tpu.memref_squeeze %dma_wait3A_1632 : memref<1x4x128x8x128xf32, #tpu.memory_space<hbm>> -> memref<4x128x8x128xf32, #tpu.memory_space<hbm>>
    %dma_wait3A_1634 = arith.constant 0 : i32
    %dma_wait3A_1635 = arith.constant 0 : i32
    %dma_wait3A_1636 = arith.constant 0 : i32
    %dma_wait3A_1637 = tpu.memref_slice %dma_wait3A_1633[%dma_wait3A_1618, %dma_wait3A_1634, %dma_wait3A_1635, %dma_wait3A_1636] : memref<4x128x8x128xf32, #tpu.memory_space<hbm>> -> memref<1x128x8x128xf32, #tpu.memory_space<hbm>>
    %dma_wait3A_1638 = tpu.memref_squeeze %dma_wait3A_1637 : memref<1x128x8x128xf32, #tpu.memory_space<hbm>> -> memref<128x8x128xf32, #tpu.memory_space<hbm>>
    %dma_wait3A_1639 = arith.constant 0 : i32
    %dma_wait3A_1640 = arith.constant 0 : i32
    %dma_wait3A_1641 = tpu.memref_slice %dma_wait3A_1638[%dma_wait3A_1619, %dma_wait3A_1639, %dma_wait3A_1640] : memref<128x8x128xf32, #tpu.memory_space<hbm>> -> memref<1x8x128xf32, #tpu.memory_space<hbm>>
    %dma_wait3A_1642 = tpu.memref_squeeze %dma_wait3A_1641 : memref<1x8x128xf32, #tpu.memory_space<hbm>> -> memref<8x128xf32, #tpu.memory_space<hbm>>
    %dma_wait3A_1643 = tpu.memref_slice %arg10[%dma_wait3A_1620] : memref<2x!tpu.dma_semaphore, #tpu.memory_space<semaphore_mem>> -> memref<1x!tpu.dma_semaphore, #tpu.memory_space<semaphore_mem>>
    %dma_wait3A_1644 = tpu.memref_squeeze %dma_wait3A_1643 : memref<1x!tpu.dma_semaphore, #tpu.memory_space<semaphore_mem>> -> memref<!tpu.dma_semaphore, #tpu.memory_space<semaphore_mem>>
    %dma_wait3A_1645 = arith.constant 0 : i32
    %dma_wait3A_1646 = arith.constant 0 : i32
    %dma_wait3A_1647 = arith.constant 0 : i32
    %dma_wait3A_1648 = arith.constant 0 : i32
    %dma_wait3A_1649 = tpu.memref_slice %arg4[%dma_wait3A_1617, %dma_wait3A_1645, %dma_wait3A_1646, %dma_wait3A_1647, %dma_wait3A_1648] : memref<50x4x128x8x128xf32, #tpu.memory_space<hbm>> -> memref<1x4x128x8x128xf32, #tpu.memory_space<hbm>>
    %dma_wait3A_1650 = tpu.memref_squeeze %dma_wait3A_1649 : memref<1x4x128x8x128xf32, #tpu.memory_space<hbm>> -> memref<4x128x8x128xf32, #tpu.memory_space<hbm>>
    %dma_wait3A_1651 = arith.constant 0 : i32
    %dma_wait3A_1652 = arith.constant 0 : i32
    %dma_wait3A_1653 = arith.constant 0 : i32
    %dma_wait3A_1654 = tpu.memref_slice %dma_wait3A_1650[%dma_wait3A_1618, %dma_wait3A_1651, %dma_wait3A_1652, %dma_wait3A_1653] : memref<4x128x8x128xf32, #tpu.memory_space<hbm>> -> memref<1x128x8x128xf32, #tpu.memory_space<hbm>>
    %dma_wait3A_1655 = tpu.memref_squeeze %dma_wait3A_1654 : memref<1x128x8x128xf32, #tpu.memory_space<hbm>> -> memref<128x8x128xf32, #tpu.memory_space<hbm>>
    %dma_wait3A_1656 = arith.constant 0 : i32
    %dma_wait3A_1657 = arith.constant 0 : i32
    %dma_wait3A_1658 = tpu.memref_slice %dma_wait3A_1655[%dma_wait3A_1619, %dma_wait3A_1656, %dma_wait3A_1657] : memref<128x8x128xf32, #tpu.memory_space<hbm>> -> memref<1x8x128xf32, #tpu.memory_space<hbm>>
    %dma_wait3A_1659 = tpu.memref_squeeze %dma_wait3A_1658 : memref<1x8x128xf32, #tpu.memory_space<hbm>> -> memref<8x128xf32, #tpu.memory_space<hbm>>
    %dma_wait3A_1660 = arith.constant 0 : i32
    %dma_wait3A_1661 = arith.constant 0 : i32
    %dma_wait3A_1662 = tpu.memref_slice %arg8[%dma_wait3A_1616, %dma_wait3A_1660, %dma_wait3A_1661] : memref<2x32x513xf32, #tpu.memory_space<vmem>> -> memref<1x32x513xf32, #tpu.memory_space<vmem>>
    %dma_wait3A_1663 = tpu.memref_squeeze %dma_wait3A_1662 : memref<1x32x513xf32, #tpu.memory_space<vmem>> -> memref<32x513xf32, #tpu.memory_space<vmem>>
    %dma_wait3A_1664 = arith.constant 0 : i32
    %dma_wait3A_1665 = arith.constant 0 : i32
    %dma_wait3A_1666 = tpu.memref_slice %dma_wait3A_1663[%dma_wait3A_1664, %dma_wait3A_1665] : memref<32x513xf32, #tpu.memory_space<vmem>> -> memref<8x128xf32, #tpu.memory_space<vmem>>
    tpu.wait_dma2 semaphore(%dma_wait3A_1644 : memref<!tpu.dma_semaphore, #tpu.memory_space<semaphore_mem>>) src(%dma_wait3A_1666 : memref<8x128xf32, #tpu.memory_space<vmem>>) dst(%dma_wait3A_1659 : memref<8x128xf32, #tpu.memory_space<hbm>>)
    return
  }
}

</mosaic_0001>

<sc_bundles>
// kernel: kernel.3.cloned.1.call-start
scs
__scs_entry_jumppad:
0x0: {  	(pc) =	sbr.rel $0x88, $3  }
0x1: {  	(tag) =	ssettag $0x0;
	lr =	simm.s32 $0x1  }
0x2: {  	[smem:$0x3F9F] =	sst lr;
	_ =	strace $0xD0000000  }
0x3: {  	_ = 	snop  }
0x4: {  	_ = 	snop  }
0x5: {  	_ = 	snop  }
0x6: {  	_ = 	snop  }
0x7: {  	_ = 	snop  }
__scs_overlays_trampoline_lowered:
0x8: {  	[smem:$0x3FAE] =	sst s0  }
0x9: {  	[smem:$0x3FAF] =	sst s1  }
0xa: {  	[smem:$0x3FB0] =	sst s2  }
0xb: {  	[smem:$0x3FB1] =	sst s3  }
0xc: {  	[smem:$0x3FB2] =	sst s4  }
0xd: {  	[smem:$0x3FB3] =	sst s5  }
0xe: {  	[smem:$0x3FB4] =	sst s6  }
0xf: {  	[smem:$0x3FB5] =	sst s7  }
0x10: {  	[smem:$0x3FB6] =	sst s8  }
0x11: {  	[smem:$0x3FB7] =	sst s9;
	s0 =	simm.s32 @!p0 $0x0  }
0x12: {  	s1 =	sld [smem:$0x3F9D];
	s0 =	simm.s32 @p0 $0x1  }
0x13: {  	[smem:$0x3FB8] =	sst s0;
	s0 =	simm.s32 @!p1 $0x0  }
0x14: {  	s2 =	sld [smem:$0x3F9C];
	s0 =	simm.s32 @p1 $0x1  }
0x15: {  	[smem:$0x3FB9] =	sst s0;
	s0 =	simm.s32 @!p2 $0x0  }
0x16: {  	s3 =	sld [smem:$0x3FDB];
	s0 =	simm.s32 @p2 $0x1  }
0x17: {  	s4 =	simm.s32 $0x1BF5;
	[smem:$0x3FBB] =	sst s0  }
0x18: {  	s0 =	sld [smem:$0x3F9E];
	_ =	swait.ge [sflag:s4], $0x0  }
0x19: {  	s7 =	sld [smem:$0x3F9F]  }
0x1a: {  	s8 =	sadd.s32 $0xFFFFE003, lr  }
0x1b: {  	s9 =	sadd.s32 $0xFFFFFEF7, lr;
	s5 =	simm.s32 $0xFFFFFFFF;
	p2 =	slt.u32 s8, $0xFFFFF086  }
0x1c: {  	p1 =	slt.u32 s9, $0xF7A;
	s5 =	simm.s32 @!p2 $0x0  }
0x1d: {  	s5 =	simm.s32 @p1 $0x1;
	p0 =	seq.s32 s7, s2  }
0x1e: {  	s7 =	smul.u32 @!p0 $0xF7A, s2;
	p2 =	seq.s32 @!p0 s5, $0x0  }
0x1f: {  	s9 =	smul.u32 $0xF7A, s1;
	s8 =	simm.s32 @!p0 $0x1BF5;
	p2 =	por !p2, p0  }
0x20: {  	[sflag:s8] =	ssyncset.s32 @!p0 $0xFFFFF086;
	s6 =	sadd.s32 @!p0 s3, s7;
	s7 =	simm.s32 @!p0 $0x108  }
0x21: {  	s3 =	sadd.s32 s3, s9;
	s6 =	sadd.s32 @!p0 $0x88, s6;
	s7 =	simm.s32 @p2 $0x1082  }
0x22: {  	[simem:s7], [sflag:s8] =	dma.local @!p0 [hbm:s6], $0xF7A  }
0x23: {  	s9 =	sor.u32 $0xD0000000, s2;
	s6 =	simm.s32 $0x108;
	_ =	swait.ge @!p0 [sflag:s8], $0x0  }
0x24: {  	s3 =	sadd.s32 $0x88, s3;
	s6 =	simm.s32 @!p1 $0x1082;
	[sflag:s4] =	ssyncset.s32 $0xFFFFF086  }
0x25: {  	[simem:s6], [sflag:s4] =	dma.local [hbm:s3], $0xF7A  }
0x26: {  	[smem:$0x3F9F] =	sst s1;
	(tag) =	ssettag s2;
	_ =	strace s9  }
0x27: {  	s1 =	sld [smem:$0x3FAF]  }
0x28: {  	s2 =	sld [smem:$0x3FB0]  }
0x29: {  	s4 =	sld [smem:$0x3FB2]  }
0x2a: {  	p0 =	seq.s32 s5, $0x0;
	s5 =	sld [smem:$0x3FB3]  }
0x2b: {  	s6 =	sld [smem:$0x3FB4]  }
0x2c: {  	s7 =	sld [smem:$0x3FB5]  }
0x2d: {  	s3 =	simm.s32 $0x108;
	s8 =	sld [smem:$0x3FB6]  }
0x2e: {  	s3 =	simm.s32 @!p0 $0x1082;
	s9 =	sld [smem:$0x3FB7]  }
0x2f: {  	lr =	sadd.s32 s0, s3;
	s0 =	sld [smem:$0x3FAE]  }
0x30: {  	s3 =	sld [smem:$0x3FB1]  }
0x31: {  	[smem:$0x3FBA] =	sst s10  }
0x32: {  	s10 =	sld [smem:$0x3FB8];
	_ =	sdelay $0x3  }
0x33: {  	p0 =	seq.s32 s10, $0x1;
	s10 =	sld [smem:$0x3FBA];
	_ =	sdelay $0x3  }
0x34: {  	[smem:$0x3FBA] =	sst s10  }
0x35: {  	s10 =	sld [smem:$0x3FB9];
	_ =	sdelay $0x3  }
0x36: {  	p1 =	seq.s32 s10, $0x1;
	s10 =	sld [smem:$0x3FBA];
	_ =	sdelay $0x3  }
0x37: {  	[smem:$0x3FBA] =	sst s10  }
0x38: {  	s10 =	sld [smem:$0x3FBB]  }
0x39: {  	_ = 	snop;
	(pc) =	sbr.ind lr, $3  }
0x3a: {  	_ = 	snop  }
0x3b: {  	_ = 	snop  }
0x3c: {  	p2 =	seq.s32 s10, $0x1;
	s10 =	sld [smem:$0x3FBA]  }
0x3d: {  	_ =	shalt  }
0x3e: {  	_ =	shalt  }
0x3f: {  	_ =	shalt  }
0x40: {  	_ =	shalt  }
0x41: {  	_ =	shalt  }
0x42: {  	_ =	shalt  }
0x43: {  	_ =	shalt  }
0x44: {  	_ =	shalt  }
0x45: {  	_ =	shalt  }
0x46: {  	_ =	shalt  }
0x47: {  	_ =	shalt  }
0x48: {  	_ =	shalt  }
0x49: {  	_ =	shalt  }
0x4a: {  	_ =	shalt  }
0x4b: {  	_ =	shalt  }
0x4c: {  	_ =	shalt  }
0x4d: {  	_ =	shalt  }
0x4e: {  	_ =	shalt  }
0x4f: {  	_ =	shalt  }
0x50: {  	_ =	shalt  }
0x51: {  	_ =	shalt  }
0x52: {  	_ =	shalt  }
0x53: {  	_ =	shalt  }
0x54: {  	_ =	shalt  }
0x55: {  	_ =	shalt  }
0x56: {  	_ =	shalt  }
0x57: {  	_ =	shalt  }
0x58: {  	_ =	shalt  }
0x59: {  	_ =	shalt  }
0x5a: {  	_ =	shalt  }
0x5b: {  	_ =	shalt  }
0x5c: {  	_ =	shalt  }
0x5d: {  	_ =	shalt  }
0x5e: {  	_ =	shalt  }
0x5f: {  	_ =	shalt  }
0x60: {  	_ =	shalt  }
0x61: {  	_ =	shalt  }
0x62: {  	_ =	shalt  }
0x63: {  	_ =	shalt  }
0x64: {  	_ =	shalt  }
0x65: {  	_ =	shalt  }
0x66: {  	_ =	shalt  }
0x67: {  	_ =	shalt  }
0x68: {  	_ =	shalt  }
0x69: {  	_ =	shalt  }
0x6a: {  	_ =	shalt  }
0x6b: {  	_ =	shalt  }
0x6c: {  	_ =	shalt  }
0x6d: {  	_ =	shalt  }
0x6e: {  	_ =	shalt  }
0x6f: {  	_ =	shalt  }
0x70: {  	_ =	shalt  }
0x71: {  	_ =	shalt  }
0x72: {  	_ =	shalt  }
0x73: {  	_ =	shalt  }
0x74: {  	_ =	shalt  }
0x75: {  	_ =	shalt  }
0x76: {  	_ =	shalt  }
0x77: {  	_ =	shalt  }
0x78: {  	_ =	shalt  }
0x79: {  	_ =	shalt  }
0x7a: {  	_ =	shalt  }
0x7b: {  	_ =	shalt  }
0x7c: {  	_ =	shalt  }
0x7d: {  	_ =	shalt  }
0x7e: {  	_ =	shalt  }
0x7f: {  	_ =	shalt  }
0x80: {  	_ =	shalt  }
0x81: {  	_ =	shalt  }
0x82: {  	_ =	shalt  }
0x83: {  	_ =	shalt  }
0x84: {  	_ =	shalt  }
0x85: {  	_ =	shalt  }
0x86: {  	_ =	shalt  }
0x87: {  	_ =	shalt  }
.Lfunc_end0:
.L_simem_size_0:
called_computation_lowered:
.L_overlay_start_0:
0x88: {  	s2 =	sld [smem:$0x3FD9]  }
0x89: {  	s3 =	sld [smem:$0x3FFE];
	_ =	sdelay $0x1  }
0x8a: {  	s1 =	srdreg.scid  }
0x8b: {  	s0 =	sand.u32 $0x1, s1  }
0x8c: {  	s17 =	sshll.u32 s0, $0xA;
	s2 =	sadd.s32 s3, s2  }
0x8d: {  	s2 =	sadd.s32 s2, s17  }
0x8e: {  	[smem:$0x3FC6] =	sst s2  }
0x8f: {  	_ = 	snop  }
0x90: {  	s2 =	sld [smem:$0x3FD0];
	(tm) =	ssettm $0x1  }
0x91: {  	s18 =	sld [smem:$0x3FFB];
	_ =	sdelay $0x3  }
0x92: {  	_ =	strace s18  }
0x93: {  	s3 =	sld [smem:$0x3FFC];
	_ =	sdelay $0x3  }
0x94: {  	_ =	strace s3  }
0x95: {  	s3 =	sld [smem:$0x3FFD];
	_ =	sdelay $0x3  }
0x96: {  	_ =	strace s3  }
0x97: {  	_ =	strace $0x8FFFFFFF  }
0x98: {  	s19 =	sld [smem:$0x3FDB];
	_ =	sdelay $0x1  }
0x99: {  	s4 =	simm.s32 $_scs_section_size  }
0x9a: {  	s5 =	simm.s32 $_size__tile_overlayer_lowered;
	s6 =	simm.s32 $_tile_overlayer_lowered  }
0x9b: {  	s22 =	simm.s32 $0x1BFF;
	s21 =	sshll.u32 s6, $0x1;
	s3 =	sadd.s32 s4, s19  }
0x9c: {  	s7 =	simm.s32 $0x0;
	s20 =	sshll.u32 s5, $0x1;
	s5 =	sadd.s32 s21, s3  }
0x9d: {  	[timem:s7], [sflag:s22] =	dma.local [hbm:s5], s20  }
0x9e: {  	_ =	swait.ge [sflag:s22], s20  }
0x9f: {  	s4 =	ssub.s32 $0x0, s20;
	[sflag:s22] =	ssyncset.done $0x0  }
0xa0: {  	[sflag:s22] =	ssyncadd.s32 s4;
	_ =	sdelay $0x1  }
0xa1: {  	s23 =	simm.s32 $0x1B8B  }
0xa2: {  	_ =	swait.ge [sflag:s23], $0x1  }
0xa3: {  	[sflag:s23] =	ssyncset.done $0x0  }
0xa4: {  	s25 =	simm.s32 $0x1B8E;
	s24 =	sld [smem:$0x3FFE];
	[sflag:s23] =	ssyncadd.s32 $0xFFFFFFFF  }
0xa5: {  	s26 =	simm.s32 $execute0_lowered;
	[smem:$0x3FD2] =	sst s25  }
0xa6: {  	s5 =	sshll.u32 s26, $0x1;
	_ =	strace $0x80000046;
	[dreg:$0x1] =	wrdreg $0xFFFFFFFF  }
0xa7: {  	s28 =	simm.s32 $_size_execute0_lowered;
	s3 =	sadd.s32 s3, s5;
	[dreg:$0x0] =	wrdreg $0x0  }
0xa8: {  	s5 =	sshll.u32 s28, $0x1;
	[dreg:$0x2] =	wrdreg s3  }
0xa9: {  	[dreg:$0x3] =	wrdreg s5  }
0xaa: {  	[dreg:$0x4] =	wrdreg $0xC0  }
0xab: {  	_ =	task [dreg:s7], $0x5FFFF  }
0xac: {  	[dreg:$0x1] =	wrdreg $0xFFFFFFFF  }
0xad: {  	[dreg:$0x0] =	wrdreg $0x60  }
0xae: {  	[dreg:$0x2] =	wrdreg s24  }
0xaf: {  	[dreg:$0x3] =	wrdreg s2  }
0xb0: {  	[dreg:$0x4] =	wrdreg $0x9  }
0xb1: {  	_ =	task.clear_ibuf [dreg:s7], $0x5FFFF;
	_ =	strace $0x90000046  }
0xb2: {  	s29 =	simm.s32 $0x9;
	_ =	strace $0x80000048  }
0xb3: {  	_ =	swait.ge [sflag:s29], $0x1  }
0xb4: {  	[sflag:s29] =	ssyncadd.s32 $0xFFFFFFFF  }
0xb5: {  	_ =	strace $0x90000048  }
0xb6: {  	_ =	sfence  }
0xb7: {  	s30 =	sld [smem:$0x0];
	_ =	sdelay $0x2  }
0xb8: {  	s31 =	sshll.u32 s1, $0xD;
	s1 =	sshrl.u32 s1, $0x2  }
0xb9: {  	s3 =	sand.u32 $0x4000, s31;
	s1 =	sadd.s32 s1, s30  }
0xba: {  	s0 =	sor.u32 s3, s0;
	s1 =	sshll.u32 s1, $0x11  }
0xbb: {  	s0 =	sor.u32 s1, s0  }
0xbc: {  	s0 =	sadd.s32 $0x8F2B, s0  }
0xbd: {  	[sflag:s0] =	ssyncadd.remote.s32 $0x1  }
0xbe: {  	_ =	sfence.sel $0xFFFF  }
0xbf: {  	[dreg:$0x0] =	wrdreg $0xFFFFFFFF;
	(pc) =	sbr.abs _section_cstart, $3  }
0xc0: {  	[dreg:$0x1] =	wrdreg $0xFFFFFFFF  }
0xc1: {  	_ =	task.clear_ibuf [dreg:s7], $0x2FFFF;
	_ =	strace $0x9FFFFFFF  }
0xc2: {  	(tm) =	ssettm $0x7FFFFFFF  }
0xc3: {  	_ =	shalt  }
tec
execute0_lowered:
.L_overlay_start_1:
0x0: {  	(tag) =	ssettag $0x1  }
0x1: {  	s1 =	srdreg.scid;
	s4 =	rddreg [dreg:$0x0]  }
0x2: {  	s0 =	stileid.u32;
	s2 =	rddreg [dreg:$0x1]  }
0x3: {  	s3 =	simm.s32 $0x0;
	s11 =	simm.s32 $0x5;
	s12 =	simm.s32 $0x6400  }
0x4: {  	v0 =	vlaneseq.u32;
	s13 =	simm.s32 $0x200;
	s14 =	simm.s32 $0xC800;
	s15 =	simm.s32 $0x6600  }
0x5: {  	s16 =	simm.s32 $0x10800;
	s17 =	simm.s32 $0x3;
	s18 =	simm.s32 $0x4;
	v1 =	vmul.u32 $0x208, v0  }
0x6: {  	v3 =	vimm.s32 $0x0;
	s19 =	simm.s32 $0x0;
	s5 =	sand.u32 $0x1, s1;
	s31 =	sshll.u32 s0, $0x1;
	v2 =	vmul.u32 $0xFFFFFFFF, v0;
	v4 =	vor.u32 $0x10, v0  }
0x7: {  	[smem:$0x7FF] =	sst s3;
	s6 =	sor.u32 s5, s31;
	s8 =	ssub.s32 $0x2, s5;
	v5 =	vadd.s32 $0x2080, v1;
	v6 =	vor.u32 $0x1, v1;
	v7 =	vadd.s32 $0x2081, v1  }
0x8: {  	s7 =	smul.u32 $0xC80, s6;
	s9 =	sshrl.u32 s8, $0x1;
	s5 =	sshll.u32 s6, $0x9;
	v8 =	vor.u32 $0x2, v1;
	v9 =	vadd.s32 $0x2082, v1;
	v10 =	vor.u32 $0x3, v1  }
0x9: {  	_ =	strace $0x80000047;
	v11 =	vadd.s32 $0x2083, v1;
	v12 =	vor.u32 $0x4, v1;
	v13 =	vadd.s32 $0x2084, v1;
	s10 =	ssub.s32 s8, s9;
	s8 =	sor.u32 $0x100, s5  }
0xa: {  	v14 =	vor.u32 $0x5, v1;
	v15 =	vadd.s32 $0x2085, v1;
	v16 =	vor.u32 $0x6, v1;
	s9 =	sor.u32 $0x180, s5;
	s7 =	sadd.s32 s7, s4;
	s4 =	sadd.s32 $0xF42A00, s4  }
0xb: {  	v17 =	vadd.s32 $0x2086, v1;
	v18 =	vor.u32 $0x7, v1;
	v19 =	vadd.s32 $0x2087, v1;
	[tilespmem:$0x1FFF0] =	vst v2;
	s10 =	smax.u32 s10, $0x1;
	s6 =	sadd.s32 $0x600, s7;
	s7 =	sor.u32 $0x80, s5  }
.LBB2_1:
0xc: {  	v21 =	vor.u32 s3, v0  }
0xd: {  	s20 =	simm.s32 $0x10;
	s21 =	simm.s32 $0x20;
	s29 =	simm.s32 $0x30;
	v26 =	vmov s3;
	v20 =	vmulhi.u32 $0x51EB851F, v21  }
0xe: {  	v22 =	vor.u32 s20, v0;
	v23 =	vor.u32 s21, v0;
	v24 =	vor.u32 s29, v0  }
0xf: {  	v29 =	vsub.s32 v2, v26;
	v28 =	vmulhi.u32 $0x51EB851F, v23;
	v20 =	vshrl.u32 v20, $0x4  }
0x10: {  	s23 =	simm.s32 $0x70;
	vm0 =	veq.s32 v26, v0;
	v30 =	vmulhi.u32 $0x51EB851F, v24;
	v27 =	vmul.u32 $0xFFFFFFCE, v20  }
0x11: {  	v32 =	vor.u32 s23, v0;
	v25 =	vmulhi.u32 $0x51EB851F, v22;
	v26 =	vshrl.u32 v28, $0x4  }
0x12: {  	v28 =	vshrl.u32 v30, $0x4;
	v30 =	vmul.u32 $0x7FFFCE, v26;
	vm1 =	vne.s32 v27, v29  }
0x13: {  	[tilespmem:s3], [sflag:$0x5] =	stream.linear.gather [hbm4b:s6+s3], $0x6400, $0x38;
	v25 =	vshrl.u32 v25, $0x4;
	v31 =	vmul.u32 $0x7FFFCE, v28;
	vm0 =	vmand vm0, vm1;
	[tilespmem:$0x1CA00] =	vst v63  }
0x14: {  	s31 =	simm.s32 $0x50;
	v27 =	vmul.u32 $0x7FFFCE, v25;
	v23 =	vadd.s32 v23, v30;
	v29 =	vsel vm0, $0xFFFFFFFF, v3  }
0x15: {  	s22 =	simm.s32 $0x60;
	v24 =	vadd.s32 v24, v31;
	v30 =	vor.u32 s31, v0;
	v29 =	vadd.s32 v29, v20  }
0x16: {  	s30 =	simm.s32 $0x40;
	v31 =	vor.u32 s22, v0;
	v20 =	vadd.s32 v22, v27;
	v22 =	vmul.u32 $0x7FFFCE, v29  }
0x17: {  	_ =	swait.ge [sflag:s11], $0x6400;
	v23 =	vshll.u32 v23, $0x9;
	v27 =	vshll.u32 v20, $0x9;
	v20 =	vor.u32 s30, v0  }
0x18: {  	[sflag:s11] =	ssyncset.done $0x0;
	v24 =	vshll.u32 v24, $0x9;
	v21 =	vadd.s32 v21, v22;
	v22 =	vmulhi.u32 $0x51EB851F, v20  }
0x19: {  	s20 =	simm.s32 $0x20;
	[sflag:s11] =	ssyncadd.s32 $0xFFFF9C00;
	v35 =	vmulhi.u32 $0x51EB851F, v31;
	v25 =	vadd.s32 v25, v27;
	v21 =	vshll.u32 v21, $0x9  }
0x1a: {  	v27 =	vadd.s32 v29, v21;
	v29 =	vld [tilespmem:s20+$0xFFFFFFE0];
	v33 =	vshrl.u32 v22, $0x4;
	v21 =	vmulhi.u32 $0x51EB851F, v30  }
0x1b: {  	v34 =	vadd.s32 v26, v23;
	v22 =	vmov s30;
	v26 =	vmul.u32 $0xFFFFFFCE, v33  }
0x1c: {  	v36 =	vld [tilespmem:s20+$0xFFFFFFF0];
	v37 =	vsub.s32 v2, v22;
	v23 =	vshrl.u32 v21, $0x4;
	v21 =	vmulhi.u32 $0x51EB851F, v32  }
0x1d: {  	v38 =	vld [tilespmem:s20+$0x0];
	vm14 =	veq.s32 v22, v0;
	v22 =	vshrl.u32 v35, $0x4;
	vm15 =	vne.s32 v26, v37  }
0x1e: {  	v26 =	vmul.u32 $0x7FFFCE, v23;
	vm0 =	vmand vm14, vm15;
	v21 =	vshrl.u32 v21, $0x4  }
0x1f: {  	v35 =	vmul.u32 $0x7FFFCE, v22;
	[tilespmem:v27+s12+$0x0] =	vst.idx.msk $0xffff, v29;
	v27 =	vsel vm0, $0xFFFFFFFF, v3;
	v63 =	vmul.u32 $0x7FFFCE, v21  }
0x20: {  	v30 =	vadd.s32 v30, v26;
	v26 =	vadd.s32 v28, v24;
	v24 =	vld [tilespmem:s20+$0x10];
	v27 =	vadd.s32 v27, v33  }
0x21: {  	[tilespmem:v25+s12+$0x0] =	vst.idx.msk $0xffff, v36;
	v25 =	vadd.s32 v31, v35;
	v29 =	vmul.u32 $0x7FFFCE, v27;
	v31 =	vadd.s32 v32, v63  }
0x22: {  	s21 =	simm.s32 $0x4;
	s22 =	simm.s32 $0x80;
	[tilespmem:v34+s12+$0x0] =	vst.idx.msk $0xffff, v38;
	v28 =	vshll.u32 v25, $0x9;
	v30 =	vshll.u32 v30, $0x9;
	v25 =	vshll.u32 v31, $0x9  }
.LBB2_2:
0x23: {  	s23 =	sadd.s32 $0x10, s22;
	s24 =	sadd.s32 $0x20, s22;
	s21 =	sadd.s32 $0x4, s21;
	v29 =	vadd.s32 v20, v29;
	v20 =	vor.u32 s22, v0;
	v30 =	vadd.s32 v23, v30  }
0x24: {  	s20 =	sadd.s32 $0x40, s20;
	v23 =	vmulhi.u32 $0x51EB851F, v20;
	v31 =	vor.u32 s23, v0;
	s23 =	sadd.s32 $0x30, s22;
	p0 =	slt.u32 s21, $0x63C;
	v29 =	vshll.u32 v29, $0x9  }
0x25: {  	v32 =	vor.u32 s24, v0;
	v33 =	vor.u32 s23, v0;
	v34 =	vld [tilespmem:s20+$0xFFFFFFE0];
	v27 =	vadd.s32 v27, v29;
	[tilespmem:v26+s12+$0x0] =	vst.idx.msk $0xffff, v24  }
0x26: {  	v28 =	vadd.s32 v22, v28;
	v26 =	vshrl.u32 v23, $0x4;
	v23 =	vmulhi.u32 $0x51EB851F, v31;
	v29 =	vld [tilespmem:s20+$0xFFFFFFF0]  }
0x27: {  	v22 =	vmov s22;
	v36 =	vmulhi.u32 $0x51EB851F, v32;
	v35 =	vmul.u32 $0xFFFFFFCE, v26;
	v37 =	vld [tilespmem:s20+$0x0]  }
0x28: {  	v38 =	vsub.s32 v2, v22;
	v39 =	vmulhi.u32 $0x51EB851F, v33;
	v23 =	vshrl.u32 v23, $0x4;
	v24 =	vld [tilespmem:s20+$0x10]  }
0x29: {  	vm0 =	veq.s32 v22, v0;
	v22 =	vshrl.u32 v36, $0x4;
	vm1 =	vne.s32 v35, v38  }
.Ltmp0:
0x2a: {  	v36 =	vshrl.u32 v39, $0x4;
	v35 =	vmul.u32 $0x7FFFCE, v23;
	vm0 =	vmand vm0, vm1;
	[tilespmem:v27+s12+$0x0] =	vst.idx.msk $0xffff, v34;
	(pc) =	sbr.rel @p0 .LBB2_2-.Ltmp0, $4  }
0x2b: {  	v38 =	vmul.u32 $0x7FFFCE, v36;
	v34 =	vmul.u32 $0x7FFFCE, v22;
	v27 =	vsel vm0, $0xFFFFFFFF, v3;
	[tilespmem:v30+s12+$0x0] =	vst.idx.msk $0xffff, v29  }
0x2c: {  	v30 =	vadd.s32 v31, v35;
	v27 =	vadd.s32 v27, v26;
	v26 =	vadd.s32 v21, v25;
	v21 =	vmovc v36  }
0x2d: {  	v31 =	vadd.s32 v33, v38;
	v25 =	vadd.s32 v32, v34;
	v29 =	vmul.u32 $0x7FFFCE, v27;
	[tilespmem:v28+s12+$0x0] =	vst.idx.msk $0xffff, v37  }
0x2e: {  	s22 =	sadd.s32 $0x40, s22;
	v30 =	vshll.u32 v30, $0x9;
	v28 =	vshll.u32 v25, $0x9;
	v25 =	vshll.u32 v31, $0x9  }
0x2f: {  	s20 =	sadd.s32 $0x40, s20  }
0x30: {  	v23 =	vadd.s32 v23, v30;
	v61 =	vld [tilespmem:s20+$0xFFFFFFF0]  }
0x31: {  	v20 =	vadd.s32 v20, v29;
	v22 =	vadd.s32 v22, v28;
	v62 =	vld [tilespmem:s20+$0x0]  }
0x32: {  	v21 =	vadd.s32 v21, v25;
	v20 =	vshll.u32 v20, $0x9;
	v63 =	vld [tilespmem:s20+$0x10]  }
0x33: {  	v60 =	vld [tilespmem:s20+$0xFFFFFFE0];
	v20 =	vadd.s32 v27, v20  }
0x34: {  	[tilespmem:v26+s12+$0x0] =	vst.idx.msk $0xffff, v24  }
0x35: {  	[tilespmem:v23+s12+$0x0] =	vst.idx.msk $0xffff, v61  }
0x36: {  	[tilespmem:v22+s12+$0x0] =	vst.idx.msk $0xffff, v62  }
0x37: {  	[tilespmem:v21+s12+$0x0] =	vst.idx.msk $0xffff, v63  }
0x38: {  	[tilespmem:v20+s12+$0x0] =	vst.idx.msk $0xffff, v60  }
0x39: {  	[tilespmem:s14], [sflag:$0x1] =	stream.indirect.gather [hbm4b:s4+s13], $0x20, s12, s13, $0xb8;
	[tilespmem:$0x1CA00] =	vst v63  }
0x3a: {  	s21 =	simm.s32 $0x0;
	s20 =	simm.s32 $0x0  }
0x3b: {  	[tilespmem:s16], [sflag:$0x2] =	stream.indirect.gather [hbm4b:s4+s13], $0x20, s15, s13, $0xb8;
	[tilespmem:$0x1CA00] =	vst v63  }
.LBB2_4:
0x3c: {  	s23 =	sand.u32 $0x1, s21  }
0x3d: {  	s24 =	sadd.s32 $0x1, s23  }
0x3e: {  	_ =	swait.ge [sflag:s24], $0x4000  }
0x3f: {  	p0 =	slt.u32 s21, $0x2;
	[sflag:s24] =	ssyncset.done $0x0  }
0x40: {  	s22 =	sadd.s32 @!p0 $0x3, s23;
	[sflag:s24] =	ssyncadd.s32 $0xFFFFC000  }
0x41: {  	_ =	swait.ge @!p0 [sflag:s22], $0x400  }
0x42: {  	[sflag:s22] =	ssyncset.done @!p0 $0x0  }
0x43: {  	[sflag:s22] =	ssyncadd.s32 @!p0 $0xFFFFFC00  }
0x44: {  	_ =	swait.ge @!p0 [sflag:s22], $0x400  }
0x45: {  	[sflag:s22] =	ssyncset.done @!p0 $0x0  }
0x46: {  	[sflag:s22] =	ssyncadd.s32 @!p0 $0xFFFFFC00  }
0x47: {  	_ =	swait.ge @!p0 [sflag:s22], $0x400  }
0x48: {  	[sflag:s22] =	ssyncset.done @!p0 $0x0  }
0x49: {  	[sflag:s22] =	ssyncadd.s32 @!p0 $0xFFFFFC00  }
0x4a: {  	_ =	swait.ge @!p0 [sflag:s22], $0x400  }
0x4b: {  	[sflag:s22] =	ssyncset.done @!p0 $0x0  }
0x4c: {  	[sflag:s22] =	ssyncadd.s32 @!p0 $0xFFFFFC00  }
0x4d: {  	_ =	swait.ge @!p0 [sflag:s22], $0x400  }
0x4e: {  	[sflag:s22] =	ssyncset.done @!p0 $0x0  }
0x4f: {  	[sflag:s22] =	ssyncadd.s32 @!p0 $0xFFFFFC00  }
0x50: {  	_ =	swait.ge @!p0 [sflag:s22], $0x400  }
0x51: {  	[sflag:s22] =	ssyncset.done @!p0 $0x0  }
0x52: {  	[sflag:s22] =	ssyncadd.s32 @!p0 $0xFFFFFC00  }
0x53: {  	_ =	swait.ge @!p0 [sflag:s22], $0x400  }
0x54: {  	[sflag:s22] =	ssyncset.done @!p0 $0x0  }
0x55: {  	[sflag:s22] =	ssyncadd.s32 @!p0 $0xFFFFFC00  }
0x56: {  	_ =	swait.ge @!p0 [sflag:s22], $0x400  }
0x57: {  	[sflag:s22] =	ssyncset.done @!p0 $0x0  }
0x58: {  	[sflag:s22] =	ssyncadd.s32 @!p0 $0xFFFFFC00  }
0x59: {  	_ =	swait.ge @!p0 [sflag:s22], $0x400  }
0x5a: {  	[sflag:s22] =	ssyncset.done @!p0 $0x0  }
0x5b: {  	[sflag:s22] =	ssyncadd.s32 @!p0 $0xFFFFFC00  }
0x5c: {  	_ =	swait.ge @!p0 [sflag:s22], $0x400  }
0x5d: {  	[sflag:s22] =	ssyncset.done @!p0 $0x0  }
0x5e: {  	[sflag:s22] =	ssyncadd.s32 @!p0 $0xFFFFFC00  }
0x5f: {  	_ =	swait.ge @!p0 [sflag:s22], $0x400  }
0x60: {  	[sflag:s22] =	ssyncset.done @!p0 $0x0  }
0x61: {  	[sflag:s22] =	ssyncadd.s32 @!p0 $0xFFFFFC00  }
0x62: {  	_ =	swait.ge @!p0 [sflag:s22], $0x400  }
0x63: {  	[sflag:s22] =	ssyncset.done @!p0 $0x0  }
0x64: {  	[sflag:s22] =	ssyncadd.s32 @!p0 $0xFFFFFC00  }
0x65: {  	_ =	swait.ge @!p0 [sflag:s22], $0x400  }
0x66: {  	s25 =	simm.s32 $0x1;
	s26 =	simm.s32 $0x2;
	[sflag:s22] =	ssyncset.done @!p0 $0x0  }
0x67: {  	v20 =	vmov s20;
	s28 =	simm.s32 $0x3;
	s31 =	simm.s32 $0x4;
	v46 =	vadd.s32 s20, v5;
	v23 =	vmov s25;
	[sflag:s22] =	ssyncadd.s32 @!p0 $0xFFFFFC00  }
0x68: {  	s1 =	simm.s32 $0x5;
	s29 =	simm.s32 $0x6;
	v28 =	vmov s26;
	v21 =	vmov s28;
	v31 =	vmov s31;
	_ =	swait.ge @!p0 [sflag:s22], $0x400  }
0x69: {  	v24 =	vmov s1;
	s26 =	simm.s32 $0x7;
	v36 =	vmov s29;
	v20 =	vshll.u32 v20, $0x5;
	[sflag:s22] =	ssyncset.done @!p0 $0x0  }
0x6a: {  	v22 =	vshll.u32 v28, $0x5;
	v25 =	vshll.u32 v23, $0x5;
	v26 =	vmov s26;
	[sflag:s22] =	ssyncadd.s32 @!p0 $0xFFFFFC00  }
0x6b: {  	v30 =	vshll.u32 v24, $0x5;
	v32 =	vor.u32 v4, v22;
	v27 =	vshll.u32 v26, $0x5;
	_ =	swait.ge @!p0 [sflag:s22], $0x400  }
0x6c: {  	v35 =	vor.u32 v0, v22;
	v22 =	vshll.u32 v21, $0x5;
	v33 =	vor.u32 v0, v27;
	[sflag:s22] =	ssyncset.done @!p0 $0x0  }
0x6d: {  	v39 =	vshll.u32 v36, $0x5;
	v34 =	vshll.u32 v31, $0x5;
	v37 =	vor.u32 v0, v22;
	[sflag:s22] =	ssyncadd.s32 @!p0 $0xFFFFFC00  }
0x6e: {  	v51 =	vand.u32 $0x1F8, v21;
	v38 =	vor.u32 v4, v30;
	v30 =	vor.u32 v0, v30;
	_ =	swait.ge @!p0 [sflag:s22], $0x400  }
0x6f: {  	s30 =	sshll.u32 s23, $0xE;
	v42 =	vand.u32 $0x1F8, v24;
	v28 =	vand.u32 $0x1F8, v28;
	v41 =	vand.u32 $0x1F8, v36;
	[sflag:s22] =	ssyncset.done @!p0 $0x0  }
0x70: {  	s25 =	sadd.s32 $0xC800, s30;
	v45 =	vand.u32 $0x1F8, v23;
	v23 =	vand.u32 $0x1F8, v31;
	v29 =	vor.u32 v0, v25;
	[sflag:s22] =	ssyncadd.s32 @!p0 $0xFFFFFC00  }
0x71: {  	v40 =	vor.u32 v4, v25;
	v25 =	vor.u32 v0, v34;
	v50 =	vand.u32 $0x1F8, v26;
	v24 =	vld.idx.msk [tilespmem:v33+s25+$0x0], $0xffff  }
0x72: {  	v21 =	vor.u32 v0, v20;
	v52 =	vor.u32 v4, v39;
	v54 =	vadd.s32 v14, v42;
	v33 =	vld.idx.msk [tilespmem:v37+s25+$0x0], $0xffff  }
0x73: {  	v43 =	vadd.s32 v8, v28;
	v49 =	vadd.s32 v15, v42;
	v42 =	vadd.s32 v9, v28;
	v53 =	vld.idx.msk [tilespmem:v30+s25+$0x0], $0xffff  }
0x74: {  	s31 =	smul.u32 $0x10400, s23;
	v31 =	vadd.s32 v13, v23;
	v26 =	vor.u32 v4, v22;
	v22 =	vor.u32 v4, v27;
	v44 =	vld.idx.msk [tilespmem:v38+s25+$0x0], $0xffff  }
0x75: {  	v27 =	vor.u32 v4, v34;
	v34 =	vor.u32 v4, v20;
	v36 =	vadd.s32 v18, v50;
	v48 =	vld.idx.msk [tilespmem:v35+s25+$0x0], $0xffff  }
0x76: {  	v20 =	vadd.s32 s20, v1;
	s22 =	sshrl.u32 s31, $0x2;
	v37 =	vadd.s32 v10, v51;
	v30 =	vor.u32 v0, v39;
	v28 =	vld.idx.msk [tilespmem:v40+s25+$0x0], $0xffff  }
0x77: {  	v40 =	vadd.s32 v6, v45;
	s26 =	sadd.s32 $0x14800, s22;
	v39 =	vadd.s32 v12, v23;
	v47 =	vld.idx.msk [tilespmem:v32+s25+$0x0], $0xffff;
	v38 =	vadd.s32 v11, v51  }
0x78: {  	s28 =	simm.s32 $0x8;
	v35 =	vadd.s32 v19, v50;
	v23 =	vld.idx.msk [tilespmem:v52+s25+$0x0], $0xffff;
	v32 =	vadd.s32 v16, v41;
	[tilespmem:v54+s26+$0x0] =	vst.idx.msk $0xffff, v53  }
.LBB2_5:
0x79: {  	s30 =	sadd.s32 $0x1, s28;
	v51 =	vld.idx.msk [tilespmem:v29+s25+$0x0], $0xffff  }
0x7a: {  	v50 =	vmov s28;
	s31 =	sadd.s32 $0x2, s28;
	s1 =	sadd.s32 $0x3, s28;
	v45 =	vadd.s32 v7, v45;
	[tilespmem:v49+s26+$0x0] =	vst.idx.msk $0xffff, v44;
	v52 =	vadd.s32 v17, v41;
	v53 =	vmovc v46;
	s29 =	smov.u32 s28  }
0x7b: {  	v46 =	vmov s30;
	v41 =	vmov s31;
	v44 =	vmov s1;
	s1 =	sadd.s32 $0x4, s28;
	s30 =	sadd.s32 $0x5, s28;
	s31 =	sadd.s32 $0x6, s28;
	v54 =	vld.idx.msk [tilespmem:v34+s25+$0x0], $0xffff  }
0x7c: {  	p0 =	slt.u32 s28, $0x1F8;
	s28 =	sadd.s32 $0x8, s28;
	v29 =	vshll.u32 v41, $0x5;
	v49 =	vmov s1;
	v34 =	vmov s30;
	s1 =	sadd.s32 $0x7, s29;
	[tilespmem:v43+s26+$0x0] =	vst.idx.msk $0xffff, v48;
	v43 =	vld.idx.msk [tilespmem:v25+s25+$0x0], $0xffff  }
0x7d: {  	v25 =	vshll.u32 v46, $0x5;
	v55 =	vor.u32 v4, v29;
	v48 =	vmov s1;
	v56 =	vld.idx.msk [tilespmem:v26+s25+$0x0], $0xffff  }
0x7e: {  	v57 =	vor.u32 v0, v29;
	v26 =	vshll.u32 v44, $0x5;
	v58 =	vshll.u32 v48, $0x5;
	[tilespmem:v37+s26+$0x0] =	vst.idx.msk $0xffff, v33;
	v59 =	vld.idx.msk [tilespmem:v27+s25+$0x0], $0xffff  }
0x7f: {  	v27 =	vshll.u32 v34, $0x5;
	v37 =	vmov s31;
	v33 =	vor.u32 v0, v58;
	[tilespmem:v42+s26+$0x0] =	vst.idx.msk $0xffff, v47;
	v42 =	vld.idx.msk [tilespmem:v22+s25+$0x0], $0xffff  }
0x80: {  	v47 =	vor.u32 v0, v26;
	v60 =	vor.u32 v4, v27;
	v61 =	vshll.u32 v37, $0x5;
	[tilespmem:v36+s26+$0x0] =	vst.idx.msk $0xffff, v24  }
0x81: {  	v29 =	vor.u32 v0, v25;
	v24 =	vshll.u32 v49, $0x5;
	v36 =	vor.u32 v0, v27;
	v62 =	vld.idx.msk [tilespmem:v21+s25+$0x0], $0xffff  }
0x82: {  	v63 =	vor.u32 v4, v25;
	v3 =	vand.u32 $0x1F8, v48;
	v25 =	vor.u32 v0, v24;
	v48 =	vld.idx.msk [tilespmem:v30+s25+$0x0], $0xffff  }
0x83: {  	v2 =	vand.u32 $0x1F8, v44;
	v26 =	vor.u32 v4, v26;
	v22 =	vor.u32 v4, v58;
	[tilespmem:v40+s26+$0x0] =	vst.idx.msk $0xffff, v51  }
0x84: {  	v27 =	vor.u32 v4, v24;
	v30 =	vshll.u32 v50, $0x5;
	v40 =	vand.u32 $0x1F8, v34;
	v24 =	vld.idx.msk [tilespmem:v33+s25+$0x0], $0xffff;
	[tilespmem:v39+s26+$0x0] =	vst.idx.msk $0xffff, v43  }
0x85: {  	v21 =	vor.u32 v0, v30;
	v34 =	vor.u32 v4, v30;
	v33 =	vld.idx.msk [tilespmem:v47+s25+$0x0], $0xffff;
	[tilespmem:v38+s26+$0x0] =	vst.idx.msk $0xffff, v56  }
0x86: {  	v50 =	vor.u32 v4, v61;
	v38 =	vand.u32 $0x1F8, v41;
	v41 =	vand.u32 $0x1F8, v37;
	v44 =	vld.idx.msk [tilespmem:v60+s25+$0x0], $0xffff;
	[tilespmem:v35+s26+$0x0] =	vst.idx.msk $0xffff, v42  }
0x87: {  	v37 =	vadd.s32 v10, v2;
	v56 =	vadd.s32 v14, v40;
	v51 =	vld.idx.msk [tilespmem:v36+s25+$0x0], $0xffff;
	[tilespmem:v45+s26+$0x0] =	vst.idx.msk $0xffff, v28  }
0x88: {  	v30 =	vor.u32 v0, v61;
	v45 =	vand.u32 $0x1F8, v46;
	v36 =	vadd.s32 v18, v3;
	[tilespmem:v31+s26+$0x0] =	vst.idx.msk $0xffff, v59  }
.Ltmp1:
0x89: {  	v43 =	vadd.s32 v8, v38;
	v31 =	vand.u32 $0x1F8, v49;
	v49 =	vadd.s32 v15, v40;
	[tilespmem:v32+s26+$0x0] =	vst.idx.msk $0xffff, v48;
	(pc) =	sbr.rel @p0 .LBB2_5-.Ltmp1, $4  }
0x8a: {  	v42 =	vadd.s32 v9, v38;
	v46 =	vadd.s32 s29, v5;
	v48 =	vld.idx.msk [tilespmem:v57+s25+$0x0], $0xffff;
	[tilespmem:v20+s26+$0x0] =	vst.idx.msk $0xffff, v62;
	v20 =	vadd.s32 s29, v1  }
0x8b: {  	v40 =	vadd.s32 v6, v45;
	v39 =	vadd.s32 v12, v31;
	v28 =	vld.idx.msk [tilespmem:v63+s25+$0x0], $0xffff;
	[tilespmem:v53+s26+$0x0] =	vst.idx.msk $0xffff, v54  }
0x8c: {  	v38 =	vadd.s32 v11, v2;
	v35 =	vadd.s32 v19, v3;
	v47 =	vld.idx.msk [tilespmem:v55+s25+$0x0], $0xffff;
	[tilespmem:v52+s26+$0x0] =	vst.idx.msk $0xffff, v23  }
0x8d: {  	v31 =	vadd.s32 v13, v31;
	v32 =	vadd.s32 v16, v41;
	[tilespmem:v56+s26+$0x0] =	vst.idx.msk $0xffff, v51;
	v23 =	vld.idx.msk [tilespmem:v50+s25+$0x0], $0xffff  }
0x8e: {  	_ =	sdelay $0x3  }
0x8f: {  	v2 =	vld.idx.msk [tilespmem:v29+s25+$0x0], $0xffff  }
0x90: {  	[tilespmem:v49+s26+$0x0] =	vst.idx.msk $0xffff, v44;
	v3 =	vld.idx.msk [tilespmem:v25+s25+$0x0], $0xffff  }
0x91: {  	v59 =	vld.idx.msk [tilespmem:v26+s25+$0x0], $0xffff;
	[tilespmem:v37+s26+$0x0] =	vst.idx.msk $0xffff, v33  }
0x92: {  	v22 =	vld.idx.msk [tilespmem:v22+s25+$0x0], $0xffff;
	[tilespmem:v36+s26+$0x0] =	vst.idx.msk $0xffff, v24  }
0x93: {  	[tilespmem:v43+s26+$0x0] =	vst.idx.msk $0xffff, v48  }
0x94: {  	v60 =	vadd.s32 v7, v45;
	[tilespmem:v42+s26+$0x0] =	vst.idx.msk $0xffff, v47  }
0x95: {  	v61 =	vld.idx.msk [tilespmem:v27+s25+$0x0], $0xffff;
	[tilespmem:v40+s26+$0x0] =	vst.idx.msk $0xffff, v2  }
0x96: {  	v2 =	vld.idx.msk [tilespmem:v30+s25+$0x0], $0xffff;
	[tilespmem:v39+s26+$0x0] =	vst.idx.msk $0xffff, v3  }
0x97: {  	v3 =	vld.idx.msk [tilespmem:v21+s25+$0x0], $0xffff;
	[tilespmem:v38+s26+$0x0] =	vst.idx.msk $0xffff, v59  }
0x98: {  	v62 =	vld.idx.msk [tilespmem:v34+s25+$0x0], $0xffff;
	[tilespmem:v35+s26+$0x0] =	vst.idx.msk $0xffff, v22  }
0x99: {  	v63 =	vadd.s32 v17, v41;
	[tilespmem:v60+s26+$0x0] =	vst.idx.msk $0xffff, v28  }
0x9a: {  	[tilespmem:v31+s26+$0x0] =	vst.idx.msk $0xffff, v61  }
0x9b: {  	p0 =	sgt.u32 s21, $0x2F;
	[tilespmem:v32+s26+$0x0] =	vst.idx.msk $0xffff, v2  }
0x9c: {  	s1 =	sshll.u32 @!p0 s21, $0x9;
	[tilespmem:v20+s26+$0x0] =	vst.idx.msk $0xffff, v3  }
0x9d: {  	s1 =	sand.u32 @!p0 $0x3FFFFE00, s1;
	[tilespmem:v46+s26+$0x0] =	vst.idx.msk $0xffff, v62  }
0x9e: {  	s28 =	simm.s32 @!p0 $0x200;
	s1 =	sadd.s32 @!p0 $0x6800, s1;
	[tilespmem:v63+s26+$0x0] =	vst.idx.msk $0xffff, v23  }
0x9f: {  	[tilespmem:s25], [sflag:s24] =	stream.indirect.gather @!p0 [hbm4b:s4+s28], $0x20, s1, s28, $0xb8;
	[tilespmem:$0x1CA00] =	vst v63  }
0xa0: {  	s25 =	sshll.u32 s21, $0x10  }
0xa1: {  	s24 =	sadd.s32 s2, s25  }
0xa2: {  	s23 =	sadd.s32 $0x3, s23;
	s1 =	sadd.s32 s5, s24  }
0xa3: {  	[hbm4b:s1+s3] =	stream.linear.scatter [tilespmem:s26], [sflag:s23], $0x80, $0x38;
	[tilespmem:$0x1CA00] =	vst v63  }
0xa4: {  	s28 =	sadd.s32 $0x14A08, s22;
	s29 =	sadd.s32 $0x10, s1  }
0xa5: {  	[hbm4b:s29+s3] =	stream.linear.scatter [tilespmem:s28], [sflag:s23], $0x80, $0x38;
	[tilespmem:$0x1CA00] =	vst v63  }
0xa6: {  	s30 =	sadd.s32 $0x14C10, s22;
	s31 =	sadd.s32 $0x20, s1  }
0xa7: {  	[hbm4b:s31+s3] =	stream.linear.scatter [tilespmem:s30], [sflag:s23], $0x80, $0x38;
	[tilespmem:$0x1CA00] =	vst v63  }
0xa8: {  	s28 =	sadd.s32 $0x14E18, s22;
	s29 =	sadd.s32 $0x30, s1  }
0xa9: {  	[hbm4b:s29+s3] =	stream.linear.scatter [tilespmem:s28], [sflag:s23], $0x80, $0x38;
	[tilespmem:$0x1CA00] =	vst v63  }
0xaa: {  	s30 =	sadd.s32 $0x15020, s22;
	s31 =	sadd.s32 $0x40, s1  }
0xab: {  	[hbm4b:s31+s3] =	stream.linear.scatter [tilespmem:s30], [sflag:s23], $0x80, $0x38;
	[tilespmem:$0x1CA00] =	vst v63  }
0xac: {  	s26 =	sadd.s32 $0x15228, s22;
	s28 =	sadd.s32 $0x50, s1  }
0xad: {  	[hbm4b:s28+s3] =	stream.linear.scatter [tilespmem:s26], [sflag:s23], $0x80, $0x38;
	[tilespmem:$0x1CA00] =	vst v63  }
0xae: {  	s29 =	sadd.s32 $0x15430, s22;
	s30 =	sadd.s32 $0x60, s1  }
0xaf: {  	[hbm4b:s30+s3] =	stream.linear.scatter [tilespmem:s29], [sflag:s23], $0x80, $0x38;
	[tilespmem:$0x1CA00] =	vst v63  }
0xb0: {  	s31 =	sadd.s32 $0x15638, s22;
	s1 =	sadd.s32 $0x70, s1  }
0xb1: {  	[hbm4b:s1+s3] =	stream.linear.scatter [tilespmem:s31], [sflag:s23], $0x80, $0x38;
	[tilespmem:$0x1CA00] =	vst v63  }
0xb2: {  	s26 =	sadd.s32 $0x14880, s22;
	s1 =	sadd.s32 s7, s24  }
0xb3: {  	[hbm4b:s1+s3] =	stream.linear.scatter [tilespmem:s26], [sflag:s23], $0x80, $0x38;
	[tilespmem:$0x1CA00] =	vst v63  }
0xb4: {  	s28 =	sadd.s32 $0x14A88, s22;
	s29 =	sadd.s32 $0x10, s1  }
0xb5: {  	[hbm4b:s29+s3] =	stream.linear.scatter [tilespmem:s28], [sflag:s23], $0x80, $0x38;
	[tilespmem:$0x1CA00] =	vst v63  }
0xb6: {  	s30 =	sadd.s32 $0x14C90, s22;
	s31 =	sadd.s32 $0x20, s1  }
0xb7: {  	[hbm4b:s31+s3] =	stream.linear.scatter [tilespmem:s30], [sflag:s23], $0x80, $0x38;
	[tilespmem:$0x1CA00] =	vst v63  }
0xb8: {  	s28 =	sadd.s32 $0x14E98, s22;
	s29 =	sadd.s32 $0x30, s1  }
0xb9: {  	[hbm4b:s29+s3] =	stream.linear.scatter [tilespmem:s28], [sflag:s23], $0x80, $0x38;
	[tilespmem:$0x1CA00] =	vst v63  }
0xba: {  	s30 =	sadd.s32 $0x150A0, s22;
	s31 =	sadd.s32 $0x40, s1  }
0xbb: {  	[hbm4b:s31+s3] =	stream.linear.scatter [tilespmem:s30], [sflag:s23], $0x80, $0x38;
	[tilespmem:$0x1CA00] =	vst v63  }
0xbc: {  	s26 =	sadd.s32 $0x152A8, s22;
	s28 =	sadd.s32 $0x50, s1  }
0xbd: {  	[hbm4b:s28+s3] =	stream.linear.scatter [tilespmem:s26], [sflag:s23], $0x80, $0x38;
	[tilespmem:$0x1CA00] =	vst v63  }
0xbe: {  	s29 =	sadd.s32 $0x154B0, s22;
	s30 =	sadd.s32 $0x60, s1  }
0xbf: {  	[hbm4b:s30+s3] =	stream.linear.scatter [tilespmem:s29], [sflag:s23], $0x80, $0x38;
	[tilespmem:$0x1CA00] =	vst v63  }
0xc0: {  	s31 =	sadd.s32 $0x156B8, s22;
	s1 =	sadd.s32 $0x70, s1  }
0xc1: {  	[hbm4b:s1+s3] =	stream.linear.scatter [tilespmem:s31], [sflag:s23], $0x80, $0x38;
	[tilespmem:$0x1CA00] =	vst v63  }
0xc2: {  	s26 =	sadd.s32 $0x14900, s22;
	s1 =	sadd.s32 s8, s24  }
0xc3: {  	[hbm4b:s1+s3] =	stream.linear.scatter [tilespmem:s26], [sflag:s23], $0x80, $0x38;
	[tilespmem:$0x1CA00] =	vst v63  }
0xc4: {  	s28 =	sadd.s32 $0x14B08, s22;
	s29 =	sadd.s32 $0x10, s1  }
0xc5: {  	[hbm4b:s29+s3] =	stream.linear.scatter [tilespmem:s28], [sflag:s23], $0x80, $0x38;
	[tilespmem:$0x1CA00] =	vst v63  }
0xc6: {  	s30 =	sadd.s32 $0x14D10, s22;
	s31 =	sadd.s32 $0x20, s1  }
0xc7: {  	[hbm4b:s31+s3] =	stream.linear.scatter [tilespmem:s30], [sflag:s23], $0x80, $0x38;
	[tilespmem:$0x1CA00] =	vst v63  }
0xc8: {  	s28 =	sadd.s32 $0x14F18, s22;
	s29 =	sadd.s32 $0x30, s1  }
0xc9: {  	[hbm4b:s29+s3] =	stream.linear.scatter [tilespmem:s28], [sflag:s23], $0x80, $0x38;
	[tilespmem:$0x1CA00] =	vst v63  }
0xca: {  	s30 =	sadd.s32 $0x15120, s22;
	s31 =	sadd.s32 $0x40, s1  }
0xcb: {  	[hbm4b:s31+s3] =	stream.linear.scatter [tilespmem:s30], [sflag:s23], $0x80, $0x38;
	[tilespmem:$0x1CA00] =	vst v63  }
0xcc: {  	s26 =	sadd.s32 $0x15328, s22;
	s28 =	sadd.s32 $0x50, s1  }
0xcd: {  	[hbm4b:s28+s3] =	stream.linear.scatter [tilespmem:s26], [sflag:s23], $0x80, $0x38;
	[tilespmem:$0x1CA00] =	vst v63  }
0xce: {  	s29 =	sadd.s32 $0x15530, s22;
	s30 =	sadd.s32 $0x60, s1  }
0xcf: {  	[hbm4b:s30+s3] =	stream.linear.scatter [tilespmem:s29], [sflag:s23], $0x80, $0x38;
	[tilespmem:$0x1CA00] =	vst v63  }
0xd0: {  	s31 =	sadd.s32 $0x15738, s22;
	s1 =	sadd.s32 $0x70, s1  }
0xd1: {  	[hbm4b:s1+s3] =	stream.linear.scatter [tilespmem:s31], [sflag:s23], $0x80, $0x38;
	[tilespmem:$0x1CA00] =	vst v63  }
0xd2: {  	s26 =	sadd.s32 $0x14980, s22;
	s1 =	sadd.s32 s9, s24  }
0xd3: {  	[hbm4b:s1+s3] =	stream.linear.scatter [tilespmem:s26], [sflag:s23], $0x80, $0x38;
	[tilespmem:$0x1CA00] =	vst v63  }
0xd4: {  	s28 =	sadd.s32 $0x14B88, s22;
	s29 =	sadd.s32 $0x10, s1  }
0xd5: {  	[hbm4b:s29+s3] =	stream.linear.scatter [tilespmem:s28], [sflag:s23], $0x80, $0x38;
	[tilespmem:$0x1CA00] =	vst v63  }
0xd6: {  	s30 =	sadd.s32 $0x14D90, s22;
	s31 =	sadd.s32 $0x20, s1  }
0xd7: {  	[hbm4b:s31+s3] =	stream.linear.scatter [tilespmem:s30], [sflag:s23], $0x80, $0x38;
	[tilespmem:$0x1CA00] =	vst v63  }
0xd8: {  	s28 =	sadd.s32 $0x14F98, s22;
	s29 =	sadd.s32 $0x30, s1  }
0xd9: {  	[hbm4b:s29+s3] =	stream.linear.scatter [tilespmem:s28], [sflag:s23], $0x80, $0x38;
	[tilespmem:$0x1CA00] =	vst v63  }
0xda: {  	s30 =	sadd.s32 $0x151A0, s22;
	s31 =	sadd.s32 $0x40, s1  }
0xdb: {  	[hbm4b:s31+s3] =	stream.linear.scatter [tilespmem:s30], [sflag:s23], $0x80, $0x38;
	[tilespmem:$0x1CA00] =	vst v63  }
0xdc: {  	s28 =	sadd.s32 $0x153A8, s22;
	s29 =	sadd.s32 $0x50, s1  }
0xdd: {  	[hbm4b:s29+s3] =	stream.linear.scatter [tilespmem:s28], [sflag:s23], $0x80, $0x38;
	[tilespmem:$0x1CA00] =	vst v63  }
0xde: {  	s30 =	sadd.s32 $0x155B0, s22;
	s31 =	sadd.s32 $0x60, s1  }
0xdf: {  	[hbm4b:s31+s3] =	stream.linear.scatter [tilespmem:s30], [sflag:s23], $0x80, $0x38;
	[tilespmem:$0x1CA00] =	vst v63  }
0xe0: {  	s25 =	sadd.s32 $0x4000, s24;
	s26 =	sadd.s32 $0x157B8, s22;
	s1 =	sadd.s32 $0x70, s1  }
0xe1: {  	[hbm4b:s1+s3] =	stream.linear.scatter [tilespmem:s26], [sflag:s23], $0x80, $0x38;
	[tilespmem:$0x1CA00] =	vst v63  }
0xe2: {  	s28 =	sadd.s32 $0x15840, s22;
	s1 =	sadd.s32 s5, s25  }
0xe3: {  	[hbm4b:s1+s3] =	stream.linear.scatter [tilespmem:s28], [sflag:s23], $0x80, $0x38;
	[tilespmem:$0x1CA00] =	vst v63  }
0xe4: {  	s29 =	sadd.s32 $0x15A48, s22;
	s30 =	sadd.s32 $0x10, s1  }
0xe5: {  	[hbm4b:s30+s3] =	stream.linear.scatter [tilespmem:s29], [sflag:s23], $0x80, $0x38;
	[tilespmem:$0x1CA00] =	vst v63  }
0xe6: {  	s31 =	sadd.s32 $0x15C50, s22;
	s29 =	sadd.s32 $0x20, s1  }
0xe7: {  	[hbm4b:s29+s3] =	stream.linear.scatter [tilespmem:s31], [sflag:s23], $0x80, $0x38;
	[tilespmem:$0x1CA00] =	vst v63  }
0xe8: {  	s30 =	sadd.s32 $0x15E58, s22;
	s31 =	sadd.s32 $0x30, s1  }
0xe9: {  	[hbm4b:s31+s3] =	stream.linear.scatter [tilespmem:s30], [sflag:s23], $0x80, $0x38;
	[tilespmem:$0x1CA00] =	vst v63  }
0xea: {  	s29 =	sadd.s32 $0x16060, s22;
	s30 =	sadd.s32 $0x40, s1  }
0xeb: {  	[hbm4b:s30+s3] =	stream.linear.scatter [tilespmem:s29], [sflag:s23], $0x80, $0x38;
	[tilespmem:$0x1CA00] =	vst v63  }
0xec: {  	s31 =	sadd.s32 $0x16268, s22;
	s29 =	sadd.s32 $0x50, s1  }
0xed: {  	[hbm4b:s29+s3] =	stream.linear.scatter [tilespmem:s31], [sflag:s23], $0x80, $0x38;
	[tilespmem:$0x1CA00] =	vst v63  }
0xee: {  	s30 =	sadd.s32 $0x16470, s22;
	s31 =	sadd.s32 $0x60, s1  }
0xef: {  	[hbm4b:s31+s3] =	stream.linear.scatter [tilespmem:s30], [sflag:s23], $0x80, $0x38;
	[tilespmem:$0x1CA00] =	vst v63  }
0xf0: {  	s29 =	sadd.s32 $0x16678, s22;
	s1 =	sadd.s32 $0x70, s1  }
0xf1: {  	[hbm4b:s1+s3] =	stream.linear.scatter [tilespmem:s29], [sflag:s23], $0x80, $0x38;
	[tilespmem:$0x1CA00] =	vst v63  }
0xf2: {  	s30 =	sadd.s32 $0x158C0, s22;
	s1 =	sadd.s32 s7, s25  }
0xf3: {  	[hbm4b:s1+s3] =	stream.linear.scatter [tilespmem:s30], [sflag:s23], $0x80, $0x38;
	[tilespmem:$0x1CA00] =	vst v63  }
0xf4: {  	s31 =	sadd.s32 $0x15AC8, s22;
	s29 =	sadd.s32 $0x10, s1  }
0xf5: {  	[hbm4b:s29+s3] =	stream.linear.scatter [tilespmem:s31], [sflag:s23], $0x80, $0x38;
	[tilespmem:$0x1CA00] =	vst v63  }
0xf6: {  	s30 =	sadd.s32 $0x15CD0, s22;
	s31 =	sadd.s32 $0x20, s1  }
0xf7: {  	[hbm4b:s31+s3] =	stream.linear.scatter [tilespmem:s30], [sflag:s23], $0x80, $0x38;
	[tilespmem:$0x1CA00] =	vst v63  }
0xf8: {  	s29 =	sadd.s32 $0x15ED8, s22;
	s30 =	sadd.s32 $0x30, s1  }
0xf9: {  	[hbm4b:s30+s3] =	stream.linear.scatter [tilespmem:s29], [sflag:s23], $0x80, $0x38;
	[tilespmem:$0x1CA00] =	vst v63  }
0xfa: {  	s31 =	sadd.s32 $0x160E0, s22;
	s29 =	sadd.s32 $0x40, s1  }
0xfb: {  	[hbm4b:s29+s3] =	stream.linear.scatter [tilespmem:s31], [sflag:s23], $0x80, $0x38;
	[tilespmem:$0x1CA00] =	vst v63  }
0xfc: {  	s30 =	sadd.s32 $0x162E8, s22;
	s31 =	sadd.s32 $0x50, s1  }
0xfd: {  	[hbm4b:s31+s3] =	stream.linear.scatter [tilespmem:s30], [sflag:s23], $0x80, $0x38;
	[tilespmem:$0x1CA00] =	vst v63  }
0xfe: {  	s29 =	sadd.s32 $0x164F0, s22;
	s30 =	sadd.s32 $0x60, s1  }
0xff: {  	[hbm4b:s30+s3] =	stream.linear.scatter [tilespmem:s29], [sflag:s23], $0x80, $0x38;
	[tilespmem:$0x1CA00] =	vst v63  }
0x100: {  	s31 =	sadd.s32 $0x166F8, s22;
	s1 =	sadd.s32 $0x70, s1  }
0x101: {  	[hbm4b:s1+s3] =	stream.linear.scatter [tilespmem:s31], [sflag:s23], $0x80, $0x38;
	[tilespmem:$0x1CA00] =	vst v63  }
0x102: {  	s28 =	sadd.s32 $0x15940, s22;
	s1 =	sadd.s32 s8, s25  }
0x103: {  	[hbm4b:s1+s3] =	stream.linear.scatter [tilespmem:s28], [sflag:s23], $0x80, $0x38;
	[tilespmem:$0x1CA00] =	vst v63  }
0x104: {  	s29 =	sadd.s32 $0x15B48, s22;
	s30 =	sadd.s32 $0x10, s1  }
0x105: {  	[hbm4b:s30+s3] =	stream.linear.scatter [tilespmem:s29], [sflag:s23], $0x80, $0x38;
	[tilespmem:$0x1CA00] =	vst v63  }
0x106: {  	s31 =	sadd.s32 $0x15D50, s22;
	s29 =	sadd.s32 $0x20, s1  }
0x107: {  	[hbm4b:s29+s3] =	stream.linear.scatter [tilespmem:s31], [sflag:s23], $0x80, $0x38;
	[tilespmem:$0x1CA00] =	vst v63  }
0x108: {  	s30 =	sadd.s32 $0x15F58, s22;
	s31 =	sadd.s32 $0x30, s1  }
0x109: {  	[hbm4b:s31+s3] =	stream.linear.scatter [tilespmem:s30], [sflag:s23], $0x80, $0x38;
	[tilespmem:$0x1CA00] =	vst v63  }
0x10a: {  	s29 =	sadd.s32 $0x16160, s22;
	s30 =	sadd.s32 $0x40, s1  }
0x10b: {  	[hbm4b:s30+s3] =	stream.linear.scatter [tilespmem:s29], [sflag:s23], $0x80, $0x38;
	[tilespmem:$0x1CA00] =	vst v63  }
0x10c: {  	s31 =	sadd.s32 $0x16368, s22;
	s29 =	sadd.s32 $0x50, s1  }
0x10d: {  	[hbm4b:s29+s3] =	stream.linear.scatter [tilespmem:s31], [sflag:s23], $0x80, $0x38;
	[tilespmem:$0x1CA00] =	vst v63  }
0x10e: {  	s30 =	sadd.s32 $0x16570, s22;
	s31 =	sadd.s32 $0x60, s1  }
0x10f: {  	[hbm4b:s31+s3] =	stream.linear.scatter [tilespmem:s30], [sflag:s23], $0x80, $0x38;
	[tilespmem:$0x1CA00] =	vst v63  }
0x110: {  	s28 =	sadd.s32 $0x16778, s22;
	s1 =	sadd.s32 $0x70, s1  }
0x111: {  	[hbm4b:s1+s3] =	stream.linear.scatter [tilespmem:s28], [sflag:s23], $0x80, $0x38;
	[tilespmem:$0x1CA00] =	vst v63  }
0x112: {  	s29 =	sadd.s32 $0x159C0, s22;
	s1 =	sadd.s32 s9, s25  }
0x113: {  	[hbm4b:s1+s3] =	stream.linear.scatter [tilespmem:s29], [sflag:s23], $0x80, $0x38;
	[tilespmem:$0x1CA00] =	vst v63  }
0x114: {  	s30 =	sadd.s32 $0x15BC8, s22;
	s31 =	sadd.s32 $0x10, s1  }
0x115: {  	[hbm4b:s31+s3] =	stream.linear.scatter [tilespmem:s30], [sflag:s23], $0x80, $0x38;
	[tilespmem:$0x1CA00] =	vst v63  }
0x116: {  	s28 =	sadd.s32 $0x15DD0, s22;
	s29 =	sadd.s32 $0x20, s1  }
0x117: {  	[hbm4b:s29+s3] =	stream.linear.scatter [tilespmem:s28], [sflag:s23], $0x80, $0x38;
	[tilespmem:$0x1CA00] =	vst v63  }
0x118: {  	s30 =	sadd.s32 $0x15FD8, s22;
	s31 =	sadd.s32 $0x30, s1  }
0x119: {  	[hbm4b:s31+s3] =	stream.linear.scatter [tilespmem:s30], [sflag:s23], $0x80, $0x38;
	[tilespmem:$0x1CA00] =	vst v63  }
0x11a: {  	s28 =	sadd.s32 $0x161E0, s22;
	s29 =	sadd.s32 $0x40, s1  }
0x11b: {  	[hbm4b:s29+s3] =	stream.linear.scatter [tilespmem:s28], [sflag:s23], $0x80, $0x38;
	[tilespmem:$0x1CA00] =	vst v63  }
0x11c: {  	s30 =	sadd.s32 $0x163E8, s22;
	s31 =	sadd.s32 $0x50, s1  }
0x11d: {  	[hbm4b:s31+s3] =	stream.linear.scatter [tilespmem:s30], [sflag:s23], $0x80, $0x38;
	[tilespmem:$0x1CA00] =	vst v63  }
0x11e: {  	s26 =	sadd.s32 $0x165F0, s22;
	s28 =	sadd.s32 $0x60, s1  }
0x11f: {  	[hbm4b:s28+s3] =	stream.linear.scatter [tilespmem:s26], [sflag:s23], $0x80, $0x38;
	[tilespmem:$0x1CA00] =	vst v63  }
0x120: {  	s25 =	sadd.s32 $0x8000, s24;
	s29 =	sadd.s32 $0x167F8, s22;
	s1 =	sadd.s32 $0x70, s1  }
0x121: {  	[hbm4b:s1+s3] =	stream.linear.scatter [tilespmem:s29], [sflag:s23], $0x80, $0x38;
	[tilespmem:$0x1CA00] =	vst v63  }
0x122: {  	s30 =	sadd.s32 $0x16880, s22;
	s1 =	sadd.s32 s5, s25  }
0x123: {  	[hbm4b:s1+s3] =	stream.linear.scatter [tilespmem:s30], [sflag:s23], $0x80, $0x38;
	[tilespmem:$0x1CA00] =	vst v63  }
0x124: {  	s31 =	sadd.s32 $0x16A88, s22;
	s29 =	sadd.s32 $0x10, s1  }
0x125: {  	[hbm4b:s29+s3] =	stream.linear.scatter [tilespmem:s31], [sflag:s23], $0x80, $0x38;
	[tilespmem:$0x1CA00] =	vst v63  }
0x126: {  	s30 =	sadd.s32 $0x16C90, s22;
	s31 =	sadd.s32 $0x20, s1  }
0x127: {  	[hbm4b:s31+s3] =	stream.linear.scatter [tilespmem:s30], [sflag:s23], $0x80, $0x38;
	[tilespmem:$0x1CA00] =	vst v63  }
0x128: {  	s29 =	sadd.s32 $0x16E98, s22;
	s30 =	sadd.s32 $0x30, s1  }
0x129: {  	[hbm4b:s30+s3] =	stream.linear.scatter [tilespmem:s29], [sflag:s23], $0x80, $0x38;
	[tilespmem:$0x1CA00] =	vst v63  }
0x12a: {  	s31 =	sadd.s32 $0x170A0, s22;
	s29 =	sadd.s32 $0x40, s1  }
0x12b: {  	[hbm4b:s29+s3] =	stream.linear.scatter [tilespmem:s31], [sflag:s23], $0x80, $0x38;
	[tilespmem:$0x1CA00] =	vst v63  }
0x12c: {  	s30 =	sadd.s32 $0x172A8, s22;
	s31 =	sadd.s32 $0x50, s1  }
0x12d: {  	[hbm4b:s31+s3] =	stream.linear.scatter [tilespmem:s30], [sflag:s23], $0x80, $0x38;
	[tilespmem:$0x1CA00] =	vst v63  }
0x12e: {  	s29 =	sadd.s32 $0x174B0, s22;
	s30 =	sadd.s32 $0x60, s1  }
0x12f: {  	[hbm4b:s30+s3] =	stream.linear.scatter [tilespmem:s29], [sflag:s23], $0x80, $0x38;
	[tilespmem:$0x1CA00] =	vst v63  }
0x130: {  	s31 =	sadd.s32 $0x176B8, s22;
	s1 =	sadd.s32 $0x70, s1  }
0x131: {  	[hbm4b:s1+s3] =	stream.linear.scatter [tilespmem:s31], [sflag:s23], $0x80, $0x38;
	[tilespmem:$0x1CA00] =	vst v63  }
0x132: {  	s28 =	sadd.s32 $0x16900, s22;
	s1 =	sadd.s32 s7, s25  }
0x133: {  	[hbm4b:s1+s3] =	stream.linear.scatter [tilespmem:s28], [sflag:s23], $0x80, $0x38;
	[tilespmem:$0x1CA00] =	vst v63  }
0x134: {  	s29 =	sadd.s32 $0x16B08, s22;
	s30 =	sadd.s32 $0x10, s1  }
0x135: {  	[hbm4b:s30+s3] =	stream.linear.scatter [tilespmem:s29], [sflag:s23], $0x80, $0x38;
	[tilespmem:$0x1CA00] =	vst v63  }
0x136: {  	s31 =	sadd.s32 $0x16D10, s22;
	s29 =	sadd.s32 $0x20, s1  }
0x137: {  	[hbm4b:s29+s3] =	stream.linear.scatter [tilespmem:s31], [sflag:s23], $0x80, $0x38;
	[tilespmem:$0x1CA00] =	vst v63  }
0x138: {  	s30 =	sadd.s32 $0x16F18, s22;
	s31 =	sadd.s32 $0x30, s1  }
0x139: {  	[hbm4b:s31+s3] =	stream.linear.scatter [tilespmem:s30], [sflag:s23], $0x80, $0x38;
	[tilespmem:$0x1CA00] =	vst v63  }
0x13a: {  	s29 =	sadd.s32 $0x17120, s22;
	s30 =	sadd.s32 $0x40, s1  }
0x13b: {  	[hbm4b:s30+s3] =	stream.linear.scatter [tilespmem:s29], [sflag:s23], $0x80, $0x38;
	[tilespmem:$0x1CA00] =	vst v63  }
0x13c: {  	s31 =	sadd.s32 $0x17328, s22;
	s29 =	sadd.s32 $0x50, s1  }
0x13d: {  	[hbm4b:s29+s3] =	stream.linear.scatter [tilespmem:s31], [sflag:s23], $0x80, $0x38;
	[tilespmem:$0x1CA00] =	vst v63  }
0x13e: {  	s30 =	sadd.s32 $0x17530, s22;
	s31 =	sadd.s32 $0x60, s1  }
0x13f: {  	[hbm4b:s31+s3] =	stream.linear.scatter [tilespmem:s30], [sflag:s23], $0x80, $0x38;
	[tilespmem:$0x1CA00] =	vst v63  }
0x140: {  	s29 =	sadd.s32 $0x17738, s22;
	s1 =	sadd.s32 $0x70, s1  }
0x141: {  	[hbm4b:s1+s3] =	stream.linear.scatter [tilespmem:s29], [sflag:s23], $0x80, $0x38;
	[tilespmem:$0x1CA00] =	vst v63  }
0x142: {  	s30 =	sadd.s32 $0x16980, s22;
	s1 =	sadd.s32 s8, s25  }
0x143: {  	[hbm4b:s1+s3] =	stream.linear.scatter [tilespmem:s30], [sflag:s23], $0x80, $0x38;
	[tilespmem:$0x1CA00] =	vst v63  }
0x144: {  	s31 =	sadd.s32 $0x16B88, s22;
	s29 =	sadd.s32 $0x10, s1  }
0x145: {  	[hbm4b:s29+s3] =	stream.linear.scatter [tilespmem:s31], [sflag:s23], $0x80, $0x38;
	[tilespmem:$0x1CA00] =	vst v63  }
0x146: {  	s30 =	sadd.s32 $0x16D90, s22;
	s31 =	sadd.s32 $0x20, s1  }
0x147: {  	[hbm4b:s31+s3] =	stream.linear.scatter [tilespmem:s30], [sflag:s23], $0x80, $0x38;
	[tilespmem:$0x1CA00] =	vst v63  }
0x148: {  	s29 =	sadd.s32 $0x16F98, s22;
	s30 =	sadd.s32 $0x30, s1  }
0x149: {  	[hbm4b:s30+s3] =	stream.linear.scatter [tilespmem:s29], [sflag:s23], $0x80, $0x38;
	[tilespmem:$0x1CA00] =	vst v63  }
0x14a: {  	s31 =	sadd.s32 $0x171A0, s22;
	s29 =	sadd.s32 $0x40, s1  }
0x14b: {  	[hbm4b:s29+s3] =	stream.linear.scatter [tilespmem:s31], [sflag:s23], $0x80, $0x38;
	[tilespmem:$0x1CA00] =	vst v63  }
0x14c: {  	s30 =	sadd.s32 $0x173A8, s22;
	s31 =	sadd.s32 $0x50, s1  }
0x14d: {  	[hbm4b:s31+s3] =	stream.linear.scatter [tilespmem:s30], [sflag:s23], $0x80, $0x38;
	[tilespmem:$0x1CA00] =	vst v63  }
0x14e: {  	s29 =	sadd.s32 $0x175B0, s22;
	s30 =	sadd.s32 $0x60, s1  }
0x14f: {  	[hbm4b:s30+s3] =	stream.linear.scatter [tilespmem:s29], [sflag:s23], $0x80, $0x38;
	[tilespmem:$0x1CA00] =	vst v63  }
0x150: {  	s31 =	sadd.s32 $0x177B8, s22;
	s1 =	sadd.s32 $0x70, s1  }
0x151: {  	[hbm4b:s1+s3] =	stream.linear.scatter [tilespmem:s31], [sflag:s23], $0x80, $0x38;
	[tilespmem:$0x1CA00] =	vst v63  }
0x152: {  	s26 =	sadd.s32 $0x16A00, s22;
	s1 =	sadd.s32 s9, s25  }
0x153: {  	[hbm4b:s1+s3] =	stream.linear.scatter [tilespmem:s26], [sflag:s23], $0x80, $0x38;
	[tilespmem:$0x1CA00] =	vst v63  }
0x154: {  	s28 =	sadd.s32 $0x16C08, s22;
	s29 =	sadd.s32 $0x10, s1  }
0x155: {  	[hbm4b:s29+s3] =	stream.linear.scatter [tilespmem:s28], [sflag:s23], $0x80, $0x38;
	[tilespmem:$0x1CA00] =	vst v63  }
0x156: {  	s30 =	sadd.s32 $0x16E10, s22;
	s31 =	sadd.s32 $0x20, s1  }
0x157: {  	[hbm4b:s31+s3] =	stream.linear.scatter [tilespmem:s30], [sflag:s23], $0x80, $0x38;
	[tilespmem:$0x1CA00] =	vst v63  }
0x158: {  	s28 =	sadd.s32 $0x17018, s22;
	s29 =	sadd.s32 $0x30, s1  }
0x159: {  	[hbm4b:s29+s3] =	stream.linear.scatter [tilespmem:s28], [sflag:s23], $0x80, $0x38;
	[tilespmem:$0x1CA00] =	vst v63  }
0x15a: {  	s30 =	sadd.s32 $0x17220, s22;
	s31 =	sadd.s32 $0x40, s1  }
0x15b: {  	[hbm4b:s31+s3] =	stream.linear.scatter [tilespmem:s30], [sflag:s23], $0x80, $0x38;
	[tilespmem:$0x1CA00] =	vst v63  }
0x15c: {  	s26 =	sadd.s32 $0x17428, s22;
	s28 =	sadd.s32 $0x50, s1  }
0x15d: {  	[hbm4b:s28+s3] =	stream.linear.scatter [tilespmem:s26], [sflag:s23], $0x80, $0x38;
	[tilespmem:$0x1CA00] =	vst v63  }
0x15e: {  	s29 =	sadd.s32 $0x17630, s22;
	s30 =	sadd.s32 $0x60, s1  }
0x15f: {  	[hbm4b:s30+s3] =	stream.linear.scatter [tilespmem:s29], [sflag:s23], $0x80, $0x38;
	[tilespmem:$0x1CA00] =	vst v63  }
0x160: {  	s24 =	sadd.s32 $0xC000, s24;
	s31 =	sadd.s32 $0x17838, s22;
	s1 =	sadd.s32 $0x70, s1  }
0x161: {  	[hbm4b:s1+s3] =	stream.linear.scatter [tilespmem:s31], [sflag:s23], $0x80, $0x38;
	[tilespmem:$0x1CA00] =	vst v63  }
0x162: {  	s26 =	sadd.s32 $0x178C0, s22;
	s1 =	sadd.s32 s5, s24  }
0x163: {  	[hbm4b:s1+s3] =	stream.linear.scatter [tilespmem:s26], [sflag:s23], $0x80, $0x38;
	[tilespmem:$0x1CA00] =	vst v63  }
0x164: {  	s28 =	sadd.s32 $0x17AC8, s22;
	s29 =	sadd.s32 $0x10, s1  }
0x165: {  	[hbm4b:s29+s3] =	stream.linear.scatter [tilespmem:s28], [sflag:s23], $0x80, $0x38;
	[tilespmem:$0x1CA00] =	vst v63  }
0x166: {  	s30 =	sadd.s32 $0x17CD0, s22;
	s31 =	sadd.s32 $0x20, s1  }
0x167: {  	[hbm4b:s31+s3] =	stream.linear.scatter [tilespmem:s30], [sflag:s23], $0x80, $0x38;
	[tilespmem:$0x1CA00] =	vst v63  }
0x168: {  	s28 =	sadd.s32 $0x17ED8, s22;
	s29 =	sadd.s32 $0x30, s1  }
0x169: {  	[hbm4b:s29+s3] =	stream.linear.scatter [tilespmem:s28], [sflag:s23], $0x80, $0x38;
	[tilespmem:$0x1CA00] =	vst v63  }
0x16a: {  	s30 =	sadd.s32 $0x180E0, s22;
	s31 =	sadd.s32 $0x40, s1  }
0x16b: {  	[hbm4b:s31+s3] =	stream.linear.scatter [tilespmem:s30], [sflag:s23], $0x80, $0x38;
	[tilespmem:$0x1CA00] =	vst v63  }
0x16c: {  	s26 =	sadd.s32 $0x182E8, s22;
	s28 =	sadd.s32 $0x50, s1  }
0x16d: {  	[hbm4b:s28+s3] =	stream.linear.scatter [tilespmem:s26], [sflag:s23], $0x80, $0x38;
	[tilespmem:$0x1CA00] =	vst v63  }
0x16e: {  	s29 =	sadd.s32 $0x184F0, s22;
	s30 =	sadd.s32 $0x60, s1  }
0x16f: {  	[hbm4b:s30+s3] =	stream.linear.scatter [tilespmem:s29], [sflag:s23], $0x80, $0x38;
	[tilespmem:$0x1CA00] =	vst v63  }
0x170: {  	s31 =	sadd.s32 $0x186F8, s22;
	s1 =	sadd.s32 $0x70, s1  }
0x171: {  	[hbm4b:s1+s3] =	stream.linear.scatter [tilespmem:s31], [sflag:s23], $0x80, $0x38;
	[tilespmem:$0x1CA00] =	vst v63  }
0x172: {  	s26 =	sadd.s32 $0x17940, s22;
	s1 =	sadd.s32 s7, s24  }
0x173: {  	[hbm4b:s1+s3] =	stream.linear.scatter [tilespmem:s26], [sflag:s23], $0x80, $0x38;
	[tilespmem:$0x1CA00] =	vst v63  }
0x174: {  	s28 =	sadd.s32 $0x17B48, s22;
	s29 =	sadd.s32 $0x10, s1  }
0x175: {  	[hbm4b:s29+s3] =	stream.linear.scatter [tilespmem:s28], [sflag:s23], $0x80, $0x38;
	[tilespmem:$0x1CA00] =	vst v63  }
0x176: {  	s30 =	sadd.s32 $0x17D50, s22;
	s31 =	sadd.s32 $0x20, s1  }
0x177: {  	[hbm4b:s31+s3] =	stream.linear.scatter [tilespmem:s30], [sflag:s23], $0x80, $0x38;
	[tilespmem:$0x1CA00] =	vst v63  }
0x178: {  	s28 =	sadd.s32 $0x17F58, s22;
	s29 =	sadd.s32 $0x30, s1  }
0x179: {  	[hbm4b:s29+s3] =	stream.linear.scatter [tilespmem:s28], [sflag:s23], $0x80, $0x38;
	[tilespmem:$0x1CA00] =	vst v63  }
0x17a: {  	s30 =	sadd.s32 $0x18160, s22;
	s31 =	sadd.s32 $0x40, s1  }
0x17b: {  	[hbm4b:s31+s3] =	stream.linear.scatter [tilespmem:s30], [sflag:s23], $0x80, $0x38;
	[tilespmem:$0x1CA00] =	vst v63  }
0x17c: {  	s26 =	sadd.s32 $0x18368, s22;
	s28 =	sadd.s32 $0x50, s1  }
0x17d: {  	[hbm4b:s28+s3] =	stream.linear.scatter [tilespmem:s26], [sflag:s23], $0x80, $0x38;
	[tilespmem:$0x1CA00] =	vst v63  }
0x17e: {  	s29 =	sadd.s32 $0x18570, s22;
	s30 =	sadd.s32 $0x60, s1  }
0x17f: {  	[hbm4b:s30+s3] =	stream.linear.scatter [tilespmem:s29], [sflag:s23], $0x80, $0x38;
	[tilespmem:$0x1CA00] =	vst v63  }
0x180: {  	s31 =	sadd.s32 $0x18778, s22;
	s1 =	sadd.s32 $0x70, s1  }
0x181: {  	[hbm4b:s1+s3] =	stream.linear.scatter [tilespmem:s31], [sflag:s23], $0x80, $0x38;
	[tilespmem:$0x1CA00] =	vst v63  }
0x182: {  	s26 =	sadd.s32 $0x179C0, s22;
	s1 =	sadd.s32 s8, s24  }
0x183: {  	[hbm4b:s1+s3] =	stream.linear.scatter [tilespmem:s26], [sflag:s23], $0x80, $0x38;
	[tilespmem:$0x1CA00] =	vst v63  }
0x184: {  	s28 =	sadd.s32 $0x17BC8, s22;
	s29 =	sadd.s32 $0x10, s1  }
0x185: {  	[hbm4b:s29+s3] =	stream.linear.scatter [tilespmem:s28], [sflag:s23], $0x80, $0x38;
	[tilespmem:$0x1CA00] =	vst v63  }
0x186: {  	s30 =	sadd.s32 $0x17DD0, s22;
	s31 =	sadd.s32 $0x20, s1  }
0x187: {  	[hbm4b:s31+s3] =	stream.linear.scatter [tilespmem:s30], [sflag:s23], $0x80, $0x38;
	[tilespmem:$0x1CA00] =	vst v63  }
0x188: {  	s28 =	sadd.s32 $0x17FD8, s22;
	s29 =	sadd.s32 $0x30, s1  }
0x189: {  	[hbm4b:s29+s3] =	stream.linear.scatter [tilespmem:s28], [sflag:s23], $0x80, $0x38;
	[tilespmem:$0x1CA00] =	vst v63  }
0x18a: {  	s30 =	sadd.s32 $0x181E0, s22;
	s31 =	sadd.s32 $0x40, s1  }
0x18b: {  	[hbm4b:s31+s3] =	stream.linear.scatter [tilespmem:s30], [sflag:s23], $0x80, $0x38;
	[tilespmem:$0x1CA00] =	vst v63  }
0x18c: {  	s28 =	sadd.s32 $0x183E8, s22;
	s29 =	sadd.s32 $0x50, s1  }
0x18d: {  	[hbm4b:s29+s3] =	stream.linear.scatter [tilespmem:s28], [sflag:s23], $0x80, $0x38;
	[tilespmem:$0x1CA00] =	vst v63  }
0x18e: {  	s30 =	sadd.s32 $0x185F0, s22;
	s31 =	sadd.s32 $0x60, s1  }
0x18f: {  	[hbm4b:s31+s3] =	stream.linear.scatter [tilespmem:s30], [sflag:s23], $0x80, $0x38;
	[tilespmem:$0x1CA00] =	vst v63  }
0x190: {  	s1 =	sadd.s32 $0x70, s1;
	s28 =	sadd.s32 $0x187F8, s22  }
0x191: {  	[hbm4b:s1+s3] =	stream.linear.scatter [tilespmem:s28], [sflag:s23], $0x80, $0x38;
	[tilespmem:$0x1CA00] =	vst v63  }
0x192: {  	s29 =	sadd.s32 $0x17A40, s22;
	s1 =	sadd.s32 s9, s24  }
0x193: {  	[hbm4b:s1+s3] =	stream.linear.scatter [tilespmem:s29], [sflag:s23], $0x80, $0x38;
	[tilespmem:$0x1CA00] =	vst v63  }
0x194: {  	s30 =	sadd.s32 $0x17C48, s22;
	s31 =	sadd.s32 $0x10, s1  }
0x195: {  	[hbm4b:s31+s3] =	stream.linear.scatter [tilespmem:s30], [sflag:s23], $0x80, $0x38;
	[tilespmem:$0x1CA00] =	vst v63  }
0x196: {  	s25 =	sadd.s32 $0x17E50, s22;
	s26 =	sadd.s32 $0x20, s1  }
0x197: {  	[hbm4b:s26+s3] =	stream.linear.scatter [tilespmem:s25], [sflag:s23], $0x80, $0x38;
	[tilespmem:$0x1CA00] =	vst v63  }
0x198: {  	s28 =	sadd.s32 $0x18058, s22;
	s29 =	sadd.s32 $0x30, s1  }
0x199: {  	[hbm4b:s29+s3] =	stream.linear.scatter [tilespmem:s28], [sflag:s23], $0x80, $0x38;
	[tilespmem:$0x1CA00] =	vst v63  }
0x19a: {  	s21 =	sadd.s32 $0x1, s21;
	s30 =	sadd.s32 $0x18260, s22;
	s31 =	sadd.s32 $0x40, s1  }
0x19b: {  	[hbm4b:s31+s3] =	stream.linear.scatter [tilespmem:s30], [sflag:s23], $0x80, $0x38;
	[tilespmem:$0x1CA00] =	vst v63  }
0x19c: {  	p0 =	sne.s32 s21, $0x32;
	s26 =	sadd.s32 $0x18468, s22;
	s28 =	sadd.s32 $0x50, s1  }
0x19d: {  	[hbm4b:s28+s3] =	stream.linear.scatter [tilespmem:s26], [sflag:s23], $0x80, $0x38;
	[tilespmem:$0x1CA00] =	vst v63  }
.Ltmp2:
0x19e: {  	_ = 	snop;
	(pc) =	sbr.rel @p0 .LBB2_4-.Ltmp2, $4  }
0x19f: {  	s29 =	sadd.s32 $0x18670, s22;
	s30 =	sadd.s32 $0x60, s1  }
0x1a0: {  	[hbm4b:s30+s3] =	stream.linear.scatter [tilespmem:s29], [sflag:s23], $0x80, $0x38;
	[tilespmem:$0x1CA00] =	vst v63  }
0x1a1: {  	s31 =	sadd.s32 $0x18878, s22;
	s1 =	sadd.s32 $0x70, s1  }
0x1a2: {  	[hbm4b:s1+s3] =	stream.linear.scatter [tilespmem:s31], [sflag:s23], $0x80, $0x38;
	[tilespmem:$0x1CA00] =	vst v63  }
0x1a3: {  	_ =	swait.ge [sflag:s17], $0x400  }
0x1a4: {  	[sflag:s17] =	ssyncset.done $0x0  }
0x1a5: {  	[sflag:s17] =	ssyncadd.s32 $0xFFFFFC00  }
0x1a6: {  	_ =	swait.ge [sflag:s17], $0x400  }
0x1a7: {  	[sflag:s17] =	ssyncset.done $0x0  }
0x1a8: {  	[sflag:s17] =	ssyncadd.s32 $0xFFFFFC00  }
0x1a9: {  	_ =	swait.ge [sflag:s17], $0x400  }
0x1aa: {  	[sflag:s17] =	ssyncset.done $0x0  }
0x1ab: {  	[sflag:s17] =	ssyncadd.s32 $0xFFFFFC00  }
0x1ac: {  	_ =	swait.ge [sflag:s17], $0x400  }
0x1ad: {  	[sflag:s17] =	ssyncset.done $0x0  }
0x1ae: {  	[sflag:s17] =	ssyncadd.s32 $0xFFFFFC00  }
0x1af: {  	_ =	swait.ge [sflag:s17], $0x400  }
0x1b0: {  	[sflag:s17] =	ssyncset.done $0x0  }
0x1b1: {  	[sflag:s17] =	ssyncadd.s32 $0xFFFFFC00  }
0x1b2: {  	_ =	swait.ge [sflag:s17], $0x400  }
0x1b3: {  	[sflag:s17] =	ssyncset.done $0x0  }
0x1b4: {  	[sflag:s17] =	ssyncadd.s32 $0xFFFFFC00  }
0x1b5: {  	_ =	swait.ge [sflag:s17], $0x400  }
0x1b6: {  	[sflag:s17] =	ssyncset.done $0x0  }
0x1b7: {  	[sflag:s17] =	ssyncadd.s32 $0xFFFFFC00  }
0x1b8: {  	_ =	swait.ge [sflag:s17], $0x400  }
0x1b9: {  	[sflag:s17] =	ssyncset.done $0x0  }
0x1ba: {  	[sflag:s17] =	ssyncadd.s32 $0xFFFFFC00  }
0x1bb: {  	_ =	swait.ge [sflag:s17], $0x400  }
0x1bc: {  	[sflag:s17] =	ssyncset.done $0x0  }
0x1bd: {  	[sflag:s17] =	ssyncadd.s32 $0xFFFFFC00  }
0x1be: {  	_ =	swait.ge [sflag:s17], $0x400  }
0x1bf: {  	[sflag:s17] =	ssyncset.done $0x0  }
0x1c0: {  	[sflag:s17] =	ssyncadd.s32 $0xFFFFFC00  }
0x1c1: {  	_ =	swait.ge [sflag:s17], $0x400  }
0x1c2: {  	[sflag:s17] =	ssyncset.done $0x0  }
0x1c3: {  	[sflag:s17] =	ssyncadd.s32 $0xFFFFFC00  }
0x1c4: {  	_ =	swait.ge [sflag:s17], $0x400  }
0x1c5: {  	[sflag:s17] =	ssyncset.done $0x0  }
0x1c6: {  	[sflag:s17] =	ssyncadd.s32 $0xFFFFFC00  }
0x1c7: {  	_ =	swait.ge [sflag:s17], $0x400  }
0x1c8: {  	[sflag:s17] =	ssyncset.done $0x0  }
0x1c9: {  	[sflag:s17] =	ssyncadd.s32 $0xFFFFFC00  }
0x1ca: {  	_ =	swait.ge [sflag:s17], $0x400  }
0x1cb: {  	[sflag:s17] =	ssyncset.done $0x0  }
0x1cc: {  	[sflag:s17] =	ssyncadd.s32 $0xFFFFFC00  }
0x1cd: {  	_ =	swait.ge [sflag:s17], $0x400  }
0x1ce: {  	[sflag:s17] =	ssyncset.done $0x0  }
0x1cf: {  	[sflag:s17] =	ssyncadd.s32 $0xFFFFFC00  }
0x1d0: {  	_ =	swait.ge [sflag:s17], $0x400  }
0x1d1: {  	[sflag:s17] =	ssyncset.done $0x0  }
0x1d2: {  	[sflag:s17] =	ssyncadd.s32 $0xFFFFFC00  }
0x1d3: {  	_ =	swait.ge [sflag:s18], $0x400  }
0x1d4: {  	[sflag:s18] =	ssyncset.done $0x0  }
0x1d5: {  	[sflag:s18] =	ssyncadd.s32 $0xFFFFFC00  }
0x1d6: {  	_ =	swait.ge [sflag:s18], $0x400  }
0x1d7: {  	[sflag:s18] =	ssyncset.done $0x0  }
0x1d8: {  	[sflag:s18] =	ssyncadd.s32 $0xFFFFFC00  }
0x1d9: {  	_ =	swait.ge [sflag:s18], $0x400  }
0x1da: {  	[sflag:s18] =	ssyncset.done $0x0  }
0x1db: {  	[sflag:s18] =	ssyncadd.s32 $0xFFFFFC00  }
0x1dc: {  	_ =	swait.ge [sflag:s18], $0x400  }
0x1dd: {  	[sflag:s18] =	ssyncset.done $0x0  }
0x1de: {  	[sflag:s18] =	ssyncadd.s32 $0xFFFFFC00  }
0x1df: {  	_ =	swait.ge [sflag:s18], $0x400  }
0x1e0: {  	[sflag:s18] =	ssyncset.done $0x0  }
0x1e1: {  	[sflag:s18] =	ssyncadd.s32 $0xFFFFFC00  }
0x1e2: {  	_ =	swait.ge [sflag:s18], $0x400  }
0x1e3: {  	[sflag:s18] =	ssyncset.done $0x0  }
0x1e4: {  	[sflag:s18] =	ssyncadd.s32 $0xFFFFFC00  }
0x1e5: {  	_ =	swait.ge [sflag:s18], $0x400  }
0x1e6: {  	[sflag:s18] =	ssyncset.done $0x0  }
0x1e7: {  	[sflag:s18] =	ssyncadd.s32 $0xFFFFFC00  }
0x1e8: {  	_ =	swait.ge [sflag:s18], $0x400  }
0x1e9: {  	[sflag:s18] =	ssyncset.done $0x0  }
0x1ea: {  	[sflag:s18] =	ssyncadd.s32 $0xFFFFFC00  }
0x1eb: {  	_ =	swait.ge [sflag:s18], $0x400  }
0x1ec: {  	[sflag:s18] =	ssyncset.done $0x0  }
0x1ed: {  	[sflag:s18] =	ssyncadd.s32 $0xFFFFFC00  }
0x1ee: {  	_ =	swait.ge [sflag:s18], $0x400  }
0x1ef: {  	[sflag:s18] =	ssyncset.done $0x0  }
0x1f0: {  	[sflag:s18] =	ssyncadd.s32 $0xFFFFFC00  }
0x1f1: {  	_ =	swait.ge [sflag:s18], $0x400  }
0x1f2: {  	[sflag:s18] =	ssyncset.done $0x0  }
0x1f3: {  	[sflag:s18] =	ssyncadd.s32 $0xFFFFFC00  }
0x1f4: {  	_ =	swait.ge [sflag:s18], $0x400  }
0x1f5: {  	[sflag:s18] =	ssyncset.done $0x0  }
0x1f6: {  	[sflag:s18] =	ssyncadd.s32 $0xFFFFFC00  }
0x1f7: {  	_ =	swait.ge [sflag:s18], $0x400  }
0x1f8: {  	[sflag:s18] =	ssyncset.done $0x0  }
0x1f9: {  	[sflag:s18] =	ssyncadd.s32 $0xFFFFFC00  }
0x1fa: {  	_ =	swait.ge [sflag:s18], $0x400  }
0x1fb: {  	[sflag:s18] =	ssyncset.done $0x0  }
0x1fc: {  	s19 =	sadd.s32 $0x1, s19;
	[sflag:s18] =	ssyncadd.s32 $0xFFFFFC00  }
0x1fd: {  	p0 =	sne.s32 s19, s10;
	_ =	swait.ge [sflag:s18], $0x400  }
.Ltmp3:
0x1fe: {  	[sflag:s18] =	ssyncset.done $0x0;
	(pc) =	sbr.rel @p0 .LBB2_1-.Ltmp3, $4  }
0x1ff: {  	[sflag:s18] =	ssyncadd.s32 $0xFFFFFC00  }
0x200: {  	_ =	swait.ge [sflag:s18], $0x400  }
0x201: {  	[sflag:s18] =	ssyncset.done $0x0;
	v2 =	vld [tilespmem:$0x1FFF0]  }
0x202: {  	v3 =	vimm.s32 $0x0;
	[sflag:s18] =	ssyncadd.s32 $0xFFFFFC00  }
0x203: {  	_ =	sfence.sel $0x180000  }
0x204: {  	[bflag:$0x0] =	sbarrier.arrive $0xFFFF  }
0x205: {  	_ =	strace $0x90000047  }
0x206: {  	[bflag:$0x2] =	sbarrier.arrive $0xFFFF  }
0x207: {  	p0 =	sne.s32 s0, $0x0;
	s0 =	rddreg [dreg:$0x2]  }
0x208: {  	s0 =	sadd.s32 @!p0 $0x100000, s0  }
0x209: {  	[sflag:s0] =	ssyncadd.tile.s32 @!p0 $0x1;
	_ =	shalt  }
.Lfunc_end2:
_tile_overlayer_lowered:
.L_overlay_start_2:
0x20a: {  	(tag) =	ssettag $0x2  }
0x20b: {  	s0 =	rddreg [dreg:$0x0];
	s2 =	stileid.u32  }
0x20c: {  	s1 =	rddreg [dreg:$0x1];
	p0 =	sne.s32 s2, $0x0  }
0x20d: {  	s3 =	rddreg [dreg:$0x2];
	[bflag:$0x3] =	sbarrier.arrive $0xFFFF;
	s2 =	simm.s32 @!p0 $0x1C05  }
0x20e: {  	[timem:s3], [sflag:s2] =	dma.local @!p0 [hbm:s0], s1  }
0x20f: {  	s0 =	simm.s32 @!p0 $0x5  }
0x210: {  	_ =	swait.ge @!p0 [sflag:s0], s1  }
0x211: {  	s1 =	ssub.s32 @!p0 $0x0, s1;
	[sflag:s0] =	ssyncset.done @!p0 $0x0  }
0x212: {  	[sflag:s0] =	ssyncadd.s32 @!p0 s1  }
0x213: {  	[bflag:$0x3] =	sbarrier.arrive $0xFFFF  }
0x214: {  	_ =	shalt  }

</sc_bundles>
